<compile_context>
chip_gen: v7x
topology: tpu7x:2x2x1
jax: 0.10.2.dev20260603
libtpu: 0.0.44.dev20260713+nightly
codegen_flags: <defaults>
</compile_context>

<pallas_src>
import functools

import jax
import jax.numpy as jnp
from jax import lax
from jax.experimental import pallas as pl
from jax.experimental.pallas import tpu as pltpu
from jax.experimental.pallas import tpu_sc as plsc

NN = 10000
EE = 320000
DD = 128

NC = 2
NS = 16
NW = NC * NS
K = 64
CPT = 160
E_PAD = NW * CPT * K
ROWS_PAD = E_PAD // K
R = 10112
ZR = R // NS
CH = 128
S = R // CH
HF = 80

_mesh = plsc.VectorSubcoreMesh(core_axis_name="c", subcore_axis_name="s")


def _deg_body(srcp, dstp, ones_h, zeros_h, od_out, id_out,
              acc, src_v, dst_v, ones_v):
    cid = lax.axis_index("c")
    sid = lax.axis_index("s")
    w = cid * NS + sid
    my_rows = pl.ds(sid * ZR, ZR)
    pltpu.sync_copy(zeros_h, acc.at[my_rows])
    pltpu.sync_copy(srcp.at[pl.ds(w * CPT, CPT)], src_v)
    pltpu.sync_copy(dstp.at[pl.ds(w * CPT, CPT)], dst_v)
    pltpu.sync_copy(ones_h, ones_v)
    plsc.subcore_barrier()

    @pl.loop(0, CPT)
    def _(j):
        pltpu.sync_copy(ones_v, acc.at[src_v.at[j]], add=True)

    plsc.subcore_barrier()
    pltpu.sync_copy(acc.at[my_rows], od_out.at[cid, my_rows])
    pltpu.sync_copy(zeros_h, acc.at[my_rows])
    plsc.subcore_barrier()

    @pl.loop(0, CPT)
    def _(j):
        pltpu.sync_copy(ones_v, acc.at[dst_v.at[j]], add=True)

    plsc.subcore_barrier()
    pltpu.sync_copy(acc.at[my_rows], id_out.at[cid, my_rows])


_deg_kernel = pl.kernel(
    _deg_body,
    out_type=(jax.ShapeDtypeStruct((NC, R, DD), jnp.float32),
              jax.ShapeDtypeStruct((NC, R, DD), jnp.float32)),
    mesh=_mesh,
    scratch_types=[
        pltpu.VMEM_SHARED((R, DD), jnp.float32),
        pltpu.VMEM((CPT, K), jnp.int32),
        pltpu.VMEM((CPT, K), jnp.int32),
        pltpu.VMEM((K, DD), jnp.float32),
    ],
)


NB = 2
C0 = 272
C1 = 2 * CPT - C0
PMAX = 112


def _mp_piece(h_tab, srcp, dstp, acc, src_v, dst_v, rows_v, gsem, ssem,
              off, cnt):
    pltpu.sync_copy(srcp.at[pl.ds(off, cnt)], src_v.at[pl.ds(0, cnt)])
    pltpu.sync_copy(dstp.at[pl.ds(off, cnt)], dst_v.at[pl.ds(0, cnt)])

    for b in range(NB):
        pltpu.async_copy(h_tab.at[src_v.at[b]], rows_v.at[b], gsem[b])

    @pl.loop(0, cnt, step=NB)
    def _(j0):
        for b in range(NB):
            pltpu.make_async_copy(
                h_tab.at[pl.ds(0, K)], rows_v.at[b], gsem[b]).wait()
            pltpu.async_copy(rows_v.at[b], acc.at[dst_v.at[j0 + b]],
                             ssem[b], add=True)
        for b in range(NB):
            nxt = j0 + b + NB

            @pl.when(nxt < cnt)
            def _():
                pltpu.make_async_copy(
                    rows_v.at[b], acc.at[pl.ds(0, K)], ssem[b]).wait()
                pltpu.async_copy(h_tab.at[src_v.at[nxt]], rows_v.at[b],
                                 gsem[b])

    for b in range(NB):
        pltpu.make_async_copy(
            rows_v.at[b], acc.at[pl.ds(0, K)], ssem[b]).wait()


def _mp_core(h_tab, srcp, dstp, acc, src_v, dst_v, rows_v, gsem, ssem,
             base, nch):
    done = 0
    while done < nch:
        cnt = min(PMAX, nch - done)
        _mp_piece(h_tab, srcp, dstp, acc, src_v, dst_v, rows_v, gsem, ssem,
                  base + done, cnt)
        done += cnt


def _mp_body(h_tab, srcp, dstp, zeros_h, m_out,
             acc, src_v, dst_v, rows_v, *sems):
    gsem = sems[:NB]
    ssem = sems[NB:]
    cid = lax.axis_index("c")
    sid = lax.axis_index("s")
    pltpu.sync_copy(zeros_h, acc.at[pl.ds(sid * ZR, ZR)])
    plsc.subcore_barrier()

    @pl.when(cid == 0)
    def _():
        _mp_core(h_tab, srcp, dstp, acc, src_v, dst_v, rows_v, gsem, ssem,
                 sid * C0, C0)

    @pl.when(cid == 1)
    def _():
        _mp_core(h_tab, srcp, dstp, acc, src_v, dst_v, rows_v, gsem, ssem,
                 NS * C0 + sid * C1, C1)

    plsc.subcore_barrier()
    pltpu.sync_copy(acc.at[pl.ds(sid * ZR, ZR)],
                    m_out.at[cid, pl.ds(sid * ZR, ZR)])


_mp_kernel = pl.kernel(
    _mp_body,
    out_type=jax.ShapeDtypeStruct((NC, R, DD), jnp.float32),
    mesh=_mesh,
    scratch_types=[
        pltpu.VMEM_SHARED((R, DD), jnp.float32),
        pltpu.VMEM((PMAX, K), jnp.int32),
        pltpu.VMEM((PMAX, K), jnp.int32),
        pltpu.VMEM((NB, K, DD), jnp.float32),
    ] + [pltpu.SemaphoreType.DMA] * (2 * NB),
)


def _prescale_body(feat_ref, od0_ref, od1_ref, out_ref):
    def step(i, carry):
        sl = pl.ds(i * CH, CH)
        deg = od0_ref[sl, 0:1] + od1_ref[sl, 0:1]
        c = lax.rsqrt(jnp.maximum(deg, 1.0))
        out_ref[sl, :] = feat_ref[sl, :] * c
        return carry

    lax.fori_loop(0, S, step, 0)


_prescale = pl.pallas_call(
    _prescale_body,
    out_shape=jax.ShapeDtypeStruct((R, DD), jnp.float32),
)


def _post_body(scale_next, m0_ref, m1_ref, id0_ref, id1_ref,
               od0_ref, od1_ref, w_ref, b_ref, g_ref, beta_ref, a_ref,
               out_ref, z_ref):
    W = w_ref[...]
    b = b_ref[...]
    nvalid = float(NN)

    def pass1(i, s):
        sl = pl.ds(i * CH, CH)
        idg = id0_ref[sl, 0:1] + id1_ref[sl, 0:1]
        cd = lax.rsqrt(jnp.maximum(idg, 1.0))
        mc = (m0_ref[sl, :] + m1_ref[sl, :]) * cd
        z = jnp.dot(mc, W, preferred_element_type=jnp.float32) + b
        z_ref[sl, :] = z
        row = i * CH + lax.broadcasted_iota(jnp.int32, (CH, 1), 0)
        zm = jnp.where(row < NN, z, 0.0)
        return s + jnp.sum(zm, axis=0, keepdims=True)

    ssum = lax.fori_loop(0, S, pass1, jnp.zeros((1, DD), jnp.float32))
    mu = ssum / nvalid

    def pass2(i, s):
        sl = pl.ds(i * CH, CH)
        row = i * CH + lax.broadcasted_iota(jnp.int32, (CH, 1), 0)
        d = z_ref[sl, :] - mu
        d = jnp.where(row < NN, d, 0.0)
        return s + jnp.sum(d * d, axis=0, keepdims=True)

    ssq = lax.fori_loop(0, S, pass2, jnp.zeros((1, DD), jnp.float32))
    inv = lax.rsqrt(ssq / nvalid + 1e-5)
    g = g_ref[...]
    beta = beta_ref[...]
    a_row = a_ref[...]

    def pass3(i, carry):
        sl = pl.ds(i * CH, CH)
        y = (z_ref[sl, :] - mu) * inv * g + beta
        y = jnp.where(y >= 0.0, y, a_row * y)
        if scale_next:
            odg = od0_ref[sl, 0:1] + od1_ref[sl, 0:1]
            cs = lax.rsqrt(jnp.maximum(odg, 1.0))
            row = i * CH + lax.broadcasted_iota(jnp.int32, (CH, 1), 0)
            y = jnp.where(row < NN, y * cs, 0.0)
        out_ref[sl, :] = y
        return carry

    lax.fori_loop(0, S, pass3, 0)


def _make_post(scale_next):
    return pl.pallas_call(
        functools.partial(_post_body, scale_next),
        out_shape=jax.ShapeDtypeStruct((R, DD), jnp.float32),
        scratch_shapes=[pltpu.VMEM((R, DD), jnp.float32)],
    )


_post_mid = _make_post(True)
_post_end = _make_post(False)


def kernel(edge_index, feat, W1, b1, g1, beta1, a1, W2, b2, g2, beta2, a2):
    fill = jnp.full((E_PAD - EE,), NN, dtype=jnp.int32)
    srcp = jnp.concatenate([edge_index[0], fill]).reshape(ROWS_PAD, K)
    dstp = jnp.concatenate([edge_index[1], fill]).reshape(ROWS_PAD, K)
    ones128 = jnp.ones((K, DD), jnp.float32)
    zeros128 = jnp.zeros((ZR, DD), jnp.float32)

    od, idg = _deg_kernel(srcp, dstp, ones128, zeros128)
    od0, od1 = od[0, :, :16], od[1, :, :16]
    id0, id1 = idg[0, :, :16], idg[1, :, :16]

    featp = jnp.pad(feat, ((0, R - NN), (0, 0)))
    h1 = _prescale(featp, od0, od1)

    def layer(post, h, W, b, g, beta, a):
        m = _mp_kernel(h, srcp, dstp, zeros128)
        return post(m[0], m[1], id0, id1, od0, od1, W,
                    b.reshape(1, DD), g.reshape(1, DD), beta.reshape(1, DD),
                    jnp.broadcast_to(a.reshape(1, 1), (1, DD)))

    h2 = layer(_post_mid, h1, W1, b1, g1, beta1, a1)
    out = layer(_post_end, h2, W2, b2, g2, beta2, a2)
    return out[:NN]

# --- scband reference (transcript-rebuilt; emitter-appended) ---
"""Pipeline reference for scband-encoder1-26405458936002 (READ-ONLY COPY).

The authoritative reference and input builder live on the scoring server;
editing this copy changes nothing except your own understanding.
"""

import jax, jax.numpy as jnp
import numpy as np

N = 10000
E = 320000
D = 128


def setup_inputs(seed: int = 0) -> dict:
    key = jax.random.key(seed)
    ks = jax.random.split(key, 16)
    edge_index = jax.random.randint(ks[0], (2, E), 0, N, dtype=jnp.int32)
    feat = jax.random.normal(ks[1], (N, D), dtype=jnp.float32)
    s = 1.0 / np.sqrt(D)
    W1 = jax.random.normal(ks[2], (D, D), dtype=jnp.float32) * s
    b1 = jnp.zeros((D,), dtype=jnp.float32)
    g1 = jnp.ones((D,), dtype=jnp.float32)
    beta1 = jnp.zeros((D,), dtype=jnp.float32)
    a1 = jnp.asarray(0.25, dtype=jnp.float32)
    W2 = jax.random.normal(ks[3], (D, D), dtype=jnp.float32) * s
    b2 = jnp.zeros((D,), dtype=jnp.float32)
    g2 = jnp.ones((D,), dtype=jnp.float32)
    beta2 = jnp.zeros((D,), dtype=jnp.float32)
    a2 = jnp.asarray(0.25, dtype=jnp.float32)
    return {"edge_index": edge_index, "feat": feat,
            "W1": W1, "b1": b1, "g1": g1, "beta1": beta1, "a1": a1,
            "W2": W2, "b2": b2, "g2": g2, "beta2": beta2, "a2": a2}


def _graph_conv(h, src, dst, c_src, c_dst, W, b):
    # DGL GraphConv with norm='both': D_dst^{-1/2} A D_src^{-1/2} h W + b
    h = h * c_src[:, None]
    m = jnp.zeros((h.shape[0], h.shape[1]), dtype=h.dtype).at[dst].add(h[src])
    m = m * c_dst[:, None]
    return m @ W + b


def _batch_norm(h, g, beta, eps=1e-5):
    mu = jnp.mean(h, axis=0)
    var = jnp.mean((h - mu) ** 2, axis=0)  # biased, as used by BN for normalization
    return (h - mu) / jnp.sqrt(var + eps) * g + beta


def _prelu(h, a):
    return jnp.where(h >= 0, h, a * h)


def reference(edge_index, feat, W1, b1, g1, beta1, a1, W2, b2, g2, beta2, a2):
    src = edge_index[0]
    dst = edge_index[1]
    n = feat.shape[0]
    out_deg = jnp.zeros((n,), dtype=jnp.float32).at[src].add(1.0)
    in_deg = jnp.zeros((n,), dtype=jnp.float32).at[dst].add(1.0)
    c_src = jnp.clip(out_deg, 1.0, None) ** -0.5
    c_dst = jnp.clip(in_deg, 1.0, None) ** -0.5
    # dropout layers are identity in eval-mode reference
    h = feat
    h = _graph_conv(h, src, dst, c_src, c_dst, W1, b1)
    h = _batch_norm(h, g1, beta1)
    h = _prelu(h, a1)
    h = _graph_conv(h, src, dst, c_src, c_dst, W2, b2)
    h = _batch_norm(h, g2, beta2)
    h = _prelu(h, a2)
    return h

if __name__ == "__main__":
    import jax
    _d = setup_inputs()
    print(jax.jit(kernel)(*tuple(_d.values())))

</pallas_src>

<mosaic_0001>
#map = affine_map<(d0, d1) -> (0, 0)>
#map1 = affine_map<(d0, d1) -> (0, 0, 0)>
module attributes {stable_mosaic.version = 14 : i64} {
  func.func @_deg_body(%arg0: i32, %arg1: i32, %arg2: memref<5120x64xi32, #tpu.memory_space<hbm>>, %arg3: memref<5120x64xi32, #tpu.memory_space<hbm>>, %arg4: memref<64x128xf32, #tpu.memory_space<hbm>>, %arg5: memref<632x128xf32, #tpu.memory_space<hbm>>, %arg6: memref<2x10112x128xf32, #tpu.memory_space<hbm>>, %arg7: memref<2x10112x128xf32, #tpu.memory_space<hbm>>, %arg8: memref<10112x128xf32, #tpu.memory_space<vmem_shared>>, %arg9: memref<160x64xi32, #tpu.memory_space<vmem>>, %arg10: memref<160x64xi32, #tpu.memory_space<vmem>>, %arg11: memref<64x128xf32, #tpu.memory_space<vmem>>) attributes {dimension_semantics = [#tpu.dimension_semantics<core_parallel>, #tpu.dimension_semantics<subcore_parallel>], iteration_bounds = array<i64: 2, 16>, scalar_prefetch = 0 : i64, scratch_operands = 4 : i64, tpu.core_type = #tpu.core_type<sc_vector_subcore>, window_params = [{transform_indices = #map}, {transform_indices = #map}, {transform_indices = #map}, {transform_indices = #map}, {transform_indices = #map1}, {transform_indices = #map1}]} {
    %mul3A = arith.constant 16 : i32
    %mul3A_0 = arith.muli %arg0, %mul3A : i32
    %add3A = arith.addi %mul3A_0, %arg1 : i32
    %mul3A_1 = arith.constant 632 : i32
    %mul3A_2 = arith.muli %arg1, %mul3A_1 : i32
    "tpu.region"() ({
      %run_scoped3A = tpu.sem_alloc : memref<!tpu.dma_semaphore, #tpu.memory_space<semaphore_mem>>
      %dma_start3A = arith.constant 0 : i32
      %dma_start3A_19 = tpu.memref_slice %arg8[%mul3A_2, %dma_start3A] : memref<10112x128xf32, #tpu.memory_space<vmem_shared>> -> memref<632x128xf32, #tpu.memory_space<vmem_shared>>
      tpu.enqueue_dma source(%arg5 : memref<632x128xf32, #tpu.memory_space<hbm>>) target(%dma_start3A_19 : memref<632x128xf32, #tpu.memory_space<vmem_shared>>) target_semaphore(%run_scoped3A : memref<!tpu.dma_semaphore, #tpu.memory_space<semaphore_mem>>)
      %dma_wait3A = arith.constant 0 : i32
      %dma_wait3A_20 = tpu.memref_slice %arg8[%mul3A_2, %dma_wait3A] : memref<10112x128xf32, #tpu.memory_space<vmem_shared>> -> memref<632x128xf32, #tpu.memory_space<vmem_shared>>
      tpu.wait_dma2 semaphore(%run_scoped3A : memref<!tpu.dma_semaphore, #tpu.memory_space<semaphore_mem>>) src(%arg5 : memref<632x128xf32, #tpu.memory_space<hbm>>) dst(%dma_wait3A_20 : memref<632x128xf32, #tpu.memory_space<vmem_shared>>)
      tpu.yield
    }) : () -> ()
    %mul3A_3 = arith.constant 160 : i32
    %mul3A_4 = arith.muli %add3A, %mul3A_3 : i32
    "tpu.region"() ({
      %run_scoped3A = tpu.sem_alloc : memref<!tpu.dma_semaphore, #tpu.memory_space<semaphore_mem>>
      %dma_start3A = arith.constant 0 : i32
      %dma_start3A_19 = tpu.memref_slice %arg2[%mul3A_4, %dma_start3A] : memref<5120x64xi32, #tpu.memory_space<hbm>> -> memref<160x64xi32, #tpu.memory_space<hbm>>
      %dma_start3A_20 = arith.constant 0 : i32
      %dma_start3A_21 = tpu.memref_slice %arg2[%mul3A_4, %dma_start3A_20] : memref<5120x64xi32, #tpu.memory_space<hbm>> -> memref<160x64xi32, #tpu.memory_space<hbm>>
      tpu.enqueue_dma source(%dma_start3A_21 : memref<160x64xi32, #tpu.memory_space<hbm>>) target(%arg9 : memref<160x64xi32, #tpu.memory_space<vmem>>) target_semaphore(%run_scoped3A : memref<!tpu.dma_semaphore, #tpu.memory_space<semaphore_mem>>)
      %dma_wait3A = arith.constant 0 : i32
      %dma_wait3A_22 = tpu.memref_slice %arg2[%mul3A_4, %dma_wait3A] : memref<5120x64xi32, #tpu.memory_space<hbm>> -> memref<160x64xi32, #tpu.memory_space<hbm>>
      %dma_wait3A_23 = arith.constant 0 : i32
      %dma_wait3A_24 = tpu.memref_slice %arg2[%mul3A_4, %dma_wait3A_23] : memref<5120x64xi32, #tpu.memory_space<hbm>> -> memref<160x64xi32, #tpu.memory_space<hbm>>
      tpu.wait_dma2 semaphore(%run_scoped3A : memref<!tpu.dma_semaphore, #tpu.memory_space<semaphore_mem>>) src(%dma_wait3A_24 : memref<160x64xi32, #tpu.memory_space<hbm>>) dst(%arg9 : memref<160x64xi32, #tpu.memory_space<vmem>>)
      tpu.yield
    }) : () -> ()
    %mul3A_5 = arith.constant 160 : i32
    %mul3A_6 = arith.muli %add3A, %mul3A_5 : i32
    "tpu.region"() ({
      %run_scoped3A = tpu.sem_alloc : memref<!tpu.dma_semaphore, #tpu.memory_space<semaphore_mem>>
      %dma_start3A = arith.constant 0 : i32
      %dma_start3A_19 = tpu.memref_slice %arg3[%mul3A_6, %dma_start3A] : memref<5120x64xi32, #tpu.memory_space<hbm>> -> memref<160x64xi32, #tpu.memory_space<hbm>>
      %dma_start3A_20 = arith.constant 0 : i32
      %dma_start3A_21 = tpu.memref_slice %arg3[%mul3A_6, %dma_start3A_20] : memref<5120x64xi32, #tpu.memory_space<hbm>> -> memref<160x64xi32, #tpu.memory_space<hbm>>
      tpu.enqueue_dma source(%dma_start3A_21 : memref<160x64xi32, #tpu.memory_space<hbm>>) target(%arg10 : memref<160x64xi32, #tpu.memory_space<vmem>>) target_semaphore(%run_scoped3A : memref<!tpu.dma_semaphore, #tpu.memory_space<semaphore_mem>>)
      %dma_wait3A = arith.constant 0 : i32
      %dma_wait3A_22 = tpu.memref_slice %arg3[%mul3A_6, %dma_wait3A] : memref<5120x64xi32, #tpu.memory_space<hbm>> -> memref<160x64xi32, #tpu.memory_space<hbm>>
      %dma_wait3A_23 = arith.constant 0 : i32
      %dma_wait3A_24 = tpu.memref_slice %arg3[%mul3A_6, %dma_wait3A_23] : memref<5120x64xi32, #tpu.memory_space<hbm>> -> memref<160x64xi32, #tpu.memory_space<hbm>>
      tpu.wait_dma2 semaphore(%run_scoped3A : memref<!tpu.dma_semaphore, #tpu.memory_space<semaphore_mem>>) src(%dma_wait3A_24 : memref<160x64xi32, #tpu.memory_space<hbm>>) dst(%arg10 : memref<160x64xi32, #tpu.memory_space<vmem>>)
      tpu.yield
    }) : () -> ()
    "tpu.region"() ({
      %run_scoped3A = tpu.sem_alloc : memref<!tpu.dma_semaphore, #tpu.memory_space<semaphore_mem>>
      tpu.enqueue_dma source(%arg4 : memref<64x128xf32, #tpu.memory_space<hbm>>) target(%arg11 : memref<64x128xf32, #tpu.memory_space<vmem>>) target_semaphore(%run_scoped3A : memref<!tpu.dma_semaphore, #tpu.memory_space<semaphore_mem>>)
      tpu.wait_dma2 semaphore(%run_scoped3A : memref<!tpu.dma_semaphore, #tpu.memory_space<semaphore_mem>>) src(%arg4 : memref<64x128xf32, #tpu.memory_space<hbm>>) dst(%arg11 : memref<64x128xf32, #tpu.memory_space<vmem>>)
      tpu.yield
    }) : () -> ()
    %barrier3A = arith.constant 0 : index
    tpu.barrier barrier_id(%barrier3A)
    %scan3A = arith.constant 0 : i32
    %scan3A_7 = arith.constant 160 : i32
    %scan3A_8 = arith.addi %scan3A, %scan3A_7 : i32
    %scan3A_9 = arith.constant 1 : i32
    scf.for %scan3A_19 = %scan3A to %scan3A_8 step %scan3A_9  : i32 {
      %mul3A_20 = arith.constant 1 : i32
      %mul3A_21 = arith.muli %scan3A_19, %mul3A_20 : i32
      %add3A_22 = arith.constant 0 : i32
      %add3A_23 = arith.addi %add3A_22, %mul3A_21 : i32
      "tpu.region"() ({
        %run_scoped3A = tpu.sem_alloc : memref<!tpu.dma_semaphore, #tpu.memory_space<semaphore_mem>>
        %dma_start3A = arith.constant 0 : i32
        %dma_start3A_24 = tpu.memref_slice %arg9[%add3A_23, %dma_start3A] : memref<160x64xi32, #tpu.memory_space<vmem>> -> memref<1x64xi32, #tpu.memory_space<vmem>>
        %dma_start3A_25 = tpu.memref_squeeze %dma_start3A_24 : memref<1x64xi32, #tpu.memory_space<vmem>> -> memref<64xi32, #tpu.memory_space<vmem>>
        %dma_start3A_26 = arith.constant 0 : i32
        %dma_start3A_27 = arith.constant 0 : i32
        %dma_start3A_28 = tpu.memref_slice %arg8[%dma_start3A_26, %dma_start3A_27] : memref<10112x128xf32, #tpu.memory_space<vmem_shared>> -> memref<10112x128xf32, #tpu.memory_space<vmem_shared>>
        tpu.enqueue_indirect_dma source(%arg11 : memref<64x128xf32, #tpu.memory_space<vmem>>) target(%dma_start3A_28 : memref<10112x128xf32, #tpu.memory_space<vmem_shared>>) offsets(%dma_start3A_25 : memref<64xi32, #tpu.memory_space<vmem>>) semaphore(%run_scoped3A : memref<!tpu.dma_semaphore, #tpu.memory_space<semaphore_mem>>) {add = true}
        %dma_wait3A = arith.constant 0 : i32
        %dma_wait3A_29 = tpu.memref_slice %arg9[%add3A_23, %dma_wait3A] : memref<160x64xi32, #tpu.memory_space<vmem>> -> memref<1x64xi32, #tpu.memory_space<vmem>>
        %dma_wait3A_30 = tpu.memref_squeeze %dma_wait3A_29 : memref<1x64xi32, #tpu.memory_space<vmem>> -> memref<64xi32, #tpu.memory_space<vmem>>
        %dma_wait3A_31 = arith.constant 0 : i32
        %dma_wait3A_32 = arith.constant 0 : i32
        %dma_wait3A_33 = tpu.memref_slice %arg8[%dma_wait3A_31, %dma_wait3A_32] : memref<10112x128xf32, #tpu.memory_space<vmem_shared>> -> memref<10112x128xf32, #tpu.memory_space<vmem_shared>>
        tpu.wait_indirect_dma semaphore(%run_scoped3A : memref<!tpu.dma_semaphore, #tpu.memory_space<semaphore_mem>>) src(%arg11 : memref<64x128xf32, #tpu.memory_space<vmem>>) dst(%dma_wait3A_33 : memref<10112x128xf32, #tpu.memory_space<vmem_shared>>)
        tpu.yield
      }) : () -> ()
    }
    %scan3A_10 = arith.constant 160 : i32
    %barrier3A_11 = arith.constant 0 : index
    tpu.barrier barrier_id(%barrier3A_11)
    "tpu.region"() ({
      %run_scoped3A = tpu.sem_alloc : memref<!tpu.dma_semaphore, #tpu.memory_space<semaphore_mem>>
      %dma_start3A = arith.constant 0 : i32
      %dma_start3A_19 = tpu.memref_slice %arg6[%arg0, %mul3A_2, %dma_start3A] : memref<2x10112x128xf32, #tpu.memory_space<hbm>> -> memref<1x632x128xf32, #tpu.memory_space<hbm>>
      %dma_start3A_20 = tpu.memref_squeeze %dma_start3A_19 : memref<1x632x128xf32, #tpu.memory_space<hbm>> -> memref<632x128xf32, #tpu.memory_space<hbm>>
      %dma_start3A_21 = arith.constant 0 : i32
      %dma_start3A_22 = tpu.memref_slice %arg8[%mul3A_2, %dma_start3A_21] : memref<10112x128xf32, #tpu.memory_space<vmem_shared>> -> memref<632x128xf32, #tpu.memory_space<vmem_shared>>
      tpu.enqueue_dma source(%dma_start3A_22 : memref<632x128xf32, #tpu.memory_space<vmem_shared>>) target(%dma_start3A_20 : memref<632x128xf32, #tpu.memory_space<hbm>>) target_semaphore(%run_scoped3A : memref<!tpu.dma_semaphore, #tpu.memory_space<semaphore_mem>>)
      %dma_wait3A = arith.constant 0 : i32
      %dma_wait3A_23 = tpu.memref_slice %arg6[%arg0, %mul3A_2, %dma_wait3A] : memref<2x10112x128xf32, #tpu.memory_space<hbm>> -> memref<1x632x128xf32, #tpu.memory_space<hbm>>
      %dma_wait3A_24 = tpu.memref_squeeze %dma_wait3A_23 : memref<1x632x128xf32, #tpu.memory_space<hbm>> -> memref<632x128xf32, #tpu.memory_space<hbm>>
      %dma_wait3A_25 = arith.constant 0 : i32
      %dma_wait3A_26 = tpu.memref_slice %arg8[%mul3A_2, %dma_wait3A_25] : memref<10112x128xf32, #tpu.memory_space<vmem_shared>> -> memref<632x128xf32, #tpu.memory_space<vmem_shared>>
      tpu.wait_dma2 semaphore(%run_scoped3A : memref<!tpu.dma_semaphore, #tpu.memory_space<semaphore_mem>>) src(%dma_wait3A_26 : memref<632x128xf32, #tpu.memory_space<vmem_shared>>) dst(%dma_wait3A_24 : memref<632x128xf32, #tpu.memory_space<hbm>>)
      tpu.yield
    }) : () -> ()
    "tpu.region"() ({
      %run_scoped3A = tpu.sem_alloc : memref<!tpu.dma_semaphore, #tpu.memory_space<semaphore_mem>>
      %dma_start3A = arith.constant 0 : i32
      %dma_start3A_19 = tpu.memref_slice %arg8[%mul3A_2, %dma_start3A] : memref<10112x128xf32, #tpu.memory_space<vmem_shared>> -> memref<632x128xf32, #tpu.memory_space<vmem_shared>>
      tpu.enqueue_dma source(%arg5 : memref<632x128xf32, #tpu.memory_space<hbm>>) target(%dma_start3A_19 : memref<632x128xf32, #tpu.memory_space<vmem_shared>>) target_semaphore(%run_scoped3A : memref<!tpu.dma_semaphore, #tpu.memory_space<semaphore_mem>>)
      %dma_wait3A = arith.constant 0 : i32
      %dma_wait3A_20 = tpu.memref_slice %arg8[%mul3A_2, %dma_wait3A] : memref<10112x128xf32, #tpu.memory_space<vmem_shared>> -> memref<632x128xf32, #tpu.memory_space<vmem_shared>>
      tpu.wait_dma2 semaphore(%run_scoped3A : memref<!tpu.dma_semaphore, #tpu.memory_space<semaphore_mem>>) src(%arg5 : memref<632x128xf32, #tpu.memory_space<hbm>>) dst(%dma_wait3A_20 : memref<632x128xf32, #tpu.memory_space<vmem_shared>>)
      tpu.yield
    }) : () -> ()
    %barrier3A_12 = arith.constant 0 : index
    tpu.barrier barrier_id(%barrier3A_12)
    %scan3A_13 = arith.constant 0 : i32
    %scan3A_14 = arith.constant 160 : i32
    %scan3A_15 = arith.addi %scan3A_13, %scan3A_14 : i32
    %scan3A_16 = arith.constant 1 : i32
    scf.for %scan3A_19 = %scan3A_13 to %scan3A_15 step %scan3A_16  : i32 {
      %mul3A_20 = arith.constant 1 : i32
      %mul3A_21 = arith.muli %scan3A_19, %mul3A_20 : i32
      %add3A_22 = arith.constant 0 : i32
      %add3A_23 = arith.addi %add3A_22, %mul3A_21 : i32
      "tpu.region"() ({
        %run_scoped3A = tpu.sem_alloc : memref<!tpu.dma_semaphore, #tpu.memory_space<semaphore_mem>>
        %dma_start3A = arith.constant 0 : i32
        %dma_start3A_24 = tpu.memref_slice %arg10[%add3A_23, %dma_start3A] : memref<160x64xi32, #tpu.memory_space<vmem>> -> memref<1x64xi32, #tpu.memory_space<vmem>>
        %dma_start3A_25 = tpu.memref_squeeze %dma_start3A_24 : memref<1x64xi32, #tpu.memory_space<vmem>> -> memref<64xi32, #tpu.memory_space<vmem>>
        %dma_start3A_26 = arith.constant 0 : i32
        %dma_start3A_27 = arith.constant 0 : i32
        %dma_start3A_28 = tpu.memref_slice %arg8[%dma_start3A_26, %dma_start3A_27] : memref<10112x128xf32, #tpu.memory_space<vmem_shared>> -> memref<10112x128xf32, #tpu.memory_space<vmem_shared>>
        tpu.enqueue_indirect_dma source(%arg11 : memref<64x128xf32, #tpu.memory_space<vmem>>) target(%dma_start3A_28 : memref<10112x128xf32, #tpu.memory_space<vmem_shared>>) offsets(%dma_start3A_25 : memref<64xi32, #tpu.memory_space<vmem>>) semaphore(%run_scoped3A : memref<!tpu.dma_semaphore, #tpu.memory_space<semaphore_mem>>) {add = true}
        %dma_wait3A = arith.constant 0 : i32
        %dma_wait3A_29 = tpu.memref_slice %arg10[%add3A_23, %dma_wait3A] : memref<160x64xi32, #tpu.memory_space<vmem>> -> memref<1x64xi32, #tpu.memory_space<vmem>>
        %dma_wait3A_30 = tpu.memref_squeeze %dma_wait3A_29 : memref<1x64xi32, #tpu.memory_space<vmem>> -> memref<64xi32, #tpu.memory_space<vmem>>
        %dma_wait3A_31 = arith.constant 0 : i32
        %dma_wait3A_32 = arith.constant 0 : i32
        %dma_wait3A_33 = tpu.memref_slice %arg8[%dma_wait3A_31, %dma_wait3A_32] : memref<10112x128xf32, #tpu.memory_space<vmem_shared>> -> memref<10112x128xf32, #tpu.memory_space<vmem_shared>>
        tpu.wait_indirect_dma semaphore(%run_scoped3A : memref<!tpu.dma_semaphore, #tpu.memory_space<semaphore_mem>>) src(%arg11 : memref<64x128xf32, #tpu.memory_space<vmem>>) dst(%dma_wait3A_33 : memref<10112x128xf32, #tpu.memory_space<vmem_shared>>)
        tpu.yield
      }) : () -> ()
    }
    %scan3A_17 = arith.constant 160 : i32
    %barrier3A_18 = arith.constant 0 : index
    tpu.barrier barrier_id(%barrier3A_18)
    "tpu.region"() ({
      %run_scoped3A = tpu.sem_alloc : memref<!tpu.dma_semaphore, #tpu.memory_space<semaphore_mem>>
      %dma_start3A = arith.constant 0 : i32
      %dma_start3A_19 = tpu.memref_slice %arg7[%arg0, %mul3A_2, %dma_start3A] : memref<2x10112x128xf32, #tpu.memory_space<hbm>> -> memref<1x632x128xf32, #tpu.memory_space<hbm>>
      %dma_start3A_20 = tpu.memref_squeeze %dma_start3A_19 : memref<1x632x128xf32, #tpu.memory_space<hbm>> -> memref<632x128xf32, #tpu.memory_space<hbm>>
      %dma_start3A_21 = arith.constant 0 : i32
      %dma_start3A_22 = tpu.memref_slice %arg8[%mul3A_2, %dma_start3A_21] : memref<10112x128xf32, #tpu.memory_space<vmem_shared>> -> memref<632x128xf32, #tpu.memory_space<vmem_shared>>
      tpu.enqueue_dma source(%dma_start3A_22 : memref<632x128xf32, #tpu.memory_space<vmem_shared>>) target(%dma_start3A_20 : memref<632x128xf32, #tpu.memory_space<hbm>>) target_semaphore(%run_scoped3A : memref<!tpu.dma_semaphore, #tpu.memory_space<semaphore_mem>>)
      %dma_wait3A = arith.constant 0 : i32
      %dma_wait3A_23 = tpu.memref_slice %arg7[%arg0, %mul3A_2, %dma_wait3A] : memref<2x10112x128xf32, #tpu.memory_space<hbm>> -> memref<1x632x128xf32, #tpu.memory_space<hbm>>
      %dma_wait3A_24 = tpu.memref_squeeze %dma_wait3A_23 : memref<1x632x128xf32, #tpu.memory_space<hbm>> -> memref<632x128xf32, #tpu.memory_space<hbm>>
      %dma_wait3A_25 = arith.constant 0 : i32
      %dma_wait3A_26 = tpu.memref_slice %arg8[%mul3A_2, %dma_wait3A_25] : memref<10112x128xf32, #tpu.memory_space<vmem_shared>> -> memref<632x128xf32, #tpu.memory_space<vmem_shared>>
      tpu.wait_dma2 semaphore(%run_scoped3A : memref<!tpu.dma_semaphore, #tpu.memory_space<semaphore_mem>>) src(%dma_wait3A_26 : memref<632x128xf32, #tpu.memory_space<vmem_shared>>) dst(%dma_wait3A_24 : memref<632x128xf32, #tpu.memory_space<hbm>>)
      tpu.yield
    }) : () -> ()
    return
  }
}

#map = affine_map<(d0, d1) -> (0, 0)>
#map1 = affine_map<(d0, d1) -> (0, 0, 0)>
module attributes {stable_mosaic.version = 14 : i64} {
  func.func @_mp_body(%arg0: i32, %arg1: i32, %arg2: memref<10112x128xf32, #tpu.memory_space<hbm>>, %arg3: memref<5120x64xi32, #tpu.memory_space<hbm>>, %arg4: memref<5120x64xi32, #tpu.memory_space<hbm>>, %arg5: memref<632x128xf32, #tpu.memory_space<hbm>>, %arg6: memref<2x10112x128xf32, #tpu.memory_space<hbm>>, %arg7: memref<10112x128xf32, #tpu.memory_space<vmem_shared>>, %arg8: memref<112x64xi32, #tpu.memory_space<vmem>>, %arg9: memref<112x64xi32, #tpu.memory_space<vmem>>, %arg10: memref<2x64x128xf32, #tpu.memory_space<vmem>>, %arg11: memref<!tpu.dma_semaphore, #tpu.memory_space<semaphore_mem>>, %arg12: memref<!tpu.dma_semaphore, #tpu.memory_space<semaphore_mem>>, %arg13: memref<!tpu.dma_semaphore, #tpu.memory_space<semaphore_mem>>, %arg14: memref<!tpu.dma_semaphore, #tpu.memory_space<semaphore_mem>>) attributes {dimension_semantics = [#tpu.dimension_semantics<core_parallel>, #tpu.dimension_semantics<subcore_parallel>], iteration_bounds = array<i64: 2, 16>, scalar_prefetch = 0 : i64, scratch_operands = 8 : i64, tpu.core_type = #tpu.core_type<sc_vector_subcore>, window_params = [{transform_indices = #map}, {transform_indices = #map}, {transform_indices = #map}, {transform_indices = #map}, {transform_indices = #map1}]} {
    %mul3A = arith.constant 632 : i32
    %mul3A_0 = arith.muli %arg1, %mul3A : i32
    "tpu.region"() ({
      %run_scoped3A = tpu.sem_alloc : memref<!tpu.dma_semaphore, #tpu.memory_space<semaphore_mem>>
      %dma_start3A = arith.constant 0 : i32
      %dma_start3A_13 = tpu.memref_slice %arg7[%mul3A_0, %dma_start3A] : memref<10112x128xf32, #tpu.memory_space<vmem_shared>> -> memref<632x128xf32, #tpu.memory_space<vmem_shared>>
      tpu.enqueue_dma source(%arg5 : memref<632x128xf32, #tpu.memory_space<hbm>>) target(%dma_start3A_13 : memref<632x128xf32, #tpu.memory_space<vmem_shared>>) target_semaphore(%run_scoped3A : memref<!tpu.dma_semaphore, #tpu.memory_space<semaphore_mem>>)
      %dma_wait3A = arith.constant 0 : i32
      %dma_wait3A_14 = tpu.memref_slice %arg7[%mul3A_0, %dma_wait3A] : memref<10112x128xf32, #tpu.memory_space<vmem_shared>> -> memref<632x128xf32, #tpu.memory_space<vmem_shared>>
      tpu.wait_dma2 semaphore(%run_scoped3A : memref<!tpu.dma_semaphore, #tpu.memory_space<semaphore_mem>>) src(%arg5 : memref<632x128xf32, #tpu.memory_space<hbm>>) dst(%dma_wait3A_14 : memref<632x128xf32, #tpu.memory_space<vmem_shared>>)
      tpu.yield
    }) : () -> ()
    %barrier3A = arith.constant 0 : index
    tpu.barrier barrier_id(%barrier3A)
    %eq3A = arith.constant 0 : i32
    %eq3A_1 = arith.cmpi eq, %arg0, %eq3A : i32
    %convert_element_type3A = arith.extui %eq3A_1 : i1 to i32
    %cond3A = arith.constant 0 : i32
    %cond3A_2 = arith.cmpi ne, %convert_element_type3A, %cond3A : i32
    scf.if %cond3A_2 {
      %mul3A_13 = arith.constant 272 : i32
      %mul3A_14 = arith.muli %arg1, %mul3A_13 : i32
      %add3A = arith.constant 0 : i32
      %add3A_15 = arith.addi %mul3A_14, %add3A : i32
      "tpu.region"() ({
        %run_scoped3A = tpu.sem_alloc : memref<!tpu.dma_semaphore, #tpu.memory_space<semaphore_mem>>
        %dma_start3A_194 = arith.constant 0 : i32
        %dma_start3A_195 = arith.constant 0 : i32
        %dma_start3A_196 = tpu.memref_slice %arg8[%dma_start3A_194, %dma_start3A_195] : memref<112x64xi32, #tpu.memory_space<vmem>> -> memref<112x64xi32, #tpu.memory_space<vmem>>
        %dma_start3A_197 = arith.constant 0 : i32
        %dma_start3A_198 = tpu.memref_slice %arg3[%add3A_15, %dma_start3A_197] : memref<5120x64xi32, #tpu.memory_space<hbm>> -> memref<112x64xi32, #tpu.memory_space<hbm>>
        %dma_start3A_199 = arith.constant 0 : i32
        %dma_start3A_200 = arith.constant 0 : i32
        %dma_start3A_201 = tpu.memref_slice %arg8[%dma_start3A_199, %dma_start3A_200] : memref<112x64xi32, #tpu.memory_space<vmem>> -> memref<112x64xi32, #tpu.memory_space<vmem>>
        %dma_start3A_202 = arith.constant 0 : i32
        %dma_start3A_203 = tpu.memref_slice %arg3[%add3A_15, %dma_start3A_202] : memref<5120x64xi32, #tpu.memory_space<hbm>> -> memref<112x64xi32, #tpu.memory_space<hbm>>
        tpu.enqueue_dma source(%dma_start3A_203 : memref<112x64xi32, #tpu.memory_space<hbm>>) target(%dma_start3A_201 : memref<112x64xi32, #tpu.memory_space<vmem>>) target_semaphore(%run_scoped3A : memref<!tpu.dma_semaphore, #tpu.memory_space<semaphore_mem>>)
        %dma_wait3A_204 = arith.constant 0 : i32
        %dma_wait3A_205 = arith.constant 0 : i32
        %dma_wait3A_206 = tpu.memref_slice %arg8[%dma_wait3A_204, %dma_wait3A_205] : memref<112x64xi32, #tpu.memory_space<vmem>> -> memref<112x64xi32, #tpu.memory_space<vmem>>
        %dma_wait3A_207 = arith.constant 0 : i32
        %dma_wait3A_208 = tpu.memref_slice %arg3[%add3A_15, %dma_wait3A_207] : memref<5120x64xi32, #tpu.memory_space<hbm>> -> memref<112x64xi32, #tpu.memory_space<hbm>>
        %dma_wait3A_209 = arith.constant 0 : i32
        %dma_wait3A_210 = arith.constant 0 : i32
        %dma_wait3A_211 = tpu.memref_slice %arg8[%dma_wait3A_209, %dma_wait3A_210] : memref<112x64xi32, #tpu.memory_space<vmem>> -> memref<112x64xi32, #tpu.memory_space<vmem>>
        %dma_wait3A_212 = arith.constant 0 : i32
        %dma_wait3A_213 = tpu.memref_slice %arg3[%add3A_15, %dma_wait3A_212] : memref<5120x64xi32, #tpu.memory_space<hbm>> -> memref<112x64xi32, #tpu.memory_space<hbm>>
        tpu.wait_dma2 semaphore(%run_scoped3A : memref<!tpu.dma_semaphore, #tpu.memory_space<semaphore_mem>>) src(%dma_wait3A_213 : memref<112x64xi32, #tpu.memory_space<hbm>>) dst(%dma_wait3A_211 : memref<112x64xi32, #tpu.memory_space<vmem>>)
        tpu.yield
      }) : () -> ()
      "tpu.region"() ({
        %run_scoped3A = tpu.sem_alloc : memref<!tpu.dma_semaphore, #tpu.memory_space<semaphore_mem>>
        %dma_start3A_194 = arith.constant 0 : i32
        %dma_start3A_195 = arith.constant 0 : i32
        %dma_start3A_196 = tpu.memref_slice %arg9[%dma_start3A_194, %dma_start3A_195] : memref<112x64xi32, #tpu.memory_space<vmem>> -> memref<112x64xi32, #tpu.memory_space<vmem>>
        %dma_start3A_197 = arith.constant 0 : i32
        %dma_start3A_198 = tpu.memref_slice %arg4[%add3A_15, %dma_start3A_197] : memref<5120x64xi32, #tpu.memory_space<hbm>> -> memref<112x64xi32, #tpu.memory_space<hbm>>
        %dma_start3A_199 = arith.constant 0 : i32
        %dma_start3A_200 = arith.constant 0 : i32
        %dma_start3A_201 = tpu.memref_slice %arg9[%dma_start3A_199, %dma_start3A_200] : memref<112x64xi32, #tpu.memory_space<vmem>> -> memref<112x64xi32, #tpu.memory_space<vmem>>
        %dma_start3A_202 = arith.constant 0 : i32
        %dma_start3A_203 = tpu.memref_slice %arg4[%add3A_15, %dma_start3A_202] : memref<5120x64xi32, #tpu.memory_space<hbm>> -> memref<112x64xi32, #tpu.memory_space<hbm>>
        tpu.enqueue_dma source(%dma_start3A_203 : memref<112x64xi32, #tpu.memory_space<hbm>>) target(%dma_start3A_201 : memref<112x64xi32, #tpu.memory_space<vmem>>) target_semaphore(%run_scoped3A : memref<!tpu.dma_semaphore, #tpu.memory_space<semaphore_mem>>)
        %dma_wait3A_204 = arith.constant 0 : i32
        %dma_wait3A_205 = arith.constant 0 : i32
        %dma_wait3A_206 = tpu.memref_slice %arg9[%dma_wait3A_204, %dma_wait3A_205] : memref<112x64xi32, #tpu.memory_space<vmem>> -> memref<112x64xi32, #tpu.memory_space<vmem>>
        %dma_wait3A_207 = arith.constant 0 : i32
        %dma_wait3A_208 = tpu.memref_slice %arg4[%add3A_15, %dma_wait3A_207] : memref<5120x64xi32, #tpu.memory_space<hbm>> -> memref<112x64xi32, #tpu.memory_space<hbm>>
        %dma_wait3A_209 = arith.constant 0 : i32
        %dma_wait3A_210 = arith.constant 0 : i32
        %dma_wait3A_211 = tpu.memref_slice %arg9[%dma_wait3A_209, %dma_wait3A_210] : memref<112x64xi32, #tpu.memory_space<vmem>> -> memref<112x64xi32, #tpu.memory_space<vmem>>
        %dma_wait3A_212 = arith.constant 0 : i32
        %dma_wait3A_213 = tpu.memref_slice %arg4[%add3A_15, %dma_wait3A_212] : memref<5120x64xi32, #tpu.memory_space<hbm>> -> memref<112x64xi32, #tpu.memory_space<hbm>>
        tpu.wait_dma2 semaphore(%run_scoped3A : memref<!tpu.dma_semaphore, #tpu.memory_space<semaphore_mem>>) src(%dma_wait3A_213 : memref<112x64xi32, #tpu.memory_space<hbm>>) dst(%dma_wait3A_211 : memref<112x64xi32, #tpu.memory_space<vmem>>)
        tpu.yield
      }) : () -> ()
      %dma_start3A = arith.constant 0 : i32
      %dma_start3A_16 = arith.constant 0 : i32
      %dma_start3A_17 = arith.constant 0 : i32
      %dma_start3A_18 = arith.constant 0 : i32
      %dma_start3A_19 = tpu.memref_slice %arg10[%dma_start3A_16, %dma_start3A_17, %dma_start3A_18] : memref<2x64x128xf32, #tpu.memory_space<vmem>> -> memref<1x64x128xf32, #tpu.memory_space<vmem>>
      %dma_start3A_20 = tpu.memref_squeeze %dma_start3A_19 : memref<1x64x128xf32, #tpu.memory_space<vmem>> -> memref<64x128xf32, #tpu.memory_space<vmem>>
      %dma_start3A_21 = arith.constant 0 : i32
      %dma_start3A_22 = tpu.memref_slice %arg8[%dma_start3A, %dma_start3A_21] : memref<112x64xi32, #tpu.memory_space<vmem>> -> memref<1x64xi32, #tpu.memory_space<vmem>>
      %dma_start3A_23 = tpu.memref_squeeze %dma_start3A_22 : memref<1x64xi32, #tpu.memory_space<vmem>> -> memref<64xi32, #tpu.memory_space<vmem>>
      %dma_start3A_24 = arith.constant 0 : i32
      %dma_start3A_25 = arith.constant 0 : i32
      %dma_start3A_26 = tpu.memref_slice %arg2[%dma_start3A_24, %dma_start3A_25] : memref<10112x128xf32, #tpu.memory_space<hbm>> -> memref<10112x128xf32, #tpu.memory_space<hbm>>
      tpu.enqueue_indirect_dma source(%dma_start3A_26 : memref<10112x128xf32, #tpu.memory_space<hbm>>) target(%dma_start3A_20 : memref<64x128xf32, #tpu.memory_space<vmem>>) offsets(%dma_start3A_23 : memref<64xi32, #tpu.memory_space<vmem>>) semaphore(%arg11 : memref<!tpu.dma_semaphore, #tpu.memory_space<semaphore_mem>>)
      %dma_start3A_27 = arith.constant 1 : i32
      %dma_start3A_28 = arith.constant 1 : i32
      %dma_start3A_29 = arith.constant 0 : i32
      %dma_start3A_30 = arith.constant 0 : i32
      %dma_start3A_31 = tpu.memref_slice %arg10[%dma_start3A_28, %dma_start3A_29, %dma_start3A_30] : memref<2x64x128xf32, #tpu.memory_space<vmem>> -> memref<1x64x128xf32, #tpu.memory_space<vmem>>
      %dma_start3A_32 = tpu.memref_squeeze %dma_start3A_31 : memref<1x64x128xf32, #tpu.memory_space<vmem>> -> memref<64x128xf32, #tpu.memory_space<vmem>>
      %dma_start3A_33 = arith.constant 0 : i32
      %dma_start3A_34 = tpu.memref_slice %arg8[%dma_start3A_27, %dma_start3A_33] : memref<112x64xi32, #tpu.memory_space<vmem>> -> memref<1x64xi32, #tpu.memory_space<vmem>>
      %dma_start3A_35 = tpu.memref_squeeze %dma_start3A_34 : memref<1x64xi32, #tpu.memory_space<vmem>> -> memref<64xi32, #tpu.memory_space<vmem>>
      %dma_start3A_36 = arith.constant 0 : i32
      %dma_start3A_37 = arith.constant 0 : i32
      %dma_start3A_38 = tpu.memref_slice %arg2[%dma_start3A_36, %dma_start3A_37] : memref<10112x128xf32, #tpu.memory_space<hbm>> -> memref<10112x128xf32, #tpu.memory_space<hbm>>
      tpu.enqueue_indirect_dma source(%dma_start3A_38 : memref<10112x128xf32, #tpu.memory_space<hbm>>) target(%dma_start3A_32 : memref<64x128xf32, #tpu.memory_space<vmem>>) offsets(%dma_start3A_35 : memref<64xi32, #tpu.memory_space<vmem>>) semaphore(%arg12 : memref<!tpu.dma_semaphore, #tpu.memory_space<semaphore_mem>>)
      %scan3A = arith.constant 0 : i32
      %scan3A_39 = arith.constant 56 : i32
      %scan3A_40 = arith.addi %scan3A, %scan3A_39 : i32
      %scan3A_41 = arith.constant 1 : i32
      scf.for %scan3A_194 = %scan3A to %scan3A_40 step %scan3A_41  : i32 {
        %mul3A_195 = arith.constant 2 : i32
        %mul3A_196 = arith.muli %scan3A_194, %mul3A_195 : i32
        %add3A_197 = arith.constant 0 : i32
        %add3A_198 = arith.addi %add3A_197, %mul3A_196 : i32
        %dma_wait3A_199 = arith.constant 0 : i32
        %dma_wait3A_200 = arith.constant 0 : i32
        %dma_wait3A_201 = arith.constant 0 : i32
        %dma_wait3A_202 = tpu.memref_slice %arg10[%dma_wait3A_199, %dma_wait3A_200, %dma_wait3A_201] : memref<2x64x128xf32, #tpu.memory_space<vmem>> -> memref<1x64x128xf32, #tpu.memory_space<vmem>>
        %dma_wait3A_203 = tpu.memref_squeeze %dma_wait3A_202 : memref<1x64x128xf32, #tpu.memory_space<vmem>> -> memref<64x128xf32, #tpu.memory_space<vmem>>
        %dma_wait3A_204 = arith.constant 0 : i32
        %dma_wait3A_205 = arith.constant 0 : i32
        %dma_wait3A_206 = tpu.memref_slice %arg2[%dma_wait3A_204, %dma_wait3A_205] : memref<10112x128xf32, #tpu.memory_space<hbm>> -> memref<64x128xf32, #tpu.memory_space<hbm>>
        %dma_wait3A_207 = arith.constant 0 : i32
        %dma_wait3A_208 = arith.constant 0 : i32
        %dma_wait3A_209 = tpu.memref_slice %arg10[%dma_wait3A_199, %dma_wait3A_207, %dma_wait3A_208] : memref<2x64x128xf32, #tpu.memory_space<vmem>> -> memref<1x64x128xf32, #tpu.memory_space<vmem>>
        %dma_wait3A_210 = tpu.memref_squeeze %dma_wait3A_209 : memref<1x64x128xf32, #tpu.memory_space<vmem>> -> memref<64x128xf32, #tpu.memory_space<vmem>>
        %dma_wait3A_211 = arith.constant 0 : i32
        %dma_wait3A_212 = arith.constant 0 : i32
        %dma_wait3A_213 = tpu.memref_slice %arg2[%dma_wait3A_211, %dma_wait3A_212] : memref<10112x128xf32, #tpu.memory_space<hbm>> -> memref<64x128xf32, #tpu.memory_space<hbm>>
        tpu.wait_dma2 semaphore(%arg11 : memref<!tpu.dma_semaphore, #tpu.memory_space<semaphore_mem>>) src(%dma_wait3A_213 : memref<64x128xf32, #tpu.memory_space<hbm>>) dst(%dma_wait3A_210 : memref<64x128xf32, #tpu.memory_space<vmem>>)
        %add3A_214 = arith.constant 0 : i32
        %add3A_215 = arith.addi %add3A_198, %add3A_214 : i32
        %dma_start3A_216 = arith.constant 0 : i32
        %dma_start3A_217 = arith.constant 0 : i32
        %dma_start3A_218 = arith.constant 0 : i32
        %dma_start3A_219 = tpu.memref_slice %arg10[%dma_start3A_216, %dma_start3A_217, %dma_start3A_218] : memref<2x64x128xf32, #tpu.memory_space<vmem>> -> memref<1x64x128xf32, #tpu.memory_space<vmem>>
        %dma_start3A_220 = tpu.memref_squeeze %dma_start3A_219 : memref<1x64x128xf32, #tpu.memory_space<vmem>> -> memref<64x128xf32, #tpu.memory_space<vmem>>
        %dma_start3A_221 = arith.constant 0 : i32
        %dma_start3A_222 = tpu.memref_slice %arg9[%add3A_215, %dma_start3A_221] : memref<112x64xi32, #tpu.memory_space<vmem>> -> memref<1x64xi32, #tpu.memory_space<vmem>>
        %dma_start3A_223 = tpu.memref_squeeze %dma_start3A_222 : memref<1x64xi32, #tpu.memory_space<vmem>> -> memref<64xi32, #tpu.memory_space<vmem>>
        %dma_start3A_224 = arith.constant 0 : i32
        %dma_start3A_225 = arith.constant 0 : i32
        %dma_start3A_226 = tpu.memref_slice %arg7[%dma_start3A_224, %dma_start3A_225] : memref<10112x128xf32, #tpu.memory_space<vmem_shared>> -> memref<10112x128xf32, #tpu.memory_space<vmem_shared>>
        tpu.enqueue_indirect_dma source(%dma_start3A_220 : memref<64x128xf32, #tpu.memory_space<vmem>>) target(%dma_start3A_226 : memref<10112x128xf32, #tpu.memory_space<vmem_shared>>) offsets(%dma_start3A_223 : memref<64xi32, #tpu.memory_space<vmem>>) semaphore(%arg13 : memref<!tpu.dma_semaphore, #tpu.memory_space<semaphore_mem>>) {add = true}
        %dma_wait3A_227 = arith.constant 1 : i32
        %dma_wait3A_228 = arith.constant 0 : i32
        %dma_wait3A_229 = arith.constant 0 : i32
        %dma_wait3A_230 = tpu.memref_slice %arg10[%dma_wait3A_227, %dma_wait3A_228, %dma_wait3A_229] : memref<2x64x128xf32, #tpu.memory_space<vmem>> -> memref<1x64x128xf32, #tpu.memory_space<vmem>>
        %dma_wait3A_231 = tpu.memref_squeeze %dma_wait3A_230 : memref<1x64x128xf32, #tpu.memory_space<vmem>> -> memref<64x128xf32, #tpu.memory_space<vmem>>
        %dma_wait3A_232 = arith.constant 0 : i32
        %dma_wait3A_233 = arith.constant 0 : i32
        %dma_wait3A_234 = tpu.memref_slice %arg2[%dma_wait3A_232, %dma_wait3A_233] : memref<10112x128xf32, #tpu.memory_space<hbm>> -> memref<64x128xf32, #tpu.memory_space<hbm>>
        %dma_wait3A_235 = arith.constant 0 : i32
        %dma_wait3A_236 = arith.constant 0 : i32
        %dma_wait3A_237 = tpu.memref_slice %arg10[%dma_wait3A_227, %dma_wait3A_235, %dma_wait3A_236] : memref<2x64x128xf32, #tpu.memory_space<vmem>> -> memref<1x64x128xf32, #tpu.memory_space<vmem>>
        %dma_wait3A_238 = tpu.memref_squeeze %dma_wait3A_237 : memref<1x64x128xf32, #tpu.memory_space<vmem>> -> memref<64x128xf32, #tpu.memory_space<vmem>>
        %dma_wait3A_239 = arith.constant 0 : i32
        %dma_wait3A_240 = arith.constant 0 : i32
        %dma_wait3A_241 = tpu.memref_slice %arg2[%dma_wait3A_239, %dma_wait3A_240] : memref<10112x128xf32, #tpu.memory_space<hbm>> -> memref<64x128xf32, #tpu.memory_space<hbm>>
        tpu.wait_dma2 semaphore(%arg12 : memref<!tpu.dma_semaphore, #tpu.memory_space<semaphore_mem>>) src(%dma_wait3A_241 : memref<64x128xf32, #tpu.memory_space<hbm>>) dst(%dma_wait3A_238 : memref<64x128xf32, #tpu.memory_space<vmem>>)
        %add3A_242 = arith.constant 1 : i32
        %add3A_243 = arith.addi %add3A_198, %add3A_242 : i32
        %dma_start3A_244 = arith.constant 1 : i32
        %dma_start3A_245 = arith.constant 0 : i32
        %dma_start3A_246 = arith.constant 0 : i32
        %dma_start3A_247 = tpu.memref_slice %arg10[%dma_start3A_244, %dma_start3A_245, %dma_start3A_246] : memref<2x64x128xf32, #tpu.memory_space<vmem>> -> memref<1x64x128xf32, #tpu.memory_space<vmem>>
        %dma_start3A_248 = tpu.memref_squeeze %dma_start3A_247 : memref<1x64x128xf32, #tpu.memory_space<vmem>> -> memref<64x128xf32, #tpu.memory_space<vmem>>
        %dma_start3A_249 = arith.constant 0 : i32
        %dma_start3A_250 = tpu.memref_slice %arg9[%add3A_243, %dma_start3A_249] : memref<112x64xi32, #tpu.memory_space<vmem>> -> memref<1x64xi32, #tpu.memory_space<vmem>>
        %dma_start3A_251 = tpu.memref_squeeze %dma_start3A_250 : memref<1x64xi32, #tpu.memory_space<vmem>> -> memref<64xi32, #tpu.memory_space<vmem>>
        %dma_start3A_252 = arith.constant 0 : i32
        %dma_start3A_253 = arith.constant 0 : i32
        %dma_start3A_254 = tpu.memref_slice %arg7[%dma_start3A_252, %dma_start3A_253] : memref<10112x128xf32, #tpu.memory_space<vmem_shared>> -> memref<10112x128xf32, #tpu.memory_space<vmem_shared>>
        tpu.enqueue_indirect_dma source(%dma_start3A_248 : memref<64x128xf32, #tpu.memory_space<vmem>>) target(%dma_start3A_254 : memref<10112x128xf32, #tpu.memory_space<vmem_shared>>) offsets(%dma_start3A_251 : memref<64xi32, #tpu.memory_space<vmem>>) semaphore(%arg14 : memref<!tpu.dma_semaphore, #tpu.memory_space<semaphore_mem>>) {add = true}
        %add3A_255 = arith.constant 0 : i32
        %add3A_256 = arith.addi %add3A_198, %add3A_255 : i32
        %add3A_257 = arith.constant 2 : i32
        %add3A_258 = arith.addi %add3A_256, %add3A_257 : i32
        %lt3A = arith.constant 112 : i32
        %lt3A_259 = arith.cmpi slt, %add3A_258, %lt3A : i32
        %convert_element_type3A_260 = arith.extui %lt3A_259 : i1 to i32
        %cond3A_261 = arith.constant 0 : i32
        %cond3A_262 = arith.cmpi ne, %convert_element_type3A_260, %cond3A_261 : i32
        scf.if %cond3A_262 {
          %dma_wait3A_272 = arith.constant 0 : i32
          %dma_wait3A_273 = arith.constant 0 : i32
          %dma_wait3A_274 = arith.constant 0 : i32
          %dma_wait3A_275 = tpu.memref_slice %arg10[%dma_wait3A_272, %dma_wait3A_273, %dma_wait3A_274] : memref<2x64x128xf32, #tpu.memory_space<vmem>> -> memref<1x64x128xf32, #tpu.memory_space<vmem>>
          %dma_wait3A_276 = tpu.memref_squeeze %dma_wait3A_275 : memref<1x64x128xf32, #tpu.memory_space<vmem>> -> memref<64x128xf32, #tpu.memory_space<vmem>>
          %dma_wait3A_277 = arith.constant 0 : i32
          %dma_wait3A_278 = arith.constant 0 : i32
          %dma_wait3A_279 = tpu.memref_slice %arg7[%dma_wait3A_277, %dma_wait3A_278] : memref<10112x128xf32, #tpu.memory_space<vmem_shared>> -> memref<64x128xf32, #tpu.memory_space<vmem_shared>>
          %dma_wait3A_280 = arith.constant 0 : i32
          %dma_wait3A_281 = arith.constant 0 : i32
          %dma_wait3A_282 = tpu.memref_slice %arg7[%dma_wait3A_280, %dma_wait3A_281] : memref<10112x128xf32, #tpu.memory_space<vmem_shared>> -> memref<64x128xf32, #tpu.memory_space<vmem_shared>>
          %dma_wait3A_283 = arith.constant 0 : i32
          %dma_wait3A_284 = arith.constant 0 : i32
          %dma_wait3A_285 = tpu.memref_slice %arg10[%dma_wait3A_272, %dma_wait3A_283, %dma_wait3A_284] : memref<2x64x128xf32, #tpu.memory_space<vmem>> -> memref<1x64x128xf32, #tpu.memory_space<vmem>>
          %dma_wait3A_286 = tpu.memref_squeeze %dma_wait3A_285 : memref<1x64x128xf32, #tpu.memory_space<vmem>> -> memref<64x128xf32, #tpu.memory_space<vmem>>
          tpu.wait_dma2 semaphore(%arg13 : memref<!tpu.dma_semaphore, #tpu.memory_space<semaphore_mem>>) src(%dma_wait3A_286 : memref<64x128xf32, #tpu.memory_space<vmem>>) dst(%dma_wait3A_282 : memref<64x128xf32, #tpu.memory_space<vmem_shared>>)
          %dma_start3A_287 = arith.constant 0 : i32
          %dma_start3A_288 = arith.constant 0 : i32
          %dma_start3A_289 = arith.constant 0 : i32
          %dma_start3A_290 = tpu.memref_slice %arg10[%dma_start3A_287, %dma_start3A_288, %dma_start3A_289] : memref<2x64x128xf32, #tpu.memory_space<vmem>> -> memref<1x64x128xf32, #tpu.memory_space<vmem>>
          %dma_start3A_291 = tpu.memref_squeeze %dma_start3A_290 : memref<1x64x128xf32, #tpu.memory_space<vmem>> -> memref<64x128xf32, #tpu.memory_space<vmem>>
          %dma_start3A_292 = arith.constant 0 : i32
          %dma_start3A_293 = tpu.memref_slice %arg8[%add3A_258, %dma_start3A_292] : memref<112x64xi32, #tpu.memory_space<vmem>> -> memref<1x64xi32, #tpu.memory_space<vmem>>
          %dma_start3A_294 = tpu.memref_squeeze %dma_start3A_293 : memref<1x64xi32, #tpu.memory_space<vmem>> -> memref<64xi32, #tpu.memory_space<vmem>>
          %dma_start3A_295 = arith.constant 0 : i32
          %dma_start3A_296 = arith.constant 0 : i32
          %dma_start3A_297 = tpu.memref_slice %arg2[%dma_start3A_295, %dma_start3A_296] : memref<10112x128xf32, #tpu.memory_space<hbm>> -> memref<10112x128xf32, #tpu.memory_space<hbm>>
          tpu.enqueue_indirect_dma source(%dma_start3A_297 : memref<10112x128xf32, #tpu.memory_space<hbm>>) target(%dma_start3A_291 : memref<64x128xf32, #tpu.memory_space<vmem>>) offsets(%dma_start3A_294 : memref<64xi32, #tpu.memory_space<vmem>>) semaphore(%arg11 : memref<!tpu.dma_semaphore, #tpu.memory_space<semaphore_mem>>)
        } else {
        }
        %add3A_263 = arith.constant 1 : i32
        %add3A_264 = arith.addi %add3A_198, %add3A_263 : i32
        %add3A_265 = arith.constant 2 : i32
        %add3A_266 = arith.addi %add3A_264, %add3A_265 : i32
        %lt3A_267 = arith.constant 112 : i32
        %lt3A_268 = arith.cmpi slt, %add3A_266, %lt3A_267 : i32
        %convert_element_type3A_269 = arith.extui %lt3A_268 : i1 to i32
        %cond3A_270 = arith.constant 0 : i32
        %cond3A_271 = arith.cmpi ne, %convert_element_type3A_269, %cond3A_270 : i32
        scf.if %cond3A_271 {
          %dma_wait3A_272 = arith.constant 1 : i32
          %dma_wait3A_273 = arith.constant 0 : i32
          %dma_wait3A_274 = arith.constant 0 : i32
          %dma_wait3A_275 = tpu.memref_slice %arg10[%dma_wait3A_272, %dma_wait3A_273, %dma_wait3A_274] : memref<2x64x128xf32, #tpu.memory_space<vmem>> -> memref<1x64x128xf32, #tpu.memory_space<vmem>>
          %dma_wait3A_276 = tpu.memref_squeeze %dma_wait3A_275 : memref<1x64x128xf32, #tpu.memory_space<vmem>> -> memref<64x128xf32, #tpu.memory_space<vmem>>
          %dma_wait3A_277 = arith.constant 0 : i32
          %dma_wait3A_278 = arith.constant 0 : i32
          %dma_wait3A_279 = tpu.memref_slice %arg7[%dma_wait3A_277, %dma_wait3A_278] : memref<10112x128xf32, #tpu.memory_space<vmem_shared>> -> memref<64x128xf32, #tpu.memory_space<vmem_shared>>
          %dma_wait3A_280 = arith.constant 0 : i32
          %dma_wait3A_281 = arith.constant 0 : i32
          %dma_wait3A_282 = tpu.memref_slice %arg7[%dma_wait3A_280, %dma_wait3A_281] : memref<10112x128xf32, #tpu.memory_space<vmem_shared>> -> memref<64x128xf32, #tpu.memory_space<vmem_shared>>
          %dma_wait3A_283 = arith.constant 0 : i32
          %dma_wait3A_284 = arith.constant 0 : i32
          %dma_wait3A_285 = tpu.memref_slice %arg10[%dma_wait3A_272, %dma_wait3A_283, %dma_wait3A_284] : memref<2x64x128xf32, #tpu.memory_space<vmem>> -> memref<1x64x128xf32, #tpu.memory_space<vmem>>
          %dma_wait3A_286 = tpu.memref_squeeze %dma_wait3A_285 : memref<1x64x128xf32, #tpu.memory_space<vmem>> -> memref<64x128xf32, #tpu.memory_space<vmem>>
          tpu.wait_dma2 semaphore(%arg14 : memref<!tpu.dma_semaphore, #tpu.memory_space<semaphore_mem>>) src(%dma_wait3A_286 : memref<64x128xf32, #tpu.memory_space<vmem>>) dst(%dma_wait3A_282 : memref<64x128xf32, #tpu.memory_space<vmem_shared>>)
          %dma_start3A_287 = arith.constant 1 : i32
          %dma_start3A_288 = arith.constant 0 : i32
          %dma_start3A_289 = arith.constant 0 : i32
          %dma_start3A_290 = tpu.memref_slice %arg10[%dma_start3A_287, %dma_start3A_288, %dma_start3A_289] : memref<2x64x128xf32, #tpu.memory_space<vmem>> -> memref<1x64x128xf32, #tpu.memory_space<vmem>>
          %dma_start3A_291 = tpu.memref_squeeze %dma_start3A_290 : memref<1x64x128xf32, #tpu.memory_space<vmem>> -> memref<64x128xf32, #tpu.memory_space<vmem>>
          %dma_start3A_292 = arith.constant 0 : i32
          %dma_start3A_293 = tpu.memref_slice %arg8[%add3A_266, %dma_start3A_292] : memref<112x64xi32, #tpu.memory_space<vmem>> -> memref<1x64xi32, #tpu.memory_space<vmem>>
          %dma_start3A_294 = tpu.memref_squeeze %dma_start3A_293 : memref<1x64xi32, #tpu.memory_space<vmem>> -> memref<64xi32, #tpu.memory_space<vmem>>
          %dma_start3A_295 = arith.constant 0 : i32
          %dma_start3A_296 = arith.constant 0 : i32
          %dma_start3A_297 = tpu.memref_slice %arg2[%dma_start3A_295, %dma_start3A_296] : memref<10112x128xf32, #tpu.memory_space<hbm>> -> memref<10112x128xf32, #tpu.memory_space<hbm>>
          tpu.enqueue_indirect_dma source(%dma_start3A_297 : memref<10112x128xf32, #tpu.memory_space<hbm>>) target(%dma_start3A_291 : memref<64x128xf32, #tpu.memory_space<vmem>>) offsets(%dma_start3A_294 : memref<64xi32, #tpu.memory_space<vmem>>) semaphore(%arg12 : memref<!tpu.dma_semaphore, #tpu.memory_space<semaphore_mem>>)
        } else {
        }
      }
      %scan3A_42 = arith.constant 56 : i32
      %dma_wait3A = arith.constant 0 : i32
      %dma_wait3A_43 = arith.constant 0 : i32
      %dma_wait3A_44 = arith.constant 0 : i32
      %dma_wait3A_45 = tpu.memref_slice %arg10[%dma_wait3A, %dma_wait3A_43, %dma_wait3A_44] : memref<2x64x128xf32, #tpu.memory_space<vmem>> -> memref<1x64x128xf32, #tpu.memory_space<vmem>>
      %dma_wait3A_46 = tpu.memref_squeeze %dma_wait3A_45 : memref<1x64x128xf32, #tpu.memory_space<vmem>> -> memref<64x128xf32, #tpu.memory_space<vmem>>
      %dma_wait3A_47 = arith.constant 0 : i32
      %dma_wait3A_48 = arith.constant 0 : i32
      %dma_wait3A_49 = tpu.memref_slice %arg7[%dma_wait3A_47, %dma_wait3A_48] : memref<10112x128xf32, #tpu.memory_space<vmem_shared>> -> memref<64x128xf32, #tpu.memory_space<vmem_shared>>
      %dma_wait3A_50 = arith.constant 0 : i32
      %dma_wait3A_51 = arith.constant 0 : i32
      %dma_wait3A_52 = tpu.memref_slice %arg7[%dma_wait3A_50, %dma_wait3A_51] : memref<10112x128xf32, #tpu.memory_space<vmem_shared>> -> memref<64x128xf32, #tpu.memory_space<vmem_shared>>
      %dma_wait3A_53 = arith.constant 0 : i32
      %dma_wait3A_54 = arith.constant 0 : i32
      %dma_wait3A_55 = tpu.memref_slice %arg10[%dma_wait3A, %dma_wait3A_53, %dma_wait3A_54] : memref<2x64x128xf32, #tpu.memory_space<vmem>> -> memref<1x64x128xf32, #tpu.memory_space<vmem>>
      %dma_wait3A_56 = tpu.memref_squeeze %dma_wait3A_55 : memref<1x64x128xf32, #tpu.memory_space<vmem>> -> memref<64x128xf32, #tpu.memory_space<vmem>>
      tpu.wait_dma2 semaphore(%arg13 : memref<!tpu.dma_semaphore, #tpu.memory_space<semaphore_mem>>) src(%dma_wait3A_56 : memref<64x128xf32, #tpu.memory_space<vmem>>) dst(%dma_wait3A_52 : memref<64x128xf32, #tpu.memory_space<vmem_shared>>)
      %dma_wait3A_57 = arith.constant 1 : i32
      %dma_wait3A_58 = arith.constant 0 : i32
      %dma_wait3A_59 = arith.constant 0 : i32
      %dma_wait3A_60 = tpu.memref_slice %arg10[%dma_wait3A_57, %dma_wait3A_58, %dma_wait3A_59] : memref<2x64x128xf32, #tpu.memory_space<vmem>> -> memref<1x64x128xf32, #tpu.memory_space<vmem>>
      %dma_wait3A_61 = tpu.memref_squeeze %dma_wait3A_60 : memref<1x64x128xf32, #tpu.memory_space<vmem>> -> memref<64x128xf32, #tpu.memory_space<vmem>>
      %dma_wait3A_62 = arith.constant 0 : i32
      %dma_wait3A_63 = arith.constant 0 : i32
      %dma_wait3A_64 = tpu.memref_slice %arg7[%dma_wait3A_62, %dma_wait3A_63] : memref<10112x128xf32, #tpu.memory_space<vmem_shared>> -> memref<64x128xf32, #tpu.memory_space<vmem_shared>>
      %dma_wait3A_65 = arith.constant 0 : i32
      %dma_wait3A_66 = arith.constant 0 : i32
      %dma_wait3A_67 = tpu.memref_slice %arg7[%dma_wait3A_65, %dma_wait3A_66] : memref<10112x128xf32, #tpu.memory_space<vmem_shared>> -> memref<64x128xf32, #tpu.memory_space<vmem_shared>>
      %dma_wait3A_68 = arith.constant 0 : i32
      %dma_wait3A_69 = arith.constant 0 : i32
      %dma_wait3A_70 = tpu.memref_slice %arg10[%dma_wait3A_57, %dma_wait3A_68, %dma_wait3A_69] : memref<2x64x128xf32, #tpu.memory_space<vmem>> -> memref<1x64x128xf32, #tpu.memory_space<vmem>>
      %dma_wait3A_71 = tpu.memref_squeeze %dma_wait3A_70 : memref<1x64x128xf32, #tpu.memory_space<vmem>> -> memref<64x128xf32, #tpu.memory_space<vmem>>
      tpu.wait_dma2 semaphore(%arg14 : memref<!tpu.dma_semaphore, #tpu.memory_space<semaphore_mem>>) src(%dma_wait3A_71 : memref<64x128xf32, #tpu.memory_space<vmem>>) dst(%dma_wait3A_67 : memref<64x128xf32, #tpu.memory_space<vmem_shared>>)
      %add3A_72 = arith.constant 112 : i32
      %add3A_73 = arith.addi %mul3A_14, %add3A_72 : i32
      "tpu.region"() ({
        %run_scoped3A = tpu.sem_alloc : memref<!tpu.dma_semaphore, #tpu.memory_space<semaphore_mem>>
        %dma_start3A_194 = arith.constant 0 : i32
        %dma_start3A_195 = arith.constant 0 : i32
        %dma_start3A_196 = tpu.memref_slice %arg8[%dma_start3A_194, %dma_start3A_195] : memref<112x64xi32, #tpu.memory_space<vmem>> -> memref<112x64xi32, #tpu.memory_space<vmem>>
        %dma_start3A_197 = arith.constant 0 : i32
        %dma_start3A_198 = tpu.memref_slice %arg3[%add3A_73, %dma_start3A_197] : memref<5120x64xi32, #tpu.memory_space<hbm>> -> memref<112x64xi32, #tpu.memory_space<hbm>>
        %dma_start3A_199 = arith.constant 0 : i32
        %dma_start3A_200 = arith.constant 0 : i32
        %dma_start3A_201 = tpu.memref_slice %arg8[%dma_start3A_199, %dma_start3A_200] : memref<112x64xi32, #tpu.memory_space<vmem>> -> memref<112x64xi32, #tpu.memory_space<vmem>>
        %dma_start3A_202 = arith.constant 0 : i32
        %dma_start3A_203 = tpu.memref_slice %arg3[%add3A_73, %dma_start3A_202] : memref<5120x64xi32, #tpu.memory_space<hbm>> -> memref<112x64xi32, #tpu.memory_space<hbm>>
        tpu.enqueue_dma source(%dma_start3A_203 : memref<112x64xi32, #tpu.memory_space<hbm>>) target(%dma_start3A_201 : memref<112x64xi32, #tpu.memory_space<vmem>>) target_semaphore(%run_scoped3A : memref<!tpu.dma_semaphore, #tpu.memory_space<semaphore_mem>>)
        %dma_wait3A_204 = arith.constant 0 : i32
        %dma_wait3A_205 = arith.constant 0 : i32
        %dma_wait3A_206 = tpu.memref_slice %arg8[%dma_wait3A_204, %dma_wait3A_205] : memref<112x64xi32, #tpu.memory_space<vmem>> -> memref<112x64xi32, #tpu.memory_space<vmem>>
        %dma_wait3A_207 = arith.constant 0 : i32
        %dma_wait3A_208 = tpu.memref_slice %arg3[%add3A_73, %dma_wait3A_207] : memref<5120x64xi32, #tpu.memory_space<hbm>> -> memref<112x64xi32, #tpu.memory_space<hbm>>
        %dma_wait3A_209 = arith.constant 0 : i32
        %dma_wait3A_210 = arith.constant 0 : i32
        %dma_wait3A_211 = tpu.memref_slice %arg8[%dma_wait3A_209, %dma_wait3A_210] : memref<112x64xi32, #tpu.memory_space<vmem>> -> memref<112x64xi32, #tpu.memory_space<vmem>>
        %dma_wait3A_212 = arith.constant 0 : i32
        %dma_wait3A_213 = tpu.memref_slice %arg3[%add3A_73, %dma_wait3A_212] : memref<5120x64xi32, #tpu.memory_space<hbm>> -> memref<112x64xi32, #tpu.memory_space<hbm>>
        tpu.wait_dma2 semaphore(%run_scoped3A : memref<!tpu.dma_semaphore, #tpu.memory_space<semaphore_mem>>) src(%dma_wait3A_213 : memref<112x64xi32, #tpu.memory_space<hbm>>) dst(%dma_wait3A_211 : memref<112x64xi32, #tpu.memory_space<vmem>>)
        tpu.yield
      }) : () -> ()
      "tpu.region"() ({
        %run_scoped3A = tpu.sem_alloc : memref<!tpu.dma_semaphore, #tpu.memory_space<semaphore_mem>>
        %dma_start3A_194 = arith.constant 0 : i32
        %dma_start3A_195 = arith.constant 0 : i32
        %dma_start3A_196 = tpu.memref_slice %arg9[%dma_start3A_194, %dma_start3A_195] : memref<112x64xi32, #tpu.memory_space<vmem>> -> memref<112x64xi32, #tpu.memory_space<vmem>>
        %dma_start3A_197 = arith.constant 0 : i32
        %dma_start3A_198 = tpu.memref_slice %arg4[%add3A_73, %dma_start3A_197] : memref<5120x64xi32, #tpu.memory_space<hbm>> -> memref<112x64xi32, #tpu.memory_space<hbm>>
        %dma_start3A_199 = arith.constant 0 : i32
        %dma_start3A_200 = arith.constant 0 : i32
        %dma_start3A_201 = tpu.memref_slice %arg9[%dma_start3A_199, %dma_start3A_200] : memref<112x64xi32, #tpu.memory_space<vmem>> -> memref<112x64xi32, #tpu.memory_space<vmem>>
        %dma_start3A_202 = arith.constant 0 : i32
        %dma_start3A_203 = tpu.memref_slice %arg4[%add3A_73, %dma_start3A_202] : memref<5120x64xi32, #tpu.memory_space<hbm>> -> memref<112x64xi32, #tpu.memory_space<hbm>>
        tpu.enqueue_dma source(%dma_start3A_203 : memref<112x64xi32, #tpu.memory_space<hbm>>) target(%dma_start3A_201 : memref<112x64xi32, #tpu.memory_space<vmem>>) target_semaphore(%run_scoped3A : memref<!tpu.dma_semaphore, #tpu.memory_space<semaphore_mem>>)
        %dma_wait3A_204 = arith.constant 0 : i32
        %dma_wait3A_205 = arith.constant 0 : i32
        %dma_wait3A_206 = tpu.memref_slice %arg9[%dma_wait3A_204, %dma_wait3A_205] : memref<112x64xi32, #tpu.memory_space<vmem>> -> memref<112x64xi32, #tpu.memory_space<vmem>>
        %dma_wait3A_207 = arith.constant 0 : i32
        %dma_wait3A_208 = tpu.memref_slice %arg4[%add3A_73, %dma_wait3A_207] : memref<5120x64xi32, #tpu.memory_space<hbm>> -> memref<112x64xi32, #tpu.memory_space<hbm>>
        %dma_wait3A_209 = arith.constant 0 : i32
        %dma_wait3A_210 = arith.constant 0 : i32
        %dma_wait3A_211 = tpu.memref_slice %arg9[%dma_wait3A_209, %dma_wait3A_210] : memref<112x64xi32, #tpu.memory_space<vmem>> -> memref<112x64xi32, #tpu.memory_space<vmem>>
        %dma_wait3A_212 = arith.constant 0 : i32
        %dma_wait3A_213 = tpu.memref_slice %arg4[%add3A_73, %dma_wait3A_212] : memref<5120x64xi32, #tpu.memory_space<hbm>> -> memref<112x64xi32, #tpu.memory_space<hbm>>
        tpu.wait_dma2 semaphore(%run_scoped3A : memref<!tpu.dma_semaphore, #tpu.memory_space<semaphore_mem>>) src(%dma_wait3A_213 : memref<112x64xi32, #tpu.memory_space<hbm>>) dst(%dma_wait3A_211 : memref<112x64xi32, #tpu.memory_space<vmem>>)
        tpu.yield
      }) : () -> ()
      %dma_start3A_74 = arith.constant 0 : i32
      %dma_start3A_75 = arith.constant 0 : i32
      %dma_start3A_76 = arith.constant 0 : i32
      %dma_start3A_77 = arith.constant 0 : i32
      %dma_start3A_78 = tpu.memref_slice %arg10[%dma_start3A_75, %dma_start3A_76, %dma_start3A_77] : memref<2x64x128xf32, #tpu.memory_space<vmem>> -> memref<1x64x128xf32, #tpu.memory_space<vmem>>
      %dma_start3A_79 = tpu.memref_squeeze %dma_start3A_78 : memref<1x64x128xf32, #tpu.memory_space<vmem>> -> memref<64x128xf32, #tpu.memory_space<vmem>>
      %dma_start3A_80 = arith.constant 0 : i32
      %dma_start3A_81 = tpu.memref_slice %arg8[%dma_start3A_74, %dma_start3A_80] : memref<112x64xi32, #tpu.memory_space<vmem>> -> memref<1x64xi32, #tpu.memory_space<vmem>>
      %dma_start3A_82 = tpu.memref_squeeze %dma_start3A_81 : memref<1x64xi32, #tpu.memory_space<vmem>> -> memref<64xi32, #tpu.memory_space<vmem>>
      %dma_start3A_83 = arith.constant 0 : i32
      %dma_start3A_84 = arith.constant 0 : i32
      %dma_start3A_85 = tpu.memref_slice %arg2[%dma_start3A_83, %dma_start3A_84] : memref<10112x128xf32, #tpu.memory_space<hbm>> -> memref<10112x128xf32, #tpu.memory_space<hbm>>
      tpu.enqueue_indirect_dma source(%dma_start3A_85 : memref<10112x128xf32, #tpu.memory_space<hbm>>) target(%dma_start3A_79 : memref<64x128xf32, #tpu.memory_space<vmem>>) offsets(%dma_start3A_82 : memref<64xi32, #tpu.memory_space<vmem>>) semaphore(%arg11 : memref<!tpu.dma_semaphore, #tpu.memory_space<semaphore_mem>>)
      %dma_start3A_86 = arith.constant 1 : i32
      %dma_start3A_87 = arith.constant 1 : i32
      %dma_start3A_88 = arith.constant 0 : i32
      %dma_start3A_89 = arith.constant 0 : i32
      %dma_start3A_90 = tpu.memref_slice %arg10[%dma_start3A_87, %dma_start3A_88, %dma_start3A_89] : memref<2x64x128xf32, #tpu.memory_space<vmem>> -> memref<1x64x128xf32, #tpu.memory_space<vmem>>
      %dma_start3A_91 = tpu.memref_squeeze %dma_start3A_90 : memref<1x64x128xf32, #tpu.memory_space<vmem>> -> memref<64x128xf32, #tpu.memory_space<vmem>>
      %dma_start3A_92 = arith.constant 0 : i32
      %dma_start3A_93 = tpu.memref_slice %arg8[%dma_start3A_86, %dma_start3A_92] : memref<112x64xi32, #tpu.memory_space<vmem>> -> memref<1x64xi32, #tpu.memory_space<vmem>>
      %dma_start3A_94 = tpu.memref_squeeze %dma_start3A_93 : memref<1x64xi32, #tpu.memory_space<vmem>> -> memref<64xi32, #tpu.memory_space<vmem>>
      %dma_start3A_95 = arith.constant 0 : i32
      %dma_start3A_96 = arith.constant 0 : i32
      %dma_start3A_97 = tpu.memref_slice %arg2[%dma_start3A_95, %dma_start3A_96] : memref<10112x128xf32, #tpu.memory_space<hbm>> -> memref<10112x128xf32, #tpu.memory_space<hbm>>
      tpu.enqueue_indirect_dma source(%dma_start3A_97 : memref<10112x128xf32, #tpu.memory_space<hbm>>) target(%dma_start3A_91 : memref<64x128xf32, #tpu.memory_space<vmem>>) offsets(%dma_start3A_94 : memref<64xi32, #tpu.memory_space<vmem>>) semaphore(%arg12 : memref<!tpu.dma_semaphore, #tpu.memory_space<semaphore_mem>>)
      %scan3A_98 = arith.constant 0 : i32
      %scan3A_99 = arith.constant 56 : i32
      %scan3A_100 = arith.addi %scan3A_98, %scan3A_99 : i32
      %scan3A_101 = arith.constant 1 : i32
      scf.for %scan3A_194 = %scan3A_98 to %scan3A_100 step %scan3A_101  : i32 {
        %mul3A_195 = arith.constant 2 : i32
        %mul3A_196 = arith.muli %scan3A_194, %mul3A_195 : i32
        %add3A_197 = arith.constant 0 : i32
        %add3A_198 = arith.addi %add3A_197, %mul3A_196 : i32
        %dma_wait3A_199 = arith.constant 0 : i32
        %dma_wait3A_200 = arith.constant 0 : i32
        %dma_wait3A_201 = arith.constant 0 : i32
        %dma_wait3A_202 = tpu.memref_slice %arg10[%dma_wait3A_199, %dma_wait3A_200, %dma_wait3A_201] : memref<2x64x128xf32, #tpu.memory_space<vmem>> -> memref<1x64x128xf32, #tpu.memory_space<vmem>>
        %dma_wait3A_203 = tpu.memref_squeeze %dma_wait3A_202 : memref<1x64x128xf32, #tpu.memory_space<vmem>> -> memref<64x128xf32, #tpu.memory_space<vmem>>
        %dma_wait3A_204 = arith.constant 0 : i32
        %dma_wait3A_205 = arith.constant 0 : i32
        %dma_wait3A_206 = tpu.memref_slice %arg2[%dma_wait3A_204, %dma_wait3A_205] : memref<10112x128xf32, #tpu.memory_space<hbm>> -> memref<64x128xf32, #tpu.memory_space<hbm>>
        %dma_wait3A_207 = arith.constant 0 : i32
        %dma_wait3A_208 = arith.constant 0 : i32
        %dma_wait3A_209 = tpu.memref_slice %arg10[%dma_wait3A_199, %dma_wait3A_207, %dma_wait3A_208] : memref<2x64x128xf32, #tpu.memory_space<vmem>> -> memref<1x64x128xf32, #tpu.memory_space<vmem>>
        %dma_wait3A_210 = tpu.memref_squeeze %dma_wait3A_209 : memref<1x64x128xf32, #tpu.memory_space<vmem>> -> memref<64x128xf32, #tpu.memory_space<vmem>>
        %dma_wait3A_211 = arith.constant 0 : i32
        %dma_wait3A_212 = arith.constant 0 : i32
        %dma_wait3A_213 = tpu.memref_slice %arg2[%dma_wait3A_211, %dma_wait3A_212] : memref<10112x128xf32, #tpu.memory_space<hbm>> -> memref<64x128xf32, #tpu.memory_space<hbm>>
        tpu.wait_dma2 semaphore(%arg11 : memref<!tpu.dma_semaphore, #tpu.memory_space<semaphore_mem>>) src(%dma_wait3A_213 : memref<64x128xf32, #tpu.memory_space<hbm>>) dst(%dma_wait3A_210 : memref<64x128xf32, #tpu.memory_space<vmem>>)
        %add3A_214 = arith.constant 0 : i32
        %add3A_215 = arith.addi %add3A_198, %add3A_214 : i32
        %dma_start3A_216 = arith.constant 0 : i32
        %dma_start3A_217 = arith.constant 0 : i32
        %dma_start3A_218 = arith.constant 0 : i32
        %dma_start3A_219 = tpu.memref_slice %arg10[%dma_start3A_216, %dma_start3A_217, %dma_start3A_218] : memref<2x64x128xf32, #tpu.memory_space<vmem>> -> memref<1x64x128xf32, #tpu.memory_space<vmem>>
        %dma_start3A_220 = tpu.memref_squeeze %dma_start3A_219 : memref<1x64x128xf32, #tpu.memory_space<vmem>> -> memref<64x128xf32, #tpu.memory_space<vmem>>
        %dma_start3A_221 = arith.constant 0 : i32
        %dma_start3A_222 = tpu.memref_slice %arg9[%add3A_215, %dma_start3A_221] : memref<112x64xi32, #tpu.memory_space<vmem>> -> memref<1x64xi32, #tpu.memory_space<vmem>>
        %dma_start3A_223 = tpu.memref_squeeze %dma_start3A_222 : memref<1x64xi32, #tpu.memory_space<vmem>> -> memref<64xi32, #tpu.memory_space<vmem>>
        %dma_start3A_224 = arith.constant 0 : i32
        %dma_start3A_225 = arith.constant 0 : i32
        %dma_start3A_226 = tpu.memref_slice %arg7[%dma_start3A_224, %dma_start3A_225] : memref<10112x128xf32, #tpu.memory_space<vmem_shared>> -> memref<10112x128xf32, #tpu.memory_space<vmem_shared>>
        tpu.enqueue_indirect_dma source(%dma_start3A_220 : memref<64x128xf32, #tpu.memory_space<vmem>>) target(%dma_start3A_226 : memref<10112x128xf32, #tpu.memory_space<vmem_shared>>) offsets(%dma_start3A_223 : memref<64xi32, #tpu.memory_space<vmem>>) semaphore(%arg13 : memref<!tpu.dma_semaphore, #tpu.memory_space<semaphore_mem>>) {add = true}
        %dma_wait3A_227 = arith.constant 1 : i32
        %dma_wait3A_228 = arith.constant 0 : i32
        %dma_wait3A_229 = arith.constant 0 : i32
        %dma_wait3A_230 = tpu.memref_slice %arg10[%dma_wait3A_227, %dma_wait3A_228, %dma_wait3A_229] : memref<2x64x128xf32, #tpu.memory_space<vmem>> -> memref<1x64x128xf32, #tpu.memory_space<vmem>>
        %dma_wait3A_231 = tpu.memref_squeeze %dma_wait3A_230 : memref<1x64x128xf32, #tpu.memory_space<vmem>> -> memref<64x128xf32, #tpu.memory_space<vmem>>
        %dma_wait3A_232 = arith.constant 0 : i32
        %dma_wait3A_233 = arith.constant 0 : i32
        %dma_wait3A_234 = tpu.memref_slice %arg2[%dma_wait3A_232, %dma_wait3A_233] : memref<10112x128xf32, #tpu.memory_space<hbm>> -> memref<64x128xf32, #tpu.memory_space<hbm>>
        %dma_wait3A_235 = arith.constant 0 : i32
        %dma_wait3A_236 = arith.constant 0 : i32
        %dma_wait3A_237 = tpu.memref_slice %arg10[%dma_wait3A_227, %dma_wait3A_235, %dma_wait3A_236] : memref<2x64x128xf32, #tpu.memory_space<vmem>> -> memref<1x64x128xf32, #tpu.memory_space<vmem>>
        %dma_wait3A_238 = tpu.memref_squeeze %dma_wait3A_237 : memref<1x64x128xf32, #tpu.memory_space<vmem>> -> memref<64x128xf32, #tpu.memory_space<vmem>>
        %dma_wait3A_239 = arith.constant 0 : i32
        %dma_wait3A_240 = arith.constant 0 : i32
        %dma_wait3A_241 = tpu.memref_slice %arg2[%dma_wait3A_239, %dma_wait3A_240] : memref<10112x128xf32, #tpu.memory_space<hbm>> -> memref<64x128xf32, #tpu.memory_space<hbm>>
        tpu.wait_dma2 semaphore(%arg12 : memref<!tpu.dma_semaphore, #tpu.memory_space<semaphore_mem>>) src(%dma_wait3A_241 : memref<64x128xf32, #tpu.memory_space<hbm>>) dst(%dma_wait3A_238 : memref<64x128xf32, #tpu.memory_space<vmem>>)
        %add3A_242 = arith.constant 1 : i32
        %add3A_243 = arith.addi %add3A_198, %add3A_242 : i32
        %dma_start3A_244 = arith.constant 1 : i32
        %dma_start3A_245 = arith.constant 0 : i32
        %dma_start3A_246 = arith.constant 0 : i32
        %dma_start3A_247 = tpu.memref_slice %arg10[%dma_start3A_244, %dma_start3A_245, %dma_start3A_246] : memref<2x64x128xf32, #tpu.memory_space<vmem>> -> memref<1x64x128xf32, #tpu.memory_space<vmem>>
        %dma_start3A_248 = tpu.memref_squeeze %dma_start3A_247 : memref<1x64x128xf32, #tpu.memory_space<vmem>> -> memref<64x128xf32, #tpu.memory_space<vmem>>
        %dma_start3A_249 = arith.constant 0 : i32
        %dma_start3A_250 = tpu.memref_slice %arg9[%add3A_243, %dma_start3A_249] : memref<112x64xi32, #tpu.memory_space<vmem>> -> memref<1x64xi32, #tpu.memory_space<vmem>>
        %dma_start3A_251 = tpu.memref_squeeze %dma_start3A_250 : memref<1x64xi32, #tpu.memory_space<vmem>> -> memref<64xi32, #tpu.memory_space<vmem>>
        %dma_start3A_252 = arith.constant 0 : i32
        %dma_start3A_253 = arith.constant 0 : i32
        %dma_start3A_254 = tpu.memref_slice %arg7[%dma_start3A_252, %dma_start3A_253] : memref<10112x128xf32, #tpu.memory_space<vmem_shared>> -> memref<10112x128xf32, #tpu.memory_space<vmem_shared>>
        tpu.enqueue_indirect_dma source(%dma_start3A_248 : memref<64x128xf32, #tpu.memory_space<vmem>>) target(%dma_start3A_254 : memref<10112x128xf32, #tpu.memory_space<vmem_shared>>) offsets(%dma_start3A_251 : memref<64xi32, #tpu.memory_space<vmem>>) semaphore(%arg14 : memref<!tpu.dma_semaphore, #tpu.memory_space<semaphore_mem>>) {add = true}
        %add3A_255 = arith.constant 0 : i32
        %add3A_256 = arith.addi %add3A_198, %add3A_255 : i32
        %add3A_257 = arith.constant 2 : i32
        %add3A_258 = arith.addi %add3A_256, %add3A_257 : i32
        %lt3A = arith.constant 112 : i32
        %lt3A_259 = arith.cmpi slt, %add3A_258, %lt3A : i32
        %convert_element_type3A_260 = arith.extui %lt3A_259 : i1 to i32
        %cond3A_261 = arith.constant 0 : i32
        %cond3A_262 = arith.cmpi ne, %convert_element_type3A_260, %cond3A_261 : i32
        scf.if %cond3A_262 {
          %dma_wait3A_272 = arith.constant 0 : i32
          %dma_wait3A_273 = arith.constant 0 : i32
          %dma_wait3A_274 = arith.constant 0 : i32
          %dma_wait3A_275 = tpu.memref_slice %arg10[%dma_wait3A_272, %dma_wait3A_273, %dma_wait3A_274] : memref<2x64x128xf32, #tpu.memory_space<vmem>> -> memref<1x64x128xf32, #tpu.memory_space<vmem>>
          %dma_wait3A_276 = tpu.memref_squeeze %dma_wait3A_275 : memref<1x64x128xf32, #tpu.memory_space<vmem>> -> memref<64x128xf32, #tpu.memory_space<vmem>>
          %dma_wait3A_277 = arith.constant 0 : i32
          %dma_wait3A_278 = arith.constant 0 : i32
          %dma_wait3A_279 = tpu.memref_slice %arg7[%dma_wait3A_277, %dma_wait3A_278] : memref<10112x128xf32, #tpu.memory_space<vmem_shared>> -> memref<64x128xf32, #tpu.memory_space<vmem_shared>>
          %dma_wait3A_280 = arith.constant 0 : i32
          %dma_wait3A_281 = arith.constant 0 : i32
          %dma_wait3A_282 = tpu.memref_slice %arg7[%dma_wait3A_280, %dma_wait3A_281] : memref<10112x128xf32, #tpu.memory_space<vmem_shared>> -> memref<64x128xf32, #tpu.memory_space<vmem_shared>>
          %dma_wait3A_283 = arith.constant 0 : i32
          %dma_wait3A_284 = arith.constant 0 : i32
          %dma_wait3A_285 = tpu.memref_slice %arg10[%dma_wait3A_272, %dma_wait3A_283, %dma_wait3A_284] : memref<2x64x128xf32, #tpu.memory_space<vmem>> -> memref<1x64x128xf32, #tpu.memory_space<vmem>>
          %dma_wait3A_286 = tpu.memref_squeeze %dma_wait3A_285 : memref<1x64x128xf32, #tpu.memory_space<vmem>> -> memref<64x128xf32, #tpu.memory_space<vmem>>
          tpu.wait_dma2 semaphore(%arg13 : memref<!tpu.dma_semaphore, #tpu.memory_space<semaphore_mem>>) src(%dma_wait3A_286 : memref<64x128xf32, #tpu.memory_space<vmem>>) dst(%dma_wait3A_282 : memref<64x128xf32, #tpu.memory_space<vmem_shared>>)
          %dma_start3A_287 = arith.constant 0 : i32
          %dma_start3A_288 = arith.constant 0 : i32
          %dma_start3A_289 = arith.constant 0 : i32
          %dma_start3A_290 = tpu.memref_slice %arg10[%dma_start3A_287, %dma_start3A_288, %dma_start3A_289] : memref<2x64x128xf32, #tpu.memory_space<vmem>> -> memref<1x64x128xf32, #tpu.memory_space<vmem>>
          %dma_start3A_291 = tpu.memref_squeeze %dma_start3A_290 : memref<1x64x128xf32, #tpu.memory_space<vmem>> -> memref<64x128xf32, #tpu.memory_space<vmem>>
          %dma_start3A_292 = arith.constant 0 : i32
          %dma_start3A_293 = tpu.memref_slice %arg8[%add3A_258, %dma_start3A_292] : memref<112x64xi32, #tpu.memory_space<vmem>> -> memref<1x64xi32, #tpu.memory_space<vmem>>
          %dma_start3A_294 = tpu.memref_squeeze %dma_start3A_293 : memref<1x64xi32, #tpu.memory_space<vmem>> -> memref<64xi32, #tpu.memory_space<vmem>>
          %dma_start3A_295 = arith.constant 0 : i32
          %dma_start3A_296 = arith.constant 0 : i32
          %dma_start3A_297 = tpu.memref_slice %arg2[%dma_start3A_295, %dma_start3A_296] : memref<10112x128xf32, #tpu.memory_space<hbm>> -> memref<10112x128xf32, #tpu.memory_space<hbm>>
          tpu.enqueue_indirect_dma source(%dma_start3A_297 : memref<10112x128xf32, #tpu.memory_space<hbm>>) target(%dma_start3A_291 : memref<64x128xf32, #tpu.memory_space<vmem>>) offsets(%dma_start3A_294 : memref<64xi32, #tpu.memory_space<vmem>>) semaphore(%arg11 : memref<!tpu.dma_semaphore, #tpu.memory_space<semaphore_mem>>)
        } else {
        }
        %add3A_263 = arith.constant 1 : i32
        %add3A_264 = arith.addi %add3A_198, %add3A_263 : i32
        %add3A_265 = arith.constant 2 : i32
        %add3A_266 = arith.addi %add3A_264, %add3A_265 : i32
        %lt3A_267 = arith.constant 112 : i32
        %lt3A_268 = arith.cmpi slt, %add3A_266, %lt3A_267 : i32
        %convert_element_type3A_269 = arith.extui %lt3A_268 : i1 to i32
        %cond3A_270 = arith.constant 0 : i32
        %cond3A_271 = arith.cmpi ne, %convert_element_type3A_269, %cond3A_270 : i32
        scf.if %cond3A_271 {
          %dma_wait3A_272 = arith.constant 1 : i32
          %dma_wait3A_273 = arith.constant 0 : i32
          %dma_wait3A_274 = arith.constant 0 : i32
          %dma_wait3A_275 = tpu.memref_slice %arg10[%dma_wait3A_272, %dma_wait3A_273, %dma_wait3A_274] : memref<2x64x128xf32, #tpu.memory_space<vmem>> -> memref<1x64x128xf32, #tpu.memory_space<vmem>>
          %dma_wait3A_276 = tpu.memref_squeeze %dma_wait3A_275 : memref<1x64x128xf32, #tpu.memory_space<vmem>> -> memref<64x128xf32, #tpu.memory_space<vmem>>
          %dma_wait3A_277 = arith.constant 0 : i32
          %dma_wait3A_278 = arith.constant 0 : i32
          %dma_wait3A_279 = tpu.memref_slice %arg7[%dma_wait3A_277, %dma_wait3A_278] : memref<10112x128xf32, #tpu.memory_space<vmem_shared>> -> memref<64x128xf32, #tpu.memory_space<vmem_shared>>
          %dma_wait3A_280 = arith.constant 0 : i32
          %dma_wait3A_281 = arith.constant 0 : i32
          %dma_wait3A_282 = tpu.memref_slice %arg7[%dma_wait3A_280, %dma_wait3A_281] : memref<10112x128xf32, #tpu.memory_space<vmem_shared>> -> memref<64x128xf32, #tpu.memory_space<vmem_shared>>
          %dma_wait3A_283 = arith.constant 0 : i32
          %dma_wait3A_284 = arith.constant 0 : i32
          %dma_wait3A_285 = tpu.memref_slice %arg10[%dma_wait3A_272, %dma_wait3A_283, %dma_wait3A_284] : memref<2x64x128xf32, #tpu.memory_space<vmem>> -> memref<1x64x128xf32, #tpu.memory_space<vmem>>
          %dma_wait3A_286 = tpu.memref_squeeze %dma_wait3A_285 : memref<1x64x128xf32, #tpu.memory_space<vmem>> -> memref<64x128xf32, #tpu.memory_space<vmem>>
          tpu.wait_dma2 semaphore(%arg14 : memref<!tpu.dma_semaphore, #tpu.memory_space<semaphore_mem>>) src(%dma_wait3A_286 : memref<64x128xf32, #tpu.memory_space<vmem>>) dst(%dma_wait3A_282 : memref<64x128xf32, #tpu.memory_space<vmem_shared>>)
          %dma_start3A_287 = arith.constant 1 : i32
          %dma_start3A_288 = arith.constant 0 : i32
          %dma_start3A_289 = arith.constant 0 : i32
          %dma_start3A_290 = tpu.memref_slice %arg10[%dma_start3A_287, %dma_start3A_288, %dma_start3A_289] : memref<2x64x128xf32, #tpu.memory_space<vmem>> -> memref<1x64x128xf32, #tpu.memory_space<vmem>>
          %dma_start3A_291 = tpu.memref_squeeze %dma_start3A_290 : memref<1x64x128xf32, #tpu.memory_space<vmem>> -> memref<64x128xf32, #tpu.memory_space<vmem>>
          %dma_start3A_292 = arith.constant 0 : i32
          %dma_start3A_293 = tpu.memref_slice %arg8[%add3A_266, %dma_start3A_292] : memref<112x64xi32, #tpu.memory_space<vmem>> -> memref<1x64xi32, #tpu.memory_space<vmem>>
          %dma_start3A_294 = tpu.memref_squeeze %dma_start3A_293 : memref<1x64xi32, #tpu.memory_space<vmem>> -> memref<64xi32, #tpu.memory_space<vmem>>
          %dma_start3A_295 = arith.constant 0 : i32
          %dma_start3A_296 = arith.constant 0 : i32
          %dma_start3A_297 = tpu.memref_slice %arg2[%dma_start3A_295, %dma_start3A_296] : memref<10112x128xf32, #tpu.memory_space<hbm>> -> memref<10112x128xf32, #tpu.memory_space<hbm>>
          tpu.enqueue_indirect_dma source(%dma_start3A_297 : memref<10112x128xf32, #tpu.memory_space<hbm>>) target(%dma_start3A_291 : memref<64x128xf32, #tpu.memory_space<vmem>>) offsets(%dma_start3A_294 : memref<64xi32, #tpu.memory_space<vmem>>) semaphore(%arg12 : memref<!tpu.dma_semaphore, #tpu.memory_space<semaphore_mem>>)
        } else {
        }
      }
      %scan3A_102 = arith.constant 56 : i32
      %dma_wait3A_103 = arith.constant 0 : i32
      %dma_wait3A_104 = arith.constant 0 : i32
      %dma_wait3A_105 = arith.constant 0 : i32
      %dma_wait3A_106 = tpu.memref_slice %arg10[%dma_wait3A_103, %dma_wait3A_104, %dma_wait3A_105] : memref<2x64x128xf32, #tpu.memory_space<vmem>> -> memref<1x64x128xf32, #tpu.memory_space<vmem>>
      %dma_wait3A_107 = tpu.memref_squeeze %dma_wait3A_106 : memref<1x64x128xf32, #tpu.memory_space<vmem>> -> memref<64x128xf32, #tpu.memory_space<vmem>>
      %dma_wait3A_108 = arith.constant 0 : i32
      %dma_wait3A_109 = arith.constant 0 : i32
      %dma_wait3A_110 = tpu.memref_slice %arg7[%dma_wait3A_108, %dma_wait3A_109] : memref<10112x128xf32, #tpu.memory_space<vmem_shared>> -> memref<64x128xf32, #tpu.memory_space<vmem_shared>>
      %dma_wait3A_111 = arith.constant 0 : i32
      %dma_wait3A_112 = arith.constant 0 : i32
      %dma_wait3A_113 = tpu.memref_slice %arg7[%dma_wait3A_111, %dma_wait3A_112] : memref<10112x128xf32, #tpu.memory_space<vmem_shared>> -> memref<64x128xf32, #tpu.memory_space<vmem_shared>>
      %dma_wait3A_114 = arith.constant 0 : i32
      %dma_wait3A_115 = arith.constant 0 : i32
      %dma_wait3A_116 = tpu.memref_slice %arg10[%dma_wait3A_103, %dma_wait3A_114, %dma_wait3A_115] : memref<2x64x128xf32, #tpu.memory_space<vmem>> -> memref<1x64x128xf32, #tpu.memory_space<vmem>>
      %dma_wait3A_117 = tpu.memref_squeeze %dma_wait3A_116 : memref<1x64x128xf32, #tpu.memory_space<vmem>> -> memref<64x128xf32, #tpu.memory_space<vmem>>
      tpu.wait_dma2 semaphore(%arg13 : memref<!tpu.dma_semaphore, #tpu.memory_space<semaphore_mem>>) src(%dma_wait3A_117 : memref<64x128xf32, #tpu.memory_space<vmem>>) dst(%dma_wait3A_113 : memref<64x128xf32, #tpu.memory_space<vmem_shared>>)
      %dma_wait3A_118 = arith.constant 1 : i32
      %dma_wait3A_119 = arith.constant 0 : i32
      %dma_wait3A_120 = arith.constant 0 : i32
      %dma_wait3A_121 = tpu.memref_slice %arg10[%dma_wait3A_118, %dma_wait3A_119, %dma_wait3A_120] : memref<2x64x128xf32, #tpu.memory_space<vmem>> -> memref<1x64x128xf32, #tpu.memory_space<vmem>>
      %dma_wait3A_122 = tpu.memref_squeeze %dma_wait3A_121 : memref<1x64x128xf32, #tpu.memory_space<vmem>> -> memref<64x128xf32, #tpu.memory_space<vmem>>
      %dma_wait3A_123 = arith.constant 0 : i32
      %dma_wait3A_124 = arith.constant 0 : i32
      %dma_wait3A_125 = tpu.memref_slice %arg7[%dma_wait3A_123, %dma_wait3A_124] : memref<10112x128xf32, #tpu.memory_space<vmem_shared>> -> memref<64x128xf32, #tpu.memory_space<vmem_shared>>
      %dma_wait3A_126 = arith.constant 0 : i32
      %dma_wait3A_127 = arith.constant 0 : i32
      %dma_wait3A_128 = tpu.memref_slice %arg7[%dma_wait3A_126, %dma_wait3A_127] : memref<10112x128xf32, #tpu.memory_space<vmem_shared>> -> memref<64x128xf32, #tpu.memory_space<vmem_shared>>
      %dma_wait3A_129 = arith.constant 0 : i32
      %dma_wait3A_130 = arith.constant 0 : i32
      %dma_wait3A_131 = tpu.memref_slice %arg10[%dma_wait3A_118, %dma_wait3A_129, %dma_wait3A_130] : memref<2x64x128xf32, #tpu.memory_space<vmem>> -> memref<1x64x128xf32, #tpu.memory_space<vmem>>
      %dma_wait3A_132 = tpu.memref_squeeze %dma_wait3A_131 : memref<1x64x128xf32, #tpu.memory_space<vmem>> -> memref<64x128xf32, #tpu.memory_space<vmem>>
      tpu.wait_dma2 semaphore(%arg14 : memref<!tpu.dma_semaphore, #tpu.memory_space<semaphore_mem>>) src(%dma_wait3A_132 : memref<64x128xf32, #tpu.memory_space<vmem>>) dst(%dma_wait3A_128 : memref<64x128xf32, #tpu.memory_space<vmem_shared>>)
      %add3A_133 = arith.constant 224 : i32
      %add3A_134 = arith.addi %mul3A_14, %add3A_133 : i32
      "tpu.region"() ({
        %run_scoped3A = tpu.sem_alloc : memref<!tpu.dma_semaphore, #tpu.memory_space<semaphore_mem>>
        %dma_start3A_194 = arith.constant 0 : i32
        %dma_start3A_195 = arith.constant 0 : i32
        %dma_start3A_196 = tpu.memref_slice %arg8[%dma_start3A_194, %dma_start3A_195] : memref<112x64xi32, #tpu.memory_space<vmem>> -> memref<48x64xi32, #tpu.memory_space<vmem>>
        %dma_start3A_197 = arith.constant 0 : i32
        %dma_start3A_198 = tpu.memref_slice %arg3[%add3A_134, %dma_start3A_197] : memref<5120x64xi32, #tpu.memory_space<hbm>> -> memref<48x64xi32, #tpu.memory_space<hbm>>
        %dma_start3A_199 = arith.constant 0 : i32
        %dma_start3A_200 = arith.constant 0 : i32
        %dma_start3A_201 = tpu.memref_slice %arg8[%dma_start3A_199, %dma_start3A_200] : memref<112x64xi32, #tpu.memory_space<vmem>> -> memref<48x64xi32, #tpu.memory_space<vmem>>
        %dma_start3A_202 = arith.constant 0 : i32
        %dma_start3A_203 = tpu.memref_slice %arg3[%add3A_134, %dma_start3A_202] : memref<5120x64xi32, #tpu.memory_space<hbm>> -> memref<48x64xi32, #tpu.memory_space<hbm>>
        tpu.enqueue_dma source(%dma_start3A_203 : memref<48x64xi32, #tpu.memory_space<hbm>>) target(%dma_start3A_201 : memref<48x64xi32, #tpu.memory_space<vmem>>) target_semaphore(%run_scoped3A : memref<!tpu.dma_semaphore, #tpu.memory_space<semaphore_mem>>)
        %dma_wait3A_204 = arith.constant 0 : i32
        %dma_wait3A_205 = arith.constant 0 : i32
        %dma_wait3A_206 = tpu.memref_slice %arg8[%dma_wait3A_204, %dma_wait3A_205] : memref<112x64xi32, #tpu.memory_space<vmem>> -> memref<48x64xi32, #tpu.memory_space<vmem>>
        %dma_wait3A_207 = arith.constant 0 : i32
        %dma_wait3A_208 = tpu.memref_slice %arg3[%add3A_134, %dma_wait3A_207] : memref<5120x64xi32, #tpu.memory_space<hbm>> -> memref<48x64xi32, #tpu.memory_space<hbm>>
        %dma_wait3A_209 = arith.constant 0 : i32
        %dma_wait3A_210 = arith.constant 0 : i32
        %dma_wait3A_211 = tpu.memref_slice %arg8[%dma_wait3A_209, %dma_wait3A_210] : memref<112x64xi32, #tpu.memory_space<vmem>> -> memref<48x64xi32, #tpu.memory_space<vmem>>
        %dma_wait3A_212 = arith.constant 0 : i32
        %dma_wait3A_213 = tpu.memref_slice %arg3[%add3A_134, %dma_wait3A_212] : memref<5120x64xi32, #tpu.memory_space<hbm>> -> memref<48x64xi32, #tpu.memory_space<hbm>>
        tpu.wait_dma2 semaphore(%run_scoped3A : memref<!tpu.dma_semaphore, #tpu.memory_space<semaphore_mem>>) src(%dma_wait3A_213 : memref<48x64xi32, #tpu.memory_space<hbm>>) dst(%dma_wait3A_211 : memref<48x64xi32, #tpu.memory_space<vmem>>)
        tpu.yield
      }) : () -> ()
      "tpu.region"() ({
        %run_scoped3A = tpu.sem_alloc : memref<!tpu.dma_semaphore, #tpu.memory_space<semaphore_mem>>
        %dma_start3A_194 = arith.constant 0 : i32
        %dma_start3A_195 = arith.constant 0 : i32
        %dma_start3A_196 = tpu.memref_slice %arg9[%dma_start3A_194, %dma_start3A_195] : memref<112x64xi32, #tpu.memory_space<vmem>> -> memref<48x64xi32, #tpu.memory_space<vmem>>
        %dma_start3A_197 = arith.constant 0 : i32
        %dma_start3A_198 = tpu.memref_slice %arg4[%add3A_134, %dma_start3A_197] : memref<5120x64xi32, #tpu.memory_space<hbm>> -> memref<48x64xi32, #tpu.memory_space<hbm>>
        %dma_start3A_199 = arith.constant 0 : i32
        %dma_start3A_200 = arith.constant 0 : i32
        %dma_start3A_201 = tpu.memref_slice %arg9[%dma_start3A_199, %dma_start3A_200] : memref<112x64xi32, #tpu.memory_space<vmem>> -> memref<48x64xi32, #tpu.memory_space<vmem>>
        %dma_start3A_202 = arith.constant 0 : i32
        %dma_start3A_203 = tpu.memref_slice %arg4[%add3A_134, %dma_start3A_202] : memref<5120x64xi32, #tpu.memory_space<hbm>> -> memref<48x64xi32, #tpu.memory_space<hbm>>
        tpu.enqueue_dma source(%dma_start3A_203 : memref<48x64xi32, #tpu.memory_space<hbm>>) target(%dma_start3A_201 : memref<48x64xi32, #tpu.memory_space<vmem>>) target_semaphore(%run_scoped3A : memref<!tpu.dma_semaphore, #tpu.memory_space<semaphore_mem>>)
        %dma_wait3A_204 = arith.constant 0 : i32
        %dma_wait3A_205 = arith.constant 0 : i32
        %dma_wait3A_206 = tpu.memref_slice %arg9[%dma_wait3A_204, %dma_wait3A_205] : memref<112x64xi32, #tpu.memory_space<vmem>> -> memref<48x64xi32, #tpu.memory_space<vmem>>
        %dma_wait3A_207 = arith.constant 0 : i32
        %dma_wait3A_208 = tpu.memref_slice %arg4[%add3A_134, %dma_wait3A_207] : memref<5120x64xi32, #tpu.memory_space<hbm>> -> memref<48x64xi32, #tpu.memory_space<hbm>>
        %dma_wait3A_209 = arith.constant 0 : i32
        %dma_wait3A_210 = arith.constant 0 : i32
        %dma_wait3A_211 = tpu.memref_slice %arg9[%dma_wait3A_209, %dma_wait3A_210] : memref<112x64xi32, #tpu.memory_space<vmem>> -> memref<48x64xi32, #tpu.memory_space<vmem>>
        %dma_wait3A_212 = arith.constant 0 : i32
        %dma_wait3A_213 = tpu.memref_slice %arg4[%add3A_134, %dma_wait3A_212] : memref<5120x64xi32, #tpu.memory_space<hbm>> -> memref<48x64xi32, #tpu.memory_space<hbm>>
        tpu.wait_dma2 semaphore(%run_scoped3A : memref<!tpu.dma_semaphore, #tpu.memory_space<semaphore_mem>>) src(%dma_wait3A_213 : memref<48x64xi32, #tpu.memory_space<hbm>>) dst(%dma_wait3A_211 : memref<48x64xi32, #tpu.memory_space<vmem>>)
        tpu.yield
      }) : () -> ()
      %dma_start3A_135 = arith.constant 0 : i32
      %dma_start3A_136 = arith.constant 0 : i32
      %dma_start3A_137 = arith.constant 0 : i32
      %dma_start3A_138 = arith.constant 0 : i32
      %dma_start3A_139 = tpu.memref_slice %arg10[%dma_start3A_136, %dma_start3A_137, %dma_start3A_138] : memref<2x64x128xf32, #tpu.memory_space<vmem>> -> memref<1x64x128xf32, #tpu.memory_space<vmem>>
      %dma_start3A_140 = tpu.memref_squeeze %dma_start3A_139 : memref<1x64x128xf32, #tpu.memory_space<vmem>> -> memref<64x128xf32, #tpu.memory_space<vmem>>
      %dma_start3A_141 = arith.constant 0 : i32
      %dma_start3A_142 = tpu.memref_slice %arg8[%dma_start3A_135, %dma_start3A_141] : memref<112x64xi32, #tpu.memory_space<vmem>> -> memref<1x64xi32, #tpu.memory_space<vmem>>
      %dma_start3A_143 = tpu.memref_squeeze %dma_start3A_142 : memref<1x64xi32, #tpu.memory_space<vmem>> -> memref<64xi32, #tpu.memory_space<vmem>>
      %dma_start3A_144 = arith.constant 0 : i32
      %dma_start3A_145 = arith.constant 0 : i32
      %dma_start3A_146 = tpu.memref_slice %arg2[%dma_start3A_144, %dma_start3A_145] : memref<10112x128xf32, #tpu.memory_space<hbm>> -> memref<10112x128xf32, #tpu.memory_space<hbm>>
      tpu.enqueue_indirect_dma source(%dma_start3A_146 : memref<10112x128xf32, #tpu.memory_space<hbm>>) target(%dma_start3A_140 : memref<64x128xf32, #tpu.memory_space<vmem>>) offsets(%dma_start3A_143 : memref<64xi32, #tpu.memory_space<vmem>>) semaphore(%arg11 : memref<!tpu.dma_semaphore, #tpu.memory_space<semaphore_mem>>)
      %dma_start3A_147 = arith.constant 1 : i32
      %dma_start3A_148 = arith.constant 1 : i32
      %dma_start3A_149 = arith.constant 0 : i32
      %dma_start3A_150 = arith.constant 0 : i32
      %dma_start3A_151 = tpu.memref_slice %arg10[%dma_start3A_148, %dma_start3A_149, %dma_start3A_150] : memref<2x64x128xf32, #tpu.memory_space<vmem>> -> memref<1x64x128xf32, #tpu.memory_space<vmem>>
      %dma_start3A_152 = tpu.memref_squeeze %dma_start3A_151 : memref<1x64x128xf32, #tpu.memory_space<vmem>> -> memref<64x128xf32, #tpu.memory_space<vmem>>
      %dma_start3A_153 = arith.constant 0 : i32
      %dma_start3A_154 = tpu.memref_slice %arg8[%dma_start3A_147, %dma_start3A_153] : memref<112x64xi32, #tpu.memory_space<vmem>> -> memref<1x64xi32, #tpu.memory_space<vmem>>
      %dma_start3A_155 = tpu.memref_squeeze %dma_start3A_154 : memref<1x64xi32, #tpu.memory_space<vmem>> -> memref<64xi32, #tpu.memory_space<vmem>>
      %dma_start3A_156 = arith.constant 0 : i32
      %dma_start3A_157 = arith.constant 0 : i32
      %dma_start3A_158 = tpu.memref_slice %arg2[%dma_start3A_156, %dma_start3A_157] : memref<10112x128xf32, #tpu.memory_space<hbm>> -> memref<10112x128xf32, #tpu.memory_space<hbm>>
      tpu.enqueue_indirect_dma source(%dma_start3A_158 : memref<10112x128xf32, #tpu.memory_space<hbm>>) target(%dma_start3A_152 : memref<64x128xf32, #tpu.memory_space<vmem>>) offsets(%dma_start3A_155 : memref<64xi32, #tpu.memory_space<vmem>>) semaphore(%arg12 : memref<!tpu.dma_semaphore, #tpu.memory_space<semaphore_mem>>)
      %scan3A_159 = arith.constant 0 : i32
      %scan3A_160 = arith.constant 24 : i32
      %scan3A_161 = arith.addi %scan3A_159, %scan3A_160 : i32
      %scan3A_162 = arith.constant 1 : i32
      scf.for %scan3A_194 = %scan3A_159 to %scan3A_161 step %scan3A_162  : i32 {
        %mul3A_195 = arith.constant 2 : i32
        %mul3A_196 = arith.muli %scan3A_194, %mul3A_195 : i32
        %add3A_197 = arith.constant 0 : i32
        %add3A_198 = arith.addi %add3A_197, %mul3A_196 : i32
        %dma_wait3A_199 = arith.constant 0 : i32
        %dma_wait3A_200 = arith.constant 0 : i32
        %dma_wait3A_201 = arith.constant 0 : i32
        %dma_wait3A_202 = tpu.memref_slice %arg10[%dma_wait3A_199, %dma_wait3A_200, %dma_wait3A_201] : memref<2x64x128xf32, #tpu.memory_space<vmem>> -> memref<1x64x128xf32, #tpu.memory_space<vmem>>
        %dma_wait3A_203 = tpu.memref_squeeze %dma_wait3A_202 : memref<1x64x128xf32, #tpu.memory_space<vmem>> -> memref<64x128xf32, #tpu.memory_space<vmem>>
        %dma_wait3A_204 = arith.constant 0 : i32
        %dma_wait3A_205 = arith.constant 0 : i32
        %dma_wait3A_206 = tpu.memref_slice %arg2[%dma_wait3A_204, %dma_wait3A_205] : memref<10112x128xf32, #tpu.memory_space<hbm>> -> memref<64x128xf32, #tpu.memory_space<hbm>>
        %dma_wait3A_207 = arith.constant 0 : i32
        %dma_wait3A_208 = arith.constant 0 : i32
        %dma_wait3A_209 = tpu.memref_slice %arg10[%dma_wait3A_199, %dma_wait3A_207, %dma_wait3A_208] : memref<2x64x128xf32, #tpu.memory_space<vmem>> -> memref<1x64x128xf32, #tpu.memory_space<vmem>>
        %dma_wait3A_210 = tpu.memref_squeeze %dma_wait3A_209 : memref<1x64x128xf32, #tpu.memory_space<vmem>> -> memref<64x128xf32, #tpu.memory_space<vmem>>
        %dma_wait3A_211 = arith.constant 0 : i32
        %dma_wait3A_212 = arith.constant 0 : i32
        %dma_wait3A_213 = tpu.memref_slice %arg2[%dma_wait3A_211, %dma_wait3A_212] : memref<10112x128xf32, #tpu.memory_space<hbm>> -> memref<64x128xf32, #tpu.memory_space<hbm>>
        tpu.wait_dma2 semaphore(%arg11 : memref<!tpu.dma_semaphore, #tpu.memory_space<semaphore_mem>>) src(%dma_wait3A_213 : memref<64x128xf32, #tpu.memory_space<hbm>>) dst(%dma_wait3A_210 : memref<64x128xf32, #tpu.memory_space<vmem>>)
        %add3A_214 = arith.constant 0 : i32
        %add3A_215 = arith.addi %add3A_198, %add3A_214 : i32
        %dma_start3A_216 = arith.constant 0 : i32
        %dma_start3A_217 = arith.constant 0 : i32
        %dma_start3A_218 = arith.constant 0 : i32
        %dma_start3A_219 = tpu.memref_slice %arg10[%dma_start3A_216, %dma_start3A_217, %dma_start3A_218] : memref<2x64x128xf32, #tpu.memory_space<vmem>> -> memref<1x64x128xf32, #tpu.memory_space<vmem>>
        %dma_start3A_220 = tpu.memref_squeeze %dma_start3A_219 : memref<1x64x128xf32, #tpu.memory_space<vmem>> -> memref<64x128xf32, #tpu.memory_space<vmem>>
        %dma_start3A_221 = arith.constant 0 : i32
        %dma_start3A_222 = tpu.memref_slice %arg9[%add3A_215, %dma_start3A_221] : memref<112x64xi32, #tpu.memory_space<vmem>> -> memref<1x64xi32, #tpu.memory_space<vmem>>
        %dma_start3A_223 = tpu.memref_squeeze %dma_start3A_222 : memref<1x64xi32, #tpu.memory_space<vmem>> -> memref<64xi32, #tpu.memory_space<vmem>>
        %dma_start3A_224 = arith.constant 0 : i32
        %dma_start3A_225 = arith.constant 0 : i32
        %dma_start3A_226 = tpu.memref_slice %arg7[%dma_start3A_224, %dma_start3A_225] : memref<10112x128xf32, #tpu.memory_space<vmem_shared>> -> memref<10112x128xf32, #tpu.memory_space<vmem_shared>>
        tpu.enqueue_indirect_dma source(%dma_start3A_220 : memref<64x128xf32, #tpu.memory_space<vmem>>) target(%dma_start3A_226 : memref<10112x128xf32, #tpu.memory_space<vmem_shared>>) offsets(%dma_start3A_223 : memref<64xi32, #tpu.memory_space<vmem>>) semaphore(%arg13 : memref<!tpu.dma_semaphore, #tpu.memory_space<semaphore_mem>>) {add = true}
        %dma_wait3A_227 = arith.constant 1 : i32
        %dma_wait3A_228 = arith.constant 0 : i32
        %dma_wait3A_229 = arith.constant 0 : i32
        %dma_wait3A_230 = tpu.memref_slice %arg10[%dma_wait3A_227, %dma_wait3A_228, %dma_wait3A_229] : memref<2x64x128xf32, #tpu.memory_space<vmem>> -> memref<1x64x128xf32, #tpu.memory_space<vmem>>
        %dma_wait3A_231 = tpu.memref_squeeze %dma_wait3A_230 : memref<1x64x128xf32, #tpu.memory_space<vmem>> -> memref<64x128xf32, #tpu.memory_space<vmem>>
        %dma_wait3A_232 = arith.constant 0 : i32
        %dma_wait3A_233 = arith.constant 0 : i32
        %dma_wait3A_234 = tpu.memref_slice %arg2[%dma_wait3A_232, %dma_wait3A_233] : memref<10112x128xf32, #tpu.memory_space<hbm>> -> memref<64x128xf32, #tpu.memory_space<hbm>>
        %dma_wait3A_235 = arith.constant 0 : i32
        %dma_wait3A_236 = arith.constant 0 : i32
        %dma_wait3A_237 = tpu.memref_slice %arg10[%dma_wait3A_227, %dma_wait3A_235, %dma_wait3A_236] : memref<2x64x128xf32, #tpu.memory_space<vmem>> -> memref<1x64x128xf32, #tpu.memory_space<vmem>>
        %dma_wait3A_238 = tpu.memref_squeeze %dma_wait3A_237 : memref<1x64x128xf32, #tpu.memory_space<vmem>> -> memref<64x128xf32, #tpu.memory_space<vmem>>
        %dma_wait3A_239 = arith.constant 0 : i32
        %dma_wait3A_240 = arith.constant 0 : i32
        %dma_wait3A_241 = tpu.memref_slice %arg2[%dma_wait3A_239, %dma_wait3A_240] : memref<10112x128xf32, #tpu.memory_space<hbm>> -> memref<64x128xf32, #tpu.memory_space<hbm>>
        tpu.wait_dma2 semaphore(%arg12 : memref<!tpu.dma_semaphore, #tpu.memory_space<semaphore_mem>>) src(%dma_wait3A_241 : memref<64x128xf32, #tpu.memory_space<hbm>>) dst(%dma_wait3A_238 : memref<64x128xf32, #tpu.memory_space<vmem>>)
        %add3A_242 = arith.constant 1 : i32
        %add3A_243 = arith.addi %add3A_198, %add3A_242 : i32
        %dma_start3A_244 = arith.constant 1 : i32
        %dma_start3A_245 = arith.constant 0 : i32
        %dma_start3A_246 = arith.constant 0 : i32
        %dma_start3A_247 = tpu.memref_slice %arg10[%dma_start3A_244, %dma_start3A_245, %dma_start3A_246] : memref<2x64x128xf32, #tpu.memory_space<vmem>> -> memref<1x64x128xf32, #tpu.memory_space<vmem>>
        %dma_start3A_248 = tpu.memref_squeeze %dma_start3A_247 : memref<1x64x128xf32, #tpu.memory_space<vmem>> -> memref<64x128xf32, #tpu.memory_space<vmem>>
        %dma_start3A_249 = arith.constant 0 : i32
        %dma_start3A_250 = tpu.memref_slice %arg9[%add3A_243, %dma_start3A_249] : memref<112x64xi32, #tpu.memory_space<vmem>> -> memref<1x64xi32, #tpu.memory_space<vmem>>
        %dma_start3A_251 = tpu.memref_squeeze %dma_start3A_250 : memref<1x64xi32, #tpu.memory_space<vmem>> -> memref<64xi32, #tpu.memory_space<vmem>>
        %dma_start3A_252 = arith.constant 0 : i32
        %dma_start3A_253 = arith.constant 0 : i32
        %dma_start3A_254 = tpu.memref_slice %arg7[%dma_start3A_252, %dma_start3A_253] : memref<10112x128xf32, #tpu.memory_space<vmem_shared>> -> memref<10112x128xf32, #tpu.memory_space<vmem_shared>>
        tpu.enqueue_indirect_dma source(%dma_start3A_248 : memref<64x128xf32, #tpu.memory_space<vmem>>) target(%dma_start3A_254 : memref<10112x128xf32, #tpu.memory_space<vmem_shared>>) offsets(%dma_start3A_251 : memref<64xi32, #tpu.memory_space<vmem>>) semaphore(%arg14 : memref<!tpu.dma_semaphore, #tpu.memory_space<semaphore_mem>>) {add = true}
        %add3A_255 = arith.constant 0 : i32
        %add3A_256 = arith.addi %add3A_198, %add3A_255 : i32
        %add3A_257 = arith.constant 2 : i32
        %add3A_258 = arith.addi %add3A_256, %add3A_257 : i32
        %lt3A = arith.constant 48 : i32
        %lt3A_259 = arith.cmpi slt, %add3A_258, %lt3A : i32
        %convert_element_type3A_260 = arith.extui %lt3A_259 : i1 to i32
        %cond3A_261 = arith.constant 0 : i32
        %cond3A_262 = arith.cmpi ne, %convert_element_type3A_260, %cond3A_261 : i32
        scf.if %cond3A_262 {
          %dma_wait3A_272 = arith.constant 0 : i32
          %dma_wait3A_273 = arith.constant 0 : i32
          %dma_wait3A_274 = arith.constant 0 : i32
          %dma_wait3A_275 = tpu.memref_slice %arg10[%dma_wait3A_272, %dma_wait3A_273, %dma_wait3A_274] : memref<2x64x128xf32, #tpu.memory_space<vmem>> -> memref<1x64x128xf32, #tpu.memory_space<vmem>>
          %dma_wait3A_276 = tpu.memref_squeeze %dma_wait3A_275 : memref<1x64x128xf32, #tpu.memory_space<vmem>> -> memref<64x128xf32, #tpu.memory_space<vmem>>
          %dma_wait3A_277 = arith.constant 0 : i32
          %dma_wait3A_278 = arith.constant 0 : i32
          %dma_wait3A_279 = tpu.memref_slice %arg7[%dma_wait3A_277, %dma_wait3A_278] : memref<10112x128xf32, #tpu.memory_space<vmem_shared>> -> memref<64x128xf32, #tpu.memory_space<vmem_shared>>
          %dma_wait3A_280 = arith.constant 0 : i32
          %dma_wait3A_281 = arith.constant 0 : i32
          %dma_wait3A_282 = tpu.memref_slice %arg7[%dma_wait3A_280, %dma_wait3A_281] : memref<10112x128xf32, #tpu.memory_space<vmem_shared>> -> memref<64x128xf32, #tpu.memory_space<vmem_shared>>
          %dma_wait3A_283 = arith.constant 0 : i32
          %dma_wait3A_284 = arith.constant 0 : i32
          %dma_wait3A_285 = tpu.memref_slice %arg10[%dma_wait3A_272, %dma_wait3A_283, %dma_wait3A_284] : memref<2x64x128xf32, #tpu.memory_space<vmem>> -> memref<1x64x128xf32, #tpu.memory_space<vmem>>
          %dma_wait3A_286 = tpu.memref_squeeze %dma_wait3A_285 : memref<1x64x128xf32, #tpu.memory_space<vmem>> -> memref<64x128xf32, #tpu.memory_space<vmem>>
          tpu.wait_dma2 semaphore(%arg13 : memref<!tpu.dma_semaphore, #tpu.memory_space<semaphore_mem>>) src(%dma_wait3A_286 : memref<64x128xf32, #tpu.memory_space<vmem>>) dst(%dma_wait3A_282 : memref<64x128xf32, #tpu.memory_space<vmem_shared>>)
          %dma_start3A_287 = arith.constant 0 : i32
          %dma_start3A_288 = arith.constant 0 : i32
          %dma_start3A_289 = arith.constant 0 : i32
          %dma_start3A_290 = tpu.memref_slice %arg10[%dma_start3A_287, %dma_start3A_288, %dma_start3A_289] : memref<2x64x128xf32, #tpu.memory_space<vmem>> -> memref<1x64x128xf32, #tpu.memory_space<vmem>>
          %dma_start3A_291 = tpu.memref_squeeze %dma_start3A_290 : memref<1x64x128xf32, #tpu.memory_space<vmem>> -> memref<64x128xf32, #tpu.memory_space<vmem>>
          %dma_start3A_292 = arith.constant 0 : i32
          %dma_start3A_293 = tpu.memref_slice %arg8[%add3A_258, %dma_start3A_292] : memref<112x64xi32, #tpu.memory_space<vmem>> -> memref<1x64xi32, #tpu.memory_space<vmem>>
          %dma_start3A_294 = tpu.memref_squeeze %dma_start3A_293 : memref<1x64xi32, #tpu.memory_space<vmem>> -> memref<64xi32, #tpu.memory_space<vmem>>
          %dma_start3A_295 = arith.constant 0 : i32
          %dma_start3A_296 = arith.constant 0 : i32
          %dma_start3A_297 = tpu.memref_slice %arg2[%dma_start3A_295, %dma_start3A_296] : memref<10112x128xf32, #tpu.memory_space<hbm>> -> memref<10112x128xf32, #tpu.memory_space<hbm>>
          tpu.enqueue_indirect_dma source(%dma_start3A_297 : memref<10112x128xf32, #tpu.memory_space<hbm>>) target(%dma_start3A_291 : memref<64x128xf32, #tpu.memory_space<vmem>>) offsets(%dma_start3A_294 : memref<64xi32, #tpu.memory_space<vmem>>) semaphore(%arg11 : memref<!tpu.dma_semaphore, #tpu.memory_space<semaphore_mem>>)
        } else {
        }
        %add3A_263 = arith.constant 1 : i32
        %add3A_264 = arith.addi %add3A_198, %add3A_263 : i32
        %add3A_265 = arith.constant 2 : i32
        %add3A_266 = arith.addi %add3A_264, %add3A_265 : i32
        %lt3A_267 = arith.constant 48 : i32
        %lt3A_268 = arith.cmpi slt, %add3A_266, %lt3A_267 : i32
        %convert_element_type3A_269 = arith.extui %lt3A_268 : i1 to i32
        %cond3A_270 = arith.constant 0 : i32
        %cond3A_271 = arith.cmpi ne, %convert_element_type3A_269, %cond3A_270 : i32
        scf.if %cond3A_271 {
          %dma_wait3A_272 = arith.constant 1 : i32
          %dma_wait3A_273 = arith.constant 0 : i32
          %dma_wait3A_274 = arith.constant 0 : i32
          %dma_wait3A_275 = tpu.memref_slice %arg10[%dma_wait3A_272, %dma_wait3A_273, %dma_wait3A_274] : memref<2x64x128xf32, #tpu.memory_space<vmem>> -> memref<1x64x128xf32, #tpu.memory_space<vmem>>
          %dma_wait3A_276 = tpu.memref_squeeze %dma_wait3A_275 : memref<1x64x128xf32, #tpu.memory_space<vmem>> -> memref<64x128xf32, #tpu.memory_space<vmem>>
          %dma_wait3A_277 = arith.constant 0 : i32
          %dma_wait3A_278 = arith.constant 0 : i32
          %dma_wait3A_279 = tpu.memref_slice %arg7[%dma_wait3A_277, %dma_wait3A_278] : memref<10112x128xf32, #tpu.memory_space<vmem_shared>> -> memref<64x128xf32, #tpu.memory_space<vmem_shared>>
          %dma_wait3A_280 = arith.constant 0 : i32
          %dma_wait3A_281 = arith.constant 0 : i32
          %dma_wait3A_282 = tpu.memref_slice %arg7[%dma_wait3A_280, %dma_wait3A_281] : memref<10112x128xf32, #tpu.memory_space<vmem_shared>> -> memref<64x128xf32, #tpu.memory_space<vmem_shared>>
          %dma_wait3A_283 = arith.constant 0 : i32
          %dma_wait3A_284 = arith.constant 0 : i32
          %dma_wait3A_285 = tpu.memref_slice %arg10[%dma_wait3A_272, %dma_wait3A_283, %dma_wait3A_284] : memref<2x64x128xf32, #tpu.memory_space<vmem>> -> memref<1x64x128xf32, #tpu.memory_space<vmem>>
          %dma_wait3A_286 = tpu.memref_squeeze %dma_wait3A_285 : memref<1x64x128xf32, #tpu.memory_space<vmem>> -> memref<64x128xf32, #tpu.memory_space<vmem>>
          tpu.wait_dma2 semaphore(%arg14 : memref<!tpu.dma_semaphore, #tpu.memory_space<semaphore_mem>>) src(%dma_wait3A_286 : memref<64x128xf32, #tpu.memory_space<vmem>>) dst(%dma_wait3A_282 : memref<64x128xf32, #tpu.memory_space<vmem_shared>>)
          %dma_start3A_287 = arith.constant 1 : i32
          %dma_start3A_288 = arith.constant 0 : i32
          %dma_start3A_289 = arith.constant 0 : i32
          %dma_start3A_290 = tpu.memref_slice %arg10[%dma_start3A_287, %dma_start3A_288, %dma_start3A_289] : memref<2x64x128xf32, #tpu.memory_space<vmem>> -> memref<1x64x128xf32, #tpu.memory_space<vmem>>
          %dma_start3A_291 = tpu.memref_squeeze %dma_start3A_290 : memref<1x64x128xf32, #tpu.memory_space<vmem>> -> memref<64x128xf32, #tpu.memory_space<vmem>>
          %dma_start3A_292 = arith.constant 0 : i32
          %dma_start3A_293 = tpu.memref_slice %arg8[%add3A_266, %dma_start3A_292] : memref<112x64xi32, #tpu.memory_space<vmem>> -> memref<1x64xi32, #tpu.memory_space<vmem>>
          %dma_start3A_294 = tpu.memref_squeeze %dma_start3A_293 : memref<1x64xi32, #tpu.memory_space<vmem>> -> memref<64xi32, #tpu.memory_space<vmem>>
          %dma_start3A_295 = arith.constant 0 : i32
          %dma_start3A_296 = arith.constant 0 : i32
          %dma_start3A_297 = tpu.memref_slice %arg2[%dma_start3A_295, %dma_start3A_296] : memref<10112x128xf32, #tpu.memory_space<hbm>> -> memref<10112x128xf32, #tpu.memory_space<hbm>>
          tpu.enqueue_indirect_dma source(%dma_start3A_297 : memref<10112x128xf32, #tpu.memory_space<hbm>>) target(%dma_start3A_291 : memref<64x128xf32, #tpu.memory_space<vmem>>) offsets(%dma_start3A_294 : memref<64xi32, #tpu.memory_space<vmem>>) semaphore(%arg12 : memref<!tpu.dma_semaphore, #tpu.memory_space<semaphore_mem>>)
        } else {
        }
      }
      %scan3A_163 = arith.constant 24 : i32
      %dma_wait3A_164 = arith.constant 0 : i32
      %dma_wait3A_165 = arith.constant 0 : i32
      %dma_wait3A_166 = arith.constant 0 : i32
      %dma_wait3A_167 = tpu.memref_slice %arg10[%dma_wait3A_164, %dma_wait3A_165, %dma_wait3A_166] : memref<2x64x128xf32, #tpu.memory_space<vmem>> -> memref<1x64x128xf32, #tpu.memory_space<vmem>>
      %dma_wait3A_168 = tpu.memref_squeeze %dma_wait3A_167 : memref<1x64x128xf32, #tpu.memory_space<vmem>> -> memref<64x128xf32, #tpu.memory_space<vmem>>
      %dma_wait3A_169 = arith.constant 0 : i32
      %dma_wait3A_170 = arith.constant 0 : i32
      %dma_wait3A_171 = tpu.memref_slice %arg7[%dma_wait3A_169, %dma_wait3A_170] : memref<10112x128xf32, #tpu.memory_space<vmem_shared>> -> memref<64x128xf32, #tpu.memory_space<vmem_shared>>
      %dma_wait3A_172 = arith.constant 0 : i32
      %dma_wait3A_173 = arith.constant 0 : i32
      %dma_wait3A_174 = tpu.memref_slice %arg7[%dma_wait3A_172, %dma_wait3A_173] : memref<10112x128xf32, #tpu.memory_space<vmem_shared>> -> memref<64x128xf32, #tpu.memory_space<vmem_shared>>
      %dma_wait3A_175 = arith.constant 0 : i32
      %dma_wait3A_176 = arith.constant 0 : i32
      %dma_wait3A_177 = tpu.memref_slice %arg10[%dma_wait3A_164, %dma_wait3A_175, %dma_wait3A_176] : memref<2x64x128xf32, #tpu.memory_space<vmem>> -> memref<1x64x128xf32, #tpu.memory_space<vmem>>
      %dma_wait3A_178 = tpu.memref_squeeze %dma_wait3A_177 : memref<1x64x128xf32, #tpu.memory_space<vmem>> -> memref<64x128xf32, #tpu.memory_space<vmem>>
      tpu.wait_dma2 semaphore(%arg13 : memref<!tpu.dma_semaphore, #tpu.memory_space<semaphore_mem>>) src(%dma_wait3A_178 : memref<64x128xf32, #tpu.memory_space<vmem>>) dst(%dma_wait3A_174 : memref<64x128xf32, #tpu.memory_space<vmem_shared>>)
      %dma_wait3A_179 = arith.constant 1 : i32
      %dma_wait3A_180 = arith.constant 0 : i32
      %dma_wait3A_181 = arith.constant 0 : i32
      %dma_wait3A_182 = tpu.memref_slice %arg10[%dma_wait3A_179, %dma_wait3A_180, %dma_wait3A_181] : memref<2x64x128xf32, #tpu.memory_space<vmem>> -> memref<1x64x128xf32, #tpu.memory_space<vmem>>
      %dma_wait3A_183 = tpu.memref_squeeze %dma_wait3A_182 : memref<1x64x128xf32, #tpu.memory_space<vmem>> -> memref<64x128xf32, #tpu.memory_space<vmem>>
      %dma_wait3A_184 = arith.constant 0 : i32
      %dma_wait3A_185 = arith.constant 0 : i32
      %dma_wait3A_186 = tpu.memref_slice %arg7[%dma_wait3A_184, %dma_wait3A_185] : memref<10112x128xf32, #tpu.memory_space<vmem_shared>> -> memref<64x128xf32, #tpu.memory_space<vmem_shared>>
      %dma_wait3A_187 = arith.constant 0 : i32
      %dma_wait3A_188 = arith.constant 0 : i32
      %dma_wait3A_189 = tpu.memref_slice %arg7[%dma_wait3A_187, %dma_wait3A_188] : memref<10112x128xf32, #tpu.memory_space<vmem_shared>> -> memref<64x128xf32, #tpu.memory_space<vmem_shared>>
      %dma_wait3A_190 = arith.constant 0 : i32
      %dma_wait3A_191 = arith.constant 0 : i32
      %dma_wait3A_192 = tpu.memref_slice %arg10[%dma_wait3A_179, %dma_wait3A_190, %dma_wait3A_191] : memref<2x64x128xf32, #tpu.memory_space<vmem>> -> memref<1x64x128xf32, #tpu.memory_space<vmem>>
      %dma_wait3A_193 = tpu.memref_squeeze %dma_wait3A_192 : memref<1x64x128xf32, #tpu.memory_space<vmem>> -> memref<64x128xf32, #tpu.memory_space<vmem>>
      tpu.wait_dma2 semaphore(%arg14 : memref<!tpu.dma_semaphore, #tpu.memory_space<semaphore_mem>>) src(%dma_wait3A_193 : memref<64x128xf32, #tpu.memory_space<vmem>>) dst(%dma_wait3A_189 : memref<64x128xf32, #tpu.memory_space<vmem_shared>>)
    } else {
    }
    %eq3A_3 = arith.constant 1 : i32
    %eq3A_4 = arith.cmpi eq, %arg0, %eq3A_3 : i32
    %convert_element_type3A_5 = arith.extui %eq3A_4 : i1 to i32
    %cond3A_6 = arith.constant 0 : i32
    %cond3A_7 = arith.cmpi ne, %convert_element_type3A_5, %cond3A_6 : i32
    scf.if %cond3A_7 {
      %mul3A_13 = arith.constant 48 : i32
      %mul3A_14 = arith.muli %arg1, %mul3A_13 : i32
      %add3A = arith.constant 4352 : i32
      %add3A_15 = arith.addi %add3A, %mul3A_14 : i32
      %add3A_16 = arith.constant 0 : i32
      %add3A_17 = arith.addi %add3A_15, %add3A_16 : i32
      "tpu.region"() ({
        %run_scoped3A = tpu.sem_alloc : memref<!tpu.dma_semaphore, #tpu.memory_space<semaphore_mem>>
        %dma_start3A_74 = arith.constant 0 : i32
        %dma_start3A_75 = arith.constant 0 : i32
        %dma_start3A_76 = tpu.memref_slice %arg8[%dma_start3A_74, %dma_start3A_75] : memref<112x64xi32, #tpu.memory_space<vmem>> -> memref<48x64xi32, #tpu.memory_space<vmem>>
        %dma_start3A_77 = arith.constant 0 : i32
        %dma_start3A_78 = tpu.memref_slice %arg3[%add3A_17, %dma_start3A_77] : memref<5120x64xi32, #tpu.memory_space<hbm>> -> memref<48x64xi32, #tpu.memory_space<hbm>>
        %dma_start3A_79 = arith.constant 0 : i32
        %dma_start3A_80 = arith.constant 0 : i32
        %dma_start3A_81 = tpu.memref_slice %arg8[%dma_start3A_79, %dma_start3A_80] : memref<112x64xi32, #tpu.memory_space<vmem>> -> memref<48x64xi32, #tpu.memory_space<vmem>>
        %dma_start3A_82 = arith.constant 0 : i32
        %dma_start3A_83 = tpu.memref_slice %arg3[%add3A_17, %dma_start3A_82] : memref<5120x64xi32, #tpu.memory_space<hbm>> -> memref<48x64xi32, #tpu.memory_space<hbm>>
        tpu.enqueue_dma source(%dma_start3A_83 : memref<48x64xi32, #tpu.memory_space<hbm>>) target(%dma_start3A_81 : memref<48x64xi32, #tpu.memory_space<vmem>>) target_semaphore(%run_scoped3A : memref<!tpu.dma_semaphore, #tpu.memory_space<semaphore_mem>>)
        %dma_wait3A_84 = arith.constant 0 : i32
        %dma_wait3A_85 = arith.constant 0 : i32
        %dma_wait3A_86 = tpu.memref_slice %arg8[%dma_wait3A_84, %dma_wait3A_85] : memref<112x64xi32, #tpu.memory_space<vmem>> -> memref<48x64xi32, #tpu.memory_space<vmem>>
        %dma_wait3A_87 = arith.constant 0 : i32
        %dma_wait3A_88 = tpu.memref_slice %arg3[%add3A_17, %dma_wait3A_87] : memref<5120x64xi32, #tpu.memory_space<hbm>> -> memref<48x64xi32, #tpu.memory_space<hbm>>
        %dma_wait3A_89 = arith.constant 0 : i32
        %dma_wait3A_90 = arith.constant 0 : i32
        %dma_wait3A_91 = tpu.memref_slice %arg8[%dma_wait3A_89, %dma_wait3A_90] : memref<112x64xi32, #tpu.memory_space<vmem>> -> memref<48x64xi32, #tpu.memory_space<vmem>>
        %dma_wait3A_92 = arith.constant 0 : i32
        %dma_wait3A_93 = tpu.memref_slice %arg3[%add3A_17, %dma_wait3A_92] : memref<5120x64xi32, #tpu.memory_space<hbm>> -> memref<48x64xi32, #tpu.memory_space<hbm>>
        tpu.wait_dma2 semaphore(%run_scoped3A : memref<!tpu.dma_semaphore, #tpu.memory_space<semaphore_mem>>) src(%dma_wait3A_93 : memref<48x64xi32, #tpu.memory_space<hbm>>) dst(%dma_wait3A_91 : memref<48x64xi32, #tpu.memory_space<vmem>>)
        tpu.yield
      }) : () -> ()
      "tpu.region"() ({
        %run_scoped3A = tpu.sem_alloc : memref<!tpu.dma_semaphore, #tpu.memory_space<semaphore_mem>>
        %dma_start3A_74 = arith.constant 0 : i32
        %dma_start3A_75 = arith.constant 0 : i32
        %dma_start3A_76 = tpu.memref_slice %arg9[%dma_start3A_74, %dma_start3A_75] : memref<112x64xi32, #tpu.memory_space<vmem>> -> memref<48x64xi32, #tpu.memory_space<vmem>>
        %dma_start3A_77 = arith.constant 0 : i32
        %dma_start3A_78 = tpu.memref_slice %arg4[%add3A_17, %dma_start3A_77] : memref<5120x64xi32, #tpu.memory_space<hbm>> -> memref<48x64xi32, #tpu.memory_space<hbm>>
        %dma_start3A_79 = arith.constant 0 : i32
        %dma_start3A_80 = arith.constant 0 : i32
        %dma_start3A_81 = tpu.memref_slice %arg9[%dma_start3A_79, %dma_start3A_80] : memref<112x64xi32, #tpu.memory_space<vmem>> -> memref<48x64xi32, #tpu.memory_space<vmem>>
        %dma_start3A_82 = arith.constant 0 : i32
        %dma_start3A_83 = tpu.memref_slice %arg4[%add3A_17, %dma_start3A_82] : memref<5120x64xi32, #tpu.memory_space<hbm>> -> memref<48x64xi32, #tpu.memory_space<hbm>>
        tpu.enqueue_dma source(%dma_start3A_83 : memref<48x64xi32, #tpu.memory_space<hbm>>) target(%dma_start3A_81 : memref<48x64xi32, #tpu.memory_space<vmem>>) target_semaphore(%run_scoped3A : memref<!tpu.dma_semaphore, #tpu.memory_space<semaphore_mem>>)
        %dma_wait3A_84 = arith.constant 0 : i32
        %dma_wait3A_85 = arith.constant 0 : i32
        %dma_wait3A_86 = tpu.memref_slice %arg9[%dma_wait3A_84, %dma_wait3A_85] : memref<112x64xi32, #tpu.memory_space<vmem>> -> memref<48x64xi32, #tpu.memory_space<vmem>>
        %dma_wait3A_87 = arith.constant 0 : i32
        %dma_wait3A_88 = tpu.memref_slice %arg4[%add3A_17, %dma_wait3A_87] : memref<5120x64xi32, #tpu.memory_space<hbm>> -> memref<48x64xi32, #tpu.memory_space<hbm>>
        %dma_wait3A_89 = arith.constant 0 : i32
        %dma_wait3A_90 = arith.constant 0 : i32
        %dma_wait3A_91 = tpu.memref_slice %arg9[%dma_wait3A_89, %dma_wait3A_90] : memref<112x64xi32, #tpu.memory_space<vmem>> -> memref<48x64xi32, #tpu.memory_space<vmem>>
        %dma_wait3A_92 = arith.constant 0 : i32
        %dma_wait3A_93 = tpu.memref_slice %arg4[%add3A_17, %dma_wait3A_92] : memref<5120x64xi32, #tpu.memory_space<hbm>> -> memref<48x64xi32, #tpu.memory_space<hbm>>
        tpu.wait_dma2 semaphore(%run_scoped3A : memref<!tpu.dma_semaphore, #tpu.memory_space<semaphore_mem>>) src(%dma_wait3A_93 : memref<48x64xi32, #tpu.memory_space<hbm>>) dst(%dma_wait3A_91 : memref<48x64xi32, #tpu.memory_space<vmem>>)
        tpu.yield
      }) : () -> ()
      %dma_start3A = arith.constant 0 : i32
      %dma_start3A_18 = arith.constant 0 : i32
      %dma_start3A_19 = arith.constant 0 : i32
      %dma_start3A_20 = arith.constant 0 : i32
      %dma_start3A_21 = tpu.memref_slice %arg10[%dma_start3A_18, %dma_start3A_19, %dma_start3A_20] : memref<2x64x128xf32, #tpu.memory_space<vmem>> -> memref<1x64x128xf32, #tpu.memory_space<vmem>>
      %dma_start3A_22 = tpu.memref_squeeze %dma_start3A_21 : memref<1x64x128xf32, #tpu.memory_space<vmem>> -> memref<64x128xf32, #tpu.memory_space<vmem>>
      %dma_start3A_23 = arith.constant 0 : i32
      %dma_start3A_24 = tpu.memref_slice %arg8[%dma_start3A, %dma_start3A_23] : memref<112x64xi32, #tpu.memory_space<vmem>> -> memref<1x64xi32, #tpu.memory_space<vmem>>
      %dma_start3A_25 = tpu.memref_squeeze %dma_start3A_24 : memref<1x64xi32, #tpu.memory_space<vmem>> -> memref<64xi32, #tpu.memory_space<vmem>>
      %dma_start3A_26 = arith.constant 0 : i32
      %dma_start3A_27 = arith.constant 0 : i32
      %dma_start3A_28 = tpu.memref_slice %arg2[%dma_start3A_26, %dma_start3A_27] : memref<10112x128xf32, #tpu.memory_space<hbm>> -> memref<10112x128xf32, #tpu.memory_space<hbm>>
      tpu.enqueue_indirect_dma source(%dma_start3A_28 : memref<10112x128xf32, #tpu.memory_space<hbm>>) target(%dma_start3A_22 : memref<64x128xf32, #tpu.memory_space<vmem>>) offsets(%dma_start3A_25 : memref<64xi32, #tpu.memory_space<vmem>>) semaphore(%arg11 : memref<!tpu.dma_semaphore, #tpu.memory_space<semaphore_mem>>)
      %dma_start3A_29 = arith.constant 1 : i32
      %dma_start3A_30 = arith.constant 1 : i32
      %dma_start3A_31 = arith.constant 0 : i32
      %dma_start3A_32 = arith.constant 0 : i32
      %dma_start3A_33 = tpu.memref_slice %arg10[%dma_start3A_30, %dma_start3A_31, %dma_start3A_32] : memref<2x64x128xf32, #tpu.memory_space<vmem>> -> memref<1x64x128xf32, #tpu.memory_space<vmem>>
      %dma_start3A_34 = tpu.memref_squeeze %dma_start3A_33 : memref<1x64x128xf32, #tpu.memory_space<vmem>> -> memref<64x128xf32, #tpu.memory_space<vmem>>
      %dma_start3A_35 = arith.constant 0 : i32
      %dma_start3A_36 = tpu.memref_slice %arg8[%dma_start3A_29, %dma_start3A_35] : memref<112x64xi32, #tpu.memory_space<vmem>> -> memref<1x64xi32, #tpu.memory_space<vmem>>
      %dma_start3A_37 = tpu.memref_squeeze %dma_start3A_36 : memref<1x64xi32, #tpu.memory_space<vmem>> -> memref<64xi32, #tpu.memory_space<vmem>>
      %dma_start3A_38 = arith.constant 0 : i32
      %dma_start3A_39 = arith.constant 0 : i32
      %dma_start3A_40 = tpu.memref_slice %arg2[%dma_start3A_38, %dma_start3A_39] : memref<10112x128xf32, #tpu.memory_space<hbm>> -> memref<10112x128xf32, #tpu.memory_space<hbm>>
      tpu.enqueue_indirect_dma source(%dma_start3A_40 : memref<10112x128xf32, #tpu.memory_space<hbm>>) target(%dma_start3A_34 : memref<64x128xf32, #tpu.memory_space<vmem>>) offsets(%dma_start3A_37 : memref<64xi32, #tpu.memory_space<vmem>>) semaphore(%arg12 : memref<!tpu.dma_semaphore, #tpu.memory_space<semaphore_mem>>)
      %scan3A = arith.constant 0 : i32
      %scan3A_41 = arith.constant 24 : i32
      %scan3A_42 = arith.addi %scan3A, %scan3A_41 : i32
      %scan3A_43 = arith.constant 1 : i32
      scf.for %scan3A_74 = %scan3A to %scan3A_42 step %scan3A_43  : i32 {
        %mul3A_75 = arith.constant 2 : i32
        %mul3A_76 = arith.muli %scan3A_74, %mul3A_75 : i32
        %add3A_77 = arith.constant 0 : i32
        %add3A_78 = arith.addi %add3A_77, %mul3A_76 : i32
        %dma_wait3A_79 = arith.constant 0 : i32
        %dma_wait3A_80 = arith.constant 0 : i32
        %dma_wait3A_81 = arith.constant 0 : i32
        %dma_wait3A_82 = tpu.memref_slice %arg10[%dma_wait3A_79, %dma_wait3A_80, %dma_wait3A_81] : memref<2x64x128xf32, #tpu.memory_space<vmem>> -> memref<1x64x128xf32, #tpu.memory_space<vmem>>
        %dma_wait3A_83 = tpu.memref_squeeze %dma_wait3A_82 : memref<1x64x128xf32, #tpu.memory_space<vmem>> -> memref<64x128xf32, #tpu.memory_space<vmem>>
        %dma_wait3A_84 = arith.constant 0 : i32
        %dma_wait3A_85 = arith.constant 0 : i32
        %dma_wait3A_86 = tpu.memref_slice %arg2[%dma_wait3A_84, %dma_wait3A_85] : memref<10112x128xf32, #tpu.memory_space<hbm>> -> memref<64x128xf32, #tpu.memory_space<hbm>>
        %dma_wait3A_87 = arith.constant 0 : i32
        %dma_wait3A_88 = arith.constant 0 : i32
        %dma_wait3A_89 = tpu.memref_slice %arg10[%dma_wait3A_79, %dma_wait3A_87, %dma_wait3A_88] : memref<2x64x128xf32, #tpu.memory_space<vmem>> -> memref<1x64x128xf32, #tpu.memory_space<vmem>>
        %dma_wait3A_90 = tpu.memref_squeeze %dma_wait3A_89 : memref<1x64x128xf32, #tpu.memory_space<vmem>> -> memref<64x128xf32, #tpu.memory_space<vmem>>
        %dma_wait3A_91 = arith.constant 0 : i32
        %dma_wait3A_92 = arith.constant 0 : i32
        %dma_wait3A_93 = tpu.memref_slice %arg2[%dma_wait3A_91, %dma_wait3A_92] : memref<10112x128xf32, #tpu.memory_space<hbm>> -> memref<64x128xf32, #tpu.memory_space<hbm>>
        tpu.wait_dma2 semaphore(%arg11 : memref<!tpu.dma_semaphore, #tpu.memory_space<semaphore_mem>>) src(%dma_wait3A_93 : memref<64x128xf32, #tpu.memory_space<hbm>>) dst(%dma_wait3A_90 : memref<64x128xf32, #tpu.memory_space<vmem>>)
        %add3A_94 = arith.constant 0 : i32
        %add3A_95 = arith.addi %add3A_78, %add3A_94 : i32
        %dma_start3A_96 = arith.constant 0 : i32
        %dma_start3A_97 = arith.constant 0 : i32
        %dma_start3A_98 = arith.constant 0 : i32
        %dma_start3A_99 = tpu.memref_slice %arg10[%dma_start3A_96, %dma_start3A_97, %dma_start3A_98] : memref<2x64x128xf32, #tpu.memory_space<vmem>> -> memref<1x64x128xf32, #tpu.memory_space<vmem>>
        %dma_start3A_100 = tpu.memref_squeeze %dma_start3A_99 : memref<1x64x128xf32, #tpu.memory_space<vmem>> -> memref<64x128xf32, #tpu.memory_space<vmem>>
        %dma_start3A_101 = arith.constant 0 : i32
        %dma_start3A_102 = tpu.memref_slice %arg9[%add3A_95, %dma_start3A_101] : memref<112x64xi32, #tpu.memory_space<vmem>> -> memref<1x64xi32, #tpu.memory_space<vmem>>
        %dma_start3A_103 = tpu.memref_squeeze %dma_start3A_102 : memref<1x64xi32, #tpu.memory_space<vmem>> -> memref<64xi32, #tpu.memory_space<vmem>>
        %dma_start3A_104 = arith.constant 0 : i32
        %dma_start3A_105 = arith.constant 0 : i32
        %dma_start3A_106 = tpu.memref_slice %arg7[%dma_start3A_104, %dma_start3A_105] : memref<10112x128xf32, #tpu.memory_space<vmem_shared>> -> memref<10112x128xf32, #tpu.memory_space<vmem_shared>>
        tpu.enqueue_indirect_dma source(%dma_start3A_100 : memref<64x128xf32, #tpu.memory_space<vmem>>) target(%dma_start3A_106 : memref<10112x128xf32, #tpu.memory_space<vmem_shared>>) offsets(%dma_start3A_103 : memref<64xi32, #tpu.memory_space<vmem>>) semaphore(%arg13 : memref<!tpu.dma_semaphore, #tpu.memory_space<semaphore_mem>>) {add = true}
        %dma_wait3A_107 = arith.constant 1 : i32
        %dma_wait3A_108 = arith.constant 0 : i32
        %dma_wait3A_109 = arith.constant 0 : i32
        %dma_wait3A_110 = tpu.memref_slice %arg10[%dma_wait3A_107, %dma_wait3A_108, %dma_wait3A_109] : memref<2x64x128xf32, #tpu.memory_space<vmem>> -> memref<1x64x128xf32, #tpu.memory_space<vmem>>
        %dma_wait3A_111 = tpu.memref_squeeze %dma_wait3A_110 : memref<1x64x128xf32, #tpu.memory_space<vmem>> -> memref<64x128xf32, #tpu.memory_space<vmem>>
        %dma_wait3A_112 = arith.constant 0 : i32
        %dma_wait3A_113 = arith.constant 0 : i32
        %dma_wait3A_114 = tpu.memref_slice %arg2[%dma_wait3A_112, %dma_wait3A_113] : memref<10112x128xf32, #tpu.memory_space<hbm>> -> memref<64x128xf32, #tpu.memory_space<hbm>>
        %dma_wait3A_115 = arith.constant 0 : i32
        %dma_wait3A_116 = arith.constant 0 : i32
        %dma_wait3A_117 = tpu.memref_slice %arg10[%dma_wait3A_107, %dma_wait3A_115, %dma_wait3A_116] : memref<2x64x128xf32, #tpu.memory_space<vmem>> -> memref<1x64x128xf32, #tpu.memory_space<vmem>>
        %dma_wait3A_118 = tpu.memref_squeeze %dma_wait3A_117 : memref<1x64x128xf32, #tpu.memory_space<vmem>> -> memref<64x128xf32, #tpu.memory_space<vmem>>
        %dma_wait3A_119 = arith.constant 0 : i32
        %dma_wait3A_120 = arith.constant 0 : i32
        %dma_wait3A_121 = tpu.memref_slice %arg2[%dma_wait3A_119, %dma_wait3A_120] : memref<10112x128xf32, #tpu.memory_space<hbm>> -> memref<64x128xf32, #tpu.memory_space<hbm>>
        tpu.wait_dma2 semaphore(%arg12 : memref<!tpu.dma_semaphore, #tpu.memory_space<semaphore_mem>>) src(%dma_wait3A_121 : memref<64x128xf32, #tpu.memory_space<hbm>>) dst(%dma_wait3A_118 : memref<64x128xf32, #tpu.memory_space<vmem>>)
        %add3A_122 = arith.constant 1 : i32
        %add3A_123 = arith.addi %add3A_78, %add3A_122 : i32
        %dma_start3A_124 = arith.constant 1 : i32
        %dma_start3A_125 = arith.constant 0 : i32
        %dma_start3A_126 = arith.constant 0 : i32
        %dma_start3A_127 = tpu.memref_slice %arg10[%dma_start3A_124, %dma_start3A_125, %dma_start3A_126] : memref<2x64x128xf32, #tpu.memory_space<vmem>> -> memref<1x64x128xf32, #tpu.memory_space<vmem>>
        %dma_start3A_128 = tpu.memref_squeeze %dma_start3A_127 : memref<1x64x128xf32, #tpu.memory_space<vmem>> -> memref<64x128xf32, #tpu.memory_space<vmem>>
        %dma_start3A_129 = arith.constant 0 : i32
        %dma_start3A_130 = tpu.memref_slice %arg9[%add3A_123, %dma_start3A_129] : memref<112x64xi32, #tpu.memory_space<vmem>> -> memref<1x64xi32, #tpu.memory_space<vmem>>
        %dma_start3A_131 = tpu.memref_squeeze %dma_start3A_130 : memref<1x64xi32, #tpu.memory_space<vmem>> -> memref<64xi32, #tpu.memory_space<vmem>>
        %dma_start3A_132 = arith.constant 0 : i32
        %dma_start3A_133 = arith.constant 0 : i32
        %dma_start3A_134 = tpu.memref_slice %arg7[%dma_start3A_132, %dma_start3A_133] : memref<10112x128xf32, #tpu.memory_space<vmem_shared>> -> memref<10112x128xf32, #tpu.memory_space<vmem_shared>>
        tpu.enqueue_indirect_dma source(%dma_start3A_128 : memref<64x128xf32, #tpu.memory_space<vmem>>) target(%dma_start3A_134 : memref<10112x128xf32, #tpu.memory_space<vmem_shared>>) offsets(%dma_start3A_131 : memref<64xi32, #tpu.memory_space<vmem>>) semaphore(%arg14 : memref<!tpu.dma_semaphore, #tpu.memory_space<semaphore_mem>>) {add = true}
        %add3A_135 = arith.constant 0 : i32
        %add3A_136 = arith.addi %add3A_78, %add3A_135 : i32
        %add3A_137 = arith.constant 2 : i32
        %add3A_138 = arith.addi %add3A_136, %add3A_137 : i32
        %lt3A = arith.constant 48 : i32
        %lt3A_139 = arith.cmpi slt, %add3A_138, %lt3A : i32
        %convert_element_type3A_140 = arith.extui %lt3A_139 : i1 to i32
        %cond3A_141 = arith.constant 0 : i32
        %cond3A_142 = arith.cmpi ne, %convert_element_type3A_140, %cond3A_141 : i32
        scf.if %cond3A_142 {
          %dma_wait3A_152 = arith.constant 0 : i32
          %dma_wait3A_153 = arith.constant 0 : i32
          %dma_wait3A_154 = arith.constant 0 : i32
          %dma_wait3A_155 = tpu.memref_slice %arg10[%dma_wait3A_152, %dma_wait3A_153, %dma_wait3A_154] : memref<2x64x128xf32, #tpu.memory_space<vmem>> -> memref<1x64x128xf32, #tpu.memory_space<vmem>>
          %dma_wait3A_156 = tpu.memref_squeeze %dma_wait3A_155 : memref<1x64x128xf32, #tpu.memory_space<vmem>> -> memref<64x128xf32, #tpu.memory_space<vmem>>
          %dma_wait3A_157 = arith.constant 0 : i32
          %dma_wait3A_158 = arith.constant 0 : i32
          %dma_wait3A_159 = tpu.memref_slice %arg7[%dma_wait3A_157, %dma_wait3A_158] : memref<10112x128xf32, #tpu.memory_space<vmem_shared>> -> memref<64x128xf32, #tpu.memory_space<vmem_shared>>
          %dma_wait3A_160 = arith.constant 0 : i32
          %dma_wait3A_161 = arith.constant 0 : i32
          %dma_wait3A_162 = tpu.memref_slice %arg7[%dma_wait3A_160, %dma_wait3A_161] : memref<10112x128xf32, #tpu.memory_space<vmem_shared>> -> memref<64x128xf32, #tpu.memory_space<vmem_shared>>
          %dma_wait3A_163 = arith.constant 0 : i32
          %dma_wait3A_164 = arith.constant 0 : i32
          %dma_wait3A_165 = tpu.memref_slice %arg10[%dma_wait3A_152, %dma_wait3A_163, %dma_wait3A_164] : memref<2x64x128xf32, #tpu.memory_space<vmem>> -> memref<1x64x128xf32, #tpu.memory_space<vmem>>
          %dma_wait3A_166 = tpu.memref_squeeze %dma_wait3A_165 : memref<1x64x128xf32, #tpu.memory_space<vmem>> -> memref<64x128xf32, #tpu.memory_space<vmem>>
          tpu.wait_dma2 semaphore(%arg13 : memref<!tpu.dma_semaphore, #tpu.memory_space<semaphore_mem>>) src(%dma_wait3A_166 : memref<64x128xf32, #tpu.memory_space<vmem>>) dst(%dma_wait3A_162 : memref<64x128xf32, #tpu.memory_space<vmem_shared>>)
          %dma_start3A_167 = arith.constant 0 : i32
          %dma_start3A_168 = arith.constant 0 : i32
          %dma_start3A_169 = arith.constant 0 : i32
          %dma_start3A_170 = tpu.memref_slice %arg10[%dma_start3A_167, %dma_start3A_168, %dma_start3A_169] : memref<2x64x128xf32, #tpu.memory_space<vmem>> -> memref<1x64x128xf32, #tpu.memory_space<vmem>>
          %dma_start3A_171 = tpu.memref_squeeze %dma_start3A_170 : memref<1x64x128xf32, #tpu.memory_space<vmem>> -> memref<64x128xf32, #tpu.memory_space<vmem>>
          %dma_start3A_172 = arith.constant 0 : i32
          %dma_start3A_173 = tpu.memref_slice %arg8[%add3A_138, %dma_start3A_172] : memref<112x64xi32, #tpu.memory_space<vmem>> -> memref<1x64xi32, #tpu.memory_space<vmem>>
          %dma_start3A_174 = tpu.memref_squeeze %dma_start3A_173 : memref<1x64xi32, #tpu.memory_space<vmem>> -> memref<64xi32, #tpu.memory_space<vmem>>
          %dma_start3A_175 = arith.constant 0 : i32
          %dma_start3A_176 = arith.constant 0 : i32
          %dma_start3A_177 = tpu.memref_slice %arg2[%dma_start3A_175, %dma_start3A_176] : memref<10112x128xf32, #tpu.memory_space<hbm>> -> memref<10112x128xf32, #tpu.memory_space<hbm>>
          tpu.enqueue_indirect_dma source(%dma_start3A_177 : memref<10112x128xf32, #tpu.memory_space<hbm>>) target(%dma_start3A_171 : memref<64x128xf32, #tpu.memory_space<vmem>>) offsets(%dma_start3A_174 : memref<64xi32, #tpu.memory_space<vmem>>) semaphore(%arg11 : memref<!tpu.dma_semaphore, #tpu.memory_space<semaphore_mem>>)
        } else {
        }
        %add3A_143 = arith.constant 1 : i32
        %add3A_144 = arith.addi %add3A_78, %add3A_143 : i32
        %add3A_145 = arith.constant 2 : i32
        %add3A_146 = arith.addi %add3A_144, %add3A_145 : i32
        %lt3A_147 = arith.constant 48 : i32
        %lt3A_148 = arith.cmpi slt, %add3A_146, %lt3A_147 : i32
        %convert_element_type3A_149 = arith.extui %lt3A_148 : i1 to i32
        %cond3A_150 = arith.constant 0 : i32
        %cond3A_151 = arith.cmpi ne, %convert_element_type3A_149, %cond3A_150 : i32
        scf.if %cond3A_151 {
          %dma_wait3A_152 = arith.constant 1 : i32
          %dma_wait3A_153 = arith.constant 0 : i32
          %dma_wait3A_154 = arith.constant 0 : i32
          %dma_wait3A_155 = tpu.memref_slice %arg10[%dma_wait3A_152, %dma_wait3A_153, %dma_wait3A_154] : memref<2x64x128xf32, #tpu.memory_space<vmem>> -> memref<1x64x128xf32, #tpu.memory_space<vmem>>
          %dma_wait3A_156 = tpu.memref_squeeze %dma_wait3A_155 : memref<1x64x128xf32, #tpu.memory_space<vmem>> -> memref<64x128xf32, #tpu.memory_space<vmem>>
          %dma_wait3A_157 = arith.constant 0 : i32
          %dma_wait3A_158 = arith.constant 0 : i32
          %dma_wait3A_159 = tpu.memref_slice %arg7[%dma_wait3A_157, %dma_wait3A_158] : memref<10112x128xf32, #tpu.memory_space<vmem_shared>> -> memref<64x128xf32, #tpu.memory_space<vmem_shared>>
          %dma_wait3A_160 = arith.constant 0 : i32
          %dma_wait3A_161 = arith.constant 0 : i32
          %dma_wait3A_162 = tpu.memref_slice %arg7[%dma_wait3A_160, %dma_wait3A_161] : memref<10112x128xf32, #tpu.memory_space<vmem_shared>> -> memref<64x128xf32, #tpu.memory_space<vmem_shared>>
          %dma_wait3A_163 = arith.constant 0 : i32
          %dma_wait3A_164 = arith.constant 0 : i32
          %dma_wait3A_165 = tpu.memref_slice %arg10[%dma_wait3A_152, %dma_wait3A_163, %dma_wait3A_164] : memref<2x64x128xf32, #tpu.memory_space<vmem>> -> memref<1x64x128xf32, #tpu.memory_space<vmem>>
          %dma_wait3A_166 = tpu.memref_squeeze %dma_wait3A_165 : memref<1x64x128xf32, #tpu.memory_space<vmem>> -> memref<64x128xf32, #tpu.memory_space<vmem>>
          tpu.wait_dma2 semaphore(%arg14 : memref<!tpu.dma_semaphore, #tpu.memory_space<semaphore_mem>>) src(%dma_wait3A_166 : memref<64x128xf32, #tpu.memory_space<vmem>>) dst(%dma_wait3A_162 : memref<64x128xf32, #tpu.memory_space<vmem_shared>>)
          %dma_start3A_167 = arith.constant 1 : i32
          %dma_start3A_168 = arith.constant 0 : i32
          %dma_start3A_169 = arith.constant 0 : i32
          %dma_start3A_170 = tpu.memref_slice %arg10[%dma_start3A_167, %dma_start3A_168, %dma_start3A_169] : memref<2x64x128xf32, #tpu.memory_space<vmem>> -> memref<1x64x128xf32, #tpu.memory_space<vmem>>
          %dma_start3A_171 = tpu.memref_squeeze %dma_start3A_170 : memref<1x64x128xf32, #tpu.memory_space<vmem>> -> memref<64x128xf32, #tpu.memory_space<vmem>>
          %dma_start3A_172 = arith.constant 0 : i32
          %dma_start3A_173 = tpu.memref_slice %arg8[%add3A_146, %dma_start3A_172] : memref<112x64xi32, #tpu.memory_space<vmem>> -> memref<1x64xi32, #tpu.memory_space<vmem>>
          %dma_start3A_174 = tpu.memref_squeeze %dma_start3A_173 : memref<1x64xi32, #tpu.memory_space<vmem>> -> memref<64xi32, #tpu.memory_space<vmem>>
          %dma_start3A_175 = arith.constant 0 : i32
          %dma_start3A_176 = arith.constant 0 : i32
          %dma_start3A_177 = tpu.memref_slice %arg2[%dma_start3A_175, %dma_start3A_176] : memref<10112x128xf32, #tpu.memory_space<hbm>> -> memref<10112x128xf32, #tpu.memory_space<hbm>>
          tpu.enqueue_indirect_dma source(%dma_start3A_177 : memref<10112x128xf32, #tpu.memory_space<hbm>>) target(%dma_start3A_171 : memref<64x128xf32, #tpu.memory_space<vmem>>) offsets(%dma_start3A_174 : memref<64xi32, #tpu.memory_space<vmem>>) semaphore(%arg12 : memref<!tpu.dma_semaphore, #tpu.memory_space<semaphore_mem>>)
        } else {
        }
      }
      %scan3A_44 = arith.constant 24 : i32
      %dma_wait3A = arith.constant 0 : i32
      %dma_wait3A_45 = arith.constant 0 : i32
      %dma_wait3A_46 = arith.constant 0 : i32
      %dma_wait3A_47 = tpu.memref_slice %arg10[%dma_wait3A, %dma_wait3A_45, %dma_wait3A_46] : memref<2x64x128xf32, #tpu.memory_space<vmem>> -> memref<1x64x128xf32, #tpu.memory_space<vmem>>
      %dma_wait3A_48 = tpu.memref_squeeze %dma_wait3A_47 : memref<1x64x128xf32, #tpu.memory_space<vmem>> -> memref<64x128xf32, #tpu.memory_space<vmem>>
      %dma_wait3A_49 = arith.constant 0 : i32
      %dma_wait3A_50 = arith.constant 0 : i32
      %dma_wait3A_51 = tpu.memref_slice %arg7[%dma_wait3A_49, %dma_wait3A_50] : memref<10112x128xf32, #tpu.memory_space<vmem_shared>> -> memref<64x128xf32, #tpu.memory_space<vmem_shared>>
      %dma_wait3A_52 = arith.constant 0 : i32
      %dma_wait3A_53 = arith.constant 0 : i32
      %dma_wait3A_54 = tpu.memref_slice %arg7[%dma_wait3A_52, %dma_wait3A_53] : memref<10112x128xf32, #tpu.memory_space<vmem_shared>> -> memref<64x128xf32, #tpu.memory_space<vmem_shared>>
      %dma_wait3A_55 = arith.constant 0 : i32
      %dma_wait3A_56 = arith.constant 0 : i32
      %dma_wait3A_57 = tpu.memref_slice %arg10[%dma_wait3A, %dma_wait3A_55, %dma_wait3A_56] : memref<2x64x128xf32, #tpu.memory_space<vmem>> -> memref<1x64x128xf32, #tpu.memory_space<vmem>>
      %dma_wait3A_58 = tpu.memref_squeeze %dma_wait3A_57 : memref<1x64x128xf32, #tpu.memory_space<vmem>> -> memref<64x128xf32, #tpu.memory_space<vmem>>
      tpu.wait_dma2 semaphore(%arg13 : memref<!tpu.dma_semaphore, #tpu.memory_space<semaphore_mem>>) src(%dma_wait3A_58 : memref<64x128xf32, #tpu.memory_space<vmem>>) dst(%dma_wait3A_54 : memref<64x128xf32, #tpu.memory_space<vmem_shared>>)
      %dma_wait3A_59 = arith.constant 1 : i32
      %dma_wait3A_60 = arith.constant 0 : i32
      %dma_wait3A_61 = arith.constant 0 : i32
      %dma_wait3A_62 = tpu.memref_slice %arg10[%dma_wait3A_59, %dma_wait3A_60, %dma_wait3A_61] : memref<2x64x128xf32, #tpu.memory_space<vmem>> -> memref<1x64x128xf32, #tpu.memory_space<vmem>>
      %dma_wait3A_63 = tpu.memref_squeeze %dma_wait3A_62 : memref<1x64x128xf32, #tpu.memory_space<vmem>> -> memref<64x128xf32, #tpu.memory_space<vmem>>
      %dma_wait3A_64 = arith.constant 0 : i32
      %dma_wait3A_65 = arith.constant 0 : i32
      %dma_wait3A_66 = tpu.memref_slice %arg7[%dma_wait3A_64, %dma_wait3A_65] : memref<10112x128xf32, #tpu.memory_space<vmem_shared>> -> memref<64x128xf32, #tpu.memory_space<vmem_shared>>
      %dma_wait3A_67 = arith.constant 0 : i32
      %dma_wait3A_68 = arith.constant 0 : i32
      %dma_wait3A_69 = tpu.memref_slice %arg7[%dma_wait3A_67, %dma_wait3A_68] : memref<10112x128xf32, #tpu.memory_space<vmem_shared>> -> memref<64x128xf32, #tpu.memory_space<vmem_shared>>
      %dma_wait3A_70 = arith.constant 0 : i32
      %dma_wait3A_71 = arith.constant 0 : i32
      %dma_wait3A_72 = tpu.memref_slice %arg10[%dma_wait3A_59, %dma_wait3A_70, %dma_wait3A_71] : memref<2x64x128xf32, #tpu.memory_space<vmem>> -> memref<1x64x128xf32, #tpu.memory_space<vmem>>
      %dma_wait3A_73 = tpu.memref_squeeze %dma_wait3A_72 : memref<1x64x128xf32, #tpu.memory_space<vmem>> -> memref<64x128xf32, #tpu.memory_space<vmem>>
      tpu.wait_dma2 semaphore(%arg14 : memref<!tpu.dma_semaphore, #tpu.memory_space<semaphore_mem>>) src(%dma_wait3A_73 : memref<64x128xf32, #tpu.memory_space<vmem>>) dst(%dma_wait3A_69 : memref<64x128xf32, #tpu.memory_space<vmem_shared>>)
    } else {
    }
    %barrier3A_8 = arith.constant 0 : index
    tpu.barrier barrier_id(%barrier3A_8)
    %mul3A_9 = arith.constant 632 : i32
    %mul3A_10 = arith.muli %arg1, %mul3A_9 : i32
    %mul3A_11 = arith.constant 632 : i32
    %mul3A_12 = arith.muli %arg1, %mul3A_11 : i32
    "tpu.region"() ({
      %run_scoped3A = tpu.sem_alloc : memref<!tpu.dma_semaphore, #tpu.memory_space<semaphore_mem>>
      %dma_start3A = arith.constant 0 : i32
      %dma_start3A_13 = tpu.memref_slice %arg6[%arg0, %mul3A_12, %dma_start3A] : memref<2x10112x128xf32, #tpu.memory_space<hbm>> -> memref<1x632x128xf32, #tpu.memory_space<hbm>>
      %dma_start3A_14 = tpu.memref_squeeze %dma_start3A_13 : memref<1x632x128xf32, #tpu.memory_space<hbm>> -> memref<632x128xf32, #tpu.memory_space<hbm>>
      %dma_start3A_15 = arith.constant 0 : i32
      %dma_start3A_16 = tpu.memref_slice %arg7[%mul3A_10, %dma_start3A_15] : memref<10112x128xf32, #tpu.memory_space<vmem_shared>> -> memref<632x128xf32, #tpu.memory_space<vmem_shared>>
      tpu.enqueue_dma source(%dma_start3A_16 : memref<632x128xf32, #tpu.memory_space<vmem_shared>>) target(%dma_start3A_14 : memref<632x128xf32, #tpu.memory_space<hbm>>) target_semaphore(%run_scoped3A : memref<!tpu.dma_semaphore, #tpu.memory_space<semaphore_mem>>)
      %dma_wait3A = arith.constant 0 : i32
      %dma_wait3A_17 = tpu.memref_slice %arg6[%arg0, %mul3A_12, %dma_wait3A] : memref<2x10112x128xf32, #tpu.memory_space<hbm>> -> memref<1x632x128xf32, #tpu.memory_space<hbm>>
      %dma_wait3A_18 = tpu.memref_squeeze %dma_wait3A_17 : memref<1x632x128xf32, #tpu.memory_space<hbm>> -> memref<632x128xf32, #tpu.memory_space<hbm>>
      %dma_wait3A_19 = arith.constant 0 : i32
      %dma_wait3A_20 = tpu.memref_slice %arg7[%mul3A_10, %dma_wait3A_19] : memref<10112x128xf32, #tpu.memory_space<vmem_shared>> -> memref<632x128xf32, #tpu.memory_space<vmem_shared>>
      tpu.wait_dma2 semaphore(%run_scoped3A : memref<!tpu.dma_semaphore, #tpu.memory_space<semaphore_mem>>) src(%dma_wait3A_20 : memref<632x128xf32, #tpu.memory_space<vmem_shared>>) dst(%dma_wait3A_18 : memref<632x128xf32, #tpu.memory_space<hbm>>)
      tpu.yield
    }) : () -> ()
    return
  }
}

#map = affine_map<(d0, d1) -> (0, 0)>
#map1 = affine_map<(d0, d1) -> (0, 0, 0)>
module attributes {stable_mosaic.version = 14 : i64} {
  func.func @_mp_body(%arg0: i32, %arg1: i32, %arg2: memref<10112x128xf32, #tpu.memory_space<hbm>>, %arg3: memref<5120x64xi32, #tpu.memory_space<hbm>>, %arg4: memref<5120x64xi32, #tpu.memory_space<hbm>>, %arg5: memref<632x128xf32, #tpu.memory_space<hbm>>, %arg6: memref<2x10112x128xf32, #tpu.memory_space<hbm>>, %arg7: memref<10112x128xf32, #tpu.memory_space<vmem_shared>>, %arg8: memref<112x64xi32, #tpu.memory_space<vmem>>, %arg9: memref<112x64xi32, #tpu.memory_space<vmem>>, %arg10: memref<2x64x128xf32, #tpu.memory_space<vmem>>, %arg11: memref<!tpu.dma_semaphore, #tpu.memory_space<semaphore_mem>>, %arg12: memref<!tpu.dma_semaphore, #tpu.memory_space<semaphore_mem>>, %arg13: memref<!tpu.dma_semaphore, #tpu.memory_space<semaphore_mem>>, %arg14: memref<!tpu.dma_semaphore, #tpu.memory_space<semaphore_mem>>) attributes {dimension_semantics = [#tpu.dimension_semantics<core_parallel>, #tpu.dimension_semantics<subcore_parallel>], iteration_bounds = array<i64: 2, 16>, scalar_prefetch = 0 : i64, scratch_operands = 8 : i64, tpu.core_type = #tpu.core_type<sc_vector_subcore>, window_params = [{transform_indices = #map}, {transform_indices = #map}, {transform_indices = #map}, {transform_indices = #map}, {transform_indices = #map1}]} {
    %mul3A = arith.constant 632 : i32
    %mul3A_0 = arith.muli %arg1, %mul3A : i32
    "tpu.region"() ({
      %run_scoped3A = tpu.sem_alloc : memref<!tpu.dma_semaphore, #tpu.memory_space<semaphore_mem>>
      %dma_start3A = arith.constant 0 : i32
      %dma_start3A_13 = tpu.memref_slice %arg7[%mul3A_0, %dma_start3A] : memref<10112x128xf32, #tpu.memory_space<vmem_shared>> -> memref<632x128xf32, #tpu.memory_space<vmem_shared>>
      tpu.enqueue_dma source(%arg5 : memref<632x128xf32, #tpu.memory_space<hbm>>) target(%dma_start3A_13 : memref<632x128xf32, #tpu.memory_space<vmem_shared>>) target_semaphore(%run_scoped3A : memref<!tpu.dma_semaphore, #tpu.memory_space<semaphore_mem>>)
      %dma_wait3A = arith.constant 0 : i32
      %dma_wait3A_14 = tpu.memref_slice %arg7[%mul3A_0, %dma_wait3A] : memref<10112x128xf32, #tpu.memory_space<vmem_shared>> -> memref<632x128xf32, #tpu.memory_space<vmem_shared>>
      tpu.wait_dma2 semaphore(%run_scoped3A : memref<!tpu.dma_semaphore, #tpu.memory_space<semaphore_mem>>) src(%arg5 : memref<632x128xf32, #tpu.memory_space<hbm>>) dst(%dma_wait3A_14 : memref<632x128xf32, #tpu.memory_space<vmem_shared>>)
      tpu.yield
    }) : () -> ()
    %barrier3A = arith.constant 0 : index
    tpu.barrier barrier_id(%barrier3A)
    %eq3A = arith.constant 0 : i32
    %eq3A_1 = arith.cmpi eq, %arg0, %eq3A : i32
    %convert_element_type3A = arith.extui %eq3A_1 : i1 to i32
    %cond3A = arith.constant 0 : i32
    %cond3A_2 = arith.cmpi ne, %convert_element_type3A, %cond3A : i32
    scf.if %cond3A_2 {
      %mul3A_13 = arith.constant 272 : i32
      %mul3A_14 = arith.muli %arg1, %mul3A_13 : i32
      %add3A = arith.constant 0 : i32
      %add3A_15 = arith.addi %mul3A_14, %add3A : i32
      "tpu.region"() ({
        %run_scoped3A = tpu.sem_alloc : memref<!tpu.dma_semaphore, #tpu.memory_space<semaphore_mem>>
        %dma_start3A_194 = arith.constant 0 : i32
        %dma_start3A_195 = arith.constant 0 : i32
        %dma_start3A_196 = tpu.memref_slice %arg8[%dma_start3A_194, %dma_start3A_195] : memref<112x64xi32, #tpu.memory_space<vmem>> -> memref<112x64xi32, #tpu.memory_space<vmem>>
        %dma_start3A_197 = arith.constant 0 : i32
        %dma_start3A_198 = tpu.memref_slice %arg3[%add3A_15, %dma_start3A_197] : memref<5120x64xi32, #tpu.memory_space<hbm>> -> memref<112x64xi32, #tpu.memory_space<hbm>>
        %dma_start3A_199 = arith.constant 0 : i32
        %dma_start3A_200 = arith.constant 0 : i32
        %dma_start3A_201 = tpu.memref_slice %arg8[%dma_start3A_199, %dma_start3A_200] : memref<112x64xi32, #tpu.memory_space<vmem>> -> memref<112x64xi32, #tpu.memory_space<vmem>>
        %dma_start3A_202 = arith.constant 0 : i32
        %dma_start3A_203 = tpu.memref_slice %arg3[%add3A_15, %dma_start3A_202] : memref<5120x64xi32, #tpu.memory_space<hbm>> -> memref<112x64xi32, #tpu.memory_space<hbm>>
        tpu.enqueue_dma source(%dma_start3A_203 : memref<112x64xi32, #tpu.memory_space<hbm>>) target(%dma_start3A_201 : memref<112x64xi32, #tpu.memory_space<vmem>>) target_semaphore(%run_scoped3A : memref<!tpu.dma_semaphore, #tpu.memory_space<semaphore_mem>>)
        %dma_wait3A_204 = arith.constant 0 : i32
        %dma_wait3A_205 = arith.constant 0 : i32
        %dma_wait3A_206 = tpu.memref_slice %arg8[%dma_wait3A_204, %dma_wait3A_205] : memref<112x64xi32, #tpu.memory_space<vmem>> -> memref<112x64xi32, #tpu.memory_space<vmem>>
        %dma_wait3A_207 = arith.constant 0 : i32
        %dma_wait3A_208 = tpu.memref_slice %arg3[%add3A_15, %dma_wait3A_207] : memref<5120x64xi32, #tpu.memory_space<hbm>> -> memref<112x64xi32, #tpu.memory_space<hbm>>
        %dma_wait3A_209 = arith.constant 0 : i32
        %dma_wait3A_210 = arith.constant 0 : i32
        %dma_wait3A_211 = tpu.memref_slice %arg8[%dma_wait3A_209, %dma_wait3A_210] : memref<112x64xi32, #tpu.memory_space<vmem>> -> memref<112x64xi32, #tpu.memory_space<vmem>>
        %dma_wait3A_212 = arith.constant 0 : i32
        %dma_wait3A_213 = tpu.memref_slice %arg3[%add3A_15, %dma_wait3A_212] : memref<5120x64xi32, #tpu.memory_space<hbm>> -> memref<112x64xi32, #tpu.memory_space<hbm>>
        tpu.wait_dma2 semaphore(%run_scoped3A : memref<!tpu.dma_semaphore, #tpu.memory_space<semaphore_mem>>) src(%dma_wait3A_213 : memref<112x64xi32, #tpu.memory_space<hbm>>) dst(%dma_wait3A_211 : memref<112x64xi32, #tpu.memory_space<vmem>>)
        tpu.yield
      }) : () -> ()
      "tpu.region"() ({
        %run_scoped3A = tpu.sem_alloc : memref<!tpu.dma_semaphore, #tpu.memory_space<semaphore_mem>>
        %dma_start3A_194 = arith.constant 0 : i32
        %dma_start3A_195 = arith.constant 0 : i32
        %dma_start3A_196 = tpu.memref_slice %arg9[%dma_start3A_194, %dma_start3A_195] : memref<112x64xi32, #tpu.memory_space<vmem>> -> memref<112x64xi32, #tpu.memory_space<vmem>>
        %dma_start3A_197 = arith.constant 0 : i32
        %dma_start3A_198 = tpu.memref_slice %arg4[%add3A_15, %dma_start3A_197] : memref<5120x64xi32, #tpu.memory_space<hbm>> -> memref<112x64xi32, #tpu.memory_space<hbm>>
        %dma_start3A_199 = arith.constant 0 : i32
        %dma_start3A_200 = arith.constant 0 : i32
        %dma_start3A_201 = tpu.memref_slice %arg9[%dma_start3A_199, %dma_start3A_200] : memref<112x64xi32, #tpu.memory_space<vmem>> -> memref<112x64xi32, #tpu.memory_space<vmem>>
        %dma_start3A_202 = arith.constant 0 : i32
        %dma_start3A_203 = tpu.memref_slice %arg4[%add3A_15, %dma_start3A_202] : memref<5120x64xi32, #tpu.memory_space<hbm>> -> memref<112x64xi32, #tpu.memory_space<hbm>>
        tpu.enqueue_dma source(%dma_start3A_203 : memref<112x64xi32, #tpu.memory_space<hbm>>) target(%dma_start3A_201 : memref<112x64xi32, #tpu.memory_space<vmem>>) target_semaphore(%run_scoped3A : memref<!tpu.dma_semaphore, #tpu.memory_space<semaphore_mem>>)
        %dma_wait3A_204 = arith.constant 0 : i32
        %dma_wait3A_205 = arith.constant 0 : i32
        %dma_wait3A_206 = tpu.memref_slice %arg9[%dma_wait3A_204, %dma_wait3A_205] : memref<112x64xi32, #tpu.memory_space<vmem>> -> memref<112x64xi32, #tpu.memory_space<vmem>>
        %dma_wait3A_207 = arith.constant 0 : i32
        %dma_wait3A_208 = tpu.memref_slice %arg4[%add3A_15, %dma_wait3A_207] : memref<5120x64xi32, #tpu.memory_space<hbm>> -> memref<112x64xi32, #tpu.memory_space<hbm>>
        %dma_wait3A_209 = arith.constant 0 : i32
        %dma_wait3A_210 = arith.constant 0 : i32
        %dma_wait3A_211 = tpu.memref_slice %arg9[%dma_wait3A_209, %dma_wait3A_210] : memref<112x64xi32, #tpu.memory_space<vmem>> -> memref<112x64xi32, #tpu.memory_space<vmem>>
        %dma_wait3A_212 = arith.constant 0 : i32
        %dma_wait3A_213 = tpu.memref_slice %arg4[%add3A_15, %dma_wait3A_212] : memref<5120x64xi32, #tpu.memory_space<hbm>> -> memref<112x64xi32, #tpu.memory_space<hbm>>
        tpu.wait_dma2 semaphore(%run_scoped3A : memref<!tpu.dma_semaphore, #tpu.memory_space<semaphore_mem>>) src(%dma_wait3A_213 : memref<112x64xi32, #tpu.memory_space<hbm>>) dst(%dma_wait3A_211 : memref<112x64xi32, #tpu.memory_space<vmem>>)
        tpu.yield
      }) : () -> ()
      %dma_start3A = arith.constant 0 : i32
      %dma_start3A_16 = arith.constant 0 : i32
      %dma_start3A_17 = arith.constant 0 : i32
      %dma_start3A_18 = arith.constant 0 : i32
      %dma_start3A_19 = tpu.memref_slice %arg10[%dma_start3A_16, %dma_start3A_17, %dma_start3A_18] : memref<2x64x128xf32, #tpu.memory_space<vmem>> -> memref<1x64x128xf32, #tpu.memory_space<vmem>>
      %dma_start3A_20 = tpu.memref_squeeze %dma_start3A_19 : memref<1x64x128xf32, #tpu.memory_space<vmem>> -> memref<64x128xf32, #tpu.memory_space<vmem>>
      %dma_start3A_21 = arith.constant 0 : i32
      %dma_start3A_22 = tpu.memref_slice %arg8[%dma_start3A, %dma_start3A_21] : memref<112x64xi32, #tpu.memory_space<vmem>> -> memref<1x64xi32, #tpu.memory_space<vmem>>
      %dma_start3A_23 = tpu.memref_squeeze %dma_start3A_22 : memref<1x64xi32, #tpu.memory_space<vmem>> -> memref<64xi32, #tpu.memory_space<vmem>>
      %dma_start3A_24 = arith.constant 0 : i32
      %dma_start3A_25 = arith.constant 0 : i32
      %dma_start3A_26 = tpu.memref_slice %arg2[%dma_start3A_24, %dma_start3A_25] : memref<10112x128xf32, #tpu.memory_space<hbm>> -> memref<10112x128xf32, #tpu.memory_space<hbm>>
      tpu.enqueue_indirect_dma source(%dma_start3A_26 : memref<10112x128xf32, #tpu.memory_space<hbm>>) target(%dma_start3A_20 : memref<64x128xf32, #tpu.memory_space<vmem>>) offsets(%dma_start3A_23 : memref<64xi32, #tpu.memory_space<vmem>>) semaphore(%arg11 : memref<!tpu.dma_semaphore, #tpu.memory_space<semaphore_mem>>)
      %dma_start3A_27 = arith.constant 1 : i32
      %dma_start3A_28 = arith.constant 1 : i32
      %dma_start3A_29 = arith.constant 0 : i32
      %dma_start3A_30 = arith.constant 0 : i32
      %dma_start3A_31 = tpu.memref_slice %arg10[%dma_start3A_28, %dma_start3A_29, %dma_start3A_30] : memref<2x64x128xf32, #tpu.memory_space<vmem>> -> memref<1x64x128xf32, #tpu.memory_space<vmem>>
      %dma_start3A_32 = tpu.memref_squeeze %dma_start3A_31 : memref<1x64x128xf32, #tpu.memory_space<vmem>> -> memref<64x128xf32, #tpu.memory_space<vmem>>
      %dma_start3A_33 = arith.constant 0 : i32
      %dma_start3A_34 = tpu.memref_slice %arg8[%dma_start3A_27, %dma_start3A_33] : memref<112x64xi32, #tpu.memory_space<vmem>> -> memref<1x64xi32, #tpu.memory_space<vmem>>
      %dma_start3A_35 = tpu.memref_squeeze %dma_start3A_34 : memref<1x64xi32, #tpu.memory_space<vmem>> -> memref<64xi32, #tpu.memory_space<vmem>>
      %dma_start3A_36 = arith.constant 0 : i32
      %dma_start3A_37 = arith.constant 0 : i32
      %dma_start3A_38 = tpu.memref_slice %arg2[%dma_start3A_36, %dma_start3A_37] : memref<10112x128xf32, #tpu.memory_space<hbm>> -> memref<10112x128xf32, #tpu.memory_space<hbm>>
      tpu.enqueue_indirect_dma source(%dma_start3A_38 : memref<10112x128xf32, #tpu.memory_space<hbm>>) target(%dma_start3A_32 : memref<64x128xf32, #tpu.memory_space<vmem>>) offsets(%dma_start3A_35 : memref<64xi32, #tpu.memory_space<vmem>>) semaphore(%arg12 : memref<!tpu.dma_semaphore, #tpu.memory_space<semaphore_mem>>)
      %scan3A = arith.constant 0 : i32
      %scan3A_39 = arith.constant 56 : i32
      %scan3A_40 = arith.addi %scan3A, %scan3A_39 : i32
      %scan3A_41 = arith.constant 1 : i32
      scf.for %scan3A_194 = %scan3A to %scan3A_40 step %scan3A_41  : i32 {
        %mul3A_195 = arith.constant 2 : i32
        %mul3A_196 = arith.muli %scan3A_194, %mul3A_195 : i32
        %add3A_197 = arith.constant 0 : i32
        %add3A_198 = arith.addi %add3A_197, %mul3A_196 : i32
        %dma_wait3A_199 = arith.constant 0 : i32
        %dma_wait3A_200 = arith.constant 0 : i32
        %dma_wait3A_201 = arith.constant 0 : i32
        %dma_wait3A_202 = tpu.memref_slice %arg10[%dma_wait3A_199, %dma_wait3A_200, %dma_wait3A_201] : memref<2x64x128xf32, #tpu.memory_space<vmem>> -> memref<1x64x128xf32, #tpu.memory_space<vmem>>
        %dma_wait3A_203 = tpu.memref_squeeze %dma_wait3A_202 : memref<1x64x128xf32, #tpu.memory_space<vmem>> -> memref<64x128xf32, #tpu.memory_space<vmem>>
        %dma_wait3A_204 = arith.constant 0 : i32
        %dma_wait3A_205 = arith.constant 0 : i32
        %dma_wait3A_206 = tpu.memref_slice %arg2[%dma_wait3A_204, %dma_wait3A_205] : memref<10112x128xf32, #tpu.memory_space<hbm>> -> memref<64x128xf32, #tpu.memory_space<hbm>>
        %dma_wait3A_207 = arith.constant 0 : i32
        %dma_wait3A_208 = arith.constant 0 : i32
        %dma_wait3A_209 = tpu.memref_slice %arg10[%dma_wait3A_199, %dma_wait3A_207, %dma_wait3A_208] : memref<2x64x128xf32, #tpu.memory_space<vmem>> -> memref<1x64x128xf32, #tpu.memory_space<vmem>>
        %dma_wait3A_210 = tpu.memref_squeeze %dma_wait3A_209 : memref<1x64x128xf32, #tpu.memory_space<vmem>> -> memref<64x128xf32, #tpu.memory_space<vmem>>
        %dma_wait3A_211 = arith.constant 0 : i32
        %dma_wait3A_212 = arith.constant 0 : i32
        %dma_wait3A_213 = tpu.memref_slice %arg2[%dma_wait3A_211, %dma_wait3A_212] : memref<10112x128xf32, #tpu.memory_space<hbm>> -> memref<64x128xf32, #tpu.memory_space<hbm>>
        tpu.wait_dma2 semaphore(%arg11 : memref<!tpu.dma_semaphore, #tpu.memory_space<semaphore_mem>>) src(%dma_wait3A_213 : memref<64x128xf32, #tpu.memory_space<hbm>>) dst(%dma_wait3A_210 : memref<64x128xf32, #tpu.memory_space<vmem>>)
        %add3A_214 = arith.constant 0 : i32
        %add3A_215 = arith.addi %add3A_198, %add3A_214 : i32
        %dma_start3A_216 = arith.constant 0 : i32
        %dma_start3A_217 = arith.constant 0 : i32
        %dma_start3A_218 = arith.constant 0 : i32
        %dma_start3A_219 = tpu.memref_slice %arg10[%dma_start3A_216, %dma_start3A_217, %dma_start3A_218] : memref<2x64x128xf32, #tpu.memory_space<vmem>> -> memref<1x64x128xf32, #tpu.memory_space<vmem>>
        %dma_start3A_220 = tpu.memref_squeeze %dma_start3A_219 : memref<1x64x128xf32, #tpu.memory_space<vmem>> -> memref<64x128xf32, #tpu.memory_space<vmem>>
        %dma_start3A_221 = arith.constant 0 : i32
        %dma_start3A_222 = tpu.memref_slice %arg9[%add3A_215, %dma_start3A_221] : memref<112x64xi32, #tpu.memory_space<vmem>> -> memref<1x64xi32, #tpu.memory_space<vmem>>
        %dma_start3A_223 = tpu.memref_squeeze %dma_start3A_222 : memref<1x64xi32, #tpu.memory_space<vmem>> -> memref<64xi32, #tpu.memory_space<vmem>>
        %dma_start3A_224 = arith.constant 0 : i32
        %dma_start3A_225 = arith.constant 0 : i32
        %dma_start3A_226 = tpu.memref_slice %arg7[%dma_start3A_224, %dma_start3A_225] : memref<10112x128xf32, #tpu.memory_space<vmem_shared>> -> memref<10112x128xf32, #tpu.memory_space<vmem_shared>>
        tpu.enqueue_indirect_dma source(%dma_start3A_220 : memref<64x128xf32, #tpu.memory_space<vmem>>) target(%dma_start3A_226 : memref<10112x128xf32, #tpu.memory_space<vmem_shared>>) offsets(%dma_start3A_223 : memref<64xi32, #tpu.memory_space<vmem>>) semaphore(%arg13 : memref<!tpu.dma_semaphore, #tpu.memory_space<semaphore_mem>>) {add = true}
        %dma_wait3A_227 = arith.constant 1 : i32
        %dma_wait3A_228 = arith.constant 0 : i32
        %dma_wait3A_229 = arith.constant 0 : i32
        %dma_wait3A_230 = tpu.memref_slice %arg10[%dma_wait3A_227, %dma_wait3A_228, %dma_wait3A_229] : memref<2x64x128xf32, #tpu.memory_space<vmem>> -> memref<1x64x128xf32, #tpu.memory_space<vmem>>
        %dma_wait3A_231 = tpu.memref_squeeze %dma_wait3A_230 : memref<1x64x128xf32, #tpu.memory_space<vmem>> -> memref<64x128xf32, #tpu.memory_space<vmem>>
        %dma_wait3A_232 = arith.constant 0 : i32
        %dma_wait3A_233 = arith.constant 0 : i32
        %dma_wait3A_234 = tpu.memref_slice %arg2[%dma_wait3A_232, %dma_wait3A_233] : memref<10112x128xf32, #tpu.memory_space<hbm>> -> memref<64x128xf32, #tpu.memory_space<hbm>>
        %dma_wait3A_235 = arith.constant 0 : i32
        %dma_wait3A_236 = arith.constant 0 : i32
        %dma_wait3A_237 = tpu.memref_slice %arg10[%dma_wait3A_227, %dma_wait3A_235, %dma_wait3A_236] : memref<2x64x128xf32, #tpu.memory_space<vmem>> -> memref<1x64x128xf32, #tpu.memory_space<vmem>>
        %dma_wait3A_238 = tpu.memref_squeeze %dma_wait3A_237 : memref<1x64x128xf32, #tpu.memory_space<vmem>> -> memref<64x128xf32, #tpu.memory_space<vmem>>
        %dma_wait3A_239 = arith.constant 0 : i32
        %dma_wait3A_240 = arith.constant 0 : i32
        %dma_wait3A_241 = tpu.memref_slice %arg2[%dma_wait3A_239, %dma_wait3A_240] : memref<10112x128xf32, #tpu.memory_space<hbm>> -> memref<64x128xf32, #tpu.memory_space<hbm>>
        tpu.wait_dma2 semaphore(%arg12 : memref<!tpu.dma_semaphore, #tpu.memory_space<semaphore_mem>>) src(%dma_wait3A_241 : memref<64x128xf32, #tpu.memory_space<hbm>>) dst(%dma_wait3A_238 : memref<64x128xf32, #tpu.memory_space<vmem>>)
        %add3A_242 = arith.constant 1 : i32
        %add3A_243 = arith.addi %add3A_198, %add3A_242 : i32
        %dma_start3A_244 = arith.constant 1 : i32
        %dma_start3A_245 = arith.constant 0 : i32
        %dma_start3A_246 = arith.constant 0 : i32
        %dma_start3A_247 = tpu.memref_slice %arg10[%dma_start3A_244, %dma_start3A_245, %dma_start3A_246] : memref<2x64x128xf32, #tpu.memory_space<vmem>> -> memref<1x64x128xf32, #tpu.memory_space<vmem>>
        %dma_start3A_248 = tpu.memref_squeeze %dma_start3A_247 : memref<1x64x128xf32, #tpu.memory_space<vmem>> -> memref<64x128xf32, #tpu.memory_space<vmem>>
        %dma_start3A_249 = arith.constant 0 : i32
        %dma_start3A_250 = tpu.memref_slice %arg9[%add3A_243, %dma_start3A_249] : memref<112x64xi32, #tpu.memory_space<vmem>> -> memref<1x64xi32, #tpu.memory_space<vmem>>
        %dma_start3A_251 = tpu.memref_squeeze %dma_start3A_250 : memref<1x64xi32, #tpu.memory_space<vmem>> -> memref<64xi32, #tpu.memory_space<vmem>>
        %dma_start3A_252 = arith.constant 0 : i32
        %dma_start3A_253 = arith.constant 0 : i32
        %dma_start3A_254 = tpu.memref_slice %arg7[%dma_start3A_252, %dma_start3A_253] : memref<10112x128xf32, #tpu.memory_space<vmem_shared>> -> memref<10112x128xf32, #tpu.memory_space<vmem_shared>>
        tpu.enqueue_indirect_dma source(%dma_start3A_248 : memref<64x128xf32, #tpu.memory_space<vmem>>) target(%dma_start3A_254 : memref<10112x128xf32, #tpu.memory_space<vmem_shared>>) offsets(%dma_start3A_251 : memref<64xi32, #tpu.memory_space<vmem>>) semaphore(%arg14 : memref<!tpu.dma_semaphore, #tpu.memory_space<semaphore_mem>>) {add = true}
        %add3A_255 = arith.constant 0 : i32
        %add3A_256 = arith.addi %add3A_198, %add3A_255 : i32
        %add3A_257 = arith.constant 2 : i32
        %add3A_258 = arith.addi %add3A_256, %add3A_257 : i32
        %lt3A = arith.constant 112 : i32
        %lt3A_259 = arith.cmpi slt, %add3A_258, %lt3A : i32
        %convert_element_type3A_260 = arith.extui %lt3A_259 : i1 to i32
        %cond3A_261 = arith.constant 0 : i32
        %cond3A_262 = arith.cmpi ne, %convert_element_type3A_260, %cond3A_261 : i32
        scf.if %cond3A_262 {
          %dma_wait3A_272 = arith.constant 0 : i32
          %dma_wait3A_273 = arith.constant 0 : i32
          %dma_wait3A_274 = arith.constant 0 : i32
          %dma_wait3A_275 = tpu.memref_slice %arg10[%dma_wait3A_272, %dma_wait3A_273, %dma_wait3A_274] : memref<2x64x128xf32, #tpu.memory_space<vmem>> -> memref<1x64x128xf32, #tpu.memory_space<vmem>>
          %dma_wait3A_276 = tpu.memref_squeeze %dma_wait3A_275 : memref<1x64x128xf32, #tpu.memory_space<vmem>> -> memref<64x128xf32, #tpu.memory_space<vmem>>
          %dma_wait3A_277 = arith.constant 0 : i32
          %dma_wait3A_278 = arith.constant 0 : i32
          %dma_wait3A_279 = tpu.memref_slice %arg7[%dma_wait3A_277, %dma_wait3A_278] : memref<10112x128xf32, #tpu.memory_space<vmem_shared>> -> memref<64x128xf32, #tpu.memory_space<vmem_shared>>
          %dma_wait3A_280 = arith.constant 0 : i32
          %dma_wait3A_281 = arith.constant 0 : i32
          %dma_wait3A_282 = tpu.memref_slice %arg7[%dma_wait3A_280, %dma_wait3A_281] : memref<10112x128xf32, #tpu.memory_space<vmem_shared>> -> memref<64x128xf32, #tpu.memory_space<vmem_shared>>
          %dma_wait3A_283 = arith.constant 0 : i32
          %dma_wait3A_284 = arith.constant 0 : i32
          %dma_wait3A_285 = tpu.memref_slice %arg10[%dma_wait3A_272, %dma_wait3A_283, %dma_wait3A_284] : memref<2x64x128xf32, #tpu.memory_space<vmem>> -> memref<1x64x128xf32, #tpu.memory_space<vmem>>
          %dma_wait3A_286 = tpu.memref_squeeze %dma_wait3A_285 : memref<1x64x128xf32, #tpu.memory_space<vmem>> -> memref<64x128xf32, #tpu.memory_space<vmem>>
          tpu.wait_dma2 semaphore(%arg13 : memref<!tpu.dma_semaphore, #tpu.memory_space<semaphore_mem>>) src(%dma_wait3A_286 : memref<64x128xf32, #tpu.memory_space<vmem>>) dst(%dma_wait3A_282 : memref<64x128xf32, #tpu.memory_space<vmem_shared>>)
          %dma_start3A_287 = arith.constant 0 : i32
          %dma_start3A_288 = arith.constant 0 : i32
          %dma_start3A_289 = arith.constant 0 : i32
          %dma_start3A_290 = tpu.memref_slice %arg10[%dma_start3A_287, %dma_start3A_288, %dma_start3A_289] : memref<2x64x128xf32, #tpu.memory_space<vmem>> -> memref<1x64x128xf32, #tpu.memory_space<vmem>>
          %dma_start3A_291 = tpu.memref_squeeze %dma_start3A_290 : memref<1x64x128xf32, #tpu.memory_space<vmem>> -> memref<64x128xf32, #tpu.memory_space<vmem>>
          %dma_start3A_292 = arith.constant 0 : i32
          %dma_start3A_293 = tpu.memref_slice %arg8[%add3A_258, %dma_start3A_292] : memref<112x64xi32, #tpu.memory_space<vmem>> -> memref<1x64xi32, #tpu.memory_space<vmem>>
          %dma_start3A_294 = tpu.memref_squeeze %dma_start3A_293 : memref<1x64xi32, #tpu.memory_space<vmem>> -> memref<64xi32, #tpu.memory_space<vmem>>
          %dma_start3A_295 = arith.constant 0 : i32
          %dma_start3A_296 = arith.constant 0 : i32
          %dma_start3A_297 = tpu.memref_slice %arg2[%dma_start3A_295, %dma_start3A_296] : memref<10112x128xf32, #tpu.memory_space<hbm>> -> memref<10112x128xf32, #tpu.memory_space<hbm>>
          tpu.enqueue_indirect_dma source(%dma_start3A_297 : memref<10112x128xf32, #tpu.memory_space<hbm>>) target(%dma_start3A_291 : memref<64x128xf32, #tpu.memory_space<vmem>>) offsets(%dma_start3A_294 : memref<64xi32, #tpu.memory_space<vmem>>) semaphore(%arg11 : memref<!tpu.dma_semaphore, #tpu.memory_space<semaphore_mem>>)
        } else {
        }
        %add3A_263 = arith.constant 1 : i32
        %add3A_264 = arith.addi %add3A_198, %add3A_263 : i32
        %add3A_265 = arith.constant 2 : i32
        %add3A_266 = arith.addi %add3A_264, %add3A_265 : i32
        %lt3A_267 = arith.constant 112 : i32
        %lt3A_268 = arith.cmpi slt, %add3A_266, %lt3A_267 : i32
        %convert_element_type3A_269 = arith.extui %lt3A_268 : i1 to i32
        %cond3A_270 = arith.constant 0 : i32
        %cond3A_271 = arith.cmpi ne, %convert_element_type3A_269, %cond3A_270 : i32
        scf.if %cond3A_271 {
          %dma_wait3A_272 = arith.constant 1 : i32
          %dma_wait3A_273 = arith.constant 0 : i32
          %dma_wait3A_274 = arith.constant 0 : i32
          %dma_wait3A_275 = tpu.memref_slice %arg10[%dma_wait3A_272, %dma_wait3A_273, %dma_wait3A_274] : memref<2x64x128xf32, #tpu.memory_space<vmem>> -> memref<1x64x128xf32, #tpu.memory_space<vmem>>
          %dma_wait3A_276 = tpu.memref_squeeze %dma_wait3A_275 : memref<1x64x128xf32, #tpu.memory_space<vmem>> -> memref<64x128xf32, #tpu.memory_space<vmem>>
          %dma_wait3A_277 = arith.constant 0 : i32
          %dma_wait3A_278 = arith.constant 0 : i32
          %dma_wait3A_279 = tpu.memref_slice %arg7[%dma_wait3A_277, %dma_wait3A_278] : memref<10112x128xf32, #tpu.memory_space<vmem_shared>> -> memref<64x128xf32, #tpu.memory_space<vmem_shared>>
          %dma_wait3A_280 = arith.constant 0 : i32
          %dma_wait3A_281 = arith.constant 0 : i32
          %dma_wait3A_282 = tpu.memref_slice %arg7[%dma_wait3A_280, %dma_wait3A_281] : memref<10112x128xf32, #tpu.memory_space<vmem_shared>> -> memref<64x128xf32, #tpu.memory_space<vmem_shared>>
          %dma_wait3A_283 = arith.constant 0 : i32
          %dma_wait3A_284 = arith.constant 0 : i32
          %dma_wait3A_285 = tpu.memref_slice %arg10[%dma_wait3A_272, %dma_wait3A_283, %dma_wait3A_284] : memref<2x64x128xf32, #tpu.memory_space<vmem>> -> memref<1x64x128xf32, #tpu.memory_space<vmem>>
          %dma_wait3A_286 = tpu.memref_squeeze %dma_wait3A_285 : memref<1x64x128xf32, #tpu.memory_space<vmem>> -> memref<64x128xf32, #tpu.memory_space<vmem>>
          tpu.wait_dma2 semaphore(%arg14 : memref<!tpu.dma_semaphore, #tpu.memory_space<semaphore_mem>>) src(%dma_wait3A_286 : memref<64x128xf32, #tpu.memory_space<vmem>>) dst(%dma_wait3A_282 : memref<64x128xf32, #tpu.memory_space<vmem_shared>>)
          %dma_start3A_287 = arith.constant 1 : i32
          %dma_start3A_288 = arith.constant 0 : i32
          %dma_start3A_289 = arith.constant 0 : i32
          %dma_start3A_290 = tpu.memref_slice %arg10[%dma_start3A_287, %dma_start3A_288, %dma_start3A_289] : memref<2x64x128xf32, #tpu.memory_space<vmem>> -> memref<1x64x128xf32, #tpu.memory_space<vmem>>
          %dma_start3A_291 = tpu.memref_squeeze %dma_start3A_290 : memref<1x64x128xf32, #tpu.memory_space<vmem>> -> memref<64x128xf32, #tpu.memory_space<vmem>>
          %dma_start3A_292 = arith.constant 0 : i32
          %dma_start3A_293 = tpu.memref_slice %arg8[%add3A_266, %dma_start3A_292] : memref<112x64xi32, #tpu.memory_space<vmem>> -> memref<1x64xi32, #tpu.memory_space<vmem>>
          %dma_start3A_294 = tpu.memref_squeeze %dma_start3A_293 : memref<1x64xi32, #tpu.memory_space<vmem>> -> memref<64xi32, #tpu.memory_space<vmem>>
          %dma_start3A_295 = arith.constant 0 : i32
          %dma_start3A_296 = arith.constant 0 : i32
          %dma_start3A_297 = tpu.memref_slice %arg2[%dma_start3A_295, %dma_start3A_296] : memref<10112x128xf32, #tpu.memory_space<hbm>> -> memref<10112x128xf32, #tpu.memory_space<hbm>>
          tpu.enqueue_indirect_dma source(%dma_start3A_297 : memref<10112x128xf32, #tpu.memory_space<hbm>>) target(%dma_start3A_291 : memref<64x128xf32, #tpu.memory_space<vmem>>) offsets(%dma_start3A_294 : memref<64xi32, #tpu.memory_space<vmem>>) semaphore(%arg12 : memref<!tpu.dma_semaphore, #tpu.memory_space<semaphore_mem>>)
        } else {
        }
      }
      %scan3A_42 = arith.constant 56 : i32
      %dma_wait3A = arith.constant 0 : i32
      %dma_wait3A_43 = arith.constant 0 : i32
      %dma_wait3A_44 = arith.constant 0 : i32
      %dma_wait3A_45 = tpu.memref_slice %arg10[%dma_wait3A, %dma_wait3A_43, %dma_wait3A_44] : memref<2x64x128xf32, #tpu.memory_space<vmem>> -> memref<1x64x128xf32, #tpu.memory_space<vmem>>
      %dma_wait3A_46 = tpu.memref_squeeze %dma_wait3A_45 : memref<1x64x128xf32, #tpu.memory_space<vmem>> -> memref<64x128xf32, #tpu.memory_space<vmem>>
      %dma_wait3A_47 = arith.constant 0 : i32
      %dma_wait3A_48 = arith.constant 0 : i32
      %dma_wait3A_49 = tpu.memref_slice %arg7[%dma_wait3A_47, %dma_wait3A_48] : memref<10112x128xf32, #tpu.memory_space<vmem_shared>> -> memref<64x128xf32, #tpu.memory_space<vmem_shared>>
      %dma_wait3A_50 = arith.constant 0 : i32
      %dma_wait3A_51 = arith.constant 0 : i32
      %dma_wait3A_52 = tpu.memref_slice %arg7[%dma_wait3A_50, %dma_wait3A_51] : memref<10112x128xf32, #tpu.memory_space<vmem_shared>> -> memref<64x128xf32, #tpu.memory_space<vmem_shared>>
      %dma_wait3A_53 = arith.constant 0 : i32
      %dma_wait3A_54 = arith.constant 0 : i32
      %dma_wait3A_55 = tpu.memref_slice %arg10[%dma_wait3A, %dma_wait3A_53, %dma_wait3A_54] : memref<2x64x128xf32, #tpu.memory_space<vmem>> -> memref<1x64x128xf32, #tpu.memory_space<vmem>>
      %dma_wait3A_56 = tpu.memref_squeeze %dma_wait3A_55 : memref<1x64x128xf32, #tpu.memory_space<vmem>> -> memref<64x128xf32, #tpu.memory_space<vmem>>
      tpu.wait_dma2 semaphore(%arg13 : memref<!tpu.dma_semaphore, #tpu.memory_space<semaphore_mem>>) src(%dma_wait3A_56 : memref<64x128xf32, #tpu.memory_space<vmem>>) dst(%dma_wait3A_52 : memref<64x128xf32, #tpu.memory_space<vmem_shared>>)
      %dma_wait3A_57 = arith.constant 1 : i32
      %dma_wait3A_58 = arith.constant 0 : i32
      %dma_wait3A_59 = arith.constant 0 : i32
      %dma_wait3A_60 = tpu.memref_slice %arg10[%dma_wait3A_57, %dma_wait3A_58, %dma_wait3A_59] : memref<2x64x128xf32, #tpu.memory_space<vmem>> -> memref<1x64x128xf32, #tpu.memory_space<vmem>>
      %dma_wait3A_61 = tpu.memref_squeeze %dma_wait3A_60 : memref<1x64x128xf32, #tpu.memory_space<vmem>> -> memref<64x128xf32, #tpu.memory_space<vmem>>
      %dma_wait3A_62 = arith.constant 0 : i32
      %dma_wait3A_63 = arith.constant 0 : i32
      %dma_wait3A_64 = tpu.memref_slice %arg7[%dma_wait3A_62, %dma_wait3A_63] : memref<10112x128xf32, #tpu.memory_space<vmem_shared>> -> memref<64x128xf32, #tpu.memory_space<vmem_shared>>
      %dma_wait3A_65 = arith.constant 0 : i32
      %dma_wait3A_66 = arith.constant 0 : i32
      %dma_wait3A_67 = tpu.memref_slice %arg7[%dma_wait3A_65, %dma_wait3A_66] : memref<10112x128xf32, #tpu.memory_space<vmem_shared>> -> memref<64x128xf32, #tpu.memory_space<vmem_shared>>
      %dma_wait3A_68 = arith.constant 0 : i32
      %dma_wait3A_69 = arith.constant 0 : i32
      %dma_wait3A_70 = tpu.memref_slice %arg10[%dma_wait3A_57, %dma_wait3A_68, %dma_wait3A_69] : memref<2x64x128xf32, #tpu.memory_space<vmem>> -> memref<1x64x128xf32, #tpu.memory_space<vmem>>
      %dma_wait3A_71 = tpu.memref_squeeze %dma_wait3A_70 : memref<1x64x128xf32, #tpu.memory_space<vmem>> -> memref<64x128xf32, #tpu.memory_space<vmem>>
      tpu.wait_dma2 semaphore(%arg14 : memref<!tpu.dma_semaphore, #tpu.memory_space<semaphore_mem>>) src(%dma_wait3A_71 : memref<64x128xf32, #tpu.memory_space<vmem>>) dst(%dma_wait3A_67 : memref<64x128xf32, #tpu.memory_space<vmem_shared>>)
      %add3A_72 = arith.constant 112 : i32
      %add3A_73 = arith.addi %mul3A_14, %add3A_72 : i32
      "tpu.region"() ({
        %run_scoped3A = tpu.sem_alloc : memref<!tpu.dma_semaphore, #tpu.memory_space<semaphore_mem>>
        %dma_start3A_194 = arith.constant 0 : i32
        %dma_start3A_195 = arith.constant 0 : i32
        %dma_start3A_196 = tpu.memref_slice %arg8[%dma_start3A_194, %dma_start3A_195] : memref<112x64xi32, #tpu.memory_space<vmem>> -> memref<112x64xi32, #tpu.memory_space<vmem>>
        %dma_start3A_197 = arith.constant 0 : i32
        %dma_start3A_198 = tpu.memref_slice %arg3[%add3A_73, %dma_start3A_197] : memref<5120x64xi32, #tpu.memory_space<hbm>> -> memref<112x64xi32, #tpu.memory_space<hbm>>
        %dma_start3A_199 = arith.constant 0 : i32
        %dma_start3A_200 = arith.constant 0 : i32
        %dma_start3A_201 = tpu.memref_slice %arg8[%dma_start3A_199, %dma_start3A_200] : memref<112x64xi32, #tpu.memory_space<vmem>> -> memref<112x64xi32, #tpu.memory_space<vmem>>
        %dma_start3A_202 = arith.constant 0 : i32
        %dma_start3A_203 = tpu.memref_slice %arg3[%add3A_73, %dma_start3A_202] : memref<5120x64xi32, #tpu.memory_space<hbm>> -> memref<112x64xi32, #tpu.memory_space<hbm>>
        tpu.enqueue_dma source(%dma_start3A_203 : memref<112x64xi32, #tpu.memory_space<hbm>>) target(%dma_start3A_201 : memref<112x64xi32, #tpu.memory_space<vmem>>) target_semaphore(%run_scoped3A : memref<!tpu.dma_semaphore, #tpu.memory_space<semaphore_mem>>)
        %dma_wait3A_204 = arith.constant 0 : i32
        %dma_wait3A_205 = arith.constant 0 : i32
        %dma_wait3A_206 = tpu.memref_slice %arg8[%dma_wait3A_204, %dma_wait3A_205] : memref<112x64xi32, #tpu.memory_space<vmem>> -> memref<112x64xi32, #tpu.memory_space<vmem>>
        %dma_wait3A_207 = arith.constant 0 : i32
        %dma_wait3A_208 = tpu.memref_slice %arg3[%add3A_73, %dma_wait3A_207] : memref<5120x64xi32, #tpu.memory_space<hbm>> -> memref<112x64xi32, #tpu.memory_space<hbm>>
        %dma_wait3A_209 = arith.constant 0 : i32
        %dma_wait3A_210 = arith.constant 0 : i32
        %dma_wait3A_211 = tpu.memref_slice %arg8[%dma_wait3A_209, %dma_wait3A_210] : memref<112x64xi32, #tpu.memory_space<vmem>> -> memref<112x64xi32, #tpu.memory_space<vmem>>
        %dma_wait3A_212 = arith.constant 0 : i32
        %dma_wait3A_213 = tpu.memref_slice %arg3[%add3A_73, %dma_wait3A_212] : memref<5120x64xi32, #tpu.memory_space<hbm>> -> memref<112x64xi32, #tpu.memory_space<hbm>>
        tpu.wait_dma2 semaphore(%run_scoped3A : memref<!tpu.dma_semaphore, #tpu.memory_space<semaphore_mem>>) src(%dma_wait3A_213 : memref<112x64xi32, #tpu.memory_space<hbm>>) dst(%dma_wait3A_211 : memref<112x64xi32, #tpu.memory_space<vmem>>)
        tpu.yield
      }) : () -> ()
      "tpu.region"() ({
        %run_scoped3A = tpu.sem_alloc : memref<!tpu.dma_semaphore, #tpu.memory_space<semaphore_mem>>
        %dma_start3A_194 = arith.constant 0 : i32
        %dma_start3A_195 = arith.constant 0 : i32
        %dma_start3A_196 = tpu.memref_slice %arg9[%dma_start3A_194, %dma_start3A_195] : memref<112x64xi32, #tpu.memory_space<vmem>> -> memref<112x64xi32, #tpu.memory_space<vmem>>
        %dma_start3A_197 = arith.constant 0 : i32
        %dma_start3A_198 = tpu.memref_slice %arg4[%add3A_73, %dma_start3A_197] : memref<5120x64xi32, #tpu.memory_space<hbm>> -> memref<112x64xi32, #tpu.memory_space<hbm>>
        %dma_start3A_199 = arith.constant 0 : i32
        %dma_start3A_200 = arith.constant 0 : i32
        %dma_start3A_201 = tpu.memref_slice %arg9[%dma_start3A_199, %dma_start3A_200] : memref<112x64xi32, #tpu.memory_space<vmem>> -> memref<112x64xi32, #tpu.memory_space<vmem>>
        %dma_start3A_202 = arith.constant 0 : i32
        %dma_start3A_203 = tpu.memref_slice %arg4[%add3A_73, %dma_start3A_202] : memref<5120x64xi32, #tpu.memory_space<hbm>> -> memref<112x64xi32, #tpu.memory_space<hbm>>
        tpu.enqueue_dma source(%dma_start3A_203 : memref<112x64xi32, #tpu.memory_space<hbm>>) target(%dma_start3A_201 : memref<112x64xi32, #tpu.memory_space<vmem>>) target_semaphore(%run_scoped3A : memref<!tpu.dma_semaphore, #tpu.memory_space<semaphore_mem>>)
        %dma_wait3A_204 = arith.constant 0 : i32
        %dma_wait3A_205 = arith.constant 0 : i32
        %dma_wait3A_206 = tpu.memref_slice %arg9[%dma_wait3A_204, %dma_wait3A_205] : memref<112x64xi32, #tpu.memory_space<vmem>> -> memref<112x64xi32, #tpu.memory_space<vmem>>
        %dma_wait3A_207 = arith.constant 0 : i32
        %dma_wait3A_208 = tpu.memref_slice %arg4[%add3A_73, %dma_wait3A_207] : memref<5120x64xi32, #tpu.memory_space<hbm>> -> memref<112x64xi32, #tpu.memory_space<hbm>>
        %dma_wait3A_209 = arith.constant 0 : i32
        %dma_wait3A_210 = arith.constant 0 : i32
        %dma_wait3A_211 = tpu.memref_slice %arg9[%dma_wait3A_209, %dma_wait3A_210] : memref<112x64xi32, #tpu.memory_space<vmem>> -> memref<112x64xi32, #tpu.memory_space<vmem>>
        %dma_wait3A_212 = arith.constant 0 : i32
        %dma_wait3A_213 = tpu.memref_slice %arg4[%add3A_73, %dma_wait3A_212] : memref<5120x64xi32, #tpu.memory_space<hbm>> -> memref<112x64xi32, #tpu.memory_space<hbm>>
        tpu.wait_dma2 semaphore(%run_scoped3A : memref<!tpu.dma_semaphore, #tpu.memory_space<semaphore_mem>>) src(%dma_wait3A_213 : memref<112x64xi32, #tpu.memory_space<hbm>>) dst(%dma_wait3A_211 : memref<112x64xi32, #tpu.memory_space<vmem>>)
        tpu.yield
      }) : () -> ()
      %dma_start3A_74 = arith.constant 0 : i32
      %dma_start3A_75 = arith.constant 0 : i32
      %dma_start3A_76 = arith.constant 0 : i32
      %dma_start3A_77 = arith.constant 0 : i32
      %dma_start3A_78 = tpu.memref_slice %arg10[%dma_start3A_75, %dma_start3A_76, %dma_start3A_77] : memref<2x64x128xf32, #tpu.memory_space<vmem>> -> memref<1x64x128xf32, #tpu.memory_space<vmem>>
      %dma_start3A_79 = tpu.memref_squeeze %dma_start3A_78 : memref<1x64x128xf32, #tpu.memory_space<vmem>> -> memref<64x128xf32, #tpu.memory_space<vmem>>
      %dma_start3A_80 = arith.constant 0 : i32
      %dma_start3A_81 = tpu.memref_slice %arg8[%dma_start3A_74, %dma_start3A_80] : memref<112x64xi32, #tpu.memory_space<vmem>> -> memref<1x64xi32, #tpu.memory_space<vmem>>
      %dma_start3A_82 = tpu.memref_squeeze %dma_start3A_81 : memref<1x64xi32, #tpu.memory_space<vmem>> -> memref<64xi32, #tpu.memory_space<vmem>>
      %dma_start3A_83 = arith.constant 0 : i32
      %dma_start3A_84 = arith.constant 0 : i32
      %dma_start3A_85 = tpu.memref_slice %arg2[%dma_start3A_83, %dma_start3A_84] : memref<10112x128xf32, #tpu.memory_space<hbm>> -> memref<10112x128xf32, #tpu.memory_space<hbm>>
      tpu.enqueue_indirect_dma source(%dma_start3A_85 : memref<10112x128xf32, #tpu.memory_space<hbm>>) target(%dma_start3A_79 : memref<64x128xf32, #tpu.memory_space<vmem>>) offsets(%dma_start3A_82 : memref<64xi32, #tpu.memory_space<vmem>>) semaphore(%arg11 : memref<!tpu.dma_semaphore, #tpu.memory_space<semaphore_mem>>)
      %dma_start3A_86 = arith.constant 1 : i32
      %dma_start3A_87 = arith.constant 1 : i32
      %dma_start3A_88 = arith.constant 0 : i32
      %dma_start3A_89 = arith.constant 0 : i32
      %dma_start3A_90 = tpu.memref_slice %arg10[%dma_start3A_87, %dma_start3A_88, %dma_start3A_89] : memref<2x64x128xf32, #tpu.memory_space<vmem>> -> memref<1x64x128xf32, #tpu.memory_space<vmem>>
      %dma_start3A_91 = tpu.memref_squeeze %dma_start3A_90 : memref<1x64x128xf32, #tpu.memory_space<vmem>> -> memref<64x128xf32, #tpu.memory_space<vmem>>
      %dma_start3A_92 = arith.constant 0 : i32
      %dma_start3A_93 = tpu.memref_slice %arg8[%dma_start3A_86, %dma_start3A_92] : memref<112x64xi32, #tpu.memory_space<vmem>> -> memref<1x64xi32, #tpu.memory_space<vmem>>
      %dma_start3A_94 = tpu.memref_squeeze %dma_start3A_93 : memref<1x64xi32, #tpu.memory_space<vmem>> -> memref<64xi32, #tpu.memory_space<vmem>>
      %dma_start3A_95 = arith.constant 0 : i32
      %dma_start3A_96 = arith.constant 0 : i32
      %dma_start3A_97 = tpu.memref_slice %arg2[%dma_start3A_95, %dma_start3A_96] : memref<10112x128xf32, #tpu.memory_space<hbm>> -> memref<10112x128xf32, #tpu.memory_space<hbm>>
      tpu.enqueue_indirect_dma source(%dma_start3A_97 : memref<10112x128xf32, #tpu.memory_space<hbm>>) target(%dma_start3A_91 : memref<64x128xf32, #tpu.memory_space<vmem>>) offsets(%dma_start3A_94 : memref<64xi32, #tpu.memory_space<vmem>>) semaphore(%arg12 : memref<!tpu.dma_semaphore, #tpu.memory_space<semaphore_mem>>)
      %scan3A_98 = arith.constant 0 : i32
      %scan3A_99 = arith.constant 56 : i32
      %scan3A_100 = arith.addi %scan3A_98, %scan3A_99 : i32
      %scan3A_101 = arith.constant 1 : i32
      scf.for %scan3A_194 = %scan3A_98 to %scan3A_100 step %scan3A_101  : i32 {
        %mul3A_195 = arith.constant 2 : i32
        %mul3A_196 = arith.muli %scan3A_194, %mul3A_195 : i32
        %add3A_197 = arith.constant 0 : i32
        %add3A_198 = arith.addi %add3A_197, %mul3A_196 : i32
        %dma_wait3A_199 = arith.constant 0 : i32
        %dma_wait3A_200 = arith.constant 0 : i32
        %dma_wait3A_201 = arith.constant 0 : i32
        %dma_wait3A_202 = tpu.memref_slice %arg10[%dma_wait3A_199, %dma_wait3A_200, %dma_wait3A_201] : memref<2x64x128xf32, #tpu.memory_space<vmem>> -> memref<1x64x128xf32, #tpu.memory_space<vmem>>
        %dma_wait3A_203 = tpu.memref_squeeze %dma_wait3A_202 : memref<1x64x128xf32, #tpu.memory_space<vmem>> -> memref<64x128xf32, #tpu.memory_space<vmem>>
        %dma_wait3A_204 = arith.constant 0 : i32
        %dma_wait3A_205 = arith.constant 0 : i32
        %dma_wait3A_206 = tpu.memref_slice %arg2[%dma_wait3A_204, %dma_wait3A_205] : memref<10112x128xf32, #tpu.memory_space<hbm>> -> memref<64x128xf32, #tpu.memory_space<hbm>>
        %dma_wait3A_207 = arith.constant 0 : i32
        %dma_wait3A_208 = arith.constant 0 : i32
        %dma_wait3A_209 = tpu.memref_slice %arg10[%dma_wait3A_199, %dma_wait3A_207, %dma_wait3A_208] : memref<2x64x128xf32, #tpu.memory_space<vmem>> -> memref<1x64x128xf32, #tpu.memory_space<vmem>>
        %dma_wait3A_210 = tpu.memref_squeeze %dma_wait3A_209 : memref<1x64x128xf32, #tpu.memory_space<vmem>> -> memref<64x128xf32, #tpu.memory_space<vmem>>
        %dma_wait3A_211 = arith.constant 0 : i32
        %dma_wait3A_212 = arith.constant 0 : i32
        %dma_wait3A_213 = tpu.memref_slice %arg2[%dma_wait3A_211, %dma_wait3A_212] : memref<10112x128xf32, #tpu.memory_space<hbm>> -> memref<64x128xf32, #tpu.memory_space<hbm>>
        tpu.wait_dma2 semaphore(%arg11 : memref<!tpu.dma_semaphore, #tpu.memory_space<semaphore_mem>>) src(%dma_wait3A_213 : memref<64x128xf32, #tpu.memory_space<hbm>>) dst(%dma_wait3A_210 : memref<64x128xf32, #tpu.memory_space<vmem>>)
        %add3A_214 = arith.constant 0 : i32
        %add3A_215 = arith.addi %add3A_198, %add3A_214 : i32
        %dma_start3A_216 = arith.constant 0 : i32
        %dma_start3A_217 = arith.constant 0 : i32
        %dma_start3A_218 = arith.constant 0 : i32
        %dma_start3A_219 = tpu.memref_slice %arg10[%dma_start3A_216, %dma_start3A_217, %dma_start3A_218] : memref<2x64x128xf32, #tpu.memory_space<vmem>> -> memref<1x64x128xf32, #tpu.memory_space<vmem>>
        %dma_start3A_220 = tpu.memref_squeeze %dma_start3A_219 : memref<1x64x128xf32, #tpu.memory_space<vmem>> -> memref<64x128xf32, #tpu.memory_space<vmem>>
        %dma_start3A_221 = arith.constant 0 : i32
        %dma_start3A_222 = tpu.memref_slice %arg9[%add3A_215, %dma_start3A_221] : memref<112x64xi32, #tpu.memory_space<vmem>> -> memref<1x64xi32, #tpu.memory_space<vmem>>
        %dma_start3A_223 = tpu.memref_squeeze %dma_start3A_222 : memref<1x64xi32, #tpu.memory_space<vmem>> -> memref<64xi32, #tpu.memory_space<vmem>>
        %dma_start3A_224 = arith.constant 0 : i32
        %dma_start3A_225 = arith.constant 0 : i32
        %dma_start3A_226 = tpu.memref_slice %arg7[%dma_start3A_224, %dma_start3A_225] : memref<10112x128xf32, #tpu.memory_space<vmem_shared>> -> memref<10112x128xf32, #tpu.memory_space<vmem_shared>>
        tpu.enqueue_indirect_dma source(%dma_start3A_220 : memref<64x128xf32, #tpu.memory_space<vmem>>) target(%dma_start3A_226 : memref<10112x128xf32, #tpu.memory_space<vmem_shared>>) offsets(%dma_start3A_223 : memref<64xi32, #tpu.memory_space<vmem>>) semaphore(%arg13 : memref<!tpu.dma_semaphore, #tpu.memory_space<semaphore_mem>>) {add = true}
        %dma_wait3A_227 = arith.constant 1 : i32
        %dma_wait3A_228 = arith.constant 0 : i32
        %dma_wait3A_229 = arith.constant 0 : i32
        %dma_wait3A_230 = tpu.memref_slice %arg10[%dma_wait3A_227, %dma_wait3A_228, %dma_wait3A_229] : memref<2x64x128xf32, #tpu.memory_space<vmem>> -> memref<1x64x128xf32, #tpu.memory_space<vmem>>
        %dma_wait3A_231 = tpu.memref_squeeze %dma_wait3A_230 : memref<1x64x128xf32, #tpu.memory_space<vmem>> -> memref<64x128xf32, #tpu.memory_space<vmem>>
        %dma_wait3A_232 = arith.constant 0 : i32
        %dma_wait3A_233 = arith.constant 0 : i32
        %dma_wait3A_234 = tpu.memref_slice %arg2[%dma_wait3A_232, %dma_wait3A_233] : memref<10112x128xf32, #tpu.memory_space<hbm>> -> memref<64x128xf32, #tpu.memory_space<hbm>>
        %dma_wait3A_235 = arith.constant 0 : i32
        %dma_wait3A_236 = arith.constant 0 : i32
        %dma_wait3A_237 = tpu.memref_slice %arg10[%dma_wait3A_227, %dma_wait3A_235, %dma_wait3A_236] : memref<2x64x128xf32, #tpu.memory_space<vmem>> -> memref<1x64x128xf32, #tpu.memory_space<vmem>>
        %dma_wait3A_238 = tpu.memref_squeeze %dma_wait3A_237 : memref<1x64x128xf32, #tpu.memory_space<vmem>> -> memref<64x128xf32, #tpu.memory_space<vmem>>
        %dma_wait3A_239 = arith.constant 0 : i32
        %dma_wait3A_240 = arith.constant 0 : i32
        %dma_wait3A_241 = tpu.memref_slice %arg2[%dma_wait3A_239, %dma_wait3A_240] : memref<10112x128xf32, #tpu.memory_space<hbm>> -> memref<64x128xf32, #tpu.memory_space<hbm>>
        tpu.wait_dma2 semaphore(%arg12 : memref<!tpu.dma_semaphore, #tpu.memory_space<semaphore_mem>>) src(%dma_wait3A_241 : memref<64x128xf32, #tpu.memory_space<hbm>>) dst(%dma_wait3A_238 : memref<64x128xf32, #tpu.memory_space<vmem>>)
        %add3A_242 = arith.constant 1 : i32
        %add3A_243 = arith.addi %add3A_198, %add3A_242 : i32
        %dma_start3A_244 = arith.constant 1 : i32
        %dma_start3A_245 = arith.constant 0 : i32
        %dma_start3A_246 = arith.constant 0 : i32
        %dma_start3A_247 = tpu.memref_slice %arg10[%dma_start3A_244, %dma_start3A_245, %dma_start3A_246] : memref<2x64x128xf32, #tpu.memory_space<vmem>> -> memref<1x64x128xf32, #tpu.memory_space<vmem>>
        %dma_start3A_248 = tpu.memref_squeeze %dma_start3A_247 : memref<1x64x128xf32, #tpu.memory_space<vmem>> -> memref<64x128xf32, #tpu.memory_space<vmem>>
        %dma_start3A_249 = arith.constant 0 : i32
        %dma_start3A_250 = tpu.memref_slice %arg9[%add3A_243, %dma_start3A_249] : memref<112x64xi32, #tpu.memory_space<vmem>> -> memref<1x64xi32, #tpu.memory_space<vmem>>
        %dma_start3A_251 = tpu.memref_squeeze %dma_start3A_250 : memref<1x64xi32, #tpu.memory_space<vmem>> -> memref<64xi32, #tpu.memory_space<vmem>>
        %dma_start3A_252 = arith.constant 0 : i32
        %dma_start3A_253 = arith.constant 0 : i32
        %dma_start3A_254 = tpu.memref_slice %arg7[%dma_start3A_252, %dma_start3A_253] : memref<10112x128xf32, #tpu.memory_space<vmem_shared>> -> memref<10112x128xf32, #tpu.memory_space<vmem_shared>>
        tpu.enqueue_indirect_dma source(%dma_start3A_248 : memref<64x128xf32, #tpu.memory_space<vmem>>) target(%dma_start3A_254 : memref<10112x128xf32, #tpu.memory_space<vmem_shared>>) offsets(%dma_start3A_251 : memref<64xi32, #tpu.memory_space<vmem>>) semaphore(%arg14 : memref<!tpu.dma_semaphore, #tpu.memory_space<semaphore_mem>>) {add = true}
        %add3A_255 = arith.constant 0 : i32
        %add3A_256 = arith.addi %add3A_198, %add3A_255 : i32
        %add3A_257 = arith.constant 2 : i32
        %add3A_258 = arith.addi %add3A_256, %add3A_257 : i32
        %lt3A = arith.constant 112 : i32
        %lt3A_259 = arith.cmpi slt, %add3A_258, %lt3A : i32
        %convert_element_type3A_260 = arith.extui %lt3A_259 : i1 to i32
        %cond3A_261 = arith.constant 0 : i32
        %cond3A_262 = arith.cmpi ne, %convert_element_type3A_260, %cond3A_261 : i32
        scf.if %cond3A_262 {
          %dma_wait3A_272 = arith.constant 0 : i32
          %dma_wait3A_273 = arith.constant 0 : i32
          %dma_wait3A_274 = arith.constant 0 : i32
          %dma_wait3A_275 = tpu.memref_slice %arg10[%dma_wait3A_272, %dma_wait3A_273, %dma_wait3A_274] : memref<2x64x128xf32, #tpu.memory_space<vmem>> -> memref<1x64x128xf32, #tpu.memory_space<vmem>>
          %dma_wait3A_276 = tpu.memref_squeeze %dma_wait3A_275 : memref<1x64x128xf32, #tpu.memory_space<vmem>> -> memref<64x128xf32, #tpu.memory_space<vmem>>
          %dma_wait3A_277 = arith.constant 0 : i32
          %dma_wait3A_278 = arith.constant 0 : i32
          %dma_wait3A_279 = tpu.memref_slice %arg7[%dma_wait3A_277, %dma_wait3A_278] : memref<10112x128xf32, #tpu.memory_space<vmem_shared>> -> memref<64x128xf32, #tpu.memory_space<vmem_shared>>
          %dma_wait3A_280 = arith.constant 0 : i32
          %dma_wait3A_281 = arith.constant 0 : i32
          %dma_wait3A_282 = tpu.memref_slice %arg7[%dma_wait3A_280, %dma_wait3A_281] : memref<10112x128xf32, #tpu.memory_space<vmem_shared>> -> memref<64x128xf32, #tpu.memory_space<vmem_shared>>
          %dma_wait3A_283 = arith.constant 0 : i32
          %dma_wait3A_284 = arith.constant 0 : i32
          %dma_wait3A_285 = tpu.memref_slice %arg10[%dma_wait3A_272, %dma_wait3A_283, %dma_wait3A_284] : memref<2x64x128xf32, #tpu.memory_space<vmem>> -> memref<1x64x128xf32, #tpu.memory_space<vmem>>
          %dma_wait3A_286 = tpu.memref_squeeze %dma_wait3A_285 : memref<1x64x128xf32, #tpu.memory_space<vmem>> -> memref<64x128xf32, #tpu.memory_space<vmem>>
          tpu.wait_dma2 semaphore(%arg13 : memref<!tpu.dma_semaphore, #tpu.memory_space<semaphore_mem>>) src(%dma_wait3A_286 : memref<64x128xf32, #tpu.memory_space<vmem>>) dst(%dma_wait3A_282 : memref<64x128xf32, #tpu.memory_space<vmem_shared>>)
          %dma_start3A_287 = arith.constant 0 : i32
          %dma_start3A_288 = arith.constant 0 : i32
          %dma_start3A_289 = arith.constant 0 : i32
          %dma_start3A_290 = tpu.memref_slice %arg10[%dma_start3A_287, %dma_start3A_288, %dma_start3A_289] : memref<2x64x128xf32, #tpu.memory_space<vmem>> -> memref<1x64x128xf32, #tpu.memory_space<vmem>>
          %dma_start3A_291 = tpu.memref_squeeze %dma_start3A_290 : memref<1x64x128xf32, #tpu.memory_space<vmem>> -> memref<64x128xf32, #tpu.memory_space<vmem>>
          %dma_start3A_292 = arith.constant 0 : i32
          %dma_start3A_293 = tpu.memref_slice %arg8[%add3A_258, %dma_start3A_292] : memref<112x64xi32, #tpu.memory_space<vmem>> -> memref<1x64xi32, #tpu.memory_space<vmem>>
          %dma_start3A_294 = tpu.memref_squeeze %dma_start3A_293 : memref<1x64xi32, #tpu.memory_space<vmem>> -> memref<64xi32, #tpu.memory_space<vmem>>
          %dma_start3A_295 = arith.constant 0 : i32
          %dma_start3A_296 = arith.constant 0 : i32
          %dma_start3A_297 = tpu.memref_slice %arg2[%dma_start3A_295, %dma_start3A_296] : memref<10112x128xf32, #tpu.memory_space<hbm>> -> memref<10112x128xf32, #tpu.memory_space<hbm>>
          tpu.enqueue_indirect_dma source(%dma_start3A_297 : memref<10112x128xf32, #tpu.memory_space<hbm>>) target(%dma_start3A_291 : memref<64x128xf32, #tpu.memory_space<vmem>>) offsets(%dma_start3A_294 : memref<64xi32, #tpu.memory_space<vmem>>) semaphore(%arg11 : memref<!tpu.dma_semaphore, #tpu.memory_space<semaphore_mem>>)
        } else {
        }
        %add3A_263 = arith.constant 1 : i32
        %add3A_264 = arith.addi %add3A_198, %add3A_263 : i32
        %add3A_265 = arith.constant 2 : i32
        %add3A_266 = arith.addi %add3A_264, %add3A_265 : i32
        %lt3A_267 = arith.constant 112 : i32
        %lt3A_268 = arith.cmpi slt, %add3A_266, %lt3A_267 : i32
        %convert_element_type3A_269 = arith.extui %lt3A_268 : i1 to i32
        %cond3A_270 = arith.constant 0 : i32
        %cond3A_271 = arith.cmpi ne, %convert_element_type3A_269, %cond3A_270 : i32
        scf.if %cond3A_271 {
          %dma_wait3A_272 = arith.constant 1 : i32
          %dma_wait3A_273 = arith.constant 0 : i32
          %dma_wait3A_274 = arith.constant 0 : i32
          %dma_wait3A_275 = tpu.memref_slice %arg10[%dma_wait3A_272, %dma_wait3A_273, %dma_wait3A_274] : memref<2x64x128xf32, #tpu.memory_space<vmem>> -> memref<1x64x128xf32, #tpu.memory_space<vmem>>
          %dma_wait3A_276 = tpu.memref_squeeze %dma_wait3A_275 : memref<1x64x128xf32, #tpu.memory_space<vmem>> -> memref<64x128xf32, #tpu.memory_space<vmem>>
          %dma_wait3A_277 = arith.constant 0 : i32
          %dma_wait3A_278 = arith.constant 0 : i32
          %dma_wait3A_279 = tpu.memref_slice %arg7[%dma_wait3A_277, %dma_wait3A_278] : memref<10112x128xf32, #tpu.memory_space<vmem_shared>> -> memref<64x128xf32, #tpu.memory_space<vmem_shared>>
          %dma_wait3A_280 = arith.constant 0 : i32
          %dma_wait3A_281 = arith.constant 0 : i32
          %dma_wait3A_282 = tpu.memref_slice %arg7[%dma_wait3A_280, %dma_wait3A_281] : memref<10112x128xf32, #tpu.memory_space<vmem_shared>> -> memref<64x128xf32, #tpu.memory_space<vmem_shared>>
          %dma_wait3A_283 = arith.constant 0 : i32
          %dma_wait3A_284 = arith.constant 0 : i32
          %dma_wait3A_285 = tpu.memref_slice %arg10[%dma_wait3A_272, %dma_wait3A_283, %dma_wait3A_284] : memref<2x64x128xf32, #tpu.memory_space<vmem>> -> memref<1x64x128xf32, #tpu.memory_space<vmem>>
          %dma_wait3A_286 = tpu.memref_squeeze %dma_wait3A_285 : memref<1x64x128xf32, #tpu.memory_space<vmem>> -> memref<64x128xf32, #tpu.memory_space<vmem>>
          tpu.wait_dma2 semaphore(%arg14 : memref<!tpu.dma_semaphore, #tpu.memory_space<semaphore_mem>>) src(%dma_wait3A_286 : memref<64x128xf32, #tpu.memory_space<vmem>>) dst(%dma_wait3A_282 : memref<64x128xf32, #tpu.memory_space<vmem_shared>>)
          %dma_start3A_287 = arith.constant 1 : i32
          %dma_start3A_288 = arith.constant 0 : i32
          %dma_start3A_289 = arith.constant 0 : i32
          %dma_start3A_290 = tpu.memref_slice %arg10[%dma_start3A_287, %dma_start3A_288, %dma_start3A_289] : memref<2x64x128xf32, #tpu.memory_space<vmem>> -> memref<1x64x128xf32, #tpu.memory_space<vmem>>
          %dma_start3A_291 = tpu.memref_squeeze %dma_start3A_290 : memref<1x64x128xf32, #tpu.memory_space<vmem>> -> memref<64x128xf32, #tpu.memory_space<vmem>>
          %dma_start3A_292 = arith.constant 0 : i32
          %dma_start3A_293 = tpu.memref_slice %arg8[%add3A_266, %dma_start3A_292] : memref<112x64xi32, #tpu.memory_space<vmem>> -> memref<1x64xi32, #tpu.memory_space<vmem>>
          %dma_start3A_294 = tpu.memref_squeeze %dma_start3A_293 : memref<1x64xi32, #tpu.memory_space<vmem>> -> memref<64xi32, #tpu.memory_space<vmem>>
          %dma_start3A_295 = arith.constant 0 : i32
          %dma_start3A_296 = arith.constant 0 : i32
          %dma_start3A_297 = tpu.memref_slice %arg2[%dma_start3A_295, %dma_start3A_296] : memref<10112x128xf32, #tpu.memory_space<hbm>> -> memref<10112x128xf32, #tpu.memory_space<hbm>>
          tpu.enqueue_indirect_dma source(%dma_start3A_297 : memref<10112x128xf32, #tpu.memory_space<hbm>>) target(%dma_start3A_291 : memref<64x128xf32, #tpu.memory_space<vmem>>) offsets(%dma_start3A_294 : memref<64xi32, #tpu.memory_space<vmem>>) semaphore(%arg12 : memref<!tpu.dma_semaphore, #tpu.memory_space<semaphore_mem>>)
        } else {
        }
      }
      %scan3A_102 = arith.constant 56 : i32
      %dma_wait3A_103 = arith.constant 0 : i32
      %dma_wait3A_104 = arith.constant 0 : i32
      %dma_wait3A_105 = arith.constant 0 : i32
      %dma_wait3A_106 = tpu.memref_slice %arg10[%dma_wait3A_103, %dma_wait3A_104, %dma_wait3A_105] : memref<2x64x128xf32, #tpu.memory_space<vmem>> -> memref<1x64x128xf32, #tpu.memory_space<vmem>>
      %dma_wait3A_107 = tpu.memref_squeeze %dma_wait3A_106 : memref<1x64x128xf32, #tpu.memory_space<vmem>> -> memref<64x128xf32, #tpu.memory_space<vmem>>
      %dma_wait3A_108 = arith.constant 0 : i32
      %dma_wait3A_109 = arith.constant 0 : i32
      %dma_wait3A_110 = tpu.memref_slice %arg7[%dma_wait3A_108, %dma_wait3A_109] : memref<10112x128xf32, #tpu.memory_space<vmem_shared>> -> memref<64x128xf32, #tpu.memory_space<vmem_shared>>
      %dma_wait3A_111 = arith.constant 0 : i32
      %dma_wait3A_112 = arith.constant 0 : i32
      %dma_wait3A_113 = tpu.memref_slice %arg7[%dma_wait3A_111, %dma_wait3A_112] : memref<10112x128xf32, #tpu.memory_space<vmem_shared>> -> memref<64x128xf32, #tpu.memory_space<vmem_shared>>
      %dma_wait3A_114 = arith.constant 0 : i32
      %dma_wait3A_115 = arith.constant 0 : i32
      %dma_wait3A_116 = tpu.memref_slice %arg10[%dma_wait3A_103, %dma_wait3A_114, %dma_wait3A_115] : memref<2x64x128xf32, #tpu.memory_space<vmem>> -> memref<1x64x128xf32, #tpu.memory_space<vmem>>
      %dma_wait3A_117 = tpu.memref_squeeze %dma_wait3A_116 : memref<1x64x128xf32, #tpu.memory_space<vmem>> -> memref<64x128xf32, #tpu.memory_space<vmem>>
      tpu.wait_dma2 semaphore(%arg13 : memref<!tpu.dma_semaphore, #tpu.memory_space<semaphore_mem>>) src(%dma_wait3A_117 : memref<64x128xf32, #tpu.memory_space<vmem>>) dst(%dma_wait3A_113 : memref<64x128xf32, #tpu.memory_space<vmem_shared>>)
      %dma_wait3A_118 = arith.constant 1 : i32
      %dma_wait3A_119 = arith.constant 0 : i32
      %dma_wait3A_120 = arith.constant 0 : i32
      %dma_wait3A_121 = tpu.memref_slice %arg10[%dma_wait3A_118, %dma_wait3A_119, %dma_wait3A_120] : memref<2x64x128xf32, #tpu.memory_space<vmem>> -> memref<1x64x128xf32, #tpu.memory_space<vmem>>
      %dma_wait3A_122 = tpu.memref_squeeze %dma_wait3A_121 : memref<1x64x128xf32, #tpu.memory_space<vmem>> -> memref<64x128xf32, #tpu.memory_space<vmem>>
      %dma_wait3A_123 = arith.constant 0 : i32
      %dma_wait3A_124 = arith.constant 0 : i32
      %dma_wait3A_125 = tpu.memref_slice %arg7[%dma_wait3A_123, %dma_wait3A_124] : memref<10112x128xf32, #tpu.memory_space<vmem_shared>> -> memref<64x128xf32, #tpu.memory_space<vmem_shared>>
      %dma_wait3A_126 = arith.constant 0 : i32
      %dma_wait3A_127 = arith.constant 0 : i32
      %dma_wait3A_128 = tpu.memref_slice %arg7[%dma_wait3A_126, %dma_wait3A_127] : memref<10112x128xf32, #tpu.memory_space<vmem_shared>> -> memref<64x128xf32, #tpu.memory_space<vmem_shared>>
      %dma_wait3A_129 = arith.constant 0 : i32
      %dma_wait3A_130 = arith.constant 0 : i32
      %dma_wait3A_131 = tpu.memref_slice %arg10[%dma_wait3A_118, %dma_wait3A_129, %dma_wait3A_130] : memref<2x64x128xf32, #tpu.memory_space<vmem>> -> memref<1x64x128xf32, #tpu.memory_space<vmem>>
      %dma_wait3A_132 = tpu.memref_squeeze %dma_wait3A_131 : memref<1x64x128xf32, #tpu.memory_space<vmem>> -> memref<64x128xf32, #tpu.memory_space<vmem>>
      tpu.wait_dma2 semaphore(%arg14 : memref<!tpu.dma_semaphore, #tpu.memory_space<semaphore_mem>>) src(%dma_wait3A_132 : memref<64x128xf32, #tpu.memory_space<vmem>>) dst(%dma_wait3A_128 : memref<64x128xf32, #tpu.memory_space<vmem_shared>>)
      %add3A_133 = arith.constant 224 : i32
      %add3A_134 = arith.addi %mul3A_14, %add3A_133 : i32
      "tpu.region"() ({
        %run_scoped3A = tpu.sem_alloc : memref<!tpu.dma_semaphore, #tpu.memory_space<semaphore_mem>>
        %dma_start3A_194 = arith.constant 0 : i32
        %dma_start3A_195 = arith.constant 0 : i32
        %dma_start3A_196 = tpu.memref_slice %arg8[%dma_start3A_194, %dma_start3A_195] : memref<112x64xi32, #tpu.memory_space<vmem>> -> memref<48x64xi32, #tpu.memory_space<vmem>>
        %dma_start3A_197 = arith.constant 0 : i32
        %dma_start3A_198 = tpu.memref_slice %arg3[%add3A_134, %dma_start3A_197] : memref<5120x64xi32, #tpu.memory_space<hbm>> -> memref<48x64xi32, #tpu.memory_space<hbm>>
        %dma_start3A_199 = arith.constant 0 : i32
        %dma_start3A_200 = arith.constant 0 : i32
        %dma_start3A_201 = tpu.memref_slice %arg8[%dma_start3A_199, %dma_start3A_200] : memref<112x64xi32, #tpu.memory_space<vmem>> -> memref<48x64xi32, #tpu.memory_space<vmem>>
        %dma_start3A_202 = arith.constant 0 : i32
        %dma_start3A_203 = tpu.memref_slice %arg3[%add3A_134, %dma_start3A_202] : memref<5120x64xi32, #tpu.memory_space<hbm>> -> memref<48x64xi32, #tpu.memory_space<hbm>>
        tpu.enqueue_dma source(%dma_start3A_203 : memref<48x64xi32, #tpu.memory_space<hbm>>) target(%dma_start3A_201 : memref<48x64xi32, #tpu.memory_space<vmem>>) target_semaphore(%run_scoped3A : memref<!tpu.dma_semaphore, #tpu.memory_space<semaphore_mem>>)
        %dma_wait3A_204 = arith.constant 0 : i32
        %dma_wait3A_205 = arith.constant 0 : i32
        %dma_wait3A_206 = tpu.memref_slice %arg8[%dma_wait3A_204, %dma_wait3A_205] : memref<112x64xi32, #tpu.memory_space<vmem>> -> memref<48x64xi32, #tpu.memory_space<vmem>>
        %dma_wait3A_207 = arith.constant 0 : i32
        %dma_wait3A_208 = tpu.memref_slice %arg3[%add3A_134, %dma_wait3A_207] : memref<5120x64xi32, #tpu.memory_space<hbm>> -> memref<48x64xi32, #tpu.memory_space<hbm>>
        %dma_wait3A_209 = arith.constant 0 : i32
        %dma_wait3A_210 = arith.constant 0 : i32
        %dma_wait3A_211 = tpu.memref_slice %arg8[%dma_wait3A_209, %dma_wait3A_210] : memref<112x64xi32, #tpu.memory_space<vmem>> -> memref<48x64xi32, #tpu.memory_space<vmem>>
        %dma_wait3A_212 = arith.constant 0 : i32
        %dma_wait3A_213 = tpu.memref_slice %arg3[%add3A_134, %dma_wait3A_212] : memref<5120x64xi32, #tpu.memory_space<hbm>> -> memref<48x64xi32, #tpu.memory_space<hbm>>
        tpu.wait_dma2 semaphore(%run_scoped3A : memref<!tpu.dma_semaphore, #tpu.memory_space<semaphore_mem>>) src(%dma_wait3A_213 : memref<48x64xi32, #tpu.memory_space<hbm>>) dst(%dma_wait3A_211 : memref<48x64xi32, #tpu.memory_space<vmem>>)
        tpu.yield
      }) : () -> ()
      "tpu.region"() ({
        %run_scoped3A = tpu.sem_alloc : memref<!tpu.dma_semaphore, #tpu.memory_space<semaphore_mem>>
        %dma_start3A_194 = arith.constant 0 : i32
        %dma_start3A_195 = arith.constant 0 : i32
        %dma_start3A_196 = tpu.memref_slice %arg9[%dma_start3A_194, %dma_start3A_195] : memref<112x64xi32, #tpu.memory_space<vmem>> -> memref<48x64xi32, #tpu.memory_space<vmem>>
        %dma_start3A_197 = arith.constant 0 : i32
        %dma_start3A_198 = tpu.memref_slice %arg4[%add3A_134, %dma_start3A_197] : memref<5120x64xi32, #tpu.memory_space<hbm>> -> memref<48x64xi32, #tpu.memory_space<hbm>>
        %dma_start3A_199 = arith.constant 0 : i32
        %dma_start3A_200 = arith.constant 0 : i32
        %dma_start3A_201 = tpu.memref_slice %arg9[%dma_start3A_199, %dma_start3A_200] : memref<112x64xi32, #tpu.memory_space<vmem>> -> memref<48x64xi32, #tpu.memory_space<vmem>>
        %dma_start3A_202 = arith.constant 0 : i32
        %dma_start3A_203 = tpu.memref_slice %arg4[%add3A_134, %dma_start3A_202] : memref<5120x64xi32, #tpu.memory_space<hbm>> -> memref<48x64xi32, #tpu.memory_space<hbm>>
        tpu.enqueue_dma source(%dma_start3A_203 : memref<48x64xi32, #tpu.memory_space<hbm>>) target(%dma_start3A_201 : memref<48x64xi32, #tpu.memory_space<vmem>>) target_semaphore(%run_scoped3A : memref<!tpu.dma_semaphore, #tpu.memory_space<semaphore_mem>>)
        %dma_wait3A_204 = arith.constant 0 : i32
        %dma_wait3A_205 = arith.constant 0 : i32
        %dma_wait3A_206 = tpu.memref_slice %arg9[%dma_wait3A_204, %dma_wait3A_205] : memref<112x64xi32, #tpu.memory_space<vmem>> -> memref<48x64xi32, #tpu.memory_space<vmem>>
        %dma_wait3A_207 = arith.constant 0 : i32
        %dma_wait3A_208 = tpu.memref_slice %arg4[%add3A_134, %dma_wait3A_207] : memref<5120x64xi32, #tpu.memory_space<hbm>> -> memref<48x64xi32, #tpu.memory_space<hbm>>
        %dma_wait3A_209 = arith.constant 0 : i32
        %dma_wait3A_210 = arith.constant 0 : i32
        %dma_wait3A_211 = tpu.memref_slice %arg9[%dma_wait3A_209, %dma_wait3A_210] : memref<112x64xi32, #tpu.memory_space<vmem>> -> memref<48x64xi32, #tpu.memory_space<vmem>>
        %dma_wait3A_212 = arith.constant 0 : i32
        %dma_wait3A_213 = tpu.memref_slice %arg4[%add3A_134, %dma_wait3A_212] : memref<5120x64xi32, #tpu.memory_space<hbm>> -> memref<48x64xi32, #tpu.memory_space<hbm>>
        tpu.wait_dma2 semaphore(%run_scoped3A : memref<!tpu.dma_semaphore, #tpu.memory_space<semaphore_mem>>) src(%dma_wait3A_213 : memref<48x64xi32, #tpu.memory_space<hbm>>) dst(%dma_wait3A_211 : memref<48x64xi32, #tpu.memory_space<vmem>>)
        tpu.yield
      }) : () -> ()
      %dma_start3A_135 = arith.constant 0 : i32
      %dma_start3A_136 = arith.constant 0 : i32
      %dma_start3A_137 = arith.constant 0 : i32
      %dma_start3A_138 = arith.constant 0 : i32
      %dma_start3A_139 = tpu.memref_slice %arg10[%dma_start3A_136, %dma_start3A_137, %dma_start3A_138] : memref<2x64x128xf32, #tpu.memory_space<vmem>> -> memref<1x64x128xf32, #tpu.memory_space<vmem>>
      %dma_start3A_140 = tpu.memref_squeeze %dma_start3A_139 : memref<1x64x128xf32, #tpu.memory_space<vmem>> -> memref<64x128xf32, #tpu.memory_space<vmem>>
      %dma_start3A_141 = arith.constant 0 : i32
      %dma_start3A_142 = tpu.memref_slice %arg8[%dma_start3A_135, %dma_start3A_141] : memref<112x64xi32, #tpu.memory_space<vmem>> -> memref<1x64xi32, #tpu.memory_space<vmem>>
      %dma_start3A_143 = tpu.memref_squeeze %dma_start3A_142 : memref<1x64xi32, #tpu.memory_space<vmem>> -> memref<64xi32, #tpu.memory_space<vmem>>
      %dma_start3A_144 = arith.constant 0 : i32
      %dma_start3A_145 = arith.constant 0 : i32
      %dma_start3A_146 = tpu.memref_slice %arg2[%dma_start3A_144, %dma_start3A_145] : memref<10112x128xf32, #tpu.memory_space<hbm>> -> memref<10112x128xf32, #tpu.memory_space<hbm>>
      tpu.enqueue_indirect_dma source(%dma_start3A_146 : memref<10112x128xf32, #tpu.memory_space<hbm>>) target(%dma_start3A_140 : memref<64x128xf32, #tpu.memory_space<vmem>>) offsets(%dma_start3A_143 : memref<64xi32, #tpu.memory_space<vmem>>) semaphore(%arg11 : memref<!tpu.dma_semaphore, #tpu.memory_space<semaphore_mem>>)
      %dma_start3A_147 = arith.constant 1 : i32
      %dma_start3A_148 = arith.constant 1 : i32
      %dma_start3A_149 = arith.constant 0 : i32
      %dma_start3A_150 = arith.constant 0 : i32
      %dma_start3A_151 = tpu.memref_slice %arg10[%dma_start3A_148, %dma_start3A_149, %dma_start3A_150] : memref<2x64x128xf32, #tpu.memory_space<vmem>> -> memref<1x64x128xf32, #tpu.memory_space<vmem>>
      %dma_start3A_152 = tpu.memref_squeeze %dma_start3A_151 : memref<1x64x128xf32, #tpu.memory_space<vmem>> -> memref<64x128xf32, #tpu.memory_space<vmem>>
      %dma_start3A_153 = arith.constant 0 : i32
      %dma_start3A_154 = tpu.memref_slice %arg8[%dma_start3A_147, %dma_start3A_153] : memref<112x64xi32, #tpu.memory_space<vmem>> -> memref<1x64xi32, #tpu.memory_space<vmem>>
      %dma_start3A_155 = tpu.memref_squeeze %dma_start3A_154 : memref<1x64xi32, #tpu.memory_space<vmem>> -> memref<64xi32, #tpu.memory_space<vmem>>
      %dma_start3A_156 = arith.constant 0 : i32
      %dma_start3A_157 = arith.constant 0 : i32
      %dma_start3A_158 = tpu.memref_slice %arg2[%dma_start3A_156, %dma_start3A_157] : memref<10112x128xf32, #tpu.memory_space<hbm>> -> memref<10112x128xf32, #tpu.memory_space<hbm>>
      tpu.enqueue_indirect_dma source(%dma_start3A_158 : memref<10112x128xf32, #tpu.memory_space<hbm>>) target(%dma_start3A_152 : memref<64x128xf32, #tpu.memory_space<vmem>>) offsets(%dma_start3A_155 : memref<64xi32, #tpu.memory_space<vmem>>) semaphore(%arg12 : memref<!tpu.dma_semaphore, #tpu.memory_space<semaphore_mem>>)
      %scan3A_159 = arith.constant 0 : i32
      %scan3A_160 = arith.constant 24 : i32
      %scan3A_161 = arith.addi %scan3A_159, %scan3A_160 : i32
      %scan3A_162 = arith.constant 1 : i32
      scf.for %scan3A_194 = %scan3A_159 to %scan3A_161 step %scan3A_162  : i32 {
        %mul3A_195 = arith.constant 2 : i32
        %mul3A_196 = arith.muli %scan3A_194, %mul3A_195 : i32
        %add3A_197 = arith.constant 0 : i32
        %add3A_198 = arith.addi %add3A_197, %mul3A_196 : i32
        %dma_wait3A_199 = arith.constant 0 : i32
        %dma_wait3A_200 = arith.constant 0 : i32
        %dma_wait3A_201 = arith.constant 0 : i32
        %dma_wait3A_202 = tpu.memref_slice %arg10[%dma_wait3A_199, %dma_wait3A_200, %dma_wait3A_201] : memref<2x64x128xf32, #tpu.memory_space<vmem>> -> memref<1x64x128xf32, #tpu.memory_space<vmem>>
        %dma_wait3A_203 = tpu.memref_squeeze %dma_wait3A_202 : memref<1x64x128xf32, #tpu.memory_space<vmem>> -> memref<64x128xf32, #tpu.memory_space<vmem>>
        %dma_wait3A_204 = arith.constant 0 : i32
        %dma_wait3A_205 = arith.constant 0 : i32
        %dma_wait3A_206 = tpu.memref_slice %arg2[%dma_wait3A_204, %dma_wait3A_205] : memref<10112x128xf32, #tpu.memory_space<hbm>> -> memref<64x128xf32, #tpu.memory_space<hbm>>
        %dma_wait3A_207 = arith.constant 0 : i32
        %dma_wait3A_208 = arith.constant 0 : i32
        %dma_wait3A_209 = tpu.memref_slice %arg10[%dma_wait3A_199, %dma_wait3A_207, %dma_wait3A_208] : memref<2x64x128xf32, #tpu.memory_space<vmem>> -> memref<1x64x128xf32, #tpu.memory_space<vmem>>
        %dma_wait3A_210 = tpu.memref_squeeze %dma_wait3A_209 : memref<1x64x128xf32, #tpu.memory_space<vmem>> -> memref<64x128xf32, #tpu.memory_space<vmem>>
        %dma_wait3A_211 = arith.constant 0 : i32
        %dma_wait3A_212 = arith.constant 0 : i32
        %dma_wait3A_213 = tpu.memref_slice %arg2[%dma_wait3A_211, %dma_wait3A_212] : memref<10112x128xf32, #tpu.memory_space<hbm>> -> memref<64x128xf32, #tpu.memory_space<hbm>>
        tpu.wait_dma2 semaphore(%arg11 : memref<!tpu.dma_semaphore, #tpu.memory_space<semaphore_mem>>) src(%dma_wait3A_213 : memref<64x128xf32, #tpu.memory_space<hbm>>) dst(%dma_wait3A_210 : memref<64x128xf32, #tpu.memory_space<vmem>>)
        %add3A_214 = arith.constant 0 : i32
        %add3A_215 = arith.addi %add3A_198, %add3A_214 : i32
        %dma_start3A_216 = arith.constant 0 : i32
        %dma_start3A_217 = arith.constant 0 : i32
        %dma_start3A_218 = arith.constant 0 : i32
        %dma_start3A_219 = tpu.memref_slice %arg10[%dma_start3A_216, %dma_start3A_217, %dma_start3A_218] : memref<2x64x128xf32, #tpu.memory_space<vmem>> -> memref<1x64x128xf32, #tpu.memory_space<vmem>>
        %dma_start3A_220 = tpu.memref_squeeze %dma_start3A_219 : memref<1x64x128xf32, #tpu.memory_space<vmem>> -> memref<64x128xf32, #tpu.memory_space<vmem>>
        %dma_start3A_221 = arith.constant 0 : i32
        %dma_start3A_222 = tpu.memref_slice %arg9[%add3A_215, %dma_start3A_221] : memref<112x64xi32, #tpu.memory_space<vmem>> -> memref<1x64xi32, #tpu.memory_space<vmem>>
        %dma_start3A_223 = tpu.memref_squeeze %dma_start3A_222 : memref<1x64xi32, #tpu.memory_space<vmem>> -> memref<64xi32, #tpu.memory_space<vmem>>
        %dma_start3A_224 = arith.constant 0 : i32
        %dma_start3A_225 = arith.constant 0 : i32
        %dma_start3A_226 = tpu.memref_slice %arg7[%dma_start3A_224, %dma_start3A_225] : memref<10112x128xf32, #tpu.memory_space<vmem_shared>> -> memref<10112x128xf32, #tpu.memory_space<vmem_shared>>
        tpu.enqueue_indirect_dma source(%dma_start3A_220 : memref<64x128xf32, #tpu.memory_space<vmem>>) target(%dma_start3A_226 : memref<10112x128xf32, #tpu.memory_space<vmem_shared>>) offsets(%dma_start3A_223 : memref<64xi32, #tpu.memory_space<vmem>>) semaphore(%arg13 : memref<!tpu.dma_semaphore, #tpu.memory_space<semaphore_mem>>) {add = true}
        %dma_wait3A_227 = arith.constant 1 : i32
        %dma_wait3A_228 = arith.constant 0 : i32
        %dma_wait3A_229 = arith.constant 0 : i32
        %dma_wait3A_230 = tpu.memref_slice %arg10[%dma_wait3A_227, %dma_wait3A_228, %dma_wait3A_229] : memref<2x64x128xf32, #tpu.memory_space<vmem>> -> memref<1x64x128xf32, #tpu.memory_space<vmem>>
        %dma_wait3A_231 = tpu.memref_squeeze %dma_wait3A_230 : memref<1x64x128xf32, #tpu.memory_space<vmem>> -> memref<64x128xf32, #tpu.memory_space<vmem>>
        %dma_wait3A_232 = arith.constant 0 : i32
        %dma_wait3A_233 = arith.constant 0 : i32
        %dma_wait3A_234 = tpu.memref_slice %arg2[%dma_wait3A_232, %dma_wait3A_233] : memref<10112x128xf32, #tpu.memory_space<hbm>> -> memref<64x128xf32, #tpu.memory_space<hbm>>
        %dma_wait3A_235 = arith.constant 0 : i32
        %dma_wait3A_236 = arith.constant 0 : i32
        %dma_wait3A_237 = tpu.memref_slice %arg10[%dma_wait3A_227, %dma_wait3A_235, %dma_wait3A_236] : memref<2x64x128xf32, #tpu.memory_space<vmem>> -> memref<1x64x128xf32, #tpu.memory_space<vmem>>
        %dma_wait3A_238 = tpu.memref_squeeze %dma_wait3A_237 : memref<1x64x128xf32, #tpu.memory_space<vmem>> -> memref<64x128xf32, #tpu.memory_space<vmem>>
        %dma_wait3A_239 = arith.constant 0 : i32
        %dma_wait3A_240 = arith.constant 0 : i32
        %dma_wait3A_241 = tpu.memref_slice %arg2[%dma_wait3A_239, %dma_wait3A_240] : memref<10112x128xf32, #tpu.memory_space<hbm>> -> memref<64x128xf32, #tpu.memory_space<hbm>>
        tpu.wait_dma2 semaphore(%arg12 : memref<!tpu.dma_semaphore, #tpu.memory_space<semaphore_mem>>) src(%dma_wait3A_241 : memref<64x128xf32, #tpu.memory_space<hbm>>) dst(%dma_wait3A_238 : memref<64x128xf32, #tpu.memory_space<vmem>>)
        %add3A_242 = arith.constant 1 : i32
        %add3A_243 = arith.addi %add3A_198, %add3A_242 : i32
        %dma_start3A_244 = arith.constant 1 : i32
        %dma_start3A_245 = arith.constant 0 : i32
        %dma_start3A_246 = arith.constant 0 : i32
        %dma_start3A_247 = tpu.memref_slice %arg10[%dma_start3A_244, %dma_start3A_245, %dma_start3A_246] : memref<2x64x128xf32, #tpu.memory_space<vmem>> -> memref<1x64x128xf32, #tpu.memory_space<vmem>>
        %dma_start3A_248 = tpu.memref_squeeze %dma_start3A_247 : memref<1x64x128xf32, #tpu.memory_space<vmem>> -> memref<64x128xf32, #tpu.memory_space<vmem>>
        %dma_start3A_249 = arith.constant 0 : i32
        %dma_start3A_250 = tpu.memref_slice %arg9[%add3A_243, %dma_start3A_249] : memref<112x64xi32, #tpu.memory_space<vmem>> -> memref<1x64xi32, #tpu.memory_space<vmem>>
        %dma_start3A_251 = tpu.memref_squeeze %dma_start3A_250 : memref<1x64xi32, #tpu.memory_space<vmem>> -> memref<64xi32, #tpu.memory_space<vmem>>
        %dma_start3A_252 = arith.constant 0 : i32
        %dma_start3A_253 = arith.constant 0 : i32
        %dma_start3A_254 = tpu.memref_slice %arg7[%dma_start3A_252, %dma_start3A_253] : memref<10112x128xf32, #tpu.memory_space<vmem_shared>> -> memref<10112x128xf32, #tpu.memory_space<vmem_shared>>
        tpu.enqueue_indirect_dma source(%dma_start3A_248 : memref<64x128xf32, #tpu.memory_space<vmem>>) target(%dma_start3A_254 : memref<10112x128xf32, #tpu.memory_space<vmem_shared>>) offsets(%dma_start3A_251 : memref<64xi32, #tpu.memory_space<vmem>>) semaphore(%arg14 : memref<!tpu.dma_semaphore, #tpu.memory_space<semaphore_mem>>) {add = true}
        %add3A_255 = arith.constant 0 : i32
        %add3A_256 = arith.addi %add3A_198, %add3A_255 : i32
        %add3A_257 = arith.constant 2 : i32
        %add3A_258 = arith.addi %add3A_256, %add3A_257 : i32
        %lt3A = arith.constant 48 : i32
        %lt3A_259 = arith.cmpi slt, %add3A_258, %lt3A : i32
        %convert_element_type3A_260 = arith.extui %lt3A_259 : i1 to i32
        %cond3A_261 = arith.constant 0 : i32
        %cond3A_262 = arith.cmpi ne, %convert_element_type3A_260, %cond3A_261 : i32
        scf.if %cond3A_262 {
          %dma_wait3A_272 = arith.constant 0 : i32
          %dma_wait3A_273 = arith.constant 0 : i32
          %dma_wait3A_274 = arith.constant 0 : i32
          %dma_wait3A_275 = tpu.memref_slice %arg10[%dma_wait3A_272, %dma_wait3A_273, %dma_wait3A_274] : memref<2x64x128xf32, #tpu.memory_space<vmem>> -> memref<1x64x128xf32, #tpu.memory_space<vmem>>
          %dma_wait3A_276 = tpu.memref_squeeze %dma_wait3A_275 : memref<1x64x128xf32, #tpu.memory_space<vmem>> -> memref<64x128xf32, #tpu.memory_space<vmem>>
          %dma_wait3A_277 = arith.constant 0 : i32
          %dma_wait3A_278 = arith.constant 0 : i32
          %dma_wait3A_279 = tpu.memref_slice %arg7[%dma_wait3A_277, %dma_wait3A_278] : memref<10112x128xf32, #tpu.memory_space<vmem_shared>> -> memref<64x128xf32, #tpu.memory_space<vmem_shared>>
          %dma_wait3A_280 = arith.constant 0 : i32
          %dma_wait3A_281 = arith.constant 0 : i32
          %dma_wait3A_282 = tpu.memref_slice %arg7[%dma_wait3A_280, %dma_wait3A_281] : memref<10112x128xf32, #tpu.memory_space<vmem_shared>> -> memref<64x128xf32, #tpu.memory_space<vmem_shared>>
          %dma_wait3A_283 = arith.constant 0 : i32
          %dma_wait3A_284 = arith.constant 0 : i32
          %dma_wait3A_285 = tpu.memref_slice %arg10[%dma_wait3A_272, %dma_wait3A_283, %dma_wait3A_284] : memref<2x64x128xf32, #tpu.memory_space<vmem>> -> memref<1x64x128xf32, #tpu.memory_space<vmem>>
          %dma_wait3A_286 = tpu.memref_squeeze %dma_wait3A_285 : memref<1x64x128xf32, #tpu.memory_space<vmem>> -> memref<64x128xf32, #tpu.memory_space<vmem>>
          tpu.wait_dma2 semaphore(%arg13 : memref<!tpu.dma_semaphore, #tpu.memory_space<semaphore_mem>>) src(%dma_wait3A_286 : memref<64x128xf32, #tpu.memory_space<vmem>>) dst(%dma_wait3A_282 : memref<64x128xf32, #tpu.memory_space<vmem_shared>>)
          %dma_start3A_287 = arith.constant 0 : i32
          %dma_start3A_288 = arith.constant 0 : i32
          %dma_start3A_289 = arith.constant 0 : i32
          %dma_start3A_290 = tpu.memref_slice %arg10[%dma_start3A_287, %dma_start3A_288, %dma_start3A_289] : memref<2x64x128xf32, #tpu.memory_space<vmem>> -> memref<1x64x128xf32, #tpu.memory_space<vmem>>
          %dma_start3A_291 = tpu.memref_squeeze %dma_start3A_290 : memref<1x64x128xf32, #tpu.memory_space<vmem>> -> memref<64x128xf32, #tpu.memory_space<vmem>>
          %dma_start3A_292 = arith.constant 0 : i32
          %dma_start3A_293 = tpu.memref_slice %arg8[%add3A_258, %dma_start3A_292] : memref<112x64xi32, #tpu.memory_space<vmem>> -> memref<1x64xi32, #tpu.memory_space<vmem>>
          %dma_start3A_294 = tpu.memref_squeeze %dma_start3A_293 : memref<1x64xi32, #tpu.memory_space<vmem>> -> memref<64xi32, #tpu.memory_space<vmem>>
          %dma_start3A_295 = arith.constant 0 : i32
          %dma_start3A_296 = arith.constant 0 : i32
          %dma_start3A_297 = tpu.memref_slice %arg2[%dma_start3A_295, %dma_start3A_296] : memref<10112x128xf32, #tpu.memory_space<hbm>> -> memref<10112x128xf32, #tpu.memory_space<hbm>>
          tpu.enqueue_indirect_dma source(%dma_start3A_297 : memref<10112x128xf32, #tpu.memory_space<hbm>>) target(%dma_start3A_291 : memref<64x128xf32, #tpu.memory_space<vmem>>) offsets(%dma_start3A_294 : memref<64xi32, #tpu.memory_space<vmem>>) semaphore(%arg11 : memref<!tpu.dma_semaphore, #tpu.memory_space<semaphore_mem>>)
        } else {
        }
        %add3A_263 = arith.constant 1 : i32
        %add3A_264 = arith.addi %add3A_198, %add3A_263 : i32
        %add3A_265 = arith.constant 2 : i32
        %add3A_266 = arith.addi %add3A_264, %add3A_265 : i32
        %lt3A_267 = arith.constant 48 : i32
        %lt3A_268 = arith.cmpi slt, %add3A_266, %lt3A_267 : i32
        %convert_element_type3A_269 = arith.extui %lt3A_268 : i1 to i32
        %cond3A_270 = arith.constant 0 : i32
        %cond3A_271 = arith.cmpi ne, %convert_element_type3A_269, %cond3A_270 : i32
        scf.if %cond3A_271 {
          %dma_wait3A_272 = arith.constant 1 : i32
          %dma_wait3A_273 = arith.constant 0 : i32
          %dma_wait3A_274 = arith.constant 0 : i32
          %dma_wait3A_275 = tpu.memref_slice %arg10[%dma_wait3A_272, %dma_wait3A_273, %dma_wait3A_274] : memref<2x64x128xf32, #tpu.memory_space<vmem>> -> memref<1x64x128xf32, #tpu.memory_space<vmem>>
          %dma_wait3A_276 = tpu.memref_squeeze %dma_wait3A_275 : memref<1x64x128xf32, #tpu.memory_space<vmem>> -> memref<64x128xf32, #tpu.memory_space<vmem>>
          %dma_wait3A_277 = arith.constant 0 : i32
          %dma_wait3A_278 = arith.constant 0 : i32
          %dma_wait3A_279 = tpu.memref_slice %arg7[%dma_wait3A_277, %dma_wait3A_278] : memref<10112x128xf32, #tpu.memory_space<vmem_shared>> -> memref<64x128xf32, #tpu.memory_space<vmem_shared>>
          %dma_wait3A_280 = arith.constant 0 : i32
          %dma_wait3A_281 = arith.constant 0 : i32
          %dma_wait3A_282 = tpu.memref_slice %arg7[%dma_wait3A_280, %dma_wait3A_281] : memref<10112x128xf32, #tpu.memory_space<vmem_shared>> -> memref<64x128xf32, #tpu.memory_space<vmem_shared>>
          %dma_wait3A_283 = arith.constant 0 : i32
          %dma_wait3A_284 = arith.constant 0 : i32
          %dma_wait3A_285 = tpu.memref_slice %arg10[%dma_wait3A_272, %dma_wait3A_283, %dma_wait3A_284] : memref<2x64x128xf32, #tpu.memory_space<vmem>> -> memref<1x64x128xf32, #tpu.memory_space<vmem>>
          %dma_wait3A_286 = tpu.memref_squeeze %dma_wait3A_285 : memref<1x64x128xf32, #tpu.memory_space<vmem>> -> memref<64x128xf32, #tpu.memory_space<vmem>>
          tpu.wait_dma2 semaphore(%arg14 : memref<!tpu.dma_semaphore, #tpu.memory_space<semaphore_mem>>) src(%dma_wait3A_286 : memref<64x128xf32, #tpu.memory_space<vmem>>) dst(%dma_wait3A_282 : memref<64x128xf32, #tpu.memory_space<vmem_shared>>)
          %dma_start3A_287 = arith.constant 1 : i32
          %dma_start3A_288 = arith.constant 0 : i32
          %dma_start3A_289 = arith.constant 0 : i32
          %dma_start3A_290 = tpu.memref_slice %arg10[%dma_start3A_287, %dma_start3A_288, %dma_start3A_289] : memref<2x64x128xf32, #tpu.memory_space<vmem>> -> memref<1x64x128xf32, #tpu.memory_space<vmem>>
          %dma_start3A_291 = tpu.memref_squeeze %dma_start3A_290 : memref<1x64x128xf32, #tpu.memory_space<vmem>> -> memref<64x128xf32, #tpu.memory_space<vmem>>
          %dma_start3A_292 = arith.constant 0 : i32
          %dma_start3A_293 = tpu.memref_slice %arg8[%add3A_266, %dma_start3A_292] : memref<112x64xi32, #tpu.memory_space<vmem>> -> memref<1x64xi32, #tpu.memory_space<vmem>>
          %dma_start3A_294 = tpu.memref_squeeze %dma_start3A_293 : memref<1x64xi32, #tpu.memory_space<vmem>> -> memref<64xi32, #tpu.memory_space<vmem>>
          %dma_start3A_295 = arith.constant 0 : i32
          %dma_start3A_296 = arith.constant 0 : i32
          %dma_start3A_297 = tpu.memref_slice %arg2[%dma_start3A_295, %dma_start3A_296] : memref<10112x128xf32, #tpu.memory_space<hbm>> -> memref<10112x128xf32, #tpu.memory_space<hbm>>
          tpu.enqueue_indirect_dma source(%dma_start3A_297 : memref<10112x128xf32, #tpu.memory_space<hbm>>) target(%dma_start3A_291 : memref<64x128xf32, #tpu.memory_space<vmem>>) offsets(%dma_start3A_294 : memref<64xi32, #tpu.memory_space<vmem>>) semaphore(%arg12 : memref<!tpu.dma_semaphore, #tpu.memory_space<semaphore_mem>>)
        } else {
        }
      }
      %scan3A_163 = arith.constant 24 : i32
      %dma_wait3A_164 = arith.constant 0 : i32
      %dma_wait3A_165 = arith.constant 0 : i32
      %dma_wait3A_166 = arith.constant 0 : i32
      %dma_wait3A_167 = tpu.memref_slice %arg10[%dma_wait3A_164, %dma_wait3A_165, %dma_wait3A_166] : memref<2x64x128xf32, #tpu.memory_space<vmem>> -> memref<1x64x128xf32, #tpu.memory_space<vmem>>
      %dma_wait3A_168 = tpu.memref_squeeze %dma_wait3A_167 : memref<1x64x128xf32, #tpu.memory_space<vmem>> -> memref<64x128xf32, #tpu.memory_space<vmem>>
      %dma_wait3A_169 = arith.constant 0 : i32
      %dma_wait3A_170 = arith.constant 0 : i32
      %dma_wait3A_171 = tpu.memref_slice %arg7[%dma_wait3A_169, %dma_wait3A_170] : memref<10112x128xf32, #tpu.memory_space<vmem_shared>> -> memref<64x128xf32, #tpu.memory_space<vmem_shared>>
      %dma_wait3A_172 = arith.constant 0 : i32
      %dma_wait3A_173 = arith.constant 0 : i32
      %dma_wait3A_174 = tpu.memref_slice %arg7[%dma_wait3A_172, %dma_wait3A_173] : memref<10112x128xf32, #tpu.memory_space<vmem_shared>> -> memref<64x128xf32, #tpu.memory_space<vmem_shared>>
      %dma_wait3A_175 = arith.constant 0 : i32
      %dma_wait3A_176 = arith.constant 0 : i32
      %dma_wait3A_177 = tpu.memref_slice %arg10[%dma_wait3A_164, %dma_wait3A_175, %dma_wait3A_176] : memref<2x64x128xf32, #tpu.memory_space<vmem>> -> memref<1x64x128xf32, #tpu.memory_space<vmem>>
      %dma_wait3A_178 = tpu.memref_squeeze %dma_wait3A_177 : memref<1x64x128xf32, #tpu.memory_space<vmem>> -> memref<64x128xf32, #tpu.memory_space<vmem>>
      tpu.wait_dma2 semaphore(%arg13 : memref<!tpu.dma_semaphore, #tpu.memory_space<semaphore_mem>>) src(%dma_wait3A_178 : memref<64x128xf32, #tpu.memory_space<vmem>>) dst(%dma_wait3A_174 : memref<64x128xf32, #tpu.memory_space<vmem_shared>>)
      %dma_wait3A_179 = arith.constant 1 : i32
      %dma_wait3A_180 = arith.constant 0 : i32
      %dma_wait3A_181 = arith.constant 0 : i32
      %dma_wait3A_182 = tpu.memref_slice %arg10[%dma_wait3A_179, %dma_wait3A_180, %dma_wait3A_181] : memref<2x64x128xf32, #tpu.memory_space<vmem>> -> memref<1x64x128xf32, #tpu.memory_space<vmem>>
      %dma_wait3A_183 = tpu.memref_squeeze %dma_wait3A_182 : memref<1x64x128xf32, #tpu.memory_space<vmem>> -> memref<64x128xf32, #tpu.memory_space<vmem>>
      %dma_wait3A_184 = arith.constant 0 : i32
      %dma_wait3A_185 = arith.constant 0 : i32
      %dma_wait3A_186 = tpu.memref_slice %arg7[%dma_wait3A_184, %dma_wait3A_185] : memref<10112x128xf32, #tpu.memory_space<vmem_shared>> -> memref<64x128xf32, #tpu.memory_space<vmem_shared>>
      %dma_wait3A_187 = arith.constant 0 : i32
      %dma_wait3A_188 = arith.constant 0 : i32
      %dma_wait3A_189 = tpu.memref_slice %arg7[%dma_wait3A_187, %dma_wait3A_188] : memref<10112x128xf32, #tpu.memory_space<vmem_shared>> -> memref<64x128xf32, #tpu.memory_space<vmem_shared>>
      %dma_wait3A_190 = arith.constant 0 : i32
      %dma_wait3A_191 = arith.constant 0 : i32
      %dma_wait3A_192 = tpu.memref_slice %arg10[%dma_wait3A_179, %dma_wait3A_190, %dma_wait3A_191] : memref<2x64x128xf32, #tpu.memory_space<vmem>> -> memref<1x64x128xf32, #tpu.memory_space<vmem>>
      %dma_wait3A_193 = tpu.memref_squeeze %dma_wait3A_192 : memref<1x64x128xf32, #tpu.memory_space<vmem>> -> memref<64x128xf32, #tpu.memory_space<vmem>>
      tpu.wait_dma2 semaphore(%arg14 : memref<!tpu.dma_semaphore, #tpu.memory_space<semaphore_mem>>) src(%dma_wait3A_193 : memref<64x128xf32, #tpu.memory_space<vmem>>) dst(%dma_wait3A_189 : memref<64x128xf32, #tpu.memory_space<vmem_shared>>)
    } else {
    }
    %eq3A_3 = arith.constant 1 : i32
    %eq3A_4 = arith.cmpi eq, %arg0, %eq3A_3 : i32
    %convert_element_type3A_5 = arith.extui %eq3A_4 : i1 to i32
    %cond3A_6 = arith.constant 0 : i32
    %cond3A_7 = arith.cmpi ne, %convert_element_type3A_5, %cond3A_6 : i32
    scf.if %cond3A_7 {
      %mul3A_13 = arith.constant 48 : i32
      %mul3A_14 = arith.muli %arg1, %mul3A_13 : i32
      %add3A = arith.constant 4352 : i32
      %add3A_15 = arith.addi %add3A, %mul3A_14 : i32
      %add3A_16 = arith.constant 0 : i32
      %add3A_17 = arith.addi %add3A_15, %add3A_16 : i32
      "tpu.region"() ({
        %run_scoped3A = tpu.sem_alloc : memref<!tpu.dma_semaphore, #tpu.memory_space<semaphore_mem>>
        %dma_start3A_74 = arith.constant 0 : i32
        %dma_start3A_75 = arith.constant 0 : i32
        %dma_start3A_76 = tpu.memref_slice %arg8[%dma_start3A_74, %dma_start3A_75] : memref<112x64xi32, #tpu.memory_space<vmem>> -> memref<48x64xi32, #tpu.memory_space<vmem>>
        %dma_start3A_77 = arith.constant 0 : i32
        %dma_start3A_78 = tpu.memref_slice %arg3[%add3A_17, %dma_start3A_77] : memref<5120x64xi32, #tpu.memory_space<hbm>> -> memref<48x64xi32, #tpu.memory_space<hbm>>
        %dma_start3A_79 = arith.constant 0 : i32
        %dma_start3A_80 = arith.constant 0 : i32
        %dma_start3A_81 = tpu.memref_slice %arg8[%dma_start3A_79, %dma_start3A_80] : memref<112x64xi32, #tpu.memory_space<vmem>> -> memref<48x64xi32, #tpu.memory_space<vmem>>
        %dma_start3A_82 = arith.constant 0 : i32
        %dma_start3A_83 = tpu.memref_slice %arg3[%add3A_17, %dma_start3A_82] : memref<5120x64xi32, #tpu.memory_space<hbm>> -> memref<48x64xi32, #tpu.memory_space<hbm>>
        tpu.enqueue_dma source(%dma_start3A_83 : memref<48x64xi32, #tpu.memory_space<hbm>>) target(%dma_start3A_81 : memref<48x64xi32, #tpu.memory_space<vmem>>) target_semaphore(%run_scoped3A : memref<!tpu.dma_semaphore, #tpu.memory_space<semaphore_mem>>)
        %dma_wait3A_84 = arith.constant 0 : i32
        %dma_wait3A_85 = arith.constant 0 : i32
        %dma_wait3A_86 = tpu.memref_slice %arg8[%dma_wait3A_84, %dma_wait3A_85] : memref<112x64xi32, #tpu.memory_space<vmem>> -> memref<48x64xi32, #tpu.memory_space<vmem>>
        %dma_wait3A_87 = arith.constant 0 : i32
        %dma_wait3A_88 = tpu.memref_slice %arg3[%add3A_17, %dma_wait3A_87] : memref<5120x64xi32, #tpu.memory_space<hbm>> -> memref<48x64xi32, #tpu.memory_space<hbm>>
        %dma_wait3A_89 = arith.constant 0 : i32
        %dma_wait3A_90 = arith.constant 0 : i32
        %dma_wait3A_91 = tpu.memref_slice %arg8[%dma_wait3A_89, %dma_wait3A_90] : memref<112x64xi32, #tpu.memory_space<vmem>> -> memref<48x64xi32, #tpu.memory_space<vmem>>
        %dma_wait3A_92 = arith.constant 0 : i32
        %dma_wait3A_93 = tpu.memref_slice %arg3[%add3A_17, %dma_wait3A_92] : memref<5120x64xi32, #tpu.memory_space<hbm>> -> memref<48x64xi32, #tpu.memory_space<hbm>>
        tpu.wait_dma2 semaphore(%run_scoped3A : memref<!tpu.dma_semaphore, #tpu.memory_space<semaphore_mem>>) src(%dma_wait3A_93 : memref<48x64xi32, #tpu.memory_space<hbm>>) dst(%dma_wait3A_91 : memref<48x64xi32, #tpu.memory_space<vmem>>)
        tpu.yield
      }) : () -> ()
      "tpu.region"() ({
        %run_scoped3A = tpu.sem_alloc : memref<!tpu.dma_semaphore, #tpu.memory_space<semaphore_mem>>
        %dma_start3A_74 = arith.constant 0 : i32
        %dma_start3A_75 = arith.constant 0 : i32
        %dma_start3A_76 = tpu.memref_slice %arg9[%dma_start3A_74, %dma_start3A_75] : memref<112x64xi32, #tpu.memory_space<vmem>> -> memref<48x64xi32, #tpu.memory_space<vmem>>
        %dma_start3A_77 = arith.constant 0 : i32
        %dma_start3A_78 = tpu.memref_slice %arg4[%add3A_17, %dma_start3A_77] : memref<5120x64xi32, #tpu.memory_space<hbm>> -> memref<48x64xi32, #tpu.memory_space<hbm>>
        %dma_start3A_79 = arith.constant 0 : i32
        %dma_start3A_80 = arith.constant 0 : i32
        %dma_start3A_81 = tpu.memref_slice %arg9[%dma_start3A_79, %dma_start3A_80] : memref<112x64xi32, #tpu.memory_space<vmem>> -> memref<48x64xi32, #tpu.memory_space<vmem>>
        %dma_start3A_82 = arith.constant 0 : i32
        %dma_start3A_83 = tpu.memref_slice %arg4[%add3A_17, %dma_start3A_82] : memref<5120x64xi32, #tpu.memory_space<hbm>> -> memref<48x64xi32, #tpu.memory_space<hbm>>
        tpu.enqueue_dma source(%dma_start3A_83 : memref<48x64xi32, #tpu.memory_space<hbm>>) target(%dma_start3A_81 : memref<48x64xi32, #tpu.memory_space<vmem>>) target_semaphore(%run_scoped3A : memref<!tpu.dma_semaphore, #tpu.memory_space<semaphore_mem>>)
        %dma_wait3A_84 = arith.constant 0 : i32
        %dma_wait3A_85 = arith.constant 0 : i32
        %dma_wait3A_86 = tpu.memref_slice %arg9[%dma_wait3A_84, %dma_wait3A_85] : memref<112x64xi32, #tpu.memory_space<vmem>> -> memref<48x64xi32, #tpu.memory_space<vmem>>
        %dma_wait3A_87 = arith.constant 0 : i32
        %dma_wait3A_88 = tpu.memref_slice %arg4[%add3A_17, %dma_wait3A_87] : memref<5120x64xi32, #tpu.memory_space<hbm>> -> memref<48x64xi32, #tpu.memory_space<hbm>>
        %dma_wait3A_89 = arith.constant 0 : i32
        %dma_wait3A_90 = arith.constant 0 : i32
        %dma_wait3A_91 = tpu.memref_slice %arg9[%dma_wait3A_89, %dma_wait3A_90] : memref<112x64xi32, #tpu.memory_space<vmem>> -> memref<48x64xi32, #tpu.memory_space<vmem>>
        %dma_wait3A_92 = arith.constant 0 : i32
        %dma_wait3A_93 = tpu.memref_slice %arg4[%add3A_17, %dma_wait3A_92] : memref<5120x64xi32, #tpu.memory_space<hbm>> -> memref<48x64xi32, #tpu.memory_space<hbm>>
        tpu.wait_dma2 semaphore(%run_scoped3A : memref<!tpu.dma_semaphore, #tpu.memory_space<semaphore_mem>>) src(%dma_wait3A_93 : memref<48x64xi32, #tpu.memory_space<hbm>>) dst(%dma_wait3A_91 : memref<48x64xi32, #tpu.memory_space<vmem>>)
        tpu.yield
      }) : () -> ()
      %dma_start3A = arith.constant 0 : i32
      %dma_start3A_18 = arith.constant 0 : i32
      %dma_start3A_19 = arith.constant 0 : i32
      %dma_start3A_20 = arith.constant 0 : i32
      %dma_start3A_21 = tpu.memref_slice %arg10[%dma_start3A_18, %dma_start3A_19, %dma_start3A_20] : memref<2x64x128xf32, #tpu.memory_space<vmem>> -> memref<1x64x128xf32, #tpu.memory_space<vmem>>
      %dma_start3A_22 = tpu.memref_squeeze %dma_start3A_21 : memref<1x64x128xf32, #tpu.memory_space<vmem>> -> memref<64x128xf32, #tpu.memory_space<vmem>>
      %dma_start3A_23 = arith.constant 0 : i32
      %dma_start3A_24 = tpu.memref_slice %arg8[%dma_start3A, %dma_start3A_23] : memref<112x64xi32, #tpu.memory_space<vmem>> -> memref<1x64xi32, #tpu.memory_space<vmem>>
      %dma_start3A_25 = tpu.memref_squeeze %dma_start3A_24 : memref<1x64xi32, #tpu.memory_space<vmem>> -> memref<64xi32, #tpu.memory_space<vmem>>
      %dma_start3A_26 = arith.constant 0 : i32
      %dma_start3A_27 = arith.constant 0 : i32
      %dma_start3A_28 = tpu.memref_slice %arg2[%dma_start3A_26, %dma_start3A_27] : memref<10112x128xf32, #tpu.memory_space<hbm>> -> memref<10112x128xf32, #tpu.memory_space<hbm>>
      tpu.enqueue_indirect_dma source(%dma_start3A_28 : memref<10112x128xf32, #tpu.memory_space<hbm>>) target(%dma_start3A_22 : memref<64x128xf32, #tpu.memory_space<vmem>>) offsets(%dma_start3A_25 : memref<64xi32, #tpu.memory_space<vmem>>) semaphore(%arg11 : memref<!tpu.dma_semaphore, #tpu.memory_space<semaphore_mem>>)
      %dma_start3A_29 = arith.constant 1 : i32
      %dma_start3A_30 = arith.constant 1 : i32
      %dma_start3A_31 = arith.constant 0 : i32
      %dma_start3A_32 = arith.constant 0 : i32
      %dma_start3A_33 = tpu.memref_slice %arg10[%dma_start3A_30, %dma_start3A_31, %dma_start3A_32] : memref<2x64x128xf32, #tpu.memory_space<vmem>> -> memref<1x64x128xf32, #tpu.memory_space<vmem>>
      %dma_start3A_34 = tpu.memref_squeeze %dma_start3A_33 : memref<1x64x128xf32, #tpu.memory_space<vmem>> -> memref<64x128xf32, #tpu.memory_space<vmem>>
      %dma_start3A_35 = arith.constant 0 : i32
      %dma_start3A_36 = tpu.memref_slice %arg8[%dma_start3A_29, %dma_start3A_35] : memref<112x64xi32, #tpu.memory_space<vmem>> -> memref<1x64xi32, #tpu.memory_space<vmem>>
      %dma_start3A_37 = tpu.memref_squeeze %dma_start3A_36 : memref<1x64xi32, #tpu.memory_space<vmem>> -> memref<64xi32, #tpu.memory_space<vmem>>
      %dma_start3A_38 = arith.constant 0 : i32
      %dma_start3A_39 = arith.constant 0 : i32
      %dma_start3A_40 = tpu.memref_slice %arg2[%dma_start3A_38, %dma_start3A_39] : memref<10112x128xf32, #tpu.memory_space<hbm>> -> memref<10112x128xf32, #tpu.memory_space<hbm>>
      tpu.enqueue_indirect_dma source(%dma_start3A_40 : memref<10112x128xf32, #tpu.memory_space<hbm>>) target(%dma_start3A_34 : memref<64x128xf32, #tpu.memory_space<vmem>>) offsets(%dma_start3A_37 : memref<64xi32, #tpu.memory_space<vmem>>) semaphore(%arg12 : memref<!tpu.dma_semaphore, #tpu.memory_space<semaphore_mem>>)
      %scan3A = arith.constant 0 : i32
      %scan3A_41 = arith.constant 24 : i32
      %scan3A_42 = arith.addi %scan3A, %scan3A_41 : i32
      %scan3A_43 = arith.constant 1 : i32
      scf.for %scan3A_74 = %scan3A to %scan3A_42 step %scan3A_43  : i32 {
        %mul3A_75 = arith.constant 2 : i32
        %mul3A_76 = arith.muli %scan3A_74, %mul3A_75 : i32
        %add3A_77 = arith.constant 0 : i32
        %add3A_78 = arith.addi %add3A_77, %mul3A_76 : i32
        %dma_wait3A_79 = arith.constant 0 : i32
        %dma_wait3A_80 = arith.constant 0 : i32
        %dma_wait3A_81 = arith.constant 0 : i32
        %dma_wait3A_82 = tpu.memref_slice %arg10[%dma_wait3A_79, %dma_wait3A_80, %dma_wait3A_81] : memref<2x64x128xf32, #tpu.memory_space<vmem>> -> memref<1x64x128xf32, #tpu.memory_space<vmem>>
        %dma_wait3A_83 = tpu.memref_squeeze %dma_wait3A_82 : memref<1x64x128xf32, #tpu.memory_space<vmem>> -> memref<64x128xf32, #tpu.memory_space<vmem>>
        %dma_wait3A_84 = arith.constant 0 : i32
        %dma_wait3A_85 = arith.constant 0 : i32
        %dma_wait3A_86 = tpu.memref_slice %arg2[%dma_wait3A_84, %dma_wait3A_85] : memref<10112x128xf32, #tpu.memory_space<hbm>> -> memref<64x128xf32, #tpu.memory_space<hbm>>
        %dma_wait3A_87 = arith.constant 0 : i32
        %dma_wait3A_88 = arith.constant 0 : i32
        %dma_wait3A_89 = tpu.memref_slice %arg10[%dma_wait3A_79, %dma_wait3A_87, %dma_wait3A_88] : memref<2x64x128xf32, #tpu.memory_space<vmem>> -> memref<1x64x128xf32, #tpu.memory_space<vmem>>
        %dma_wait3A_90 = tpu.memref_squeeze %dma_wait3A_89 : memref<1x64x128xf32, #tpu.memory_space<vmem>> -> memref<64x128xf32, #tpu.memory_space<vmem>>
        %dma_wait3A_91 = arith.constant 0 : i32
        %dma_wait3A_92 = arith.constant 0 : i32
        %dma_wait3A_93 = tpu.memref_slice %arg2[%dma_wait3A_91, %dma_wait3A_92] : memref<10112x128xf32, #tpu.memory_space<hbm>> -> memref<64x128xf32, #tpu.memory_space<hbm>>
        tpu.wait_dma2 semaphore(%arg11 : memref<!tpu.dma_semaphore, #tpu.memory_space<semaphore_mem>>) src(%dma_wait3A_93 : memref<64x128xf32, #tpu.memory_space<hbm>>) dst(%dma_wait3A_90 : memref<64x128xf32, #tpu.memory_space<vmem>>)
        %add3A_94 = arith.constant 0 : i32
        %add3A_95 = arith.addi %add3A_78, %add3A_94 : i32
        %dma_start3A_96 = arith.constant 0 : i32
        %dma_start3A_97 = arith.constant 0 : i32
        %dma_start3A_98 = arith.constant 0 : i32
        %dma_start3A_99 = tpu.memref_slice %arg10[%dma_start3A_96, %dma_start3A_97, %dma_start3A_98] : memref<2x64x128xf32, #tpu.memory_space<vmem>> -> memref<1x64x128xf32, #tpu.memory_space<vmem>>
        %dma_start3A_100 = tpu.memref_squeeze %dma_start3A_99 : memref<1x64x128xf32, #tpu.memory_space<vmem>> -> memref<64x128xf32, #tpu.memory_space<vmem>>
        %dma_start3A_101 = arith.constant 0 : i32
        %dma_start3A_102 = tpu.memref_slice %arg9[%add3A_95, %dma_start3A_101] : memref<112x64xi32, #tpu.memory_space<vmem>> -> memref<1x64xi32, #tpu.memory_space<vmem>>
        %dma_start3A_103 = tpu.memref_squeeze %dma_start3A_102 : memref<1x64xi32, #tpu.memory_space<vmem>> -> memref<64xi32, #tpu.memory_space<vmem>>
        %dma_start3A_104 = arith.constant 0 : i32
        %dma_start3A_105 = arith.constant 0 : i32
        %dma_start3A_106 = tpu.memref_slice %arg7[%dma_start3A_104, %dma_start3A_105] : memref<10112x128xf32, #tpu.memory_space<vmem_shared>> -> memref<10112x128xf32, #tpu.memory_space<vmem_shared>>
        tpu.enqueue_indirect_dma source(%dma_start3A_100 : memref<64x128xf32, #tpu.memory_space<vmem>>) target(%dma_start3A_106 : memref<10112x128xf32, #tpu.memory_space<vmem_shared>>) offsets(%dma_start3A_103 : memref<64xi32, #tpu.memory_space<vmem>>) semaphore(%arg13 : memref<!tpu.dma_semaphore, #tpu.memory_space<semaphore_mem>>) {add = true}
        %dma_wait3A_107 = arith.constant 1 : i32
        %dma_wait3A_108 = arith.constant 0 : i32
        %dma_wait3A_109 = arith.constant 0 : i32
        %dma_wait3A_110 = tpu.memref_slice %arg10[%dma_wait3A_107, %dma_wait3A_108, %dma_wait3A_109] : memref<2x64x128xf32, #tpu.memory_space<vmem>> -> memref<1x64x128xf32, #tpu.memory_space<vmem>>
        %dma_wait3A_111 = tpu.memref_squeeze %dma_wait3A_110 : memref<1x64x128xf32, #tpu.memory_space<vmem>> -> memref<64x128xf32, #tpu.memory_space<vmem>>
        %dma_wait3A_112 = arith.constant 0 : i32
        %dma_wait3A_113 = arith.constant 0 : i32
        %dma_wait3A_114 = tpu.memref_slice %arg2[%dma_wait3A_112, %dma_wait3A_113] : memref<10112x128xf32, #tpu.memory_space<hbm>> -> memref<64x128xf32, #tpu.memory_space<hbm>>
        %dma_wait3A_115 = arith.constant 0 : i32
        %dma_wait3A_116 = arith.constant 0 : i32
        %dma_wait3A_117 = tpu.memref_slice %arg10[%dma_wait3A_107, %dma_wait3A_115, %dma_wait3A_116] : memref<2x64x128xf32, #tpu.memory_space<vmem>> -> memref<1x64x128xf32, #tpu.memory_space<vmem>>
        %dma_wait3A_118 = tpu.memref_squeeze %dma_wait3A_117 : memref<1x64x128xf32, #tpu.memory_space<vmem>> -> memref<64x128xf32, #tpu.memory_space<vmem>>
        %dma_wait3A_119 = arith.constant 0 : i32
        %dma_wait3A_120 = arith.constant 0 : i32
        %dma_wait3A_121 = tpu.memref_slice %arg2[%dma_wait3A_119, %dma_wait3A_120] : memref<10112x128xf32, #tpu.memory_space<hbm>> -> memref<64x128xf32, #tpu.memory_space<hbm>>
        tpu.wait_dma2 semaphore(%arg12 : memref<!tpu.dma_semaphore, #tpu.memory_space<semaphore_mem>>) src(%dma_wait3A_121 : memref<64x128xf32, #tpu.memory_space<hbm>>) dst(%dma_wait3A_118 : memref<64x128xf32, #tpu.memory_space<vmem>>)
        %add3A_122 = arith.constant 1 : i32
        %add3A_123 = arith.addi %add3A_78, %add3A_122 : i32
        %dma_start3A_124 = arith.constant 1 : i32
        %dma_start3A_125 = arith.constant 0 : i32
        %dma_start3A_126 = arith.constant 0 : i32
        %dma_start3A_127 = tpu.memref_slice %arg10[%dma_start3A_124, %dma_start3A_125, %dma_start3A_126] : memref<2x64x128xf32, #tpu.memory_space<vmem>> -> memref<1x64x128xf32, #tpu.memory_space<vmem>>
        %dma_start3A_128 = tpu.memref_squeeze %dma_start3A_127 : memref<1x64x128xf32, #tpu.memory_space<vmem>> -> memref<64x128xf32, #tpu.memory_space<vmem>>
        %dma_start3A_129 = arith.constant 0 : i32
        %dma_start3A_130 = tpu.memref_slice %arg9[%add3A_123, %dma_start3A_129] : memref<112x64xi32, #tpu.memory_space<vmem>> -> memref<1x64xi32, #tpu.memory_space<vmem>>
        %dma_start3A_131 = tpu.memref_squeeze %dma_start3A_130 : memref<1x64xi32, #tpu.memory_space<vmem>> -> memref<64xi32, #tpu.memory_space<vmem>>
        %dma_start3A_132 = arith.constant 0 : i32
        %dma_start3A_133 = arith.constant 0 : i32
        %dma_start3A_134 = tpu.memref_slice %arg7[%dma_start3A_132, %dma_start3A_133] : memref<10112x128xf32, #tpu.memory_space<vmem_shared>> -> memref<10112x128xf32, #tpu.memory_space<vmem_shared>>
        tpu.enqueue_indirect_dma source(%dma_start3A_128 : memref<64x128xf32, #tpu.memory_space<vmem>>) target(%dma_start3A_134 : memref<10112x128xf32, #tpu.memory_space<vmem_shared>>) offsets(%dma_start3A_131 : memref<64xi32, #tpu.memory_space<vmem>>) semaphore(%arg14 : memref<!tpu.dma_semaphore, #tpu.memory_space<semaphore_mem>>) {add = true}
        %add3A_135 = arith.constant 0 : i32
        %add3A_136 = arith.addi %add3A_78, %add3A_135 : i32
        %add3A_137 = arith.constant 2 : i32
        %add3A_138 = arith.addi %add3A_136, %add3A_137 : i32
        %lt3A = arith.constant 48 : i32
        %lt3A_139 = arith.cmpi slt, %add3A_138, %lt3A : i32
        %convert_element_type3A_140 = arith.extui %lt3A_139 : i1 to i32
        %cond3A_141 = arith.constant 0 : i32
        %cond3A_142 = arith.cmpi ne, %convert_element_type3A_140, %cond3A_141 : i32
        scf.if %cond3A_142 {
          %dma_wait3A_152 = arith.constant 0 : i32
          %dma_wait3A_153 = arith.constant 0 : i32
          %dma_wait3A_154 = arith.constant 0 : i32
          %dma_wait3A_155 = tpu.memref_slice %arg10[%dma_wait3A_152, %dma_wait3A_153, %dma_wait3A_154] : memref<2x64x128xf32, #tpu.memory_space<vmem>> -> memref<1x64x128xf32, #tpu.memory_space<vmem>>
          %dma_wait3A_156 = tpu.memref_squeeze %dma_wait3A_155 : memref<1x64x128xf32, #tpu.memory_space<vmem>> -> memref<64x128xf32, #tpu.memory_space<vmem>>
          %dma_wait3A_157 = arith.constant 0 : i32
          %dma_wait3A_158 = arith.constant 0 : i32
          %dma_wait3A_159 = tpu.memref_slice %arg7[%dma_wait3A_157, %dma_wait3A_158] : memref<10112x128xf32, #tpu.memory_space<vmem_shared>> -> memref<64x128xf32, #tpu.memory_space<vmem_shared>>
          %dma_wait3A_160 = arith.constant 0 : i32
          %dma_wait3A_161 = arith.constant 0 : i32
          %dma_wait3A_162 = tpu.memref_slice %arg7[%dma_wait3A_160, %dma_wait3A_161] : memref<10112x128xf32, #tpu.memory_space<vmem_shared>> -> memref<64x128xf32, #tpu.memory_space<vmem_shared>>
          %dma_wait3A_163 = arith.constant 0 : i32
          %dma_wait3A_164 = arith.constant 0 : i32
          %dma_wait3A_165 = tpu.memref_slice %arg10[%dma_wait3A_152, %dma_wait3A_163, %dma_wait3A_164] : memref<2x64x128xf32, #tpu.memory_space<vmem>> -> memref<1x64x128xf32, #tpu.memory_space<vmem>>
          %dma_wait3A_166 = tpu.memref_squeeze %dma_wait3A_165 : memref<1x64x128xf32, #tpu.memory_space<vmem>> -> memref<64x128xf32, #tpu.memory_space<vmem>>
          tpu.wait_dma2 semaphore(%arg13 : memref<!tpu.dma_semaphore, #tpu.memory_space<semaphore_mem>>) src(%dma_wait3A_166 : memref<64x128xf32, #tpu.memory_space<vmem>>) dst(%dma_wait3A_162 : memref<64x128xf32, #tpu.memory_space<vmem_shared>>)
          %dma_start3A_167 = arith.constant 0 : i32
          %dma_start3A_168 = arith.constant 0 : i32
          %dma_start3A_169 = arith.constant 0 : i32
          %dma_start3A_170 = tpu.memref_slice %arg10[%dma_start3A_167, %dma_start3A_168, %dma_start3A_169] : memref<2x64x128xf32, #tpu.memory_space<vmem>> -> memref<1x64x128xf32, #tpu.memory_space<vmem>>
          %dma_start3A_171 = tpu.memref_squeeze %dma_start3A_170 : memref<1x64x128xf32, #tpu.memory_space<vmem>> -> memref<64x128xf32, #tpu.memory_space<vmem>>
          %dma_start3A_172 = arith.constant 0 : i32
          %dma_start3A_173 = tpu.memref_slice %arg8[%add3A_138, %dma_start3A_172] : memref<112x64xi32, #tpu.memory_space<vmem>> -> memref<1x64xi32, #tpu.memory_space<vmem>>
          %dma_start3A_174 = tpu.memref_squeeze %dma_start3A_173 : memref<1x64xi32, #tpu.memory_space<vmem>> -> memref<64xi32, #tpu.memory_space<vmem>>
          %dma_start3A_175 = arith.constant 0 : i32
          %dma_start3A_176 = arith.constant 0 : i32
          %dma_start3A_177 = tpu.memref_slice %arg2[%dma_start3A_175, %dma_start3A_176] : memref<10112x128xf32, #tpu.memory_space<hbm>> -> memref<10112x128xf32, #tpu.memory_space<hbm>>
          tpu.enqueue_indirect_dma source(%dma_start3A_177 : memref<10112x128xf32, #tpu.memory_space<hbm>>) target(%dma_start3A_171 : memref<64x128xf32, #tpu.memory_space<vmem>>) offsets(%dma_start3A_174 : memref<64xi32, #tpu.memory_space<vmem>>) semaphore(%arg11 : memref<!tpu.dma_semaphore, #tpu.memory_space<semaphore_mem>>)
        } else {
        }
        %add3A_143 = arith.constant 1 : i32
        %add3A_144 = arith.addi %add3A_78, %add3A_143 : i32
        %add3A_145 = arith.constant 2 : i32
        %add3A_146 = arith.addi %add3A_144, %add3A_145 : i32
        %lt3A_147 = arith.constant 48 : i32
        %lt3A_148 = arith.cmpi slt, %add3A_146, %lt3A_147 : i32
        %convert_element_type3A_149 = arith.extui %lt3A_148 : i1 to i32
        %cond3A_150 = arith.constant 0 : i32
        %cond3A_151 = arith.cmpi ne, %convert_element_type3A_149, %cond3A_150 : i32
        scf.if %cond3A_151 {
          %dma_wait3A_152 = arith.constant 1 : i32
          %dma_wait3A_153 = arith.constant 0 : i32
          %dma_wait3A_154 = arith.constant 0 : i32
          %dma_wait3A_155 = tpu.memref_slice %arg10[%dma_wait3A_152, %dma_wait3A_153, %dma_wait3A_154] : memref<2x64x128xf32, #tpu.memory_space<vmem>> -> memref<1x64x128xf32, #tpu.memory_space<vmem>>
          %dma_wait3A_156 = tpu.memref_squeeze %dma_wait3A_155 : memref<1x64x128xf32, #tpu.memory_space<vmem>> -> memref<64x128xf32, #tpu.memory_space<vmem>>
          %dma_wait3A_157 = arith.constant 0 : i32
          %dma_wait3A_158 = arith.constant 0 : i32
          %dma_wait3A_159 = tpu.memref_slice %arg7[%dma_wait3A_157, %dma_wait3A_158] : memref<10112x128xf32, #tpu.memory_space<vmem_shared>> -> memref<64x128xf32, #tpu.memory_space<vmem_shared>>
          %dma_wait3A_160 = arith.constant 0 : i32
          %dma_wait3A_161 = arith.constant 0 : i32
          %dma_wait3A_162 = tpu.memref_slice %arg7[%dma_wait3A_160, %dma_wait3A_161] : memref<10112x128xf32, #tpu.memory_space<vmem_shared>> -> memref<64x128xf32, #tpu.memory_space<vmem_shared>>
          %dma_wait3A_163 = arith.constant 0 : i32
          %dma_wait3A_164 = arith.constant 0 : i32
          %dma_wait3A_165 = tpu.memref_slice %arg10[%dma_wait3A_152, %dma_wait3A_163, %dma_wait3A_164] : memref<2x64x128xf32, #tpu.memory_space<vmem>> -> memref<1x64x128xf32, #tpu.memory_space<vmem>>
          %dma_wait3A_166 = tpu.memref_squeeze %dma_wait3A_165 : memref<1x64x128xf32, #tpu.memory_space<vmem>> -> memref<64x128xf32, #tpu.memory_space<vmem>>
          tpu.wait_dma2 semaphore(%arg14 : memref<!tpu.dma_semaphore, #tpu.memory_space<semaphore_mem>>) src(%dma_wait3A_166 : memref<64x128xf32, #tpu.memory_space<vmem>>) dst(%dma_wait3A_162 : memref<64x128xf32, #tpu.memory_space<vmem_shared>>)
          %dma_start3A_167 = arith.constant 1 : i32
          %dma_start3A_168 = arith.constant 0 : i32
          %dma_start3A_169 = arith.constant 0 : i32
          %dma_start3A_170 = tpu.memref_slice %arg10[%dma_start3A_167, %dma_start3A_168, %dma_start3A_169] : memref<2x64x128xf32, #tpu.memory_space<vmem>> -> memref<1x64x128xf32, #tpu.memory_space<vmem>>
          %dma_start3A_171 = tpu.memref_squeeze %dma_start3A_170 : memref<1x64x128xf32, #tpu.memory_space<vmem>> -> memref<64x128xf32, #tpu.memory_space<vmem>>
          %dma_start3A_172 = arith.constant 0 : i32
          %dma_start3A_173 = tpu.memref_slice %arg8[%add3A_146, %dma_start3A_172] : memref<112x64xi32, #tpu.memory_space<vmem>> -> memref<1x64xi32, #tpu.memory_space<vmem>>
          %dma_start3A_174 = tpu.memref_squeeze %dma_start3A_173 : memref<1x64xi32, #tpu.memory_space<vmem>> -> memref<64xi32, #tpu.memory_space<vmem>>
          %dma_start3A_175 = arith.constant 0 : i32
          %dma_start3A_176 = arith.constant 0 : i32
          %dma_start3A_177 = tpu.memref_slice %arg2[%dma_start3A_175, %dma_start3A_176] : memref<10112x128xf32, #tpu.memory_space<hbm>> -> memref<10112x128xf32, #tpu.memory_space<hbm>>
          tpu.enqueue_indirect_dma source(%dma_start3A_177 : memref<10112x128xf32, #tpu.memory_space<hbm>>) target(%dma_start3A_171 : memref<64x128xf32, #tpu.memory_space<vmem>>) offsets(%dma_start3A_174 : memref<64xi32, #tpu.memory_space<vmem>>) semaphore(%arg12 : memref<!tpu.dma_semaphore, #tpu.memory_space<semaphore_mem>>)
        } else {
        }
      }
      %scan3A_44 = arith.constant 24 : i32
      %dma_wait3A = arith.constant 0 : i32
      %dma_wait3A_45 = arith.constant 0 : i32
      %dma_wait3A_46 = arith.constant 0 : i32
      %dma_wait3A_47 = tpu.memref_slice %arg10[%dma_wait3A, %dma_wait3A_45, %dma_wait3A_46] : memref<2x64x128xf32, #tpu.memory_space<vmem>> -> memref<1x64x128xf32, #tpu.memory_space<vmem>>
      %dma_wait3A_48 = tpu.memref_squeeze %dma_wait3A_47 : memref<1x64x128xf32, #tpu.memory_space<vmem>> -> memref<64x128xf32, #tpu.memory_space<vmem>>
      %dma_wait3A_49 = arith.constant 0 : i32
      %dma_wait3A_50 = arith.constant 0 : i32
      %dma_wait3A_51 = tpu.memref_slice %arg7[%dma_wait3A_49, %dma_wait3A_50] : memref<10112x128xf32, #tpu.memory_space<vmem_shared>> -> memref<64x128xf32, #tpu.memory_space<vmem_shared>>
      %dma_wait3A_52 = arith.constant 0 : i32
      %dma_wait3A_53 = arith.constant 0 : i32
      %dma_wait3A_54 = tpu.memref_slice %arg7[%dma_wait3A_52, %dma_wait3A_53] : memref<10112x128xf32, #tpu.memory_space<vmem_shared>> -> memref<64x128xf32, #tpu.memory_space<vmem_shared>>
      %dma_wait3A_55 = arith.constant 0 : i32
      %dma_wait3A_56 = arith.constant 0 : i32
      %dma_wait3A_57 = tpu.memref_slice %arg10[%dma_wait3A, %dma_wait3A_55, %dma_wait3A_56] : memref<2x64x128xf32, #tpu.memory_space<vmem>> -> memref<1x64x128xf32, #tpu.memory_space<vmem>>
      %dma_wait3A_58 = tpu.memref_squeeze %dma_wait3A_57 : memref<1x64x128xf32, #tpu.memory_space<vmem>> -> memref<64x128xf32, #tpu.memory_space<vmem>>
      tpu.wait_dma2 semaphore(%arg13 : memref<!tpu.dma_semaphore, #tpu.memory_space<semaphore_mem>>) src(%dma_wait3A_58 : memref<64x128xf32, #tpu.memory_space<vmem>>) dst(%dma_wait3A_54 : memref<64x128xf32, #tpu.memory_space<vmem_shared>>)
      %dma_wait3A_59 = arith.constant 1 : i32
      %dma_wait3A_60 = arith.constant 0 : i32
      %dma_wait3A_61 = arith.constant 0 : i32
      %dma_wait3A_62 = tpu.memref_slice %arg10[%dma_wait3A_59, %dma_wait3A_60, %dma_wait3A_61] : memref<2x64x128xf32, #tpu.memory_space<vmem>> -> memref<1x64x128xf32, #tpu.memory_space<vmem>>
      %dma_wait3A_63 = tpu.memref_squeeze %dma_wait3A_62 : memref<1x64x128xf32, #tpu.memory_space<vmem>> -> memref<64x128xf32, #tpu.memory_space<vmem>>
      %dma_wait3A_64 = arith.constant 0 : i32
      %dma_wait3A_65 = arith.constant 0 : i32
      %dma_wait3A_66 = tpu.memref_slice %arg7[%dma_wait3A_64, %dma_wait3A_65] : memref<10112x128xf32, #tpu.memory_space<vmem_shared>> -> memref<64x128xf32, #tpu.memory_space<vmem_shared>>
      %dma_wait3A_67 = arith.constant 0 : i32
      %dma_wait3A_68 = arith.constant 0 : i32
      %dma_wait3A_69 = tpu.memref_slice %arg7[%dma_wait3A_67, %dma_wait3A_68] : memref<10112x128xf32, #tpu.memory_space<vmem_shared>> -> memref<64x128xf32, #tpu.memory_space<vmem_shared>>
      %dma_wait3A_70 = arith.constant 0 : i32
      %dma_wait3A_71 = arith.constant 0 : i32
      %dma_wait3A_72 = tpu.memref_slice %arg10[%dma_wait3A_59, %dma_wait3A_70, %dma_wait3A_71] : memref<2x64x128xf32, #tpu.memory_space<vmem>> -> memref<1x64x128xf32, #tpu.memory_space<vmem>>
      %dma_wait3A_73 = tpu.memref_squeeze %dma_wait3A_72 : memref<1x64x128xf32, #tpu.memory_space<vmem>> -> memref<64x128xf32, #tpu.memory_space<vmem>>
      tpu.wait_dma2 semaphore(%arg14 : memref<!tpu.dma_semaphore, #tpu.memory_space<semaphore_mem>>) src(%dma_wait3A_73 : memref<64x128xf32, #tpu.memory_space<vmem>>) dst(%dma_wait3A_69 : memref<64x128xf32, #tpu.memory_space<vmem_shared>>)
    } else {
    }
    %barrier3A_8 = arith.constant 0 : index
    tpu.barrier barrier_id(%barrier3A_8)
    %mul3A_9 = arith.constant 632 : i32
    %mul3A_10 = arith.muli %arg1, %mul3A_9 : i32
    %mul3A_11 = arith.constant 632 : i32
    %mul3A_12 = arith.muli %arg1, %mul3A_11 : i32
    "tpu.region"() ({
      %run_scoped3A = tpu.sem_alloc : memref<!tpu.dma_semaphore, #tpu.memory_space<semaphore_mem>>
      %dma_start3A = arith.constant 0 : i32
      %dma_start3A_13 = tpu.memref_slice %arg6[%arg0, %mul3A_12, %dma_start3A] : memref<2x10112x128xf32, #tpu.memory_space<hbm>> -> memref<1x632x128xf32, #tpu.memory_space<hbm>>
      %dma_start3A_14 = tpu.memref_squeeze %dma_start3A_13 : memref<1x632x128xf32, #tpu.memory_space<hbm>> -> memref<632x128xf32, #tpu.memory_space<hbm>>
      %dma_start3A_15 = arith.constant 0 : i32
      %dma_start3A_16 = tpu.memref_slice %arg7[%mul3A_10, %dma_start3A_15] : memref<10112x128xf32, #tpu.memory_space<vmem_shared>> -> memref<632x128xf32, #tpu.memory_space<vmem_shared>>
      tpu.enqueue_dma source(%dma_start3A_16 : memref<632x128xf32, #tpu.memory_space<vmem_shared>>) target(%dma_start3A_14 : memref<632x128xf32, #tpu.memory_space<hbm>>) target_semaphore(%run_scoped3A : memref<!tpu.dma_semaphore, #tpu.memory_space<semaphore_mem>>)
      %dma_wait3A = arith.constant 0 : i32
      %dma_wait3A_17 = tpu.memref_slice %arg6[%arg0, %mul3A_12, %dma_wait3A] : memref<2x10112x128xf32, #tpu.memory_space<hbm>> -> memref<1x632x128xf32, #tpu.memory_space<hbm>>
      %dma_wait3A_18 = tpu.memref_squeeze %dma_wait3A_17 : memref<1x632x128xf32, #tpu.memory_space<hbm>> -> memref<632x128xf32, #tpu.memory_space<hbm>>
      %dma_wait3A_19 = arith.constant 0 : i32
      %dma_wait3A_20 = tpu.memref_slice %arg7[%mul3A_10, %dma_wait3A_19] : memref<10112x128xf32, #tpu.memory_space<vmem_shared>> -> memref<632x128xf32, #tpu.memory_space<vmem_shared>>
      tpu.wait_dma2 semaphore(%run_scoped3A : memref<!tpu.dma_semaphore, #tpu.memory_space<semaphore_mem>>) src(%dma_wait3A_20 : memref<632x128xf32, #tpu.memory_space<vmem_shared>>) dst(%dma_wait3A_18 : memref<632x128xf32, #tpu.memory_space<hbm>>)
      tpu.yield
    }) : () -> ()
    return
  }
}

module attributes {stable_mosaic.version = 14 : i64} {
  func.func @_prescale_body(%arg0: memref<10112x128xf32, #tpu.memory_space<vmem>>, %arg1: memref<10112x16xf32, #tpu.memory_space<vmem>>, %arg2: memref<10112x16xf32, #tpu.memory_space<vmem>>, %arg3: memref<10112x128xf32, #tpu.memory_space<vmem>>) attributes {dimension_semantics = [], scalar_prefetch = 0 : i64, scratch_operands = 0 : i64, tpu.core_type = #tpu.core_type<tc>} {
    %scan3A = arith.constant 0 : i32
    %scan3A_0 = arith.constant 79 : i32
    %scan3A_1 = arith.addi %scan3A, %scan3A_0 : i32
    %scan3A_2 = arith.constant 1 : i32
    scf.for %scan3A_4 = %scan3A to %scan3A_1 step %scan3A_2  : i32 {
      %mul3A = arith.constant 128 : i32
      %mul3A_5 = arith.muli %scan3A_4, %mul3A : i32
      %get3A = arith.index_cast %mul3A_5 : i32 to index
      %get3A_6 = arith.constant 0 : index
      %get3A_7 = vector.load %arg1[%get3A, %get3A_6] : memref<10112x16xf32, #tpu.memory_space<vmem>>, vector<128x1xf32>
      %get3A_8 = arith.index_cast %mul3A_5 : i32 to index
      %get3A_9 = arith.constant 0 : index
      %get3A_10 = vector.load %arg2[%get3A_8, %get3A_9] : memref<10112x16xf32, #tpu.memory_space<vmem>>, vector<128x1xf32>
      %add3A = arith.addf %get3A_7, %get3A_10 : vector<128x1xf32>
      %max3A = arith.constant 1.000000e+00 : f32
      %max3A_11 = vector.broadcast %max3A : f32 to vector<128x1xf32>
      %max3A_12 = arith.maximumf %add3A, %max3A_11 : vector<128x1xf32>
      %rsqrt3A = math.rsqrt %max3A_12 : vector<128x1xf32>
      %get3A_13 = arith.index_cast %mul3A_5 : i32 to index
      %get3A_14 = arith.constant 0 : index
      %get3A_15 = vector.load %arg0[%get3A_13, %get3A_14] : memref<10112x128xf32, #tpu.memory_space<vmem>>, vector<128x128xf32>
      %mul3A_16 = vector.broadcast %rsqrt3A : vector<128x1xf32> to vector<128x128xf32>
      %mul3A_17 = arith.mulf %get3A_15, %mul3A_16 : vector<128x128xf32>
      %swap3A = arith.index_cast %mul3A_5 : i32 to index
      %swap3A_18 = arith.constant 0 : index
      %swap3A_19 = vector.load %arg3[%swap3A, %swap3A_18] : memref<10112x128xf32, #tpu.memory_space<vmem>>, vector<128x128xf32>
      tpu.vector_store %arg3[%swap3A, %swap3A_18], %mul3A_17 {strides = array<i32>} : memref<10112x128xf32, #tpu.memory_space<vmem>>, vector<128x128xf32>,
    }
    %scan3A_3 = arith.constant 79 : i32
    return
  }
}

module attributes {stable_mosaic.version = 14 : i64} {
  func.func @_post_body(%arg0: memref<10112x128xf32, #tpu.memory_space<vmem>>, %arg1: memref<10112x128xf32, #tpu.memory_space<vmem>>, %arg2: memref<10112x16xf32, #tpu.memory_space<vmem>>, %arg3: memref<10112x16xf32, #tpu.memory_space<vmem>>, %arg4: memref<10112x16xf32, #tpu.memory_space<vmem>>, %arg5: memref<10112x16xf32, #tpu.memory_space<vmem>>, %arg6: memref<128x128xf32, #tpu.memory_space<vmem>>, %arg7: memref<1x128xf32, #tpu.memory_space<vmem>>, %arg8: memref<1x128xf32, #tpu.memory_space<vmem>>, %arg9: memref<1x128xf32, #tpu.memory_space<vmem>>, %arg10: memref<1x128xf32, #tpu.memory_space<vmem>>, %arg11: memref<10112x128xf32, #tpu.memory_space<vmem>>, %arg12: memref<10112x128xf32, #tpu.memory_space<vmem>>) attributes {dimension_semantics = [], scalar_prefetch = 0 : i64, scratch_operands = 1 : i64, tpu.core_type = #tpu.core_type<tc>} {
    %get3A = arith.constant 0 : index
    %get3A_0 = arith.constant 0 : index
    %get3A_1 = vector.load %arg6[%get3A, %get3A_0] : memref<128x128xf32, #tpu.memory_space<vmem>>, vector<128x128xf32>
    %get3A_2 = arith.constant 0 : index
    %get3A_3 = arith.constant 0 : index
    %get3A_4 = vector.load %arg7[%get3A_2, %get3A_3] : memref<1x128xf32, #tpu.memory_space<vmem>>, vector<1x128xf32>
    %broadcast_in_dim3A = arith.constant 0.000000e+00 : f32
    %broadcast_in_dim3A_5 = vector.broadcast %broadcast_in_dim3A : f32 to vector<1x128xf32>
    %scan3A = arith.constant 0 : i32
    %scan3A_6 = arith.constant 79 : i32
    %scan3A_7 = arith.addi %scan3A, %scan3A_6 : i32
    %scan3A_8 = arith.constant 1 : i32
    %scan3A_9 = scf.for %scan3A_40 = %scan3A to %scan3A_7 step %scan3A_8 iter_args(%scan3A_41 = %broadcast_in_dim3A_5) -> (vector<1x128xf32>)  : i32 {
      %mul3A = arith.constant 128 : i32
      %mul3A_42 = arith.muli %scan3A_40, %mul3A : i32
      %get3A_43 = arith.index_cast %mul3A_42 : i32 to index
      %get3A_44 = arith.constant 0 : index
      %get3A_45 = vector.load %arg2[%get3A_43, %get3A_44] : memref<10112x16xf32, #tpu.memory_space<vmem>>, vector<128x1xf32>
      %get3A_46 = arith.index_cast %mul3A_42 : i32 to index
      %get3A_47 = arith.constant 0 : index
      %get3A_48 = vector.load %arg3[%get3A_46, %get3A_47] : memref<10112x16xf32, #tpu.memory_space<vmem>>, vector<128x1xf32>
      %add3A_49 = arith.addf %get3A_45, %get3A_48 : vector<128x1xf32>
      %max3A = arith.constant 1.000000e+00 : f32
      %max3A_50 = vector.broadcast %max3A : f32 to vector<128x1xf32>
      %max3A_51 = arith.maximumf %add3A_49, %max3A_50 : vector<128x1xf32>
      %rsqrt3A_52 = math.rsqrt %max3A_51 : vector<128x1xf32>
      %get3A_53 = arith.index_cast %mul3A_42 : i32 to index
      %get3A_54 = arith.constant 0 : index
      %get3A_55 = vector.load %arg0[%get3A_53, %get3A_54] : memref<10112x128xf32, #tpu.memory_space<vmem>>, vector<128x128xf32>
      %get3A_56 = arith.index_cast %mul3A_42 : i32 to index
      %get3A_57 = arith.constant 0 : index
      %get3A_58 = vector.load %arg1[%get3A_56, %get3A_57] : memref<10112x128xf32, #tpu.memory_space<vmem>>, vector<128x128xf32>
      %add3A_59 = arith.addf %get3A_55, %get3A_58 : vector<128x128xf32>
      %mul3A_60 = vector.broadcast %rsqrt3A_52 : vector<128x1xf32> to vector<128x128xf32>
      %mul3A_61 = arith.mulf %add3A_59, %mul3A_60 : vector<128x128xf32>
      %dot_general3A = arith.constant dense<0.000000e+00> : vector<128x128xf32>
      %dot_general3A_62 = tpu.matmul %mul3A_61, %get3A_1, %dot_general3A {dimension_numbers = #tpu.dot_dimension_numbers<[1], [0], [0], [1], [0, 0, 1, 1], [], []>, transpose_lhs_hint = false} : vector<128x128xf32>, vector<128x128xf32>, vector<128x128xf32> -> vector<128x128xf32>
      %add3A_63 = vector.broadcast %get3A_4 : vector<1x128xf32> to vector<128x128xf32>
      %add3A_64 = arith.addf %dot_general3A_62, %add3A_63 : vector<128x128xf32>
      %swap3A = arith.index_cast %mul3A_42 : i32 to index
      %swap3A_65 = arith.constant 0 : index
      %swap3A_66 = vector.load %arg12[%swap3A, %swap3A_65] : memref<10112x128xf32, #tpu.memory_space<vmem>>, vector<128x128xf32>
      tpu.vector_store %arg12[%swap3A, %swap3A_65], %add3A_64 {strides = array<i32>} : memref<10112x128xf32, #tpu.memory_space<vmem>>, vector<128x128xf32>,
      %mul3A_67 = arith.constant 128 : i32
      %mul3A_68 = arith.muli %scan3A_40, %mul3A_67 : i32
      %iota3A = tpu.iota {dimensions = array<i32: 0>} : vector<128x1xi32>
      %add3A_69 = vector.broadcast %mul3A_68 : i32 to vector<128x1xi32>
      %add3A_70 = arith.addi %add3A_69, %iota3A : vector<128x1xi32>
      %lt3A = arith.constant 10000 : i32
      %lt3A_71 = vector.broadcast %lt3A : i32 to vector<128x1xi32>
      %lt3A_72 = arith.cmpi slt, %add3A_70, %lt3A_71 : vector<128x1xi32>
      %jit3A = arith.constant 0.000000e+00 : f32
      %broadcast_in_dim3A_73 = vector.shape_cast %lt3A_72 : vector<128x1xi1> to vector<128x1xi1>
      %broadcast_in_dim3A_74 = vector.broadcast %broadcast_in_dim3A_73 : vector<128x1xi1> to vector<128x128xi1>
      %broadcast_in_dim3A_75 = vector.broadcast %jit3A : f32 to vector<128x128xf32>
      %select_n3A = arith.select %broadcast_in_dim3A_74, %add3A_64, %broadcast_in_dim3A_75 : vector<128x128xi1>, vector<128x128xf32>
      %reduce_sum3A = arith.constant dense<0.000000e+00> : vector<128xf32>
      %reduce_sum3A_76 = vector.multi_reduction <add>, %select_n3A, %reduce_sum3A [0] : vector<128x128xf32> to vector<128xf32>
      %broadcast_in_dim3A_77 = vector.shape_cast %reduce_sum3A_76 : vector<128xf32> to vector<1x128xf32>
      %add3A_78 = arith.addf %scan3A_41, %broadcast_in_dim3A_77 : vector<1x128xf32>
      scf.yield %add3A_78 : vector<1x128xf32>
    }
    %scan3A_10 = arith.constant 79 : i32
    %div3A = arith.constant 1.000000e+04 : f32
    %div3A_11 = vector.broadcast %div3A : f32 to vector<1x128xf32>
    %div3A_12 = arith.divf %scan3A_9, %div3A_11 : vector<1x128xf32>
    %broadcast_in_dim3A_13 = arith.constant 0.000000e+00 : f32
    %broadcast_in_dim3A_14 = vector.broadcast %broadcast_in_dim3A_13 : f32 to vector<1x128xf32>
    %scan3A_15 = arith.constant 0 : i32
    %scan3A_16 = arith.constant 79 : i32
    %scan3A_17 = arith.addi %scan3A_15, %scan3A_16 : i32
    %scan3A_18 = arith.constant 1 : i32
    %scan3A_19 = scf.for %scan3A_40 = %scan3A_15 to %scan3A_17 step %scan3A_18 iter_args(%scan3A_41 = %broadcast_in_dim3A_14) -> (vector<1x128xf32>)  : i32 {
      %mul3A = arith.constant 128 : i32
      %mul3A_42 = arith.muli %scan3A_40, %mul3A : i32
      %mul3A_43 = arith.constant 128 : i32
      %mul3A_44 = arith.muli %scan3A_40, %mul3A_43 : i32
      %iota3A = tpu.iota {dimensions = array<i32: 0>} : vector<128x1xi32>
      %add3A_45 = vector.broadcast %mul3A_44 : i32 to vector<128x1xi32>
      %add3A_46 = arith.addi %add3A_45, %iota3A : vector<128x1xi32>
      %get3A_47 = arith.index_cast %mul3A_42 : i32 to index
      %get3A_48 = arith.constant 0 : index
      %get3A_49 = vector.load %arg12[%get3A_47, %get3A_48] : memref<10112x128xf32, #tpu.memory_space<vmem>>, vector<128x128xf32>
      %sub3A = vector.broadcast %div3A_12 : vector<1x128xf32> to vector<128x128xf32>
      %sub3A_50 = arith.subf %get3A_49, %sub3A : vector<128x128xf32>
      %lt3A = arith.constant 10000 : i32
      %lt3A_51 = vector.broadcast %lt3A : i32 to vector<128x1xi32>
      %lt3A_52 = arith.cmpi slt, %add3A_46, %lt3A_51 : vector<128x1xi32>
      %jit3A = arith.constant 0.000000e+00 : f32
      %broadcast_in_dim3A_53 = vector.shape_cast %lt3A_52 : vector<128x1xi1> to vector<128x1xi1>
      %broadcast_in_dim3A_54 = vector.broadcast %broadcast_in_dim3A_53 : vector<128x1xi1> to vector<128x128xi1>
      %broadcast_in_dim3A_55 = vector.broadcast %jit3A : f32 to vector<128x128xf32>
      %select_n3A = arith.select %broadcast_in_dim3A_54, %sub3A_50, %broadcast_in_dim3A_55 : vector<128x128xi1>, vector<128x128xf32>
      %mul3A_56 = arith.mulf %select_n3A, %select_n3A : vector<128x128xf32>
      %reduce_sum3A = arith.constant dense<0.000000e+00> : vector<128xf32>
      %reduce_sum3A_57 = vector.multi_reduction <add>, %mul3A_56, %reduce_sum3A [0] : vector<128x128xf32> to vector<128xf32>
      %broadcast_in_dim3A_58 = vector.shape_cast %reduce_sum3A_57 : vector<128xf32> to vector<1x128xf32>
      %add3A_59 = arith.addf %scan3A_41, %broadcast_in_dim3A_58 : vector<1x128xf32>
      scf.yield %add3A_59 : vector<1x128xf32>
    }
    %scan3A_20 = arith.constant 79 : i32
    %div3A_21 = arith.constant 1.000000e+04 : f32
    %div3A_22 = vector.broadcast %div3A_21 : f32 to vector<1x128xf32>
    %div3A_23 = arith.divf %scan3A_19, %div3A_22 : vector<1x128xf32>
    %add3A = arith.constant 9.99999974E-6 : f32
    %add3A_24 = vector.broadcast %add3A : f32 to vector<1x128xf32>
    %add3A_25 = arith.addf %div3A_23, %add3A_24 : vector<1x128xf32>
    %rsqrt3A = math.rsqrt %add3A_25 : vector<1x128xf32>
    %get3A_26 = arith.constant 0 : index
    %get3A_27 = arith.constant 0 : index
    %get3A_28 = vector.load %arg8[%get3A_26, %get3A_27] : memref<1x128xf32, #tpu.memory_space<vmem>>, vector<1x128xf32>
    %get3A_29 = arith.constant 0 : index
    %get3A_30 = arith.constant 0 : index
    %get3A_31 = vector.load %arg9[%get3A_29, %get3A_30] : memref<1x128xf32, #tpu.memory_space<vmem>>, vector<1x128xf32>
    %get3A_32 = arith.constant 0 : index
    %get3A_33 = arith.constant 0 : index
    %get3A_34 = vector.load %arg10[%get3A_32, %get3A_33] : memref<1x128xf32, #tpu.memory_space<vmem>>, vector<1x128xf32>
    %scan3A_35 = arith.constant 0 : i32
    %scan3A_36 = arith.constant 79 : i32
    %scan3A_37 = arith.addi %scan3A_35, %scan3A_36 : i32
    %scan3A_38 = arith.constant 1 : i32
    scf.for %scan3A_40 = %scan3A_35 to %scan3A_37 step %scan3A_38  : i32 {
      %mul3A = arith.constant 128 : i32
      %mul3A_41 = arith.muli %scan3A_40, %mul3A : i32
      %get3A_42 = arith.index_cast %mul3A_41 : i32 to index
      %get3A_43 = arith.constant 0 : index
      %get3A_44 = vector.load %arg12[%get3A_42, %get3A_43] : memref<10112x128xf32, #tpu.memory_space<vmem>>, vector<128x128xf32>
      %sub3A = vector.broadcast %div3A_12 : vector<1x128xf32> to vector<128x128xf32>
      %sub3A_45 = arith.subf %get3A_44, %sub3A : vector<128x128xf32>
      %mul3A_46 = vector.broadcast %rsqrt3A : vector<1x128xf32> to vector<128x128xf32>
      %mul3A_47 = arith.mulf %sub3A_45, %mul3A_46 : vector<128x128xf32>
      %mul3A_48 = vector.broadcast %get3A_28 : vector<1x128xf32> to vector<128x128xf32>
      %mul3A_49 = arith.mulf %mul3A_47, %mul3A_48 : vector<128x128xf32>
      %add3A_50 = vector.broadcast %get3A_31 : vector<1x128xf32> to vector<128x128xf32>
      %add3A_51 = arith.addf %mul3A_49, %add3A_50 : vector<128x128xf32>
      %ge3A = arith.constant 0.000000e+00 : f32
      %ge3A_52 = vector.broadcast %ge3A : f32 to vector<128x128xf32>
      %ge3A_53 = arith.cmpf oge, %add3A_51, %ge3A_52 : vector<128x128xf32>
      %mul3A_54 = vector.broadcast %get3A_34 : vector<1x128xf32> to vector<128x128xf32>
      %mul3A_55 = arith.mulf %mul3A_54, %add3A_51 : vector<128x128xf32>
      %select_n3A = arith.select %ge3A_53, %add3A_51, %mul3A_55 : vector<128x128xi1>, vector<128x128xf32>
      %get3A_56 = arith.index_cast %mul3A_41 : i32 to index
      %get3A_57 = arith.constant 0 : index
      %get3A_58 = vector.load %arg4[%get3A_56, %get3A_57] : memref<10112x16xf32, #tpu.memory_space<vmem>>, vector<128x1xf32>
      %get3A_59 = arith.index_cast %mul3A_41 : i32 to index
      %get3A_60 = arith.constant 0 : index
      %get3A_61 = vector.load %arg5[%get3A_59, %get3A_60] : memref<10112x16xf32, #tpu.memory_space<vmem>>, vector<128x1xf32>
      %add3A_62 = arith.addf %get3A_58, %get3A_61 : vector<128x1xf32>
      %max3A = arith.constant 1.000000e+00 : f32
      %max3A_63 = vector.broadcast %max3A : f32 to vector<128x1xf32>
      %max3A_64 = arith.maximumf %add3A_62, %max3A_63 : vector<128x1xf32>
      %rsqrt3A_65 = math.rsqrt %max3A_64 : vector<128x1xf32>
      %mul3A_66 = arith.constant 128 : i32
      %mul3A_67 = arith.muli %scan3A_40, %mul3A_66 : i32
      %iota3A = tpu.iota {dimensions = array<i32: 0>} : vector<128x1xi32>
      %add3A_68 = vector.broadcast %mul3A_67 : i32 to vector<128x1xi32>
      %add3A_69 = arith.addi %add3A_68, %iota3A : vector<128x1xi32>
      %lt3A = arith.constant 10000 : i32
      %lt3A_70 = vector.broadcast %lt3A : i32 to vector<128x1xi32>
      %lt3A_71 = arith.cmpi slt, %add3A_69, %lt3A_70 : vector<128x1xi32>
      %mul3A_72 = vector.broadcast %rsqrt3A_65 : vector<128x1xf32> to vector<128x128xf32>
      %mul3A_73 = arith.mulf %select_n3A, %mul3A_72 : vector<128x128xf32>
      %jit3A = arith.constant 0.000000e+00 : f32
      %broadcast_in_dim3A_74 = vector.shape_cast %lt3A_71 : vector<128x1xi1> to vector<128x1xi1>
      %broadcast_in_dim3A_75 = vector.broadcast %broadcast_in_dim3A_74 : vector<128x1xi1> to vector<128x128xi1>
      %broadcast_in_dim3A_76 = vector.broadcast %jit3A : f32 to vector<128x128xf32>
      %select_n3A_77 = arith.select %broadcast_in_dim3A_75, %mul3A_73, %broadcast_in_dim3A_76 : vector<128x128xi1>, vector<128x128xf32>
      %swap3A = arith.index_cast %mul3A_41 : i32 to index
      %swap3A_78 = arith.constant 0 : index
      %swap3A_79 = vector.load %arg11[%swap3A, %swap3A_78] : memref<10112x128xf32, #tpu.memory_space<vmem>>, vector<128x128xf32>
      tpu.vector_store %arg11[%swap3A, %swap3A_78], %select_n3A_77 {strides = array<i32>} : memref<10112x128xf32, #tpu.memory_space<vmem>>, vector<128x128xf32>,
    }
    %scan3A_39 = arith.constant 79 : i32
    return
  }
}

module attributes {stable_mosaic.version = 14 : i64} {
  func.func @_post_body(%arg0: memref<10112x128xf32, #tpu.memory_space<vmem>>, %arg1: memref<10112x128xf32, #tpu.memory_space<vmem>>, %arg2: memref<10112x16xf32, #tpu.memory_space<vmem>>, %arg3: memref<10112x16xf32, #tpu.memory_space<vmem>>, %arg4: memref<10112x16xf32, #tpu.memory_space<vmem>>, %arg5: memref<10112x16xf32, #tpu.memory_space<vmem>>, %arg6: memref<128x128xf32, #tpu.memory_space<vmem>>, %arg7: memref<1x128xf32, #tpu.memory_space<vmem>>, %arg8: memref<1x128xf32, #tpu.memory_space<vmem>>, %arg9: memref<1x128xf32, #tpu.memory_space<vmem>>, %arg10: memref<1x128xf32, #tpu.memory_space<vmem>>, %arg11: memref<10112x128xf32, #tpu.memory_space<vmem>>, %arg12: memref<10112x128xf32, #tpu.memory_space<vmem>>) attributes {dimension_semantics = [], scalar_prefetch = 0 : i64, scratch_operands = 1 : i64, tpu.core_type = #tpu.core_type<tc>} {
    %get3A = arith.constant 0 : index
    %get3A_0 = arith.constant 0 : index
    %get3A_1 = vector.load %arg6[%get3A, %get3A_0] : memref<128x128xf32, #tpu.memory_space<vmem>>, vector<128x128xf32>
    %get3A_2 = arith.constant 0 : index
    %get3A_3 = arith.constant 0 : index
    %get3A_4 = vector.load %arg7[%get3A_2, %get3A_3] : memref<1x128xf32, #tpu.memory_space<vmem>>, vector<1x128xf32>
    %broadcast_in_dim3A = arith.constant 0.000000e+00 : f32
    %broadcast_in_dim3A_5 = vector.broadcast %broadcast_in_dim3A : f32 to vector<1x128xf32>
    %scan3A = arith.constant 0 : i32
    %scan3A_6 = arith.constant 79 : i32
    %scan3A_7 = arith.addi %scan3A, %scan3A_6 : i32
    %scan3A_8 = arith.constant 1 : i32
    %scan3A_9 = scf.for %scan3A_40 = %scan3A to %scan3A_7 step %scan3A_8 iter_args(%scan3A_41 = %broadcast_in_dim3A_5) -> (vector<1x128xf32>)  : i32 {
      %mul3A = arith.constant 128 : i32
      %mul3A_42 = arith.muli %scan3A_40, %mul3A : i32
      %get3A_43 = arith.index_cast %mul3A_42 : i32 to index
      %get3A_44 = arith.constant 0 : index
      %get3A_45 = vector.load %arg2[%get3A_43, %get3A_44] : memref<10112x16xf32, #tpu.memory_space<vmem>>, vector<128x1xf32>
      %get3A_46 = arith.index_cast %mul3A_42 : i32 to index
      %get3A_47 = arith.constant 0 : index
      %get3A_48 = vector.load %arg3[%get3A_46, %get3A_47] : memref<10112x16xf32, #tpu.memory_space<vmem>>, vector<128x1xf32>
      %add3A_49 = arith.addf %get3A_45, %get3A_48 : vector<128x1xf32>
      %max3A = arith.constant 1.000000e+00 : f32
      %max3A_50 = vector.broadcast %max3A : f32 to vector<128x1xf32>
      %max3A_51 = arith.maximumf %add3A_49, %max3A_50 : vector<128x1xf32>
      %rsqrt3A_52 = math.rsqrt %max3A_51 : vector<128x1xf32>
      %get3A_53 = arith.index_cast %mul3A_42 : i32 to index
      %get3A_54 = arith.constant 0 : index
      %get3A_55 = vector.load %arg0[%get3A_53, %get3A_54] : memref<10112x128xf32, #tpu.memory_space<vmem>>, vector<128x128xf32>
      %get3A_56 = arith.index_cast %mul3A_42 : i32 to index
      %get3A_57 = arith.constant 0 : index
      %get3A_58 = vector.load %arg1[%get3A_56, %get3A_57] : memref<10112x128xf32, #tpu.memory_space<vmem>>, vector<128x128xf32>
      %add3A_59 = arith.addf %get3A_55, %get3A_58 : vector<128x128xf32>
      %mul3A_60 = vector.broadcast %rsqrt3A_52 : vector<128x1xf32> to vector<128x128xf32>
      %mul3A_61 = arith.mulf %add3A_59, %mul3A_60 : vector<128x128xf32>
      %dot_general3A = arith.constant dense<0.000000e+00> : vector<128x128xf32>
      %dot_general3A_62 = tpu.matmul %mul3A_61, %get3A_1, %dot_general3A {dimension_numbers = #tpu.dot_dimension_numbers<[1], [0], [0], [1], [0, 0, 1, 1], [], []>, transpose_lhs_hint = false} : vector<128x128xf32>, vector<128x128xf32>, vector<128x128xf32> -> vector<128x128xf32>
      %add3A_63 = vector.broadcast %get3A_4 : vector<1x128xf32> to vector<128x128xf32>
      %add3A_64 = arith.addf %dot_general3A_62, %add3A_63 : vector<128x128xf32>
      %swap3A = arith.index_cast %mul3A_42 : i32 to index
      %swap3A_65 = arith.constant 0 : index
      %swap3A_66 = vector.load %arg12[%swap3A, %swap3A_65] : memref<10112x128xf32, #tpu.memory_space<vmem>>, vector<128x128xf32>
      tpu.vector_store %arg12[%swap3A, %swap3A_65], %add3A_64 {strides = array<i32>} : memref<10112x128xf32, #tpu.memory_space<vmem>>, vector<128x128xf32>,
      %mul3A_67 = arith.constant 128 : i32
      %mul3A_68 = arith.muli %scan3A_40, %mul3A_67 : i32
      %iota3A = tpu.iota {dimensions = array<i32: 0>} : vector<128x1xi32>
      %add3A_69 = vector.broadcast %mul3A_68 : i32 to vector<128x1xi32>
      %add3A_70 = arith.addi %add3A_69, %iota3A : vector<128x1xi32>
      %lt3A = arith.constant 10000 : i32
      %lt3A_71 = vector.broadcast %lt3A : i32 to vector<128x1xi32>
      %lt3A_72 = arith.cmpi slt, %add3A_70, %lt3A_71 : vector<128x1xi32>
      %jit3A = arith.constant 0.000000e+00 : f32
      %broadcast_in_dim3A_73 = vector.shape_cast %lt3A_72 : vector<128x1xi1> to vector<128x1xi1>
      %broadcast_in_dim3A_74 = vector.broadcast %broadcast_in_dim3A_73 : vector<128x1xi1> to vector<128x128xi1>
      %broadcast_in_dim3A_75 = vector.broadcast %jit3A : f32 to vector<128x128xf32>
      %select_n3A = arith.select %broadcast_in_dim3A_74, %add3A_64, %broadcast_in_dim3A_75 : vector<128x128xi1>, vector<128x128xf32>
      %reduce_sum3A = arith.constant dense<0.000000e+00> : vector<128xf32>
      %reduce_sum3A_76 = vector.multi_reduction <add>, %select_n3A, %reduce_sum3A [0] : vector<128x128xf32> to vector<128xf32>
      %broadcast_in_dim3A_77 = vector.shape_cast %reduce_sum3A_76 : vector<128xf32> to vector<1x128xf32>
      %add3A_78 = arith.addf %scan3A_41, %broadcast_in_dim3A_77 : vector<1x128xf32>
      scf.yield %add3A_78 : vector<1x128xf32>
    }
    %scan3A_10 = arith.constant 79 : i32
    %div3A = arith.constant 1.000000e+04 : f32
    %div3A_11 = vector.broadcast %div3A : f32 to vector<1x128xf32>
    %div3A_12 = arith.divf %scan3A_9, %div3A_11 : vector<1x128xf32>
    %broadcast_in_dim3A_13 = arith.constant 0.000000e+00 : f32
    %broadcast_in_dim3A_14 = vector.broadcast %broadcast_in_dim3A_13 : f32 to vector<1x128xf32>
    %scan3A_15 = arith.constant 0 : i32
    %scan3A_16 = arith.constant 79 : i32
    %scan3A_17 = arith.addi %scan3A_15, %scan3A_16 : i32
    %scan3A_18 = arith.constant 1 : i32
    %scan3A_19 = scf.for %scan3A_40 = %scan3A_15 to %scan3A_17 step %scan3A_18 iter_args(%scan3A_41 = %broadcast_in_dim3A_14) -> (vector<1x128xf32>)  : i32 {
      %mul3A = arith.constant 128 : i32
      %mul3A_42 = arith.muli %scan3A_40, %mul3A : i32
      %mul3A_43 = arith.constant 128 : i32
      %mul3A_44 = arith.muli %scan3A_40, %mul3A_43 : i32
      %iota3A = tpu.iota {dimensions = array<i32: 0>} : vector<128x1xi32>
      %add3A_45 = vector.broadcast %mul3A_44 : i32 to vector<128x1xi32>
      %add3A_46 = arith.addi %add3A_45, %iota3A : vector<128x1xi32>
      %get3A_47 = arith.index_cast %mul3A_42 : i32 to index
      %get3A_48 = arith.constant 0 : index
      %get3A_49 = vector.load %arg12[%get3A_47, %get3A_48] : memref<10112x128xf32, #tpu.memory_space<vmem>>, vector<128x128xf32>
      %sub3A = vector.broadcast %div3A_12 : vector<1x128xf32> to vector<128x128xf32>
      %sub3A_50 = arith.subf %get3A_49, %sub3A : vector<128x128xf32>
      %lt3A = arith.constant 10000 : i32
      %lt3A_51 = vector.broadcast %lt3A : i32 to vector<128x1xi32>
      %lt3A_52 = arith.cmpi slt, %add3A_46, %lt3A_51 : vector<128x1xi32>
      %jit3A = arith.constant 0.000000e+00 : f32
      %broadcast_in_dim3A_53 = vector.shape_cast %lt3A_52 : vector<128x1xi1> to vector<128x1xi1>
      %broadcast_in_dim3A_54 = vector.broadcast %broadcast_in_dim3A_53 : vector<128x1xi1> to vector<128x128xi1>
      %broadcast_in_dim3A_55 = vector.broadcast %jit3A : f32 to vector<128x128xf32>
      %select_n3A = arith.select %broadcast_in_dim3A_54, %sub3A_50, %broadcast_in_dim3A_55 : vector<128x128xi1>, vector<128x128xf32>
      %mul3A_56 = arith.mulf %select_n3A, %select_n3A : vector<128x128xf32>
      %reduce_sum3A = arith.constant dense<0.000000e+00> : vector<128xf32>
      %reduce_sum3A_57 = vector.multi_reduction <add>, %mul3A_56, %reduce_sum3A [0] : vector<128x128xf32> to vector<128xf32>
      %broadcast_in_dim3A_58 = vector.shape_cast %reduce_sum3A_57 : vector<128xf32> to vector<1x128xf32>
      %add3A_59 = arith.addf %scan3A_41, %broadcast_in_dim3A_58 : vector<1x128xf32>
      scf.yield %add3A_59 : vector<1x128xf32>
    }
    %scan3A_20 = arith.constant 79 : i32
    %div3A_21 = arith.constant 1.000000e+04 : f32
    %div3A_22 = vector.broadcast %div3A_21 : f32 to vector<1x128xf32>
    %div3A_23 = arith.divf %scan3A_19, %div3A_22 : vector<1x128xf32>
    %add3A = arith.constant 9.99999974E-6 : f32
    %add3A_24 = vector.broadcast %add3A : f32 to vector<1x128xf32>
    %add3A_25 = arith.addf %div3A_23, %add3A_24 : vector<1x128xf32>
    %rsqrt3A = math.rsqrt %add3A_25 : vector<1x128xf32>
    %get3A_26 = arith.constant 0 : index
    %get3A_27 = arith.constant 0 : index
    %get3A_28 = vector.load %arg8[%get3A_26, %get3A_27] : memref<1x128xf32, #tpu.memory_space<vmem>>, vector<1x128xf32>
    %get3A_29 = arith.constant 0 : index
    %get3A_30 = arith.constant 0 : index
    %get3A_31 = vector.load %arg9[%get3A_29, %get3A_30] : memref<1x128xf32, #tpu.memory_space<vmem>>, vector<1x128xf32>
    %get3A_32 = arith.constant 0 : index
    %get3A_33 = arith.constant 0 : index
    %get3A_34 = vector.load %arg10[%get3A_32, %get3A_33] : memref<1x128xf32, #tpu.memory_space<vmem>>, vector<1x128xf32>
    %scan3A_35 = arith.constant 0 : i32
    %scan3A_36 = arith.constant 79 : i32
    %scan3A_37 = arith.addi %scan3A_35, %scan3A_36 : i32
    %scan3A_38 = arith.constant 1 : i32
    scf.for %scan3A_40 = %scan3A_35 to %scan3A_37 step %scan3A_38  : i32 {
      %mul3A = arith.constant 128 : i32
      %mul3A_41 = arith.muli %scan3A_40, %mul3A : i32
      %get3A_42 = arith.index_cast %mul3A_41 : i32 to index
      %get3A_43 = arith.constant 0 : index
      %get3A_44 = vector.load %arg12[%get3A_42, %get3A_43] : memref<10112x128xf32, #tpu.memory_space<vmem>>, vector<128x128xf32>
      %sub3A = vector.broadcast %div3A_12 : vector<1x128xf32> to vector<128x128xf32>
      %sub3A_45 = arith.subf %get3A_44, %sub3A : vector<128x128xf32>
      %mul3A_46 = vector.broadcast %rsqrt3A : vector<1x128xf32> to vector<128x128xf32>
      %mul3A_47 = arith.mulf %sub3A_45, %mul3A_46 : vector<128x128xf32>
      %mul3A_48 = vector.broadcast %get3A_28 : vector<1x128xf32> to vector<128x128xf32>
      %mul3A_49 = arith.mulf %mul3A_47, %mul3A_48 : vector<128x128xf32>
      %add3A_50 = vector.broadcast %get3A_31 : vector<1x128xf32> to vector<128x128xf32>
      %add3A_51 = arith.addf %mul3A_49, %add3A_50 : vector<128x128xf32>
      %ge3A = arith.constant 0.000000e+00 : f32
      %ge3A_52 = vector.broadcast %ge3A : f32 to vector<128x128xf32>
      %ge3A_53 = arith.cmpf oge, %add3A_51, %ge3A_52 : vector<128x128xf32>
      %mul3A_54 = vector.broadcast %get3A_34 : vector<1x128xf32> to vector<128x128xf32>
      %mul3A_55 = arith.mulf %mul3A_54, %add3A_51 : vector<128x128xf32>
      %select_n3A = arith.select %ge3A_53, %add3A_51, %mul3A_55 : vector<128x128xi1>, vector<128x128xf32>
      %swap3A = arith.index_cast %mul3A_41 : i32 to index
      %swap3A_56 = arith.constant 0 : index
      %swap3A_57 = vector.load %arg11[%swap3A, %swap3A_56] : memref<10112x128xf32, #tpu.memory_space<vmem>>, vector<128x128xf32>
      tpu.vector_store %arg11[%swap3A, %swap3A_56], %select_n3A {strides = array<i32>} : memref<10112x128xf32, #tpu.memory_space<vmem>>, vector<128x128xf32>,
    }
    %scan3A_39 = arith.constant 79 : i32
    return
  }
}

</mosaic_0001>

<sc_bundles>
// kernel: kernel.11.cloned.1.call-start
scs
__scs_entry_jumppad:
0x0: {  	(pc) =	sbr.rel $0x88, $3  }
0x1: {  	(tag) =	ssettag $0x0;
	lr =	simm.s32 $0x1  }
0x2: {  	[smem:$0x3F95] =	sst lr;
	_ =	strace $0xD0000000  }
0x3: {  	_ = 	snop  }
0x4: {  	_ = 	snop  }
0x5: {  	_ = 	snop  }
0x6: {  	_ = 	snop  }
0x7: {  	_ = 	snop  }
__scs_overlays_trampoline_lowered:
0x8: {  	[smem:$0x3FA4] =	sst s0  }
0x9: {  	[smem:$0x3FA5] =	sst s1  }
0xa: {  	[smem:$0x3FA6] =	sst s2  }
0xb: {  	[smem:$0x3FA7] =	sst s3  }
0xc: {  	[smem:$0x3FA8] =	sst s4  }
0xd: {  	[smem:$0x3FA9] =	sst s5  }
0xe: {  	[smem:$0x3FAA] =	sst s6  }
0xf: {  	[smem:$0x3FAB] =	sst s7  }
0x10: {  	[smem:$0x3FAC] =	sst s8  }
0x11: {  	[smem:$0x3FAD] =	sst s9;
	s0 =	simm.s32 @!p0 $0x0  }
0x12: {  	s1 =	sld [smem:$0x3F93];
	s0 =	simm.s32 @p0 $0x1  }
0x13: {  	[smem:$0x3FAE] =	sst s0;
	s0 =	simm.s32 @!p1 $0x0  }
0x14: {  	s2 =	sld [smem:$0x3F92];
	s0 =	simm.s32 @p1 $0x1  }
0x15: {  	[smem:$0x3FAF] =	sst s0;
	s0 =	simm.s32 @!p2 $0x0  }
0x16: {  	s3 =	sld [smem:$0x3FDB];
	s0 =	simm.s32 @p2 $0x1  }
0x17: {  	s4 =	simm.s32 $0x1BF5;
	[smem:$0x3FB1] =	sst s0  }
0x18: {  	s0 =	sld [smem:$0x3F94];
	_ =	swait.ge [sflag:s4], $0x0  }
0x19: {  	s7 =	sld [smem:$0x3F95]  }
0x1a: {  	s8 =	sadd.s32 $0xFFFFE003, lr  }
0x1b: {  	s9 =	sadd.s32 $0xFFFFFEF7, lr;
	s5 =	simm.s32 $0xFFFFFFFF;
	p2 =	slt.u32 s8, $0xFFFFF086  }
0x1c: {  	p1 =	slt.u32 s9, $0xF7A;
	s5 =	simm.s32 @!p2 $0x0  }
0x1d: {  	s5 =	simm.s32 @p1 $0x1;
	p0 =	seq.s32 s7, s2  }
0x1e: {  	s7 =	smul.u32 @!p0 $0xF7A, s2;
	p2 =	seq.s32 @!p0 s5, $0x0  }
0x1f: {  	s9 =	smul.u32 $0xF7A, s1;
	s8 =	simm.s32 @!p0 $0x1BF5;
	p2 =	por !p2, p0  }
0x20: {  	[sflag:s8] =	ssyncset.s32 @!p0 $0xFFFFF086;
	s6 =	sadd.s32 @!p0 s3, s7;
	s7 =	simm.s32 @!p0 $0x108  }
0x21: {  	s3 =	sadd.s32 s3, s9;
	s6 =	sadd.s32 @!p0 $0x88, s6;
	s7 =	simm.s32 @p2 $0x1082  }
0x22: {  	[simem:s7], [sflag:s8] =	dma.local @!p0 [hbm:s6], $0xF7A  }
0x23: {  	s9 =	sor.u32 $0xD0000000, s2;
	s6 =	simm.s32 $0x108;
	_ =	swait.ge @!p0 [sflag:s8], $0x0  }
0x24: {  	s3 =	sadd.s32 $0x88, s3;
	s6 =	simm.s32 @!p1 $0x1082;
	[sflag:s4] =	ssyncset.s32 $0xFFFFF086  }
0x25: {  	[simem:s6], [sflag:s4] =	dma.local [hbm:s3], $0xF7A  }
0x26: {  	[smem:$0x3F95] =	sst s1;
	(tag) =	ssettag s2;
	_ =	strace s9  }
0x27: {  	s1 =	sld [smem:$0x3FA5]  }
0x28: {  	s2 =	sld [smem:$0x3FA6]  }
0x29: {  	s4 =	sld [smem:$0x3FA8]  }
0x2a: {  	p0 =	seq.s32 s5, $0x0;
	s5 =	sld [smem:$0x3FA9]  }
0x2b: {  	s6 =	sld [smem:$0x3FAA]  }
0x2c: {  	s7 =	sld [smem:$0x3FAB]  }
0x2d: {  	s3 =	simm.s32 $0x108;
	s8 =	sld [smem:$0x3FAC]  }
0x2e: {  	s3 =	simm.s32 @!p0 $0x1082;
	s9 =	sld [smem:$0x3FAD]  }
0x2f: {  	lr =	sadd.s32 s0, s3;
	s0 =	sld [smem:$0x3FA4]  }
0x30: {  	s3 =	sld [smem:$0x3FA7]  }
0x31: {  	[smem:$0x3FB0] =	sst s10  }
0x32: {  	s10 =	sld [smem:$0x3FAE];
	_ =	sdelay $0x3  }
0x33: {  	p0 =	seq.s32 s10, $0x1;
	s10 =	sld [smem:$0x3FB0];
	_ =	sdelay $0x3  }
0x34: {  	[smem:$0x3FB0] =	sst s10  }
0x35: {  	s10 =	sld [smem:$0x3FAF];
	_ =	sdelay $0x3  }
0x36: {  	p1 =	seq.s32 s10, $0x1;
	s10 =	sld [smem:$0x3FB0];
	_ =	sdelay $0x3  }
0x37: {  	[smem:$0x3FB0] =	sst s10  }
0x38: {  	s10 =	sld [smem:$0x3FB1]  }
0x39: {  	_ = 	snop;
	(pc) =	sbr.ind lr, $3  }
0x3a: {  	_ = 	snop  }
0x3b: {  	_ = 	snop  }
0x3c: {  	p2 =	seq.s32 s10, $0x1;
	s10 =	sld [smem:$0x3FB0]  }
0x3d: {  	_ =	shalt  }
0x3e: {  	_ =	shalt  }
0x3f: {  	_ =	shalt  }
0x40: {  	_ =	shalt  }
0x41: {  	_ =	shalt  }
0x42: {  	_ =	shalt  }
0x43: {  	_ =	shalt  }
0x44: {  	_ =	shalt  }
0x45: {  	_ =	shalt  }
0x46: {  	_ =	shalt  }
0x47: {  	_ =	shalt  }
0x48: {  	_ =	shalt  }
0x49: {  	_ =	shalt  }
0x4a: {  	_ =	shalt  }
0x4b: {  	_ =	shalt  }
0x4c: {  	_ =	shalt  }
0x4d: {  	_ =	shalt  }
0x4e: {  	_ =	shalt  }
0x4f: {  	_ =	shalt  }
0x50: {  	_ =	shalt  }
0x51: {  	_ =	shalt  }
0x52: {  	_ =	shalt  }
0x53: {  	_ =	shalt  }
0x54: {  	_ =	shalt  }
0x55: {  	_ =	shalt  }
0x56: {  	_ =	shalt  }
0x57: {  	_ =	shalt  }
0x58: {  	_ =	shalt  }
0x59: {  	_ =	shalt  }
0x5a: {  	_ =	shalt  }
0x5b: {  	_ =	shalt  }
0x5c: {  	_ =	shalt  }
0x5d: {  	_ =	shalt  }
0x5e: {  	_ =	shalt  }
0x5f: {  	_ =	shalt  }
0x60: {  	_ =	shalt  }
0x61: {  	_ =	shalt  }
0x62: {  	_ =	shalt  }
0x63: {  	_ =	shalt  }
0x64: {  	_ =	shalt  }
0x65: {  	_ =	shalt  }
0x66: {  	_ =	shalt  }
0x67: {  	_ =	shalt  }
0x68: {  	_ =	shalt  }
0x69: {  	_ =	shalt  }
0x6a: {  	_ =	shalt  }
0x6b: {  	_ =	shalt  }
0x6c: {  	_ =	shalt  }
0x6d: {  	_ =	shalt  }
0x6e: {  	_ =	shalt  }
0x6f: {  	_ =	shalt  }
0x70: {  	_ =	shalt  }
0x71: {  	_ =	shalt  }
0x72: {  	_ =	shalt  }
0x73: {  	_ =	shalt  }
0x74: {  	_ =	shalt  }
0x75: {  	_ =	shalt  }
0x76: {  	_ =	shalt  }
0x77: {  	_ =	shalt  }
0x78: {  	_ =	shalt  }
0x79: {  	_ =	shalt  }
0x7a: {  	_ =	shalt  }
0x7b: {  	_ =	shalt  }
0x7c: {  	_ =	shalt  }
0x7d: {  	_ =	shalt  }
0x7e: {  	_ =	shalt  }
0x7f: {  	_ =	shalt  }
0x80: {  	_ =	shalt  }
0x81: {  	_ =	shalt  }
0x82: {  	_ =	shalt  }
0x83: {  	_ =	shalt  }
0x84: {  	_ =	shalt  }
0x85: {  	_ =	shalt  }
0x86: {  	_ =	shalt  }
0x87: {  	_ =	shalt  }
.Lfunc_end0:
.L_simem_size_0:
called_computation.1_lowered:
.L_overlay_start_0:
0x88: {  	s2 =	sld [smem:$0x3FD9]  }
0x89: {  	s3 =	sld [smem:$0x3FFE];
	_ =	sdelay $0x1  }
0x8a: {  	s1 =	srdreg.scid  }
0x8b: {  	s0 =	sand.u32 $0x1, s1  }
0x8c: {  	s17 =	sshll.u32 s0, $0xA;
	s2 =	sadd.s32 s3, s2  }
0x8d: {  	s2 =	sadd.s32 s2, s17  }
0x8e: {  	[smem:$0x3FBC] =	sst s2  }
0x8f: {  	_ = 	snop  }
0x90: {  	s2 =	sld [smem:$0x3FD0];
	(tm) =	ssettm $0x1  }
0x91: {  	s18 =	sld [smem:$0x3FFB];
	_ =	sdelay $0x3  }
0x92: {  	_ =	strace s18  }
0x93: {  	s3 =	sld [smem:$0x3FFC];
	_ =	sdelay $0x3  }
0x94: {  	_ =	strace s3  }
0x95: {  	s3 =	sld [smem:$0x3FFD];
	_ =	sdelay $0x3  }
0x96: {  	_ =	strace s3  }
0x97: {  	_ =	strace $0x8FFFFFFF  }
0x98: {  	s19 =	sld [smem:$0x3FDB];
	_ =	sdelay $0x1  }
0x99: {  	s4 =	simm.s32 $_scs_section_size  }
0x9a: {  	s5 =	simm.s32 $_size__tile_overlayer_lowered;
	s6 =	simm.s32 $_tile_overlayer_lowered  }
0x9b: {  	s22 =	simm.s32 $0x1BFF;
	s21 =	sshll.u32 s6, $0x1;
	s3 =	sadd.s32 s4, s19  }
0x9c: {  	s7 =	simm.s32 $0x0;
	s20 =	sshll.u32 s5, $0x1;
	s5 =	sadd.s32 s21, s3  }
0x9d: {  	[timem:s7], [sflag:s22] =	dma.local [hbm:s5], s20  }
0x9e: {  	_ =	swait.ge [sflag:s22], s20  }
0x9f: {  	s4 =	ssub.s32 $0x0, s20;
	[sflag:s22] =	ssyncset.done $0x0  }
0xa0: {  	[sflag:s22] =	ssyncadd.s32 s4;
	_ =	sdelay $0x1  }
0xa1: {  	s23 =	simm.s32 $0x1B8B  }
0xa2: {  	_ =	swait.ge [sflag:s23], $0x1  }
0xa3: {  	[sflag:s23] =	ssyncset.done $0x0  }
0xa4: {  	s25 =	simm.s32 $0x1B8E;
	s24 =	sld [smem:$0x3FFE];
	[sflag:s23] =	ssyncadd.s32 $0xFFFFFFFF  }
0xa5: {  	s26 =	simm.s32 $execute0_lowered;
	[smem:$0x3FD2] =	sst s25  }
0xa6: {  	s5 =	sshll.u32 s26, $0x1;
	_ =	strace $0x80000049;
	[dreg:$0x1] =	wrdreg $0xFFFFFFFF  }
0xa7: {  	s28 =	simm.s32 $_size_execute0_lowered;
	s3 =	sadd.s32 s3, s5;
	[dreg:$0x0] =	wrdreg $0x0  }
0xa8: {  	s5 =	sshll.u32 s28, $0x1;
	[dreg:$0x2] =	wrdreg s3  }
0xa9: {  	[dreg:$0x3] =	wrdreg s5  }
0xaa: {  	[dreg:$0x4] =	wrdreg $0xC0  }
0xab: {  	_ =	task [dreg:s7], $0x5FFFF  }
0xac: {  	[dreg:$0x1] =	wrdreg $0xFFFFFFFF  }
0xad: {  	[dreg:$0x0] =	wrdreg $0x60  }
0xae: {  	[dreg:$0x2] =	wrdreg s24  }
0xaf: {  	[dreg:$0x3] =	wrdreg s2  }
0xb0: {  	[dreg:$0x4] =	wrdreg $0x0  }
0xb1: {  	[dreg:$0x5] =	wrdreg $0x9  }
0xb2: {  	_ =	task.clear_ibuf [dreg:s7], $0x6FFFF;
	_ =	strace $0x90000049  }
0xb3: {  	s29 =	simm.s32 $0x9;
	_ =	strace $0x8000004B  }
0xb4: {  	_ =	swait.ge [sflag:s29], $0x1  }
0xb5: {  	[sflag:s29] =	ssyncadd.s32 $0xFFFFFFFF  }
0xb6: {  	_ =	strace $0x9000004B  }
0xb7: {  	_ =	sfence  }
0xb8: {  	s30 =	sld [smem:$0x0];
	_ =	sdelay $0x2  }
0xb9: {  	s31 =	sshll.u32 s1, $0xD;
	s1 =	sshrl.u32 s1, $0x2  }
0xba: {  	s3 =	sand.u32 $0x4000, s31;
	s1 =	sadd.s32 s1, s30  }
0xbb: {  	s0 =	sor.u32 s3, s0;
	s1 =	sshll.u32 s1, $0x11  }
0xbc: {  	s0 =	sor.u32 s1, s0  }
0xbd: {  	s0 =	sadd.s32 $0x8F2B, s0  }
0xbe: {  	[sflag:s0] =	ssyncadd.remote.s32 $0x1  }
0xbf: {  	_ =	sfence.sel $0xFFFF  }
0xc0: {  	[dreg:$0x0] =	wrdreg $0xFFFFFFFF;
	(pc) =	sbr.abs _section_cstart, $3  }
0xc1: {  	[dreg:$0x1] =	wrdreg $0xFFFFFFFF  }
0xc2: {  	_ =	task.clear_ibuf [dreg:s7], $0x2FFFF;
	_ =	strace $0x9FFFFFFF  }
0xc3: {  	(tm) =	ssettm $0x7FFFFFFF  }
tec
execute0_lowered:
.L_overlay_start_1:
0x0: {  	(tag) =	ssettag $0x1  }
0x1: {  	s0 =	rddreg [dreg:$0x0]  }
0x2: {  	s2 =	rddreg [dreg:$0x1]  }
0x3: {  	s1 =	rddreg [dreg:$0x2];
	s12 =	stileid.u32  }
0x4: {  	s3 =	srdreg.scid;
	s28 =	simm.s32 $0x3;
	s6 =	smul.u32 $0x13C00, s12  }
0x5: {  	s29 =	simm.s32 $0x4;
	s30 =	simm.s32 $0x18B00;
	s11 =	smul.u32 $0x4F000, s12  }
0x6: {  	s31 =	simm.s32 $0x18B80;
	s7 =	sand.u32 $0x1, s3;
	s20 =	smul.u32 $0x8800, s12  }
0x7: {  	s3 =	simm.s32 $0x0;
	s4 =	sadd.s32 $0x90800, s0;
	s21 =	smul.u32 $0x1100, s12  }
0x8: {  	s8 =	sadd.s32 $0x3800, s0;
	s19 =	sshll.u32 s12, $0x6;
	s23 =	smul.u32 $0x1800, s12  }
0x9: {  	s5 =	smul.u32 $0x13C000, s7;
	[smem:$0x7FF] =	sst s3;
	s17 =	ssub.s32 $0x2, s7  }
0xa: {  	p0 =	seq.s32 s7, $0x1;
	_ =	strace $0x8000004A;
	s10 =	sshrl.u32 s17, $0x1  }
0xb: {  	s18 =	sshrl.u32 s11, $0x2;
	s22 =	sshrl.u32 s20, $0x3;
	s24 =	sadd.s32 s2, s21  }
0xc: {  	s12 =	sshrl.u32 s23, $0x3;
	s20 =	simm.s32 $0x17400;
	s23 =	simm.s32 $0x13C80  }
0xd: {  	s5 =	sadd.s32 s6, s5;
	s16 =	ssub.s32 s17, s10;
	s17 =	sadd.s32 s18, s1  }
0xe: {  	s6 =	sor.u32 $0x1C05, s19;
	[dreg:$0x4] =	wrdreg s24;
	s25 =	sadd.s32 $0x700, s22  }
0xf: {  	s7 =	sadd.s32 $0xE00, s22;
	s14 =	sadd.s32 $0x11000, s12;
	s18 =	simm.s32 $0x5  }
0x10: {  	s19 =	simm.s32 $0x13C00;
	s22 =	simm.s32 $0x1AC00;
	s24 =	simm.s32 $0x1CC00  }
0x11: {  	s9 =	sshrl.u32 s5, $0x3;
	s5 =	sadd.s32 $0x17800, s0;
	s26 =	sadd.s32 s2, s25  }
0x12: {  	s10 =	sadd.s32 s8, s25;
	s11 =	sadd.s32 s2, s7;
	s12 =	sadd.s32 s8, s7  }
.Ltmp0:
0x13: {  	s13 =	sadd.s32 s2, s14;
	s14 =	sadd.s32 s8, s14;
	(pc) =	sbr.rel .LBB2_1-.Ltmp0, $4  }
0x14: {  	s16 =	smax.u32 s16, $0x1;
	s17 =	sshrl.u32 s17, $0x3;
	s25 =	simm.s32 $0x1  }
0x15: {  	s2 =	simm.s32 $0x1AB80;
	s0 =	sadd.s32 s9, s0;
	s9 =	sadd.s32 s8, s21  }
0x16: {  	[dreg:$0x6] =	wrdreg s26;
	s21 =	simm.s32 $0x40;
	s26 =	simm.s32 $0x2  }
0x17: {  	[dreg:$0x5] =	wrdreg s9;
	s15 =	sadd.s32 $0xDFC00, s0;
	s0 =	simm.s32 $0x1AB00  }
.LBB2_11:
0x18: {  	[tilespmem:s24], [sflag:$0x2] =	stream.indirect.gather [hbm4b:s4+s21], $0x80, s8, s21, $0xb8;
	[tilespmem:$0x1EC00] =	vst v63  }
.LBB2_12:
0x19: {  	_ =	swait.ge [sflag:s25], $0x2000  }
0x1a: {  	[sflag:s25] =	ssyncset.done $0x0  }
0x1b: {  	[sflag:s25] =	ssyncadd.s32 $0xFFFFE000  }
0x1c: {  	[spmem:s1] =	stream.indirect.scatter.add.f32 [tilespmem:s22], [sflag:$0x3], $0x80, s30, s21, $0xb8;
	[tilespmem:$0x1EC00] =	vst v63  }
0x1d: {  	_ =	swait.ge [sflag:s26], $0x2000  }
0x1e: {  	[sflag:s26] =	ssyncset.done $0x0  }
0x1f: {  	[sflag:s26] =	ssyncadd.s32 $0xFFFFE000  }
0x20: {  	[spmem:s1] =	stream.indirect.scatter.add.f32 [tilespmem:s24], [sflag:$0x4], $0x80, s31, s21, $0xb8;
	[tilespmem:$0x1EC00] =	vst v63  }
0x21: {  	_ =	swait.ge [sflag:s28], $0x2000  }
0x22: {  	[sflag:s28] =	ssyncset.done $0x0  }
0x23: {  	[sflag:s28] =	ssyncadd.s32 $0xFFFFE000  }
0x24: {  	_ =	swait.ge [sflag:s29], $0x2000  }
0x25: {  	s3 =	sadd.s32 $0x1, s3;
	[sflag:s29] =	ssyncset.done $0x0  }
0x26: {  	p1 =	sne.s32 s3, s16;
	[sflag:s29] =	ssyncadd.s32 $0xFFFFE000  }
.Ltmp1:
0x27: {  	[bflag:$0x0] =	sbarrier.arrive $0xFFFF;
	(pc) =	sbr.rel @!p1 .LBB2_13-.Ltmp1, $4  }
0x28: {  	[hbm:s15], [sflag:s6] =	dma.local [spmem:s17], $0x2780  }
0x29: {  	_ =	swait.ge [sflag:s18], $0x2780  }
0x2a: {  	[sflag:s18] =	ssyncset.done $0x0  }
0x2b: {  	[sflag:s18] =	ssyncadd.s32 $0xFFFFD880  }
.LBB2_1:
0x2c: {  	[spmem:s17], [sflag:s6] =	dma.local [hbm:s5], $0x2780  }
.Ltmp2:
0x2d: {  	_ =	swait.ge [sflag:s18], $0x2780;
	(pc) =	sbr.rel @!p0 .LBB2_2-.Ltmp2, $4  }
0x2e: {  	[sflag:s18] =	ssyncset.done $0x0  }
0x2f: {  	[sflag:s18] =	ssyncadd.s32 $0xFFFFD880  }
0x30: {  	[bflag:$0x0] =	sbarrier.arrive $0xFFFF  }
0x31: {  	s7 =	simm.s32 $0x0  }
0x32: {  	[tilespmem:s19], [sflag:$0x5] =	stream.linear.gather [hbm4b:s13+s7], $0x1800, $0x38;
	[tilespmem:$0x1EC00] =	vst v63  }
0x33: {  	_ =	swait.ge [sflag:s18], $0x1800  }
0x34: {  	[sflag:s18] =	ssyncset.done $0x0  }
0x35: {  	[sflag:s18] =	ssyncadd.s32 $0xFFFFE800  }
0x36: {  	[tilespmem:s20], [sflag:$0x5] =	stream.linear.gather [hbm4b:s14+s7], $0x1800, $0x38;
	[tilespmem:$0x1EC00] =	vst v63  }
0x37: {  	_ =	swait.ge [sflag:s18], $0x1800  }
0x38: {  	[sflag:s18] =	ssyncset.done $0x0  }
0x39: {  	[sflag:s18] =	ssyncadd.s32 $0xFFFFE800  }
0x3a: {  	[tilespmem:s22], [sflag:$0x1] =	stream.indirect.gather [hbm4b:s4+s21], $0x80, s19, s21, $0xb8;
	[tilespmem:$0x1EC00] =	vst v63  }
0x3b: {  	_ = 	snop  }
0x3c: {  	[tilespmem:s24], [sflag:$0x2] =	stream.indirect.gather [hbm4b:s4+s21], $0x80, s23, s21, $0xb8;
	[tilespmem:$0x1EC00] =	vst v63  }
0x3d: {  	_ =	swait.ge [sflag:s25], $0x2000  }
0x3e: {  	[sflag:s25] =	ssyncset.done $0x0  }
0x3f: {  	s9 =	simm.s32 $0x17400;
	[sflag:s25] =	ssyncadd.s32 $0xFFFFE000  }
0x40: {  	[spmem:s1] =	stream.indirect.scatter.add.f32 [tilespmem:s22], [sflag:$0x3], $0x80, s9, s21, $0xb8;
	[tilespmem:$0x1EC00] =	vst v63  }
0x41: {  	_ =	swait.ge [sflag:s26], $0x2000  }
0x42: {  	[sflag:s26] =	ssyncset.done $0x0  }
0x43: {  	s8 =	simm.s32 $0x17480;
	[sflag:s26] =	ssyncadd.s32 $0xFFFFE000  }
0x44: {  	[spmem:s1] =	stream.indirect.scatter.add.f32 [tilespmem:s24], [sflag:$0x4], $0x80, s8, s21, $0xb8;
	[tilespmem:$0x1EC00] =	vst v63  }
0x45: {  	_ =	swait.ge [sflag:s28], $0x2000  }
0x46: {  	[sflag:s28] =	ssyncset.done $0x0  }
0x47: {  	s9 =	simm.s32 $0x13D00;
	[sflag:s28] =	ssyncadd.s32 $0xFFFFE000  }
0x48: {  	[tilespmem:s22], [sflag:$0x1] =	stream.indirect.gather [hbm4b:s4+s21], $0x80, s9, s21, $0xb8;
	[tilespmem:$0x1EC00] =	vst v63  }
0x49: {  	_ =	swait.ge [sflag:s29], $0x2000  }
0x4a: {  	[sflag:s29] =	ssyncset.done $0x0  }
0x4b: {  	s7 =	simm.s32 $0x400;
	s8 =	simm.s32 $0x13D80;
	[sflag:s29] =	ssyncadd.s32 $0xFFFFE000  }
.LBB2_10:
0x4c: {  	[tilespmem:s24], [sflag:$0x2] =	stream.indirect.gather [hbm4b:s4+s21], $0x80, s8, s21, $0xb8;
	[tilespmem:$0x1EC00] =	vst v63  }
0x4d: {  	s8 =	smov.u32 s7  }
0x4e: {  	p1 =	sne.s32 s7, $0x5800;
	s7 =	sadd.s32 $0x400, s7;
	_ =	swait.ge [sflag:s25], $0x2000  }
0x4f: {  	s8 =	sshra.s32 s8, $0x2;
	[sflag:s25] =	ssyncset.done $0x0  }
0x50: {  	s9 =	sadd.s32 $0x17400, s8;
	[sflag:s25] =	ssyncadd.s32 $0xFFFFE000  }
0x51: {  	[spmem:s1] =	stream.indirect.scatter.add.f32 [tilespmem:s22], [sflag:$0x3], $0x80, s9, s21, $0xb8;
	[tilespmem:$0x1EC00] =	vst v63  }
0x52: {  	_ =	swait.ge [sflag:s26], $0x2000  }
0x53: {  	[sflag:s26] =	ssyncset.done $0x0  }
0x54: {  	s9 =	sadd.s32 $0x17480, s8;
	[sflag:s26] =	ssyncadd.s32 $0xFFFFE000  }
0x55: {  	[spmem:s1] =	stream.indirect.scatter.add.f32 [tilespmem:s24], [sflag:$0x4], $0x80, s9, s21, $0xb8;
	[tilespmem:$0x1EC00] =	vst v63  }
0x56: {  	_ =	swait.ge [sflag:s28], $0x2000  }
0x57: {  	[sflag:s28] =	ssyncset.done $0x0  }
.Ltmp3:
0x58: {  	s9 =	sadd.s32 $0x13D00, s8;
	[sflag:s28] =	ssyncadd.s32 $0xFFFFE000;
	(pc) =	sbr.rel @p1 .LBB2_10-.Ltmp3, $4  }
0x59: {  	[tilespmem:s22], [sflag:$0x1] =	stream.indirect.gather [hbm4b:s4+s21], $0x80, s9, s21, $0xb8;
	[tilespmem:$0x1EC00] =	vst v63  }
0x5a: {  	_ =	swait.ge [sflag:s29], $0x2000  }
0x5b: {  	[sflag:s29] =	ssyncset.done $0x0  }
0x5c: {  	s8 =	sadd.s32 $0x13D80, s8;
	[sflag:s29] =	ssyncadd.s32 $0xFFFFE000  }
.Ltmp4:
0x5d: {  	_ = 	snop;
	(pc) =	sbr.rel .LBB2_11-.Ltmp4, $1  }
0x5e: {  	_ =	sdelay $0x3  }
.LBB2_2:
0x5f: {  	s8 =	rddreg [dreg:$0x4]  }
0x60: {  	[tilespmem:s19], [sflag:$0x5] =	stream.linear.gather [hbm4b:s8+s7], $0x3800, $0x38;
	[tilespmem:$0x1EC00] =	vst v63  }
0x61: {  	_ =	swait.ge [sflag:s18], $0x3800  }
0x62: {  	[sflag:s18] =	ssyncset.done $0x0  }
0x63: {  	s9 =	rddreg [dreg:$0x5];
	[sflag:s18] =	ssyncadd.s32 $0xFFFFC800  }
0x64: {  	[tilespmem:s20], [sflag:$0x5] =	stream.linear.gather [hbm4b:s9+s7], $0x3800, $0x38;
	[tilespmem:$0x1EC00] =	vst v63  }
0x65: {  	_ =	swait.ge [sflag:s18], $0x3800  }
0x66: {  	[sflag:s18] =	ssyncset.done $0x0  }
0x67: {  	[sflag:s18] =	ssyncadd.s32 $0xFFFFC800  }
0x68: {  	[tilespmem:s22], [sflag:$0x1] =	stream.indirect.gather [hbm4b:s4+s21], $0x80, s19, s21, $0xb8;
	[tilespmem:$0x1EC00] =	vst v63  }
0x69: {  	_ = 	snop  }
0x6a: {  	[tilespmem:s24], [sflag:$0x2] =	stream.indirect.gather [hbm4b:s4+s21], $0x80, s23, s21, $0xb8;
	[tilespmem:$0x1EC00] =	vst v63  }
0x6b: {  	_ =	swait.ge [sflag:s25], $0x2000  }
0x6c: {  	[sflag:s25] =	ssyncset.done $0x0  }
0x6d: {  	s9 =	simm.s32 $0x17400;
	[sflag:s25] =	ssyncadd.s32 $0xFFFFE000  }
0x6e: {  	[spmem:s1] =	stream.indirect.scatter.add.f32 [tilespmem:s22], [sflag:$0x3], $0x80, s9, s21, $0xb8;
	[tilespmem:$0x1EC00] =	vst v63  }
0x6f: {  	_ =	swait.ge [sflag:s26], $0x2000  }
0x70: {  	[sflag:s26] =	ssyncset.done $0x0  }
0x71: {  	s8 =	simm.s32 $0x17480;
	[sflag:s26] =	ssyncadd.s32 $0xFFFFE000  }
0x72: {  	[spmem:s1] =	stream.indirect.scatter.add.f32 [tilespmem:s24], [sflag:$0x4], $0x80, s8, s21, $0xb8;
	[tilespmem:$0x1EC00] =	vst v63  }
0x73: {  	_ =	swait.ge [sflag:s28], $0x2000  }
0x74: {  	[sflag:s28] =	ssyncset.done $0x0  }
0x75: {  	s9 =	simm.s32 $0x13D00;
	[sflag:s28] =	ssyncadd.s32 $0xFFFFE000  }
0x76: {  	[tilespmem:s22], [sflag:$0x1] =	stream.indirect.gather [hbm4b:s4+s21], $0x80, s9, s21, $0xb8;
	[tilespmem:$0x1EC00] =	vst v63  }
0x77: {  	_ =	swait.ge [sflag:s29], $0x2000  }
0x78: {  	[sflag:s29] =	ssyncset.done $0x0  }
0x79: {  	s7 =	simm.s32 $0x400;
	s8 =	simm.s32 $0x13D80;
	[sflag:s29] =	ssyncadd.s32 $0xFFFFE000  }
.LBB2_3:
0x7a: {  	[tilespmem:s24], [sflag:$0x2] =	stream.indirect.gather [hbm4b:s4+s21], $0x80, s8, s21, $0xb8;
	[tilespmem:$0x1EC00] =	vst v63  }
0x7b: {  	s8 =	smov.u32 s7  }
0x7c: {  	p1 =	sne.s32 s7, $0xD800;
	s7 =	sadd.s32 $0x400, s7;
	_ =	swait.ge [sflag:s25], $0x2000  }
0x7d: {  	s8 =	sshra.s32 s8, $0x2;
	[sflag:s25] =	ssyncset.done $0x0  }
0x7e: {  	s9 =	sadd.s32 $0x17400, s8;
	[sflag:s25] =	ssyncadd.s32 $0xFFFFE000  }
0x7f: {  	[spmem:s1] =	stream.indirect.scatter.add.f32 [tilespmem:s22], [sflag:$0x3], $0x80, s9, s21, $0xb8;
	[tilespmem:$0x1EC00] =	vst v63  }
0x80: {  	_ =	swait.ge [sflag:s26], $0x2000  }
0x81: {  	[sflag:s26] =	ssyncset.done $0x0  }
0x82: {  	s9 =	sadd.s32 $0x17480, s8;
	[sflag:s26] =	ssyncadd.s32 $0xFFFFE000  }
0x83: {  	[spmem:s1] =	stream.indirect.scatter.add.f32 [tilespmem:s24], [sflag:$0x4], $0x80, s9, s21, $0xb8;
	[tilespmem:$0x1EC00] =	vst v63  }
0x84: {  	_ =	swait.ge [sflag:s28], $0x2000  }
0x85: {  	[sflag:s28] =	ssyncset.done $0x0  }
.Ltmp5:
0x86: {  	s9 =	sadd.s32 $0x13D00, s8;
	[sflag:s28] =	ssyncadd.s32 $0xFFFFE000;
	(pc) =	sbr.rel @p1 .LBB2_3-.Ltmp5, $4  }
0x87: {  	[tilespmem:s22], [sflag:$0x1] =	stream.indirect.gather [hbm4b:s4+s21], $0x80, s9, s21, $0xb8;
	[tilespmem:$0x1EC00] =	vst v63  }
0x88: {  	_ =	swait.ge [sflag:s29], $0x2000  }
0x89: {  	[sflag:s29] =	ssyncset.done $0x0  }
0x8a: {  	s8 =	sadd.s32 $0x13D80, s8;
	[sflag:s29] =	ssyncadd.s32 $0xFFFFE000  }
0x8b: {  	[tilespmem:s24], [sflag:$0x2] =	stream.indirect.gather [hbm4b:s4+s21], $0x80, s8, s21, $0xb8;
	[tilespmem:$0x1EC00] =	vst v63  }
0x8c: {  	_ =	swait.ge [sflag:s25], $0x2000  }
0x8d: {  	[sflag:s25] =	ssyncset.done $0x0  }
0x8e: {  	[sflag:s25] =	ssyncadd.s32 $0xFFFFE000  }
0x8f: {  	[spmem:s1] =	stream.indirect.scatter.add.f32 [tilespmem:s22], [sflag:$0x3], $0x80, s0, s21, $0xb8;
	[tilespmem:$0x1EC00] =	vst v63  }
0x90: {  	_ =	swait.ge [sflag:s26], $0x2000  }
0x91: {  	[sflag:s26] =	ssyncset.done $0x0  }
0x92: {  	[sflag:s26] =	ssyncadd.s32 $0xFFFFE000  }
0x93: {  	[spmem:s1] =	stream.indirect.scatter.add.f32 [tilespmem:s24], [sflag:$0x4], $0x80, s2, s21, $0xb8;
	[tilespmem:$0x1EC00] =	vst v63  }
0x94: {  	_ =	swait.ge [sflag:s28], $0x2000  }
0x95: {  	[sflag:s28] =	ssyncset.done $0x0  }
0x96: {  	[sflag:s28] =	ssyncadd.s32 $0xFFFFE000  }
0x97: {  	_ =	swait.ge [sflag:s29], $0x2000  }
0x98: {  	[sflag:s29] =	ssyncset.done $0x0  }
0x99: {  	s7 =	simm.s32 $0x0;
	s9 =	rddreg [dreg:$0x6];
	[sflag:s29] =	ssyncadd.s32 $0xFFFFE000  }
0x9a: {  	[tilespmem:s19], [sflag:$0x5] =	stream.linear.gather [hbm4b:s9+s7], $0x3800, $0x38;
	[tilespmem:$0x1EC00] =	vst v63  }
0x9b: {  	_ =	swait.ge [sflag:s18], $0x3800  }
0x9c: {  	[sflag:s18] =	ssyncset.done $0x0  }
0x9d: {  	[sflag:s18] =	ssyncadd.s32 $0xFFFFC800  }
0x9e: {  	[tilespmem:s20], [sflag:$0x5] =	stream.linear.gather [hbm4b:s10+s7], $0x3800, $0x38;
	[tilespmem:$0x1EC00] =	vst v63  }
0x9f: {  	_ =	swait.ge [sflag:s18], $0x3800  }
0xa0: {  	[sflag:s18] =	ssyncset.done $0x0  }
0xa1: {  	[sflag:s18] =	ssyncadd.s32 $0xFFFFC800  }
0xa2: {  	[tilespmem:s22], [sflag:$0x1] =	stream.indirect.gather [hbm4b:s4+s21], $0x80, s19, s21, $0xb8;
	[tilespmem:$0x1EC00] =	vst v63  }
0xa3: {  	_ = 	snop  }
0xa4: {  	[tilespmem:s24], [sflag:$0x2] =	stream.indirect.gather [hbm4b:s4+s21], $0x80, s23, s21, $0xb8;
	[tilespmem:$0x1EC00] =	vst v63  }
0xa5: {  	_ =	swait.ge [sflag:s25], $0x2000  }
0xa6: {  	[sflag:s25] =	ssyncset.done $0x0  }
0xa7: {  	s9 =	simm.s32 $0x17400;
	[sflag:s25] =	ssyncadd.s32 $0xFFFFE000  }
0xa8: {  	[spmem:s1] =	stream.indirect.scatter.add.f32 [tilespmem:s22], [sflag:$0x3], $0x80, s9, s21, $0xb8;
	[tilespmem:$0x1EC00] =	vst v63  }
0xa9: {  	_ =	swait.ge [sflag:s26], $0x2000  }
0xaa: {  	[sflag:s26] =	ssyncset.done $0x0  }
0xab: {  	s8 =	simm.s32 $0x17480;
	[sflag:s26] =	ssyncadd.s32 $0xFFFFE000  }
0xac: {  	[spmem:s1] =	stream.indirect.scatter.add.f32 [tilespmem:s24], [sflag:$0x4], $0x80, s8, s21, $0xb8;
	[tilespmem:$0x1EC00] =	vst v63  }
0xad: {  	_ =	swait.ge [sflag:s28], $0x2000  }
0xae: {  	[sflag:s28] =	ssyncset.done $0x0  }
0xaf: {  	s9 =	simm.s32 $0x13D00;
	[sflag:s28] =	ssyncadd.s32 $0xFFFFE000  }
0xb0: {  	[tilespmem:s22], [sflag:$0x1] =	stream.indirect.gather [hbm4b:s4+s21], $0x80, s9, s21, $0xb8;
	[tilespmem:$0x1EC00] =	vst v63  }
0xb1: {  	_ =	swait.ge [sflag:s29], $0x2000  }
0xb2: {  	[sflag:s29] =	ssyncset.done $0x0  }
0xb3: {  	s7 =	simm.s32 $0x400;
	s8 =	simm.s32 $0x13D80;
	[sflag:s29] =	ssyncadd.s32 $0xFFFFE000  }
.LBB2_5:
0xb4: {  	[tilespmem:s24], [sflag:$0x2] =	stream.indirect.gather [hbm4b:s4+s21], $0x80, s8, s21, $0xb8;
	[tilespmem:$0x1EC00] =	vst v63  }
0xb5: {  	s8 =	smov.u32 s7  }
0xb6: {  	p1 =	sne.s32 s7, $0xD800;
	s7 =	sadd.s32 $0x400, s7;
	_ =	swait.ge [sflag:s25], $0x2000  }
0xb7: {  	s8 =	sshra.s32 s8, $0x2;
	[sflag:s25] =	ssyncset.done $0x0  }
0xb8: {  	s9 =	sadd.s32 $0x17400, s8;
	[sflag:s25] =	ssyncadd.s32 $0xFFFFE000  }
0xb9: {  	[spmem:s1] =	stream.indirect.scatter.add.f32 [tilespmem:s22], [sflag:$0x3], $0x80, s9, s21, $0xb8;
	[tilespmem:$0x1EC00] =	vst v63  }
0xba: {  	_ =	swait.ge [sflag:s26], $0x2000  }
0xbb: {  	[sflag:s26] =	ssyncset.done $0x0  }
0xbc: {  	s9 =	sadd.s32 $0x17480, s8;
	[sflag:s26] =	ssyncadd.s32 $0xFFFFE000  }
0xbd: {  	[spmem:s1] =	stream.indirect.scatter.add.f32 [tilespmem:s24], [sflag:$0x4], $0x80, s9, s21, $0xb8;
	[tilespmem:$0x1EC00] =	vst v63  }
0xbe: {  	_ =	swait.ge [sflag:s28], $0x2000  }
0xbf: {  	[sflag:s28] =	ssyncset.done $0x0  }
.Ltmp6:
0xc0: {  	s9 =	sadd.s32 $0x13D00, s8;
	[sflag:s28] =	ssyncadd.s32 $0xFFFFE000;
	(pc) =	sbr.rel @p1 .LBB2_5-.Ltmp6, $4  }
0xc1: {  	[tilespmem:s22], [sflag:$0x1] =	stream.indirect.gather [hbm4b:s4+s21], $0x80, s9, s21, $0xb8;
	[tilespmem:$0x1EC00] =	vst v63  }
0xc2: {  	_ =	swait.ge [sflag:s29], $0x2000  }
0xc3: {  	[sflag:s29] =	ssyncset.done $0x0  }
0xc4: {  	s8 =	sadd.s32 $0x13D80, s8;
	[sflag:s29] =	ssyncadd.s32 $0xFFFFE000  }
0xc5: {  	[tilespmem:s24], [sflag:$0x2] =	stream.indirect.gather [hbm4b:s4+s21], $0x80, s8, s21, $0xb8;
	[tilespmem:$0x1EC00] =	vst v63  }
0xc6: {  	_ =	swait.ge [sflag:s25], $0x2000  }
0xc7: {  	[sflag:s25] =	ssyncset.done $0x0  }
0xc8: {  	[sflag:s25] =	ssyncadd.s32 $0xFFFFE000  }
0xc9: {  	[spmem:s1] =	stream.indirect.scatter.add.f32 [tilespmem:s22], [sflag:$0x3], $0x80, s0, s21, $0xb8;
	[tilespmem:$0x1EC00] =	vst v63  }
0xca: {  	_ =	swait.ge [sflag:s26], $0x2000  }
0xcb: {  	[sflag:s26] =	ssyncset.done $0x0  }
0xcc: {  	[sflag:s26] =	ssyncadd.s32 $0xFFFFE000  }
0xcd: {  	[spmem:s1] =	stream.indirect.scatter.add.f32 [tilespmem:s24], [sflag:$0x4], $0x80, s2, s21, $0xb8;
	[tilespmem:$0x1EC00] =	vst v63  }
0xce: {  	_ =	swait.ge [sflag:s28], $0x2000  }
0xcf: {  	[sflag:s28] =	ssyncset.done $0x0  }
0xd0: {  	[sflag:s28] =	ssyncadd.s32 $0xFFFFE000  }
0xd1: {  	_ =	swait.ge [sflag:s29], $0x2000  }
0xd2: {  	[sflag:s29] =	ssyncset.done $0x0  }
0xd3: {  	s7 =	simm.s32 $0x0;
	[sflag:s29] =	ssyncadd.s32 $0xFFFFE000  }
0xd4: {  	[tilespmem:s19], [sflag:$0x5] =	stream.linear.gather [hbm4b:s11+s7], $0x1800, $0x38;
	[tilespmem:$0x1EC00] =	vst v63  }
0xd5: {  	_ =	swait.ge [sflag:s18], $0x1800  }
0xd6: {  	[sflag:s18] =	ssyncset.done $0x0  }
0xd7: {  	[sflag:s18] =	ssyncadd.s32 $0xFFFFE800  }
0xd8: {  	[tilespmem:s20], [sflag:$0x5] =	stream.linear.gather [hbm4b:s12+s7], $0x1800, $0x38;
	[tilespmem:$0x1EC00] =	vst v63  }
0xd9: {  	_ =	swait.ge [sflag:s18], $0x1800  }
0xda: {  	[sflag:s18] =	ssyncset.done $0x0  }
0xdb: {  	[sflag:s18] =	ssyncadd.s32 $0xFFFFE800  }
0xdc: {  	[tilespmem:s22], [sflag:$0x1] =	stream.indirect.gather [hbm4b:s4+s21], $0x80, s19, s21, $0xb8;
	[tilespmem:$0x1EC00] =	vst v63  }
0xdd: {  	_ = 	snop  }
0xde: {  	[tilespmem:s24], [sflag:$0x2] =	stream.indirect.gather [hbm4b:s4+s21], $0x80, s23, s21, $0xb8;
	[tilespmem:$0x1EC00] =	vst v63  }
0xdf: {  	_ =	swait.ge [sflag:s25], $0x2000  }
0xe0: {  	[sflag:s25] =	ssyncset.done $0x0  }
0xe1: {  	s9 =	simm.s32 $0x17400;
	[sflag:s25] =	ssyncadd.s32 $0xFFFFE000  }
0xe2: {  	[spmem:s1] =	stream.indirect.scatter.add.f32 [tilespmem:s22], [sflag:$0x3], $0x80, s9, s21, $0xb8;
	[tilespmem:$0x1EC00] =	vst v63  }
0xe3: {  	_ =	swait.ge [sflag:s26], $0x2000  }
0xe4: {  	[sflag:s26] =	ssyncset.done $0x0  }
0xe5: {  	s8 =	simm.s32 $0x17480;
	[sflag:s26] =	ssyncadd.s32 $0xFFFFE000  }
0xe6: {  	[spmem:s1] =	stream.indirect.scatter.add.f32 [tilespmem:s24], [sflag:$0x4], $0x80, s8, s21, $0xb8;
	[tilespmem:$0x1EC00] =	vst v63  }
0xe7: {  	_ =	swait.ge [sflag:s28], $0x2000  }
0xe8: {  	[sflag:s28] =	ssyncset.done $0x0  }
0xe9: {  	s9 =	simm.s32 $0x13D00;
	[sflag:s28] =	ssyncadd.s32 $0xFFFFE000  }
0xea: {  	[tilespmem:s22], [sflag:$0x1] =	stream.indirect.gather [hbm4b:s4+s21], $0x80, s9, s21, $0xb8;
	[tilespmem:$0x1EC00] =	vst v63  }
0xeb: {  	_ =	swait.ge [sflag:s29], $0x2000  }
0xec: {  	[sflag:s29] =	ssyncset.done $0x0  }
0xed: {  	s7 =	simm.s32 $0x400;
	s8 =	simm.s32 $0x13D80;
	[sflag:s29] =	ssyncadd.s32 $0xFFFFE000  }
.LBB2_7:
0xee: {  	[tilespmem:s24], [sflag:$0x2] =	stream.indirect.gather [hbm4b:s4+s21], $0x80, s8, s21, $0xb8;
	[tilespmem:$0x1EC00] =	vst v63  }
0xef: {  	s8 =	smov.u32 s7  }
0xf0: {  	p1 =	seq.s32 s7, $0x5800;
	s7 =	sadd.s32 $0x400, s7;
	_ =	swait.ge [sflag:s25], $0x2000  }
0xf1: {  	s8 =	sshra.s32 s8, $0x2;
	[sflag:s25] =	ssyncset.done $0x0  }
0xf2: {  	s9 =	sadd.s32 $0x17400, s8;
	[sflag:s25] =	ssyncadd.s32 $0xFFFFE000  }
0xf3: {  	[spmem:s1] =	stream.indirect.scatter.add.f32 [tilespmem:s22], [sflag:$0x3], $0x80, s9, s21, $0xb8;
	[tilespmem:$0x1EC00] =	vst v63  }
0xf4: {  	_ =	swait.ge [sflag:s26], $0x2000  }
0xf5: {  	[sflag:s26] =	ssyncset.done $0x0  }
0xf6: {  	s9 =	sadd.s32 $0x17480, s8;
	[sflag:s26] =	ssyncadd.s32 $0xFFFFE000  }
0xf7: {  	[spmem:s1] =	stream.indirect.scatter.add.f32 [tilespmem:s24], [sflag:$0x4], $0x80, s9, s21, $0xb8;
	[tilespmem:$0x1EC00] =	vst v63  }
0xf8: {  	_ =	swait.ge [sflag:s28], $0x2000  }
0xf9: {  	[sflag:s28] =	ssyncset.done $0x0  }
.Ltmp7:
0xfa: {  	s9 =	sadd.s32 $0x13D00, s8;
	[sflag:s28] =	ssyncadd.s32 $0xFFFFE000;
	(pc) =	sbr.rel @!p1 .LBB2_7-.Ltmp7, $4  }
0xfb: {  	[tilespmem:s22], [sflag:$0x1] =	stream.indirect.gather [hbm4b:s4+s21], $0x80, s9, s21, $0xb8;
	[tilespmem:$0x1EC00] =	vst v63  }
0xfc: {  	_ =	swait.ge [sflag:s29], $0x2000  }
0xfd: {  	[sflag:s29] =	ssyncset.done $0x0  }
0xfe: {  	s8 =	sadd.s32 $0x13D80, s8;
	[sflag:s29] =	ssyncadd.s32 $0xFFFFE000  }
.Ltmp8:
0xff: {  	(pc) =	sbr.rel .LBB2_12-.Ltmp8, $2  }
0x100: {  	_ =	sdelay $0x2  }
0x101: {  	[tilespmem:s24], [sflag:$0x2] =	stream.indirect.gather [hbm4b:s4+s21], $0x80, s8, s21, $0xb8;
	[tilespmem:$0x1EC00] =	vst v63  }
.LBB2_13:
0x102: {  	_ =	sfence.sel $0x180000  }
0x103: {  	[bflag:$0x0] =	sbarrier.arrive $0xFFFF  }
0x104: {  	_ =	strace $0x9000004A  }
0x105: {  	s0 =	stileid.u32;
	[bflag:$0x2] =	sbarrier.arrive $0xFFFF  }
0x106: {  	p0 =	sne.s32 s0, $0x0;
	s0 =	rddreg [dreg:$0x3]  }
0x107: {  	s0 =	sadd.s32 @!p0 $0x100000, s0  }
0x108: {  	[sflag:s0] =	ssyncadd.tile.s32 @!p0 $0x1;
	_ =	shalt  }
.Lfunc_end2:
_tile_overlayer_lowered:
.L_overlay_start_2:
0x109: {  	(tag) =	ssettag $0x2  }
0x10a: {  	s0 =	rddreg [dreg:$0x0];
	s2 =	stileid.u32  }
0x10b: {  	s1 =	rddreg [dreg:$0x1];
	p0 =	sne.s32 s2, $0x0  }
0x10c: {  	s3 =	rddreg [dreg:$0x2];
	[bflag:$0x3] =	sbarrier.arrive $0xFFFF;
	s2 =	simm.s32 @!p0 $0x1C05  }
0x10d: {  	[timem:s3], [sflag:s2] =	dma.local @!p0 [hbm:s0], s1  }
0x10e: {  	s0 =	simm.s32 @!p0 $0x5  }
0x10f: {  	_ =	swait.ge @!p0 [sflag:s0], s1  }
0x110: {  	s1 =	ssub.s32 @!p0 $0x0, s1;
	[sflag:s0] =	ssyncset.done @!p0 $0x0  }
0x111: {  	[sflag:s0] =	ssyncadd.s32 @!p0 s1  }
0x112: {  	[bflag:$0x3] =	sbarrier.arrive $0xFFFF  }
0x113: {  	_ =	shalt  }

// kernel: kernel.14.cloned.1.call-start
scs
__scs_entry_jumppad:
0x0: {  	(pc) =	sbr.rel $0x88, $3  }
0x1: {  	(tag) =	ssettag $0x0;
	lr =	simm.s32 $0x1  }
0x2: {  	[smem:$0x3F95] =	sst lr;
	_ =	strace $0xD0000000  }
0x3: {  	_ = 	snop  }
0x4: {  	_ = 	snop  }
0x5: {  	_ = 	snop  }
0x6: {  	_ = 	snop  }
0x7: {  	_ = 	snop  }
__scs_overlays_trampoline_lowered:
0x8: {  	[smem:$0x3FA4] =	sst s0  }
0x9: {  	[smem:$0x3FA5] =	sst s1  }
0xa: {  	[smem:$0x3FA6] =	sst s2  }
0xb: {  	[smem:$0x3FA7] =	sst s3  }
0xc: {  	[smem:$0x3FA8] =	sst s4  }
0xd: {  	[smem:$0x3FA9] =	sst s5  }
0xe: {  	[smem:$0x3FAA] =	sst s6  }
0xf: {  	[smem:$0x3FAB] =	sst s7  }
0x10: {  	[smem:$0x3FAC] =	sst s8  }
0x11: {  	[smem:$0x3FAD] =	sst s9;
	s0 =	simm.s32 @!p0 $0x0  }
0x12: {  	s1 =	sld [smem:$0x3F93];
	s0 =	simm.s32 @p0 $0x1  }
0x13: {  	[smem:$0x3FAE] =	sst s0;
	s0 =	simm.s32 @!p1 $0x0  }
0x14: {  	s2 =	sld [smem:$0x3F92];
	s0 =	simm.s32 @p1 $0x1  }
0x15: {  	[smem:$0x3FAF] =	sst s0;
	s0 =	simm.s32 @!p2 $0x0  }
0x16: {  	s3 =	sld [smem:$0x3FDB];
	s0 =	simm.s32 @p2 $0x1  }
0x17: {  	s4 =	simm.s32 $0x1BF5;
	[smem:$0x3FB1] =	sst s0  }
0x18: {  	s0 =	sld [smem:$0x3F94];
	_ =	swait.ge [sflag:s4], $0x0  }
0x19: {  	s7 =	sld [smem:$0x3F95]  }
0x1a: {  	s8 =	sadd.s32 $0xFFFFE003, lr  }
0x1b: {  	s9 =	sadd.s32 $0xFFFFFEF7, lr;
	s5 =	simm.s32 $0xFFFFFFFF;
	p2 =	slt.u32 s8, $0xFFFFF086  }
0x1c: {  	p1 =	slt.u32 s9, $0xF7A;
	s5 =	simm.s32 @!p2 $0x0  }
0x1d: {  	s5 =	simm.s32 @p1 $0x1;
	p0 =	seq.s32 s7, s2  }
0x1e: {  	s7 =	smul.u32 @!p0 $0xF7A, s2;
	p2 =	seq.s32 @!p0 s5, $0x0  }
0x1f: {  	s9 =	smul.u32 $0xF7A, s1;
	s8 =	simm.s32 @!p0 $0x1BF5;
	p2 =	por !p2, p0  }
0x20: {  	[sflag:s8] =	ssyncset.s32 @!p0 $0xFFFFF086;
	s6 =	sadd.s32 @!p0 s3, s7;
	s7 =	simm.s32 @!p0 $0x108  }
0x21: {  	s3 =	sadd.s32 s3, s9;
	s6 =	sadd.s32 @!p0 $0x88, s6;
	s7 =	simm.s32 @p2 $0x1082  }
0x22: {  	[simem:s7], [sflag:s8] =	dma.local @!p0 [hbm:s6], $0xF7A  }
0x23: {  	s9 =	sor.u32 $0xD0000000, s2;
	s6 =	simm.s32 $0x108;
	_ =	swait.ge @!p0 [sflag:s8], $0x0  }
0x24: {  	s3 =	sadd.s32 $0x88, s3;
	s6 =	simm.s32 @!p1 $0x1082;
	[sflag:s4] =	ssyncset.s32 $0xFFFFF086  }
0x25: {  	[simem:s6], [sflag:s4] =	dma.local [hbm:s3], $0xF7A  }
0x26: {  	[smem:$0x3F95] =	sst s1;
	(tag) =	ssettag s2;
	_ =	strace s9  }
0x27: {  	s1 =	sld [smem:$0x3FA5]  }
0x28: {  	s2 =	sld [smem:$0x3FA6]  }
0x29: {  	s4 =	sld [smem:$0x3FA8]  }
0x2a: {  	p0 =	seq.s32 s5, $0x0;
	s5 =	sld [smem:$0x3FA9]  }
0x2b: {  	s6 =	sld [smem:$0x3FAA]  }
0x2c: {  	s7 =	sld [smem:$0x3FAB]  }
0x2d: {  	s3 =	simm.s32 $0x108;
	s8 =	sld [smem:$0x3FAC]  }
0x2e: {  	s3 =	simm.s32 @!p0 $0x1082;
	s9 =	sld [smem:$0x3FAD]  }
0x2f: {  	lr =	sadd.s32 s0, s3;
	s0 =	sld [smem:$0x3FA4]  }
0x30: {  	s3 =	sld [smem:$0x3FA7]  }
0x31: {  	[smem:$0x3FB0] =	sst s10  }
0x32: {  	s10 =	sld [smem:$0x3FAE];
	_ =	sdelay $0x3  }
0x33: {  	p0 =	seq.s32 s10, $0x1;
	s10 =	sld [smem:$0x3FB0];
	_ =	sdelay $0x3  }
0x34: {  	[smem:$0x3FB0] =	sst s10  }
0x35: {  	s10 =	sld [smem:$0x3FAF];
	_ =	sdelay $0x3  }
0x36: {  	p1 =	seq.s32 s10, $0x1;
	s10 =	sld [smem:$0x3FB0];
	_ =	sdelay $0x3  }
0x37: {  	[smem:$0x3FB0] =	sst s10  }
0x38: {  	s10 =	sld [smem:$0x3FB1]  }
0x39: {  	_ = 	snop;
	(pc) =	sbr.ind lr, $3  }
0x3a: {  	_ = 	snop  }
0x3b: {  	_ = 	snop  }
0x3c: {  	p2 =	seq.s32 s10, $0x1;
	s10 =	sld [smem:$0x3FB0]  }
0x3d: {  	_ =	shalt  }
0x3e: {  	_ =	shalt  }
0x3f: {  	_ =	shalt  }
0x40: {  	_ =	shalt  }
0x41: {  	_ =	shalt  }
0x42: {  	_ =	shalt  }
0x43: {  	_ =	shalt  }
0x44: {  	_ =	shalt  }
0x45: {  	_ =	shalt  }
0x46: {  	_ =	shalt  }
0x47: {  	_ =	shalt  }
0x48: {  	_ =	shalt  }
0x49: {  	_ =	shalt  }
0x4a: {  	_ =	shalt  }
0x4b: {  	_ =	shalt  }
0x4c: {  	_ =	shalt  }
0x4d: {  	_ =	shalt  }
0x4e: {  	_ =	shalt  }
0x4f: {  	_ =	shalt  }
0x50: {  	_ =	shalt  }
0x51: {  	_ =	shalt  }
0x52: {  	_ =	shalt  }
0x53: {  	_ =	shalt  }
0x54: {  	_ =	shalt  }
0x55: {  	_ =	shalt  }
0x56: {  	_ =	shalt  }
0x57: {  	_ =	shalt  }
0x58: {  	_ =	shalt  }
0x59: {  	_ =	shalt  }
0x5a: {  	_ =	shalt  }
0x5b: {  	_ =	shalt  }
0x5c: {  	_ =	shalt  }
0x5d: {  	_ =	shalt  }
0x5e: {  	_ =	shalt  }
0x5f: {  	_ =	shalt  }
0x60: {  	_ =	shalt  }
0x61: {  	_ =	shalt  }
0x62: {  	_ =	shalt  }
0x63: {  	_ =	shalt  }
0x64: {  	_ =	shalt  }
0x65: {  	_ =	shalt  }
0x66: {  	_ =	shalt  }
0x67: {  	_ =	shalt  }
0x68: {  	_ =	shalt  }
0x69: {  	_ =	shalt  }
0x6a: {  	_ =	shalt  }
0x6b: {  	_ =	shalt  }
0x6c: {  	_ =	shalt  }
0x6d: {  	_ =	shalt  }
0x6e: {  	_ =	shalt  }
0x6f: {  	_ =	shalt  }
0x70: {  	_ =	shalt  }
0x71: {  	_ =	shalt  }
0x72: {  	_ =	shalt  }
0x73: {  	_ =	shalt  }
0x74: {  	_ =	shalt  }
0x75: {  	_ =	shalt  }
0x76: {  	_ =	shalt  }
0x77: {  	_ =	shalt  }
0x78: {  	_ =	shalt  }
0x79: {  	_ =	shalt  }
0x7a: {  	_ =	shalt  }
0x7b: {  	_ =	shalt  }
0x7c: {  	_ =	shalt  }
0x7d: {  	_ =	shalt  }
0x7e: {  	_ =	shalt  }
0x7f: {  	_ =	shalt  }
0x80: {  	_ =	shalt  }
0x81: {  	_ =	shalt  }
0x82: {  	_ =	shalt  }
0x83: {  	_ =	shalt  }
0x84: {  	_ =	shalt  }
0x85: {  	_ =	shalt  }
0x86: {  	_ =	shalt  }
0x87: {  	_ =	shalt  }
.Lfunc_end0:
.L_simem_size_0:
called_computation.2_lowered:
.L_overlay_start_0:
0x88: {  	s2 =	sld [smem:$0x3FD9]  }
0x89: {  	s3 =	sld [smem:$0x3FFE];
	_ =	sdelay $0x1  }
0x8a: {  	s1 =	srdreg.scid  }
0x8b: {  	s0 =	sand.u32 $0x1, s1  }
0x8c: {  	s17 =	sshll.u32 s0, $0xA;
	s2 =	sadd.s32 s3, s2  }
0x8d: {  	s2 =	sadd.s32 s2, s17  }
0x8e: {  	[smem:$0x3FBC] =	sst s2  }
0x8f: {  	_ = 	snop  }
0x90: {  	s2 =	sld [smem:$0x3FD0];
	(tm) =	ssettm $0x1  }
0x91: {  	s18 =	sld [smem:$0x3FFB];
	_ =	sdelay $0x3  }
0x92: {  	_ =	strace s18  }
0x93: {  	s3 =	sld [smem:$0x3FFC];
	_ =	sdelay $0x3  }
0x94: {  	_ =	strace s3  }
0x95: {  	s3 =	sld [smem:$0x3FFD];
	_ =	sdelay $0x3  }
0x96: {  	_ =	strace s3  }
0x97: {  	_ =	strace $0x8FFFFFFF  }
0x98: {  	s19 =	sld [smem:$0x3FDB];
	_ =	sdelay $0x1  }
0x99: {  	s4 =	simm.s32 $_scs_section_size  }
0x9a: {  	s5 =	simm.s32 $_size__tile_overlayer_lowered;
	s6 =	simm.s32 $_tile_overlayer_lowered  }
0x9b: {  	s22 =	simm.s32 $0x1BFF;
	s21 =	sshll.u32 s6, $0x1;
	s3 =	sadd.s32 s4, s19  }
0x9c: {  	s7 =	simm.s32 $0x0;
	s20 =	sshll.u32 s5, $0x1;
	s5 =	sadd.s32 s21, s3  }
0x9d: {  	[timem:s7], [sflag:s22] =	dma.local [hbm:s5], s20  }
0x9e: {  	_ =	swait.ge [sflag:s22], s20  }
0x9f: {  	s4 =	ssub.s32 $0x0, s20;
	[sflag:s22] =	ssyncset.done $0x0  }
0xa0: {  	[sflag:s22] =	ssyncadd.s32 s4;
	_ =	sdelay $0x1  }
0xa1: {  	s23 =	simm.s32 $0x1B8B  }
0xa2: {  	_ =	swait.ge [sflag:s23], $0x1  }
0xa3: {  	[sflag:s23] =	ssyncset.done $0x0  }
0xa4: {  	s25 =	simm.s32 $0x1B8E;
	s24 =	sld [smem:$0x3FFE];
	[sflag:s23] =	ssyncadd.s32 $0xFFFFFFFF  }
0xa5: {  	s26 =	simm.s32 $execute0_lowered;
	[smem:$0x3FD2] =	sst s25  }
0xa6: {  	s5 =	sshll.u32 s26, $0x1;
	_ =	strace $0x8000004C;
	[dreg:$0x1] =	wrdreg $0xFFFFFFFF  }
0xa7: {  	s28 =	simm.s32 $_size_execute0_lowered;
	s3 =	sadd.s32 s3, s5;
	[dreg:$0x0] =	wrdreg $0x0  }
0xa8: {  	s5 =	sshll.u32 s28, $0x1;
	[dreg:$0x2] =	wrdreg s3  }
0xa9: {  	[dreg:$0x3] =	wrdreg s5  }
0xaa: {  	[dreg:$0x4] =	wrdreg $0xC0  }
0xab: {  	_ =	task [dreg:s7], $0x5FFFF  }
0xac: {  	[dreg:$0x1] =	wrdreg $0xFFFFFFFF  }
0xad: {  	[dreg:$0x0] =	wrdreg $0x60  }
0xae: {  	[dreg:$0x2] =	wrdreg s24  }
0xaf: {  	[dreg:$0x3] =	wrdreg s2  }
0xb0: {  	[dreg:$0x4] =	wrdreg $0x0  }
0xb1: {  	[dreg:$0x5] =	wrdreg $0x9  }
0xb2: {  	_ =	task.clear_ibuf [dreg:s7], $0x6FFFF;
	_ =	strace $0x9000004C  }
0xb3: {  	s29 =	simm.s32 $0x9;
	_ =	strace $0x8000004E  }
0xb4: {  	_ =	swait.ge [sflag:s29], $0x1  }
0xb5: {  	[sflag:s29] =	ssyncadd.s32 $0xFFFFFFFF  }
0xb6: {  	_ =	strace $0x9000004E  }
0xb7: {  	_ =	sfence  }
0xb8: {  	s30 =	sld [smem:$0x0];
	_ =	sdelay $0x2  }
0xb9: {  	s31 =	sshll.u32 s1, $0xD;
	s1 =	sshrl.u32 s1, $0x2  }
0xba: {  	s3 =	sand.u32 $0x4000, s31;
	s1 =	sadd.s32 s1, s30  }
0xbb: {  	s0 =	sor.u32 s3, s0;
	s1 =	sshll.u32 s1, $0x11  }
0xbc: {  	s0 =	sor.u32 s1, s0  }
0xbd: {  	s0 =	sadd.s32 $0x8F2B, s0  }
0xbe: {  	[sflag:s0] =	ssyncadd.remote.s32 $0x1  }
0xbf: {  	_ =	sfence.sel $0xFFFF  }
0xc0: {  	[dreg:$0x0] =	wrdreg $0xFFFFFFFF;
	(pc) =	sbr.abs _section_cstart, $3  }
0xc1: {  	[dreg:$0x1] =	wrdreg $0xFFFFFFFF  }
0xc2: {  	_ =	task.clear_ibuf [dreg:s7], $0x2FFFF;
	_ =	strace $0x9FFFFFFF  }
0xc3: {  	(tm) =	ssettm $0x7FFFFFFF  }
tec
execute0_lowered:
.L_overlay_start_1:
0x0: {  	(tag) =	ssettag $0x1  }
0x1: {  	s0 =	rddreg [dreg:$0x0]  }
0x2: {  	s2 =	rddreg [dreg:$0x1]  }
0x3: {  	s1 =	rddreg [dreg:$0x2];
	s12 =	stileid.u32  }
0x4: {  	s3 =	srdreg.scid;
	s28 =	simm.s32 $0x3;
	s6 =	smul.u32 $0x13C00, s12  }
0x5: {  	s29 =	simm.s32 $0x4;
	s30 =	simm.s32 $0x18B00;
	s11 =	smul.u32 $0x4F000, s12  }
0x6: {  	s31 =	simm.s32 $0x18B80;
	s7 =	sand.u32 $0x1, s3;
	s20 =	smul.u32 $0x8800, s12  }
0x7: {  	s3 =	simm.s32 $0x0;
	s4 =	sadd.s32 $0x90800, s0;
	s21 =	smul.u32 $0x1100, s12  }
0x8: {  	s8 =	sadd.s32 $0x3800, s0;
	s19 =	sshll.u32 s12, $0x6;
	s23 =	smul.u32 $0x1800, s12  }
0x9: {  	s5 =	smul.u32 $0x13C000, s7;
	[smem:$0x7FF] =	sst s3;
	s17 =	ssub.s32 $0x2, s7  }
0xa: {  	p0 =	seq.s32 s7, $0x1;
	_ =	strace $0x8000004D;
	s10 =	sshrl.u32 s17, $0x1  }
0xb: {  	s18 =	sshrl.u32 s11, $0x2;
	s22 =	sshrl.u32 s20, $0x3;
	s24 =	sadd.s32 s2, s21  }
0xc: {  	s12 =	sshrl.u32 s23, $0x3;
	s20 =	simm.s32 $0x17400;
	s23 =	simm.s32 $0x13C80  }
0xd: {  	s5 =	sadd.s32 s6, s5;
	s16 =	ssub.s32 s17, s10;
	s17 =	sadd.s32 s18, s1  }
0xe: {  	s6 =	sor.u32 $0x1C05, s19;
	[dreg:$0x4] =	wrdreg s24;
	s25 =	sadd.s32 $0x700, s22  }
0xf: {  	s7 =	sadd.s32 $0xE00, s22;
	s14 =	sadd.s32 $0x11000, s12;
	s18 =	simm.s32 $0x5  }
0x10: {  	s19 =	simm.s32 $0x13C00;
	s22 =	simm.s32 $0x1AC00;
	s24 =	simm.s32 $0x1CC00  }
0x11: {  	s9 =	sshrl.u32 s5, $0x3;
	s5 =	sadd.s32 $0x17800, s0;
	s26 =	sadd.s32 s2, s25  }
0x12: {  	s10 =	sadd.s32 s8, s25;
	s11 =	sadd.s32 s2, s7;
	s12 =	sadd.s32 s8, s7  }
.Ltmp0:
0x13: {  	s13 =	sadd.s32 s2, s14;
	s14 =	sadd.s32 s8, s14;
	(pc) =	sbr.rel .LBB2_1-.Ltmp0, $4  }
0x14: {  	s16 =	smax.u32 s16, $0x1;
	s17 =	sshrl.u32 s17, $0x3;
	s25 =	simm.s32 $0x1  }
0x15: {  	s2 =	simm.s32 $0x1AB80;
	s0 =	sadd.s32 s9, s0;
	s9 =	sadd.s32 s8, s21  }
0x16: {  	[dreg:$0x6] =	wrdreg s26;
	s21 =	simm.s32 $0x40;
	s26 =	simm.s32 $0x2  }
0x17: {  	[dreg:$0x5] =	wrdreg s9;
	s15 =	sadd.s32 $0xDFC00, s0;
	s0 =	simm.s32 $0x1AB00  }
.LBB2_11:
0x18: {  	[tilespmem:s24], [sflag:$0x2] =	stream.indirect.gather [hbm4b:s4+s21], $0x80, s8, s21, $0xb8;
	[tilespmem:$0x1EC00] =	vst v63  }
.LBB2_12:
0x19: {  	_ =	swait.ge [sflag:s25], $0x2000  }
0x1a: {  	[sflag:s25] =	ssyncset.done $0x0  }
0x1b: {  	[sflag:s25] =	ssyncadd.s32 $0xFFFFE000  }
0x1c: {  	[spmem:s1] =	stream.indirect.scatter.add.f32 [tilespmem:s22], [sflag:$0x3], $0x80, s30, s21, $0xb8;
	[tilespmem:$0x1EC00] =	vst v63  }
0x1d: {  	_ =	swait.ge [sflag:s26], $0x2000  }
0x1e: {  	[sflag:s26] =	ssyncset.done $0x0  }
0x1f: {  	[sflag:s26] =	ssyncadd.s32 $0xFFFFE000  }
0x20: {  	[spmem:s1] =	stream.indirect.scatter.add.f32 [tilespmem:s24], [sflag:$0x4], $0x80, s31, s21, $0xb8;
	[tilespmem:$0x1EC00] =	vst v63  }
0x21: {  	_ =	swait.ge [sflag:s28], $0x2000  }
0x22: {  	[sflag:s28] =	ssyncset.done $0x0  }
0x23: {  	[sflag:s28] =	ssyncadd.s32 $0xFFFFE000  }
0x24: {  	_ =	swait.ge [sflag:s29], $0x2000  }
0x25: {  	s3 =	sadd.s32 $0x1, s3;
	[sflag:s29] =	ssyncset.done $0x0  }
0x26: {  	p1 =	sne.s32 s3, s16;
	[sflag:s29] =	ssyncadd.s32 $0xFFFFE000  }
.Ltmp1:
0x27: {  	[bflag:$0x0] =	sbarrier.arrive $0xFFFF;
	(pc) =	sbr.rel @!p1 .LBB2_13-.Ltmp1, $4  }
0x28: {  	[hbm:s15], [sflag:s6] =	dma.local [spmem:s17], $0x2780  }
0x29: {  	_ =	swait.ge [sflag:s18], $0x2780  }
0x2a: {  	[sflag:s18] =	ssyncset.done $0x0  }
0x2b: {  	[sflag:s18] =	ssyncadd.s32 $0xFFFFD880  }
.LBB2_1:
0x2c: {  	[spmem:s17], [sflag:s6] =	dma.local [hbm:s5], $0x2780  }
.Ltmp2:
0x2d: {  	_ =	swait.ge [sflag:s18], $0x2780;
	(pc) =	sbr.rel @!p0 .LBB2_2-.Ltmp2, $4  }
0x2e: {  	[sflag:s18] =	ssyncset.done $0x0  }
0x2f: {  	[sflag:s18] =	ssyncadd.s32 $0xFFFFD880  }
0x30: {  	[bflag:$0x0] =	sbarrier.arrive $0xFFFF  }
0x31: {  	s7 =	simm.s32 $0x0  }
0x32: {  	[tilespmem:s19], [sflag:$0x5] =	stream.linear.gather [hbm4b:s13+s7], $0x1800, $0x38;
	[tilespmem:$0x1EC00] =	vst v63  }
0x33: {  	_ =	swait.ge [sflag:s18], $0x1800  }
0x34: {  	[sflag:s18] =	ssyncset.done $0x0  }
0x35: {  	[sflag:s18] =	ssyncadd.s32 $0xFFFFE800  }
0x36: {  	[tilespmem:s20], [sflag:$0x5] =	stream.linear.gather [hbm4b:s14+s7], $0x1800, $0x38;
	[tilespmem:$0x1EC00] =	vst v63  }
0x37: {  	_ =	swait.ge [sflag:s18], $0x1800  }
0x38: {  	[sflag:s18] =	ssyncset.done $0x0  }
0x39: {  	[sflag:s18] =	ssyncadd.s32 $0xFFFFE800  }
0x3a: {  	[tilespmem:s22], [sflag:$0x1] =	stream.indirect.gather [hbm4b:s4+s21], $0x80, s19, s21, $0xb8;
	[tilespmem:$0x1EC00] =	vst v63  }
0x3b: {  	_ = 	snop  }
0x3c: {  	[tilespmem:s24], [sflag:$0x2] =	stream.indirect.gather [hbm4b:s4+s21], $0x80, s23, s21, $0xb8;
	[tilespmem:$0x1EC00] =	vst v63  }
0x3d: {  	_ =	swait.ge [sflag:s25], $0x2000  }
0x3e: {  	[sflag:s25] =	ssyncset.done $0x0  }
0x3f: {  	s9 =	simm.s32 $0x17400;
	[sflag:s25] =	ssyncadd.s32 $0xFFFFE000  }
0x40: {  	[spmem:s1] =	stream.indirect.scatter.add.f32 [tilespmem:s22], [sflag:$0x3], $0x80, s9, s21, $0xb8;
	[tilespmem:$0x1EC00] =	vst v63  }
0x41: {  	_ =	swait.ge [sflag:s26], $0x2000  }
0x42: {  	[sflag:s26] =	ssyncset.done $0x0  }
0x43: {  	s8 =	simm.s32 $0x17480;
	[sflag:s26] =	ssyncadd.s32 $0xFFFFE000  }
0x44: {  	[spmem:s1] =	stream.indirect.scatter.add.f32 [tilespmem:s24], [sflag:$0x4], $0x80, s8, s21, $0xb8;
	[tilespmem:$0x1EC00] =	vst v63  }
0x45: {  	_ =	swait.ge [sflag:s28], $0x2000  }
0x46: {  	[sflag:s28] =	ssyncset.done $0x0  }
0x47: {  	s9 =	simm.s32 $0x13D00;
	[sflag:s28] =	ssyncadd.s32 $0xFFFFE000  }
0x48: {  	[tilespmem:s22], [sflag:$0x1] =	stream.indirect.gather [hbm4b:s4+s21], $0x80, s9, s21, $0xb8;
	[tilespmem:$0x1EC00] =	vst v63  }
0x49: {  	_ =	swait.ge [sflag:s29], $0x2000  }
0x4a: {  	[sflag:s29] =	ssyncset.done $0x0  }
0x4b: {  	s7 =	simm.s32 $0x400;
	s8 =	simm.s32 $0x13D80;
	[sflag:s29] =	ssyncadd.s32 $0xFFFFE000  }
.LBB2_10:
0x4c: {  	[tilespmem:s24], [sflag:$0x2] =	stream.indirect.gather [hbm4b:s4+s21], $0x80, s8, s21, $0xb8;
	[tilespmem:$0x1EC00] =	vst v63  }
0x4d: {  	s8 =	smov.u32 s7  }
0x4e: {  	p1 =	sne.s32 s7, $0x5800;
	s7 =	sadd.s32 $0x400, s7;
	_ =	swait.ge [sflag:s25], $0x2000  }
0x4f: {  	s8 =	sshra.s32 s8, $0x2;
	[sflag:s25] =	ssyncset.done $0x0  }
0x50: {  	s9 =	sadd.s32 $0x17400, s8;
	[sflag:s25] =	ssyncadd.s32 $0xFFFFE000  }
0x51: {  	[spmem:s1] =	stream.indirect.scatter.add.f32 [tilespmem:s22], [sflag:$0x3], $0x80, s9, s21, $0xb8;
	[tilespmem:$0x1EC00] =	vst v63  }
0x52: {  	_ =	swait.ge [sflag:s26], $0x2000  }
0x53: {  	[sflag:s26] =	ssyncset.done $0x0  }
0x54: {  	s9 =	sadd.s32 $0x17480, s8;
	[sflag:s26] =	ssyncadd.s32 $0xFFFFE000  }
0x55: {  	[spmem:s1] =	stream.indirect.scatter.add.f32 [tilespmem:s24], [sflag:$0x4], $0x80, s9, s21, $0xb8;
	[tilespmem:$0x1EC00] =	vst v63  }
0x56: {  	_ =	swait.ge [sflag:s28], $0x2000  }
0x57: {  	[sflag:s28] =	ssyncset.done $0x0  }
.Ltmp3:
0x58: {  	s9 =	sadd.s32 $0x13D00, s8;
	[sflag:s28] =	ssyncadd.s32 $0xFFFFE000;
	(pc) =	sbr.rel @p1 .LBB2_10-.Ltmp3, $4  }
0x59: {  	[tilespmem:s22], [sflag:$0x1] =	stream.indirect.gather [hbm4b:s4+s21], $0x80, s9, s21, $0xb8;
	[tilespmem:$0x1EC00] =	vst v63  }
0x5a: {  	_ =	swait.ge [sflag:s29], $0x2000  }
0x5b: {  	[sflag:s29] =	ssyncset.done $0x0  }
0x5c: {  	s8 =	sadd.s32 $0x13D80, s8;
	[sflag:s29] =	ssyncadd.s32 $0xFFFFE000  }
.Ltmp4:
0x5d: {  	_ = 	snop;
	(pc) =	sbr.rel .LBB2_11-.Ltmp4, $1  }
0x5e: {  	_ =	sdelay $0x3  }
.LBB2_2:
0x5f: {  	s8 =	rddreg [dreg:$0x4]  }
0x60: {  	[tilespmem:s19], [sflag:$0x5] =	stream.linear.gather [hbm4b:s8+s7], $0x3800, $0x38;
	[tilespmem:$0x1EC00] =	vst v63  }
0x61: {  	_ =	swait.ge [sflag:s18], $0x3800  }
0x62: {  	[sflag:s18] =	ssyncset.done $0x0  }
0x63: {  	s9 =	rddreg [dreg:$0x5];
	[sflag:s18] =	ssyncadd.s32 $0xFFFFC800  }
0x64: {  	[tilespmem:s20], [sflag:$0x5] =	stream.linear.gather [hbm4b:s9+s7], $0x3800, $0x38;
	[tilespmem:$0x1EC00] =	vst v63  }
0x65: {  	_ =	swait.ge [sflag:s18], $0x3800  }
0x66: {  	[sflag:s18] =	ssyncset.done $0x0  }
0x67: {  	[sflag:s18] =	ssyncadd.s32 $0xFFFFC800  }
0x68: {  	[tilespmem:s22], [sflag:$0x1] =	stream.indirect.gather [hbm4b:s4+s21], $0x80, s19, s21, $0xb8;
	[tilespmem:$0x1EC00] =	vst v63  }
0x69: {  	_ = 	snop  }
0x6a: {  	[tilespmem:s24], [sflag:$0x2] =	stream.indirect.gather [hbm4b:s4+s21], $0x80, s23, s21, $0xb8;
	[tilespmem:$0x1EC00] =	vst v63  }
0x6b: {  	_ =	swait.ge [sflag:s25], $0x2000  }
0x6c: {  	[sflag:s25] =	ssyncset.done $0x0  }
0x6d: {  	s9 =	simm.s32 $0x17400;
	[sflag:s25] =	ssyncadd.s32 $0xFFFFE000  }
0x6e: {  	[spmem:s1] =	stream.indirect.scatter.add.f32 [tilespmem:s22], [sflag:$0x3], $0x80, s9, s21, $0xb8;
	[tilespmem:$0x1EC00] =	vst v63  }
0x6f: {  	_ =	swait.ge [sflag:s26], $0x2000  }
0x70: {  	[sflag:s26] =	ssyncset.done $0x0  }
0x71: {  	s8 =	simm.s32 $0x17480;
	[sflag:s26] =	ssyncadd.s32 $0xFFFFE000  }
0x72: {  	[spmem:s1] =	stream.indirect.scatter.add.f32 [tilespmem:s24], [sflag:$0x4], $0x80, s8, s21, $0xb8;
	[tilespmem:$0x1EC00] =	vst v63  }
0x73: {  	_ =	swait.ge [sflag:s28], $0x2000  }
0x74: {  	[sflag:s28] =	ssyncset.done $0x0  }
0x75: {  	s9 =	simm.s32 $0x13D00;
	[sflag:s28] =	ssyncadd.s32 $0xFFFFE000  }
0x76: {  	[tilespmem:s22], [sflag:$0x1] =	stream.indirect.gather [hbm4b:s4+s21], $0x80, s9, s21, $0xb8;
	[tilespmem:$0x1EC00] =	vst v63  }
0x77: {  	_ =	swait.ge [sflag:s29], $0x2000  }
0x78: {  	[sflag:s29] =	ssyncset.done $0x0  }
0x79: {  	s7 =	simm.s32 $0x400;
	s8 =	simm.s32 $0x13D80;
	[sflag:s29] =	ssyncadd.s32 $0xFFFFE000  }
.LBB2_3:
0x7a: {  	[tilespmem:s24], [sflag:$0x2] =	stream.indirect.gather [hbm4b:s4+s21], $0x80, s8, s21, $0xb8;
	[tilespmem:$0x1EC00] =	vst v63  }
0x7b: {  	s8 =	smov.u32 s7  }
0x7c: {  	p1 =	sne.s32 s7, $0xD800;
	s7 =	sadd.s32 $0x400, s7;
	_ =	swait.ge [sflag:s25], $0x2000  }
0x7d: {  	s8 =	sshra.s32 s8, $0x2;
	[sflag:s25] =	ssyncset.done $0x0  }
0x7e: {  	s9 =	sadd.s32 $0x17400, s8;
	[sflag:s25] =	ssyncadd.s32 $0xFFFFE000  }
0x7f: {  	[spmem:s1] =	stream.indirect.scatter.add.f32 [tilespmem:s22], [sflag:$0x3], $0x80, s9, s21, $0xb8;
	[tilespmem:$0x1EC00] =	vst v63  }
0x80: {  	_ =	swait.ge [sflag:s26], $0x2000  }
0x81: {  	[sflag:s26] =	ssyncset.done $0x0  }
0x82: {  	s9 =	sadd.s32 $0x17480, s8;
	[sflag:s26] =	ssyncadd.s32 $0xFFFFE000  }
0x83: {  	[spmem:s1] =	stream.indirect.scatter.add.f32 [tilespmem:s24], [sflag:$0x4], $0x80, s9, s21, $0xb8;
	[tilespmem:$0x1EC00] =	vst v63  }
0x84: {  	_ =	swait.ge [sflag:s28], $0x2000  }
0x85: {  	[sflag:s28] =	ssyncset.done $0x0  }
.Ltmp5:
0x86: {  	s9 =	sadd.s32 $0x13D00, s8;
	[sflag:s28] =	ssyncadd.s32 $0xFFFFE000;
	(pc) =	sbr.rel @p1 .LBB2_3-.Ltmp5, $4  }
0x87: {  	[tilespmem:s22], [sflag:$0x1] =	stream.indirect.gather [hbm4b:s4+s21], $0x80, s9, s21, $0xb8;
	[tilespmem:$0x1EC00] =	vst v63  }
0x88: {  	_ =	swait.ge [sflag:s29], $0x2000  }
0x89: {  	[sflag:s29] =	ssyncset.done $0x0  }
0x8a: {  	s8 =	sadd.s32 $0x13D80, s8;
	[sflag:s29] =	ssyncadd.s32 $0xFFFFE000  }
0x8b: {  	[tilespmem:s24], [sflag:$0x2] =	stream.indirect.gather [hbm4b:s4+s21], $0x80, s8, s21, $0xb8;
	[tilespmem:$0x1EC00] =	vst v63  }
0x8c: {  	_ =	swait.ge [sflag:s25], $0x2000  }
0x8d: {  	[sflag:s25] =	ssyncset.done $0x0  }
0x8e: {  	[sflag:s25] =	ssyncadd.s32 $0xFFFFE000  }
0x8f: {  	[spmem:s1] =	stream.indirect.scatter.add.f32 [tilespmem:s22], [sflag:$0x3], $0x80, s0, s21, $0xb8;
	[tilespmem:$0x1EC00] =	vst v63  }
0x90: {  	_ =	swait.ge [sflag:s26], $0x2000  }
0x91: {  	[sflag:s26] =	ssyncset.done $0x0  }
0x92: {  	[sflag:s26] =	ssyncadd.s32 $0xFFFFE000  }
0x93: {  	[spmem:s1] =	stream.indirect.scatter.add.f32 [tilespmem:s24], [sflag:$0x4], $0x80, s2, s21, $0xb8;
	[tilespmem:$0x1EC00] =	vst v63  }
0x94: {  	_ =	swait.ge [sflag:s28], $0x2000  }
0x95: {  	[sflag:s28] =	ssyncset.done $0x0  }
0x96: {  	[sflag:s28] =	ssyncadd.s32 $0xFFFFE000  }
0x97: {  	_ =	swait.ge [sflag:s29], $0x2000  }
0x98: {  	[sflag:s29] =	ssyncset.done $0x0  }
0x99: {  	s7 =	simm.s32 $0x0;
	s9 =	rddreg [dreg:$0x6];
	[sflag:s29] =	ssyncadd.s32 $0xFFFFE000  }
0x9a: {  	[tilespmem:s19], [sflag:$0x5] =	stream.linear.gather [hbm4b:s9+s7], $0x3800, $0x38;
	[tilespmem:$0x1EC00] =	vst v63  }
0x9b: {  	_ =	swait.ge [sflag:s18], $0x3800  }
0x9c: {  	[sflag:s18] =	ssyncset.done $0x0  }
0x9d: {  	[sflag:s18] =	ssyncadd.s32 $0xFFFFC800  }
0x9e: {  	[tilespmem:s20], [sflag:$0x5] =	stream.linear.gather [hbm4b:s10+s7], $0x3800, $0x38;
	[tilespmem:$0x1EC00] =	vst v63  }
0x9f: {  	_ =	swait.ge [sflag:s18], $0x3800  }
0xa0: {  	[sflag:s18] =	ssyncset.done $0x0  }
0xa1: {  	[sflag:s18] =	ssyncadd.s32 $0xFFFFC800  }
0xa2: {  	[tilespmem:s22], [sflag:$0x1] =	stream.indirect.gather [hbm4b:s4+s21], $0x80, s19, s21, $0xb8;
	[tilespmem:$0x1EC00] =	vst v63  }
0xa3: {  	_ = 	snop  }
0xa4: {  	[tilespmem:s24], [sflag:$0x2] =	stream.indirect.gather [hbm4b:s4+s21], $0x80, s23, s21, $0xb8;
	[tilespmem:$0x1EC00] =	vst v63  }
0xa5: {  	_ =	swait.ge [sflag:s25], $0x2000  }
0xa6: {  	[sflag:s25] =	ssyncset.done $0x0  }
0xa7: {  	s9 =	simm.s32 $0x17400;
	[sflag:s25] =	ssyncadd.s32 $0xFFFFE000  }
0xa8: {  	[spmem:s1] =	stream.indirect.scatter.add.f32 [tilespmem:s22], [sflag:$0x3], $0x80, s9, s21, $0xb8;
	[tilespmem:$0x1EC00] =	vst v63  }
0xa9: {  	_ =	swait.ge [sflag:s26], $0x2000  }
0xaa: {  	[sflag:s26] =	ssyncset.done $0x0  }
0xab: {  	s8 =	simm.s32 $0x17480;
	[sflag:s26] =	ssyncadd.s32 $0xFFFFE000  }
0xac: {  	[spmem:s1] =	stream.indirect.scatter.add.f32 [tilespmem:s24], [sflag:$0x4], $0x80, s8, s21, $0xb8;
	[tilespmem:$0x1EC00] =	vst v63  }
0xad: {  	_ =	swait.ge [sflag:s28], $0x2000  }
0xae: {  	[sflag:s28] =	ssyncset.done $0x0  }
0xaf: {  	s9 =	simm.s32 $0x13D00;
	[sflag:s28] =	ssyncadd.s32 $0xFFFFE000  }
0xb0: {  	[tilespmem:s22], [sflag:$0x1] =	stream.indirect.gather [hbm4b:s4+s21], $0x80, s9, s21, $0xb8;
	[tilespmem:$0x1EC00] =	vst v63  }
0xb1: {  	_ =	swait.ge [sflag:s29], $0x2000  }
0xb2: {  	[sflag:s29] =	ssyncset.done $0x0  }
0xb3: {  	s7 =	simm.s32 $0x400;
	s8 =	simm.s32 $0x13D80;
	[sflag:s29] =	ssyncadd.s32 $0xFFFFE000  }
.LBB2_5:
0xb4: {  	[tilespmem:s24], [sflag:$0x2] =	stream.indirect.gather [hbm4b:s4+s21], $0x80, s8, s21, $0xb8;
	[tilespmem:$0x1EC00] =	vst v63  }
0xb5: {  	s8 =	smov.u32 s7  }
0xb6: {  	p1 =	sne.s32 s7, $0xD800;
	s7 =	sadd.s32 $0x400, s7;
	_ =	swait.ge [sflag:s25], $0x2000  }
0xb7: {  	s8 =	sshra.s32 s8, $0x2;
	[sflag:s25] =	ssyncset.done $0x0  }
0xb8: {  	s9 =	sadd.s32 $0x17400, s8;
	[sflag:s25] =	ssyncadd.s32 $0xFFFFE000  }
0xb9: {  	[spmem:s1] =	stream.indirect.scatter.add.f32 [tilespmem:s22], [sflag:$0x3], $0x80, s9, s21, $0xb8;
	[tilespmem:$0x1EC00] =	vst v63  }
0xba: {  	_ =	swait.ge [sflag:s26], $0x2000  }
0xbb: {  	[sflag:s26] =	ssyncset.done $0x0  }
0xbc: {  	s9 =	sadd.s32 $0x17480, s8;
	[sflag:s26] =	ssyncadd.s32 $0xFFFFE000  }
0xbd: {  	[spmem:s1] =	stream.indirect.scatter.add.f32 [tilespmem:s24], [sflag:$0x4], $0x80, s9, s21, $0xb8;
	[tilespmem:$0x1EC00] =	vst v63  }
0xbe: {  	_ =	swait.ge [sflag:s28], $0x2000  }
0xbf: {  	[sflag:s28] =	ssyncset.done $0x0  }
.Ltmp6:
0xc0: {  	s9 =	sadd.s32 $0x13D00, s8;
	[sflag:s28] =	ssyncadd.s32 $0xFFFFE000;
	(pc) =	sbr.rel @p1 .LBB2_5-.Ltmp6, $4  }
0xc1: {  	[tilespmem:s22], [sflag:$0x1] =	stream.indirect.gather [hbm4b:s4+s21], $0x80, s9, s21, $0xb8;
	[tilespmem:$0x1EC00] =	vst v63  }
0xc2: {  	_ =	swait.ge [sflag:s29], $0x2000  }
0xc3: {  	[sflag:s29] =	ssyncset.done $0x0  }
0xc4: {  	s8 =	sadd.s32 $0x13D80, s8;
	[sflag:s29] =	ssyncadd.s32 $0xFFFFE000  }
0xc5: {  	[tilespmem:s24], [sflag:$0x2] =	stream.indirect.gather [hbm4b:s4+s21], $0x80, s8, s21, $0xb8;
	[tilespmem:$0x1EC00] =	vst v63  }
0xc6: {  	_ =	swait.ge [sflag:s25], $0x2000  }
0xc7: {  	[sflag:s25] =	ssyncset.done $0x0  }
0xc8: {  	[sflag:s25] =	ssyncadd.s32 $0xFFFFE000  }
0xc9: {  	[spmem:s1] =	stream.indirect.scatter.add.f32 [tilespmem:s22], [sflag:$0x3], $0x80, s0, s21, $0xb8;
	[tilespmem:$0x1EC00] =	vst v63  }
0xca: {  	_ =	swait.ge [sflag:s26], $0x2000  }
0xcb: {  	[sflag:s26] =	ssyncset.done $0x0  }
0xcc: {  	[sflag:s26] =	ssyncadd.s32 $0xFFFFE000  }
0xcd: {  	[spmem:s1] =	stream.indirect.scatter.add.f32 [tilespmem:s24], [sflag:$0x4], $0x80, s2, s21, $0xb8;
	[tilespmem:$0x1EC00] =	vst v63  }
0xce: {  	_ =	swait.ge [sflag:s28], $0x2000  }
0xcf: {  	[sflag:s28] =	ssyncset.done $0x0  }
0xd0: {  	[sflag:s28] =	ssyncadd.s32 $0xFFFFE000  }
0xd1: {  	_ =	swait.ge [sflag:s29], $0x2000  }
0xd2: {  	[sflag:s29] =	ssyncset.done $0x0  }
0xd3: {  	s7 =	simm.s32 $0x0;
	[sflag:s29] =	ssyncadd.s32 $0xFFFFE000  }
0xd4: {  	[tilespmem:s19], [sflag:$0x5] =	stream.linear.gather [hbm4b:s11+s7], $0x1800, $0x38;
	[tilespmem:$0x1EC00] =	vst v63  }
0xd5: {  	_ =	swait.ge [sflag:s18], $0x1800  }
0xd6: {  	[sflag:s18] =	ssyncset.done $0x0  }
0xd7: {  	[sflag:s18] =	ssyncadd.s32 $0xFFFFE800  }
0xd8: {  	[tilespmem:s20], [sflag:$0x5] =	stream.linear.gather [hbm4b:s12+s7], $0x1800, $0x38;
	[tilespmem:$0x1EC00] =	vst v63  }
0xd9: {  	_ =	swait.ge [sflag:s18], $0x1800  }
0xda: {  	[sflag:s18] =	ssyncset.done $0x0  }
0xdb: {  	[sflag:s18] =	ssyncadd.s32 $0xFFFFE800  }
0xdc: {  	[tilespmem:s22], [sflag:$0x1] =	stream.indirect.gather [hbm4b:s4+s21], $0x80, s19, s21, $0xb8;
	[tilespmem:$0x1EC00] =	vst v63  }
0xdd: {  	_ = 	snop  }
0xde: {  	[tilespmem:s24], [sflag:$0x2] =	stream.indirect.gather [hbm4b:s4+s21], $0x80, s23, s21, $0xb8;
	[tilespmem:$0x1EC00] =	vst v63  }
0xdf: {  	_ =	swait.ge [sflag:s25], $0x2000  }
0xe0: {  	[sflag:s25] =	ssyncset.done $0x0  }
0xe1: {  	s9 =	simm.s32 $0x17400;
	[sflag:s25] =	ssyncadd.s32 $0xFFFFE000  }
0xe2: {  	[spmem:s1] =	stream.indirect.scatter.add.f32 [tilespmem:s22], [sflag:$0x3], $0x80, s9, s21, $0xb8;
	[tilespmem:$0x1EC00] =	vst v63  }
0xe3: {  	_ =	swait.ge [sflag:s26], $0x2000  }
0xe4: {  	[sflag:s26] =	ssyncset.done $0x0  }
0xe5: {  	s8 =	simm.s32 $0x17480;
	[sflag:s26] =	ssyncadd.s32 $0xFFFFE000  }
0xe6: {  	[spmem:s1] =	stream.indirect.scatter.add.f32 [tilespmem:s24], [sflag:$0x4], $0x80, s8, s21, $0xb8;
	[tilespmem:$0x1EC00] =	vst v63  }
0xe7: {  	_ =	swait.ge [sflag:s28], $0x2000  }
0xe8: {  	[sflag:s28] =	ssyncset.done $0x0  }
0xe9: {  	s9 =	simm.s32 $0x13D00;
	[sflag:s28] =	ssyncadd.s32 $0xFFFFE000  }
0xea: {  	[tilespmem:s22], [sflag:$0x1] =	stream.indirect.gather [hbm4b:s4+s21], $0x80, s9, s21, $0xb8;
	[tilespmem:$0x1EC00] =	vst v63  }
0xeb: {  	_ =	swait.ge [sflag:s29], $0x2000  }
0xec: {  	[sflag:s29] =	ssyncset.done $0x0  }
0xed: {  	s7 =	simm.s32 $0x400;
	s8 =	simm.s32 $0x13D80;
	[sflag:s29] =	ssyncadd.s32 $0xFFFFE000  }
.LBB2_7:
0xee: {  	[tilespmem:s24], [sflag:$0x2] =	stream.indirect.gather [hbm4b:s4+s21], $0x80, s8, s21, $0xb8;
	[tilespmem:$0x1EC00] =	vst v63  }
0xef: {  	s8 =	smov.u32 s7  }
0xf0: {  	p1 =	seq.s32 s7, $0x5800;
	s7 =	sadd.s32 $0x400, s7;
	_ =	swait.ge [sflag:s25], $0x2000  }
0xf1: {  	s8 =	sshra.s32 s8, $0x2;
	[sflag:s25] =	ssyncset.done $0x0  }
0xf2: {  	s9 =	sadd.s32 $0x17400, s8;
	[sflag:s25] =	ssyncadd.s32 $0xFFFFE000  }
0xf3: {  	[spmem:s1] =	stream.indirect.scatter.add.f32 [tilespmem:s22], [sflag:$0x3], $0x80, s9, s21, $0xb8;
	[tilespmem:$0x1EC00] =	vst v63  }
0xf4: {  	_ =	swait.ge [sflag:s26], $0x2000  }
0xf5: {  	[sflag:s26] =	ssyncset.done $0x0  }
0xf6: {  	s9 =	sadd.s32 $0x17480, s8;
	[sflag:s26] =	ssyncadd.s32 $0xFFFFE000  }
0xf7: {  	[spmem:s1] =	stream.indirect.scatter.add.f32 [tilespmem:s24], [sflag:$0x4], $0x80, s9, s21, $0xb8;
	[tilespmem:$0x1EC00] =	vst v63  }
0xf8: {  	_ =	swait.ge [sflag:s28], $0x2000  }
0xf9: {  	[sflag:s28] =	ssyncset.done $0x0  }
.Ltmp7:
0xfa: {  	s9 =	sadd.s32 $0x13D00, s8;
	[sflag:s28] =	ssyncadd.s32 $0xFFFFE000;
	(pc) =	sbr.rel @!p1 .LBB2_7-.Ltmp7, $4  }
0xfb: {  	[tilespmem:s22], [sflag:$0x1] =	stream.indirect.gather [hbm4b:s4+s21], $0x80, s9, s21, $0xb8;
	[tilespmem:$0x1EC00] =	vst v63  }
0xfc: {  	_ =	swait.ge [sflag:s29], $0x2000  }
0xfd: {  	[sflag:s29] =	ssyncset.done $0x0  }
0xfe: {  	s8 =	sadd.s32 $0x13D80, s8;
	[sflag:s29] =	ssyncadd.s32 $0xFFFFE000  }
.Ltmp8:
0xff: {  	(pc) =	sbr.rel .LBB2_12-.Ltmp8, $2  }
0x100: {  	_ =	sdelay $0x2  }
0x101: {  	[tilespmem:s24], [sflag:$0x2] =	stream.indirect.gather [hbm4b:s4+s21], $0x80, s8, s21, $0xb8;
	[tilespmem:$0x1EC00] =	vst v63  }
.LBB2_13:
0x102: {  	_ =	sfence.sel $0x180000  }
0x103: {  	[bflag:$0x0] =	sbarrier.arrive $0xFFFF  }
0x104: {  	_ =	strace $0x9000004D  }
0x105: {  	s0 =	stileid.u32;
	[bflag:$0x2] =	sbarrier.arrive $0xFFFF  }
0x106: {  	p0 =	sne.s32 s0, $0x0;
	s0 =	rddreg [dreg:$0x3]  }
0x107: {  	s0 =	sadd.s32 @!p0 $0x100000, s0  }
0x108: {  	[sflag:s0] =	ssyncadd.tile.s32 @!p0 $0x1;
	_ =	shalt  }
.Lfunc_end2:
_tile_overlayer_lowered:
.L_overlay_start_2:
0x109: {  	(tag) =	ssettag $0x2  }
0x10a: {  	s0 =	rddreg [dreg:$0x0];
	s2 =	stileid.u32  }
0x10b: {  	s1 =	rddreg [dreg:$0x1];
	p0 =	sne.s32 s2, $0x0  }
0x10c: {  	s3 =	rddreg [dreg:$0x2];
	[bflag:$0x3] =	sbarrier.arrive $0xFFFF;
	s2 =	simm.s32 @!p0 $0x1C05  }
0x10d: {  	[timem:s3], [sflag:s2] =	dma.local @!p0 [hbm:s0], s1  }
0x10e: {  	s0 =	simm.s32 @!p0 $0x5  }
0x10f: {  	_ =	swait.ge @!p0 [sflag:s0], s1  }
0x110: {  	s1 =	ssub.s32 @!p0 $0x0, s1;
	[sflag:s0] =	ssyncset.done @!p0 $0x0  }
0x111: {  	[sflag:s0] =	ssyncadd.s32 @!p0 s1  }
0x112: {  	[bflag:$0x3] =	sbarrier.arrive $0xFFFF  }
0x113: {  	_ =	shalt  }

// kernel: kernel.8.cloned.1.call-start
scs
__scs_entry_jumppad:
0x0: {  	(pc) =	sbr.rel $0x88, $3  }
0x1: {  	(tag) =	ssettag $0x0;
	lr =	simm.s32 $0x1  }
0x2: {  	[smem:$0x3F95] =	sst lr;
	_ =	strace $0xD0000000  }
0x3: {  	_ = 	snop  }
0x4: {  	_ = 	snop  }
0x5: {  	_ = 	snop  }
0x6: {  	_ = 	snop  }
0x7: {  	_ = 	snop  }
__scs_overlays_trampoline_lowered:
0x8: {  	[smem:$0x3FA4] =	sst s0  }
0x9: {  	[smem:$0x3FA5] =	sst s1  }
0xa: {  	[smem:$0x3FA6] =	sst s2  }
0xb: {  	[smem:$0x3FA7] =	sst s3  }
0xc: {  	[smem:$0x3FA8] =	sst s4  }
0xd: {  	[smem:$0x3FA9] =	sst s5  }
0xe: {  	[smem:$0x3FAA] =	sst s6  }
0xf: {  	[smem:$0x3FAB] =	sst s7  }
0x10: {  	[smem:$0x3FAC] =	sst s8  }
0x11: {  	[smem:$0x3FAD] =	sst s9;
	s0 =	simm.s32 @!p0 $0x0  }
0x12: {  	s1 =	sld [smem:$0x3F93];
	s0 =	simm.s32 @p0 $0x1  }
0x13: {  	[smem:$0x3FAE] =	sst s0;
	s0 =	simm.s32 @!p1 $0x0  }
0x14: {  	s2 =	sld [smem:$0x3F92];
	s0 =	simm.s32 @p1 $0x1  }
0x15: {  	[smem:$0x3FAF] =	sst s0;
	s0 =	simm.s32 @!p2 $0x0  }
0x16: {  	s3 =	sld [smem:$0x3FDB];
	s0 =	simm.s32 @p2 $0x1  }
0x17: {  	s4 =	simm.s32 $0x1BF5;
	[smem:$0x3FB1] =	sst s0  }
0x18: {  	s0 =	sld [smem:$0x3F94];
	_ =	swait.ge [sflag:s4], $0x0  }
0x19: {  	s7 =	sld [smem:$0x3F95]  }
0x1a: {  	s8 =	sadd.s32 $0xFFFFE003, lr  }
0x1b: {  	s9 =	sadd.s32 $0xFFFFFEF7, lr;
	s5 =	simm.s32 $0xFFFFFFFF;
	p2 =	slt.u32 s8, $0xFFFFF086  }
0x1c: {  	p1 =	slt.u32 s9, $0xF7A;
	s5 =	simm.s32 @!p2 $0x0  }
0x1d: {  	s5 =	simm.s32 @p1 $0x1;
	p0 =	seq.s32 s7, s2  }
0x1e: {  	s7 =	smul.u32 @!p0 $0xF7A, s2;
	p2 =	seq.s32 @!p0 s5, $0x0  }
0x1f: {  	s9 =	smul.u32 $0xF7A, s1;
	s8 =	simm.s32 @!p0 $0x1BF5;
	p2 =	por !p2, p0  }
0x20: {  	[sflag:s8] =	ssyncset.s32 @!p0 $0xFFFFF086;
	s6 =	sadd.s32 @!p0 s3, s7;
	s7 =	simm.s32 @!p0 $0x108  }
0x21: {  	s3 =	sadd.s32 s3, s9;
	s6 =	sadd.s32 @!p0 $0x88, s6;
	s7 =	simm.s32 @p2 $0x1082  }
0x22: {  	[simem:s7], [sflag:s8] =	dma.local @!p0 [hbm:s6], $0xF7A  }
0x23: {  	s9 =	sor.u32 $0xD0000000, s2;
	s6 =	simm.s32 $0x108;
	_ =	swait.ge @!p0 [sflag:s8], $0x0  }
0x24: {  	s3 =	sadd.s32 $0x88, s3;
	s6 =	simm.s32 @!p1 $0x1082;
	[sflag:s4] =	ssyncset.s32 $0xFFFFF086  }
0x25: {  	[simem:s6], [sflag:s4] =	dma.local [hbm:s3], $0xF7A  }
0x26: {  	[smem:$0x3F95] =	sst s1;
	(tag) =	ssettag s2;
	_ =	strace s9  }
0x27: {  	s1 =	sld [smem:$0x3FA5]  }
0x28: {  	s2 =	sld [smem:$0x3FA6]  }
0x29: {  	s4 =	sld [smem:$0x3FA8]  }
0x2a: {  	p0 =	seq.s32 s5, $0x0;
	s5 =	sld [smem:$0x3FA9]  }
0x2b: {  	s6 =	sld [smem:$0x3FAA]  }
0x2c: {  	s7 =	sld [smem:$0x3FAB]  }
0x2d: {  	s3 =	simm.s32 $0x108;
	s8 =	sld [smem:$0x3FAC]  }
0x2e: {  	s3 =	simm.s32 @!p0 $0x1082;
	s9 =	sld [smem:$0x3FAD]  }
0x2f: {  	lr =	sadd.s32 s0, s3;
	s0 =	sld [smem:$0x3FA4]  }
0x30: {  	s3 =	sld [smem:$0x3FA7]  }
0x31: {  	[smem:$0x3FB0] =	sst s10  }
0x32: {  	s10 =	sld [smem:$0x3FAE];
	_ =	sdelay $0x3  }
0x33: {  	p0 =	seq.s32 s10, $0x1;
	s10 =	sld [smem:$0x3FB0];
	_ =	sdelay $0x3  }
0x34: {  	[smem:$0x3FB0] =	sst s10  }
0x35: {  	s10 =	sld [smem:$0x3FAF];
	_ =	sdelay $0x3  }
0x36: {  	p1 =	seq.s32 s10, $0x1;
	s10 =	sld [smem:$0x3FB0];
	_ =	sdelay $0x3  }
0x37: {  	[smem:$0x3FB0] =	sst s10  }
0x38: {  	s10 =	sld [smem:$0x3FB1]  }
0x39: {  	_ = 	snop;
	(pc) =	sbr.ind lr, $3  }
0x3a: {  	_ = 	snop  }
0x3b: {  	_ = 	snop  }
0x3c: {  	p2 =	seq.s32 s10, $0x1;
	s10 =	sld [smem:$0x3FB0]  }
0x3d: {  	_ =	shalt  }
0x3e: {  	_ =	shalt  }
0x3f: {  	_ =	shalt  }
0x40: {  	_ =	shalt  }
0x41: {  	_ =	shalt  }
0x42: {  	_ =	shalt  }
0x43: {  	_ =	shalt  }
0x44: {  	_ =	shalt  }
0x45: {  	_ =	shalt  }
0x46: {  	_ =	shalt  }
0x47: {  	_ =	shalt  }
0x48: {  	_ =	shalt  }
0x49: {  	_ =	shalt  }
0x4a: {  	_ =	shalt  }
0x4b: {  	_ =	shalt  }
0x4c: {  	_ =	shalt  }
0x4d: {  	_ =	shalt  }
0x4e: {  	_ =	shalt  }
0x4f: {  	_ =	shalt  }
0x50: {  	_ =	shalt  }
0x51: {  	_ =	shalt  }
0x52: {  	_ =	shalt  }
0x53: {  	_ =	shalt  }
0x54: {  	_ =	shalt  }
0x55: {  	_ =	shalt  }
0x56: {  	_ =	shalt  }
0x57: {  	_ =	shalt  }
0x58: {  	_ =	shalt  }
0x59: {  	_ =	shalt  }
0x5a: {  	_ =	shalt  }
0x5b: {  	_ =	shalt  }
0x5c: {  	_ =	shalt  }
0x5d: {  	_ =	shalt  }
0x5e: {  	_ =	shalt  }
0x5f: {  	_ =	shalt  }
0x60: {  	_ =	shalt  }
0x61: {  	_ =	shalt  }
0x62: {  	_ =	shalt  }
0x63: {  	_ =	shalt  }
0x64: {  	_ =	shalt  }
0x65: {  	_ =	shalt  }
0x66: {  	_ =	shalt  }
0x67: {  	_ =	shalt  }
0x68: {  	_ =	shalt  }
0x69: {  	_ =	shalt  }
0x6a: {  	_ =	shalt  }
0x6b: {  	_ =	shalt  }
0x6c: {  	_ =	shalt  }
0x6d: {  	_ =	shalt  }
0x6e: {  	_ =	shalt  }
0x6f: {  	_ =	shalt  }
0x70: {  	_ =	shalt  }
0x71: {  	_ =	shalt  }
0x72: {  	_ =	shalt  }
0x73: {  	_ =	shalt  }
0x74: {  	_ =	shalt  }
0x75: {  	_ =	shalt  }
0x76: {  	_ =	shalt  }
0x77: {  	_ =	shalt  }
0x78: {  	_ =	shalt  }
0x79: {  	_ =	shalt  }
0x7a: {  	_ =	shalt  }
0x7b: {  	_ =	shalt  }
0x7c: {  	_ =	shalt  }
0x7d: {  	_ =	shalt  }
0x7e: {  	_ =	shalt  }
0x7f: {  	_ =	shalt  }
0x80: {  	_ =	shalt  }
0x81: {  	_ =	shalt  }
0x82: {  	_ =	shalt  }
0x83: {  	_ =	shalt  }
0x84: {  	_ =	shalt  }
0x85: {  	_ =	shalt  }
0x86: {  	_ =	shalt  }
0x87: {  	_ =	shalt  }
.Lfunc_end0:
.L_simem_size_0:
called_computation_lowered:
.L_overlay_start_0:
0x88: {  	s2 =	sld [smem:$0x3FD9]  }
0x89: {  	s3 =	sld [smem:$0x3FFE];
	_ =	sdelay $0x1  }
0x8a: {  	s1 =	srdreg.scid  }
0x8b: {  	s0 =	sand.u32 $0x1, s1  }
0x8c: {  	s17 =	sshll.u32 s0, $0xA;
	s2 =	sadd.s32 s3, s2  }
0x8d: {  	s2 =	sadd.s32 s2, s17  }
0x8e: {  	[smem:$0x3FBC] =	sst s2  }
0x8f: {  	_ = 	snop  }
0x90: {  	s2 =	sld [smem:$0x3FD0];
	(tm) =	ssettm $0x1  }
0x91: {  	s18 =	sld [smem:$0x3FFB];
	_ =	sdelay $0x3  }
0x92: {  	_ =	strace s18  }
0x93: {  	s3 =	sld [smem:$0x3FFC];
	_ =	sdelay $0x3  }
0x94: {  	_ =	strace s3  }
0x95: {  	s3 =	sld [smem:$0x3FFD];
	_ =	sdelay $0x3  }
0x96: {  	_ =	strace s3  }
0x97: {  	_ =	strace $0x8FFFFFFF  }
0x98: {  	s19 =	sld [smem:$0x3FDB];
	_ =	sdelay $0x1  }
0x99: {  	s4 =	simm.s32 $_scs_section_size  }
0x9a: {  	s5 =	simm.s32 $_size__tile_overlayer_lowered;
	s6 =	simm.s32 $_tile_overlayer_lowered  }
0x9b: {  	s22 =	simm.s32 $0x1BFF;
	s21 =	sshll.u32 s6, $0x1;
	s3 =	sadd.s32 s4, s19  }
0x9c: {  	s7 =	simm.s32 $0x0;
	s20 =	sshll.u32 s5, $0x1;
	s5 =	sadd.s32 s21, s3  }
0x9d: {  	[timem:s7], [sflag:s22] =	dma.local [hbm:s5], s20  }
0x9e: {  	_ =	swait.ge [sflag:s22], s20  }
0x9f: {  	s4 =	ssub.s32 $0x0, s20;
	[sflag:s22] =	ssyncset.done $0x0  }
0xa0: {  	[sflag:s22] =	ssyncadd.s32 s4;
	_ =	sdelay $0x1  }
0xa1: {  	s23 =	simm.s32 $0x1B8B  }
0xa2: {  	_ =	swait.ge [sflag:s23], $0x1  }
0xa3: {  	[sflag:s23] =	ssyncset.done $0x0  }
0xa4: {  	s25 =	simm.s32 $0x1B8E;
	s24 =	sld [smem:$0x3FFE];
	[sflag:s23] =	ssyncadd.s32 $0xFFFFFFFF  }
0xa5: {  	s26 =	simm.s32 $execute0_lowered;
	[smem:$0x3FD2] =	sst s25  }
0xa6: {  	s5 =	sshll.u32 s26, $0x1;
	_ =	strace $0x80000046;
	[dreg:$0x1] =	wrdreg $0xFFFFFFFF  }
0xa7: {  	s28 =	simm.s32 $_size_execute0_lowered;
	s3 =	sadd.s32 s3, s5;
	[dreg:$0x0] =	wrdreg $0x0  }
0xa8: {  	s5 =	sshll.u32 s28, $0x1;
	[dreg:$0x2] =	wrdreg s3  }
0xa9: {  	[dreg:$0x3] =	wrdreg s5  }
0xaa: {  	[dreg:$0x4] =	wrdreg $0xC0  }
0xab: {  	_ =	task [dreg:s7], $0x5FFFF  }
0xac: {  	[dreg:$0x1] =	wrdreg $0xFFFFFFFF  }
0xad: {  	[dreg:$0x0] =	wrdreg $0x60  }
0xae: {  	[dreg:$0x2] =	wrdreg s2  }
0xaf: {  	[dreg:$0x3] =	wrdreg s24  }
0xb0: {  	[dreg:$0x4] =	wrdreg $0x0  }
0xb1: {  	[dreg:$0x5] =	wrdreg $0x9  }
0xb2: {  	_ =	task.clear_ibuf [dreg:s7], $0x6FFFF;
	_ =	strace $0x90000046  }
0xb3: {  	s29 =	simm.s32 $0x9;
	_ =	strace $0x80000048  }
0xb4: {  	_ =	swait.ge [sflag:s29], $0x1  }
0xb5: {  	[sflag:s29] =	ssyncadd.s32 $0xFFFFFFFF  }
0xb6: {  	_ =	strace $0x90000048  }
0xb7: {  	_ =	sfence  }
0xb8: {  	s30 =	sld [smem:$0x0];
	_ =	sdelay $0x2  }
0xb9: {  	s31 =	sshll.u32 s1, $0xD;
	s1 =	sshrl.u32 s1, $0x2  }
0xba: {  	s3 =	sand.u32 $0x4000, s31;
	s1 =	sadd.s32 s1, s30  }
0xbb: {  	s0 =	sor.u32 s3, s0;
	s1 =	sshll.u32 s1, $0x11  }
0xbc: {  	s0 =	sor.u32 s1, s0  }
0xbd: {  	s0 =	sadd.s32 $0x8F2B, s0  }
0xbe: {  	[sflag:s0] =	ssyncadd.remote.s32 $0x1  }
0xbf: {  	_ =	sfence.sel $0xFFFF  }
0xc0: {  	[dreg:$0x0] =	wrdreg $0xFFFFFFFF;
	(pc) =	sbr.abs _section_cstart, $3  }
0xc1: {  	[dreg:$0x1] =	wrdreg $0xFFFFFFFF  }
0xc2: {  	_ =	task.clear_ibuf [dreg:s7], $0x2FFFF;
	_ =	strace $0x9FFFFFFF  }
0xc3: {  	(tm) =	ssettm $0x7FFFFFFF  }
tec
execute0_lowered:
.L_overlay_start_1:
0x0: {  	(tag) =	ssettag $0x1  }
0x1: {  	s7 =	rddreg [dreg:$0x0]  }
0x2: {  	s8 =	rddreg [dreg:$0x1]  }
0x3: {  	s0 =	srdreg.scid;
	s2 =	rddreg [dreg:$0x2];
	s3 =	simm.s32 $0x0  }
0x4: {  	s15 =	simm.s32 $0x18C00;
	s16 =	simm.s32 $0x1DC00;
	s6 =	sand.u32 $0x1, s0  }
0x5: {  	s17 =	simm.s32 $0x40;
	s0 =	stileid.u32;
	s4 =	smul.u32 $0x13C000, s6  }
0x6: {  	s18 =	simm.s32 $0x0;
	[smem:$0x7FF] =	sst s3;
	s5 =	smul.u32 $0x13C00, s0  }
0x7: {  	s1 =	sshll.u32 s6, $0x4;
	s12 =	smul.u32 $0x4F000, s0;
	s6 =	ssub.s32 $0x2, s6  }
0x8: {  	s13 =	sshll.u32 s0, $0x6;
	s1 =	sor.u32 s0, s1;
	s31 =	sshrl.u32 s6, $0x1  }
0x9: {  	s9 =	smul.u32 $0xA00, s1;
	s1 =	rddreg [dreg:$0x3];
	_ =	strace $0x80000047  }
0xa: {  	s5 =	sadd.s32 s5, s4;
	s4 =	sadd.s32 $0x1A000, s8;
	s12 =	sshrl.u32 s12, $0x2  }
0xb: {  	s14 =	ssub.s32 s6, s31;
	s6 =	sor.u32 $0x1C01, s13;
	s13 =	simm.s32 $0x1  }
0xc: {  	s11 =	sshrl.u32 s5, $0x3;
	s5 =	sadd.s32 $0x17800, s8;
	s12 =	sadd.s32 s12, s2  }
0xd: {  	s10 =	sadd.s32 s9, s8;
	s11 =	sadd.s32 s11, s8;
	s7 =	sadd.s32 s7, s9  }
0xe: {  	s12 =	sshrl.u32 s12, $0x3;
	s8 =	sadd.s32 $0x3800, s10;
	s9 =	sadd.s32 $0x1A400, s11  }
0xf: {  	s10 =	sadd.s32 $0x69400, s11;
	s11 =	smax.u32 s14, $0x1;
	s14 =	simm.s32 $0x13C00  }
.LBB2_1:
0x10: {  	[spmem:s12], [sflag:s6] =	dma.local [hbm:s5], $0x2780  }
0x11: {  	_ =	swait.ge [sflag:s13], $0x2780  }
0x12: {  	[sflag:s13] =	ssyncset.done $0x0  }
0x13: {  	[sflag:s13] =	ssyncadd.s32 $0xFFFFD880  }
0x14: {  	[tilespmem:s14], [sflag:$0x1] =	stream.linear.gather [hbm4b:s7+s3], $0x5000, $0x38;
	[tilespmem:$0x1FC00] =	vst v63  }
0x15: {  	_ =	swait.ge [sflag:s13], $0x5000  }
0x16: {  	[sflag:s13] =	ssyncset.done $0x0  }
0x17: {  	[sflag:s13] =	ssyncadd.s32 $0xFFFFB000  }
0x18: {  	[tilespmem:s15], [sflag:$0x1] =	stream.linear.gather [hbm4b:s8+s3], $0x5000, $0x38;
	[tilespmem:$0x1FC00] =	vst v63  }
0x19: {  	_ =	swait.ge [sflag:s13], $0x5000  }
0x1a: {  	[sflag:s13] =	ssyncset.done $0x0  }
0x1b: {  	[sflag:s13] =	ssyncadd.s32 $0xFFFFB000  }
0x1c: {  	[tilespmem:s16], [sflag:$0x1] =	stream.linear.gather [hbm4b:s4+s3], $0x2000, $0x38;
	[tilespmem:$0x1FC00] =	vst v63  }
0x1d: {  	_ =	swait.ge [sflag:s13], $0x2000  }
0x1e: {  	[sflag:s13] =	ssyncset.done $0x0  }
0x1f: {  	[sflag:s13] =	ssyncadd.s32 $0xFFFFE000  }
0x20: {  	s19 =	simm.s32 $0x13C00;
	[bflag:$0x0] =	sbarrier.arrive $0xFFFF  }
0x21: {  	[spmem:s2] =	stream.indirect.scatter.add.f32 [tilespmem:s16], [sflag:$0x1], $0x80, s19, s17, $0xb8;
	[tilespmem:$0x1FC00] =	vst v63  }
0x22: {  	s19 =	simm.s32 $0x200;
	_ =	swait.ge [sflag:s13], $0x2000  }
.LBB2_2:
0x23: {  	s20 =	sshra.s32 s19, $0x2;
	[sflag:s13] =	ssyncset.done $0x0;
	p0 =	sne.s32 s19, $0x13E00  }
.Ltmp0:
0x24: {  	s20 =	sadd.s32 $0x13C00, s20;
	[sflag:s13] =	ssyncadd.s32 $0xFFFFE000;
	(pc) =	sbr.rel @p0 .LBB2_2-.Ltmp0, $3  }
0x25: {  	[spmem:s2] =	stream.indirect.scatter.add.f32 [tilespmem:s16], [sflag:$0x1], $0x80, s20, s17, $0xb8;
	[tilespmem:$0x1FC00] =	vst v63  }
0x26: {  	s19 =	sadd.s32 $0x200, s19;
	_ =	sdelay $0x1  }
0x27: {  	_ =	swait.ge [sflag:s13], $0x2000  }
0x28: {  	[sflag:s13] =	ssyncset.done $0x0  }
0x29: {  	[sflag:s13] =	ssyncadd.s32 $0xFFFFE000  }
0x2a: {  	[bflag:$0x0] =	sbarrier.arrive $0xFFFF  }
0x2b: {  	[hbm:s9], [sflag:s6] =	dma.local [spmem:s12], $0x2780  }
0x2c: {  	_ =	swait.ge [sflag:s13], $0x2780  }
0x2d: {  	[sflag:s13] =	ssyncset.done $0x0  }
0x2e: {  	[sflag:s13] =	ssyncadd.s32 $0xFFFFD880  }
0x2f: {  	[spmem:s12], [sflag:s6] =	dma.local [hbm:s5], $0x2780  }
0x30: {  	_ =	swait.ge [sflag:s13], $0x2780  }
0x31: {  	[sflag:s13] =	ssyncset.done $0x0  }
0x32: {  	[sflag:s13] =	ssyncadd.s32 $0xFFFFD880  }
0x33: {  	s19 =	simm.s32 $0x18C00;
	[bflag:$0x0] =	sbarrier.arrive $0xFFFF  }
0x34: {  	[spmem:s2] =	stream.indirect.scatter.add.f32 [tilespmem:s16], [sflag:$0x1], $0x80, s19, s17, $0xb8;
	[tilespmem:$0x1FC00] =	vst v63  }
0x35: {  	s19 =	simm.s32 $0x200;
	_ =	swait.ge [sflag:s13], $0x2000  }
.LBB2_4:
0x36: {  	s20 =	sshra.s32 s19, $0x2;
	[sflag:s13] =	ssyncset.done $0x0;
	p0 =	sne.s32 s19, $0x13E00  }
.Ltmp1:
0x37: {  	s20 =	sadd.s32 $0x18C00, s20;
	[sflag:s13] =	ssyncadd.s32 $0xFFFFE000;
	(pc) =	sbr.rel @p0 .LBB2_4-.Ltmp1, $3  }
0x38: {  	[spmem:s2] =	stream.indirect.scatter.add.f32 [tilespmem:s16], [sflag:$0x1], $0x80, s20, s17, $0xb8;
	[tilespmem:$0x1FC00] =	vst v63  }
0x39: {  	s19 =	sadd.s32 $0x200, s19;
	_ =	sdelay $0x1  }
0x3a: {  	_ =	swait.ge [sflag:s13], $0x2000  }
0x3b: {  	[sflag:s13] =	ssyncset.done $0x0;
	s18 =	sadd.s32 $0x1, s18  }
0x3c: {  	[sflag:s13] =	ssyncadd.s32 $0xFFFFE000;
	p0 =	sne.s32 s18, s11  }
.Ltmp2:
0x3d: {  	[bflag:$0x0] =	sbarrier.arrive $0xFFFF;
	(pc) =	sbr.rel @p0 .LBB2_1-.Ltmp2, $4  }
0x3e: {  	[hbm:s10], [sflag:s6] =	dma.local [spmem:s12], $0x2780  }
0x3f: {  	_ =	swait.ge [sflag:s13], $0x2780  }
0x40: {  	[sflag:s13] =	ssyncset.done $0x0  }
0x41: {  	[sflag:s13] =	ssyncadd.s32 $0xFFFFD880  }
0x42: {  	_ =	sfence.sel $0x180000  }
0x43: {  	[bflag:$0x0] =	sbarrier.arrive $0xFFFF  }
0x44: {  	p0 =	sne.s32 s0, $0x0;
	_ =	strace $0x90000047  }
0x45: {  	s0 =	sadd.s32 @!p0 $0x100000, s1;
	[bflag:$0x2] =	sbarrier.arrive $0xFFFF  }
0x46: {  	[sflag:s0] =	ssyncadd.tile.s32 @!p0 $0x1;
	_ =	shalt  }
.Lfunc_end2:
_tile_overlayer_lowered:
.L_overlay_start_2:
0x47: {  	(tag) =	ssettag $0x2  }
0x48: {  	s0 =	rddreg [dreg:$0x0];
	s2 =	stileid.u32  }
0x49: {  	s1 =	rddreg [dreg:$0x1];
	p0 =	sne.s32 s2, $0x0  }
0x4a: {  	s3 =	rddreg [dreg:$0x2];
	[bflag:$0x3] =	sbarrier.arrive $0xFFFF;
	s2 =	simm.s32 @!p0 $0x1C01  }
0x4b: {  	[timem:s3], [sflag:s2] =	dma.local @!p0 [hbm:s0], s1  }
0x4c: {  	s0 =	simm.s32 @!p0 $0x1  }
0x4d: {  	_ =	swait.ge @!p0 [sflag:s0], s1  }
0x4e: {  	s1 =	ssub.s32 @!p0 $0x0, s1;
	[sflag:s0] =	ssyncset.done @!p0 $0x0  }
0x4f: {  	[sflag:s0] =	ssyncadd.s32 @!p0 s1  }
0x50: {  	[bflag:$0x3] =	sbarrier.arrive $0xFFFF  }
0x51: {  	_ =	shalt  }

</sc_bundles>
